<compile_context>
chip_gen: v7x
topology: tpu7x:2x2x1
jax: 0.10.2.dev20260603
libtpu: 0.0.44.dev20260713+nightly
codegen_flags: <defaults>
</compile_context>

<pallas_src>
import functools
import jax
import jax.numpy as jnp
from jax import lax
from jax.experimental import pallas as pl
from jax.experimental.pallas import tpu as pltpu
from jax.experimental.pallas import tpu_sc as plsc

N = 10000
E = 160000
D = 256
H = 4
F = 64
HF = H * F
DE = 16
NEXP = 8
K = 2
DH = 512
SLOPE = 0.2
N4 = N * H
NPAD = 10240

BN = 400
BE = 4000

NTILES = 32
EPT1 = E // NTILES
CH1 = 1000
EPT2 = E // 16
CH2 = 80


def _leaky(x):
    return jnp.where(x >= 0, x, SLOPE * x)



def _proj_body(x_ref, ws_ref, wd_ref, b_ref, wa_ref,
               fslo_ref, fshi_ref, fd_ref, asrc_ref, adst_ref, amax_ref):
    i = pl.program_id(0)
    x = x_ref[...]
    fs = jnp.dot(x, ws_ref[...], preferred_element_type=jnp.float32)
    fd = jnp.dot(x, wd_ref[...], preferred_element_type=jnp.float32) + b_ref[...]
    fslo_ref[...] = fs[:, :128]
    fshi_ref[...] = fs[:, 128:]
    fd_ref[...] = fd
    wa = wa_ref[...]
    asrc = jnp.dot(_leaky(fs), wa, preferred_element_type=jnp.float32)
    adst = jnp.dot(_leaky(fd), wa, preferred_element_type=jnp.float32)
    asrc_ref[...] = asrc
    adst_ref[...] = adst
    bm = jnp.concatenate([jnp.max(asrc, axis=0, keepdims=True),
                          jnp.max(adst, axis=0, keepdims=True)], axis=1)

    @pl.when(i == 0)
    def _():
        amax_ref[...] = jnp.full_like(amax_ref, -jnp.inf)

    amax_ref[...] = jnp.maximum(amax_ref[...], bm)


def _proj(x, W_src, W_dst, b_dst, W_attn):
    grid = (N // BN,)
    return pl.pallas_call(
        _proj_body,
        grid=grid,
        in_specs=[
            pl.BlockSpec((BN, D), lambda i: (i, 0)),
            pl.BlockSpec((D, HF), lambda i: (0, 0)),
            pl.BlockSpec((D, HF), lambda i: (0, 0)),
            pl.BlockSpec((1, HF), lambda i: (0, 0)),
            pl.BlockSpec((HF, H), lambda i: (0, 0)),
        ],
        out_specs=[
            pl.BlockSpec((BN, 128), lambda i: (i, 0)),
            pl.BlockSpec((BN, 128), lambda i: (i, 0)),
            pl.BlockSpec((BN, HF), lambda i: (i, 0)),
            pl.BlockSpec((BN, H), lambda i: (i, 0)),
            pl.BlockSpec((BN, H), lambda i: (i, 0)),
            pl.BlockSpec((1, 2 * H), lambda i: (0, 0)),
        ],
        out_shape=[
            jax.ShapeDtypeStruct((N, 128), jnp.float32),
            jax.ShapeDtypeStruct((N, 128), jnp.float32),
            jax.ShapeDtypeStruct((N, HF), jnp.float32),
            jax.ShapeDtypeStruct((N, H), jnp.float32),
            jax.ShapeDtypeStruct((N, H), jnp.float32),
            jax.ShapeDtypeStruct((1, 2 * H), jnp.float32),
        ],
    )(x, W_src, W_dst, b_dst, W_attn)



def _eattn_body(fe_ref, we_ref, out_ref, emax_ref):
    i = pl.program_id(0)
    ea = jnp.dot(fe_ref[...], we_ref[...], preferred_element_type=jnp.float32)
    out_ref[...] = ea

    @pl.when(i == 0)
    def _():
        emax_ref[...] = jnp.full_like(emax_ref, -jnp.inf)

    emax_ref[...] = jnp.maximum(emax_ref[...], jnp.max(ea, axis=0, keepdims=True))


def _eattn(feat_edge, W_eattn):
    grid = (E // BE,)
    return pl.pallas_call(
        _eattn_body,
        grid=grid,
        in_specs=[
            pl.BlockSpec((BE, DE), lambda i: (i, 0)),
            pl.BlockSpec((DE, H), lambda i: (0, 0)),
        ],
        out_specs=[
            pl.BlockSpec((BE, H), lambda i: (i, 0)),
            pl.BlockSpec((1, H), lambda i: (0, 0)),
        ],
        out_shape=[
            jax.ShapeDtypeStruct((E, H), jnp.float32),
            jax.ShapeDtypeStruct((1, H), jnp.float32),
        ],
    )(feat_edge, W_eattn)



def _sc_attn_body(src_h, dst_h, asrc_h, adst_h, ea_h, c16_h, ex_h,
                  asrc_v, adst_v, srcb, dstb, eab, exb, c16_v):
    cid = lax.axis_index("c")
    sid = lax.axis_index("s")
    wid = cid * 16 + sid
    pltpu.sync_copy(asrc_h, asrc_v)
    pltpu.sync_copy(adst_h, adst_v)
    pltpu.sync_copy(c16_h, c16_v)
    c16 = c16_v[...]
    lane = lax.broadcasted_iota(jnp.int32, (16,), 0)
    e4 = lane // 4
    h4 = lane % 4
    base = wid * EPT1
    for sub in range(EPT1 // CH1):
        off = base + sub * CH1
        pltpu.sync_copy(src_h.at[pl.ds(off, CH1)], srcb)
        pltpu.sync_copy(dst_h.at[pl.ds(off, CH1)], dstb)
        pltpu.sync_copy(ea_h.at[pl.ds(off * 4, CH1 * 4)], eab)

        def inner(j, carry):
            b = j * 4
            sv = plsc.load_gather(srcb, [b + e4])
            dv = plsc.load_gather(dstb, [b + e4])
            es = plsc.load_gather(asrc_v, [sv * 4 + h4])
            ed = plsc.load_gather(adst_v, [dv * 4 + h4])
            ea = eab[pl.ds(j * 16, 16)]
            exb[pl.ds(j * 16, 16)] = jnp.exp(es + ed + ea - c16)
            return carry

        lax.fori_loop(0, CH1 * 4 // 16, inner, 0)
        pltpu.sync_copy(exb, ex_h.at[pl.ds(off * 4, CH1 * 4)])


def _sc_attn(src, dst, asrc_flat, adst_flat, ea_flat, c16):
    mesh = plsc.VectorSubcoreMesh(core_axis_name="c", subcore_axis_name="s")
    f = pl.kernel(
        _sc_attn_body,
        out_type=jax.ShapeDtypeStruct((E * 4,), jnp.float32),
        mesh=mesh,
        compiler_params=pltpu.CompilerParams(needs_layout_passes=False),
        scratch_types=[
            pltpu.VMEM((N4,), jnp.float32),
            pltpu.VMEM((N4,), jnp.float32),
            pltpu.VMEM((CH1,), jnp.int32),
            pltpu.VMEM((CH1,), jnp.int32),
            pltpu.VMEM((CH1 * 4,), jnp.float32),
            pltpu.VMEM((CH1 * 4,), jnp.float32),
            pltpu.VMEM((16,), jnp.float32),
        ],
    )
    return f(src, dst, asrc_flat, adst_flat, ea_flat, c16)



def _sc_ssum_body(dst_h, ex_h, spart_h,
                  s_loc, dstb, exb, kpad, vpad, tmp_v, red_v, stage_sh):
    cid = lax.axis_index("c")
    sid = lax.axis_index("s")
    wid = cid * 16 + sid
    z16 = jnp.zeros((16,), jnp.float32)

    def zb(i, c):
        s_loc[pl.ds(i * 16, 16)] = z16
        return c

    lax.fori_loop(0, 40960 // 16, zb, 0)
    lane = lax.broadcasted_iota(jnp.int32, (16,), 0)
    e4 = lane // 4
    h4 = lane % 4
    neg1 = jnp.full((16,), -1, jnp.int32)
    kpad[pl.ds(0, 16)] = neg1
    kpad[pl.ds(32, 16)] = neg1
    vpad[pl.ds(16, 16)] = z16
    base = wid * EPT1
    for sub in range(EPT1 // CH1):
        off = base + sub * CH1
        pltpu.sync_copy(dst_h.at[pl.ds(off, CH1)], dstb)
        pltpu.sync_copy(ex_h.at[pl.ds(off * 4, CH1 * 4)], exb)

        def inner(j, carry):
            b = j * 4
            dv = plsc.load_gather(dstb, [b + e4])
            idd = dv * 4 + h4
            exv = exb[pl.ds(j * 16, 16)]
            ks, vs = plsc.sort_key_val(idd, exv)
            kpad[pl.ds(16, 16)] = ks
            v = vs
            for s in (1, 2, 4, 8):
                kq = plsc.load_gather(kpad, [16 + lane + s])
                vpad[pl.ds(0, 16)] = v
                vq = plsc.load_gather(vpad, [lane + s])
                v = v + jnp.where(kq == ks, vq, 0.0)
            kprev = plsc.load_gather(kpad, [15 + lane])
            first = kprev != ks
            plsc.addupdate_scatter(s_loc, [ks], v, mask=first)
            return carry

        lax.fori_loop(0, CH1 * 4 // 16, inner, 0)
    pltpu.sync_copy(s_loc, stage_sh.at[pl.ds(sid * 40960, 40960)])
    plsc.subcore_barrier()

    @pl.when(sid < 10)
    def _():
        sbase = sid * 4096
        pltpu.sync_copy(stage_sh.at[pl.ds(sbase, 4096)], red_v)
        for k in range(1, 16):
            pltpu.sync_copy(stage_sh.at[pl.ds(k * 40960 + sbase, 4096)], tmp_v)

            def addv(v, c):
                red_v[pl.ds(v * 16, 16)] = (red_v[pl.ds(v * 16, 16)]
                                            + tmp_v[pl.ds(v * 16, 16)])
                return c

            lax.fori_loop(0, 4096 // 16, addv, 0)
        pltpu.sync_copy(red_v, spart_h.at[pl.ds(cid * 40960 + sbase, 4096)])


def _sc_ssum(dst, ex_flat):
    mesh = plsc.VectorSubcoreMesh(core_axis_name="c", subcore_axis_name="s")
    f = pl.kernel(
        _sc_ssum_body,
        out_type=jax.ShapeDtypeStruct((2 * 40960,), jnp.float32),
        mesh=mesh,
        compiler_params=pltpu.CompilerParams(needs_layout_passes=False),
        scratch_types=[
            pltpu.VMEM((40960,), jnp.float32),
            pltpu.VMEM((CH1,), jnp.int32),
            pltpu.VMEM((CH1 * 4,), jnp.float32),
            pltpu.VMEM((48,), jnp.int32),
            pltpu.VMEM((32,), jnp.float32),
            pltpu.VMEM((4096,), jnp.float32),
            pltpu.VMEM((4096,), jnp.float32),
            pltpu.VMEM_SHARED((16 * 40960,), jnp.float32),
        ],
    )
    return f(dst, ex_flat)




def _gate_body(rlo_ref, rhi_ref, fd_ref, wg_ref, x_ref, g_ref):
    x = jnp.concatenate([rlo_ref[...], rhi_ref[...]], axis=1) + fd_ref[...]
    x_ref[...] = x
    logits = jnp.dot(x, wg_ref[...], preferred_element_type=jnp.float32)
    iota = jax.lax.broadcasted_iota(jnp.int32, logits.shape, 1)
    m1 = jnp.max(logits, axis=1, keepdims=True)
    i1 = jnp.min(jnp.where(logits == m1, iota, NEXP), axis=1, keepdims=True)
    masked = jnp.where(iota == i1, -jnp.inf, logits)
    m2 = jnp.max(masked, axis=1, keepdims=True)
    i2 = jnp.min(jnp.where(masked == m2, iota, NEXP), axis=1, keepdims=True)
    e2 = jnp.exp(m2 - m1)
    w1 = 1.0 / (1.0 + e2)
    w2 = e2 / (1.0 + e2)
    g_ref[...] = jnp.where(iota == i1, w1, 0.0) + jnp.where(iota == i2, w2, 0.0)


def _gate(rst_lo, rst_hi, fd, W_gate):
    grid = (N // BN,)
    return pl.pallas_call(
        _gate_body,
        grid=grid,
        in_specs=[
            pl.BlockSpec((BN, 128), lambda i: (i, 0)),
            pl.BlockSpec((BN, 128), lambda i: (i, 0)),
            pl.BlockSpec((BN, HF), lambda i: (i, 0)),
            pl.BlockSpec((HF, NEXP), lambda i: (0, 0)),
        ],
        out_specs=[
            pl.BlockSpec((BN, HF), lambda i: (i, 0)),
            pl.BlockSpec((BN, NEXP), lambda i: (i, 0)),
        ],
        out_shape=[
            jax.ShapeDtypeStruct((N, HF), jnp.float32),
            jax.ShapeDtypeStruct((N, NEXP), jnp.float32),
        ],
    )(rst_lo, rst_hi, fd, W_gate)



def _moe_body(x_ref, w1_ref, b1_ref, w2_ref, b2_ref, g_ref, out_ref):
    e = pl.program_id(1)
    h = jnp.dot(x_ref[...], w1_ref[0], preferred_element_type=jnp.float32) + b1_ref[0]
    h = jax.nn.gelu(h).astype(jnp.bfloat16)
    o = jnp.dot(h, w2_ref[0], preferred_element_type=jnp.float32) + b2_ref[0]
    iota = jax.lax.broadcasted_iota(jnp.int32, g_ref[...].shape, 1)
    ge = jnp.sum(jnp.where(iota == e, g_ref[...], 0.0), axis=1, keepdims=True)

    @pl.when(e == 0)
    def _():
        out_ref[...] = jnp.zeros_like(out_ref)

    out_ref[...] += ge * o


def _moe(x_bf, W1, b1, W2, b2, gates):
    grid = (N // BN, NEXP)
    return pl.pallas_call(
        _moe_body,
        grid=grid,
        in_specs=[
            pl.BlockSpec((BN, HF), lambda i, e: (i, 0)),
            pl.BlockSpec((1, HF, DH), lambda i, e: (e, 0, 0)),
            pl.BlockSpec((1, 1, DH), lambda i, e: (e, 0, 0)),
            pl.BlockSpec((1, DH, HF), lambda i, e: (e, 0, 0)),
            pl.BlockSpec((1, 1, HF), lambda i, e: (e, 0, 0)),
            pl.BlockSpec((BN, NEXP), lambda i, e: (i, 0)),
        ],
        out_specs=pl.BlockSpec((BN, HF), lambda i, e: (i, 0)),
        out_shape=jax.ShapeDtypeStruct((N, HF), jnp.float32),
    )(x_bf, W1, b1.reshape(NEXP, 1, DH), W2, b2.reshape(NEXP, 1, HF), gates)



def kernel(feat_src, edge_index, feat_edge, W_src, W_dst, b_dst, W_attn, W_eattn, W_gate, W1, b1, W2, b2):
    src = edge_index[0]
    dst = edge_index[1]
    fs_lo, fs_hi, fd, a_src, a_dst, amax = _proj(
        feat_src, W_src, W_dst, b_dst.reshape(1, HF), W_attn)
    eattn, emax = _eattn(feat_edge, W_eattn)
    c4 = amax[0, :H] + amax[0, H:] + emax[0]
    c16 = jnp.tile(c4, 4)

    ex_flat = _sc_attn(src, dst, a_src.reshape(N4), a_dst.reshape(N4),
                       eattn.reshape(E * 4), c16)
    s_part = _sc_ssum(dst, ex_flat)
    s = (s_part[:40960] + s_part[40960:])[:N4].reshape(N, H)
    a = ex_flat.reshape(E, H) / s[dst]
    fs = jnp.concatenate([fs_lo, fs_hi], axis=1)
    msg = fs[src].reshape(E, H, F) * a[:, :, None]
    rst = jax.ops.segment_sum(msg, dst, num_segments=N).reshape(N, HF)

    x, gates = _gate(rst[:, :128], rst[:, 128:], fd, W_gate)
    moe_out = _moe(x.astype(jnp.bfloat16), W1.astype(jnp.bfloat16), b1,
                   W2.astype(jnp.bfloat16), b2, gates)
    return moe_out

# --- scband reference (transcript-rebuilt; emitter-appended) ---
"""Pipeline reference for scband-gat2-conv-11871289606682 (READ-ONLY COPY).

The authoritative reference and input builder live on the scoring server;
editing this copy changes nothing except your own understanding.
"""

import jax, jax.numpy as jnp
import numpy as np

N = 10000
E = 160000
D = 256
H = 4
F = 64
HF = H * F
DE = 16
NEXP = 8
K = 2
DH = 512
SLOPE = 0.2


def setup_inputs(seed: int = 0) -> dict:
    key = jax.random.key(seed)
    ks = jax.random.split(key, 14)
    feat_src = jax.random.normal(ks[0], (N, D), dtype=jnp.float32)
    edge_index = jax.random.randint(ks[1], (2, E), 0, N, dtype=jnp.int32)
    feat_edge = jax.random.normal(ks[2], (E, DE), dtype=jnp.float32)
    W_src = jax.random.normal(ks[3], (D, HF), dtype=jnp.float32) * 0.05
    W_dst = jax.random.normal(ks[4], (D, HF), dtype=jnp.float32) * 0.05
    b_dst = jnp.zeros((HF,), dtype=jnp.float32)
    W_attn = jax.random.normal(ks[5], (HF, H), dtype=jnp.float32) * 0.05
    W_eattn = jax.random.normal(ks[6], (DE, H), dtype=jnp.float32) * 0.05
    W_gate = jax.random.normal(ks[7], (HF, NEXP), dtype=jnp.float32) * 0.05
    W1 = jax.random.normal(ks[8], (NEXP, HF, DH), dtype=jnp.float32) * 0.05
    b1 = jnp.zeros((NEXP, DH), dtype=jnp.float32)
    W2 = jax.random.normal(ks[9], (NEXP, DH, HF), dtype=jnp.float32) * 0.05
    b2 = jnp.zeros((NEXP, HF), dtype=jnp.float32)
    return {"feat_src": feat_src, "edge_index": edge_index, "feat_edge": feat_edge,
            "W_src": W_src, "W_dst": W_dst, "b_dst": b_dst, "W_attn": W_attn,
            "W_eattn": W_eattn, "W_gate": W_gate, "W1": W1, "b1": b1, "W2": W2, "b2": b2}


def _leaky(x):
    return jnp.where(x >= 0, x, SLOPE * x)


def reference(feat_src, edge_index, feat_edge, W_src, W_dst, b_dst, W_attn, W_eattn, W_gate, W1, b1, W2, b2):
    src = edge_index[0]
    dst = edge_index[1]
    # linear projections (no block graph -> feat_dst = feat_src)
    fs = feat_src @ W_src                       # [N, HF]
    fd = feat_src @ W_dst + b_dst               # [N, HF]
    fs3 = fs.reshape(N, H, F)
    fd3 = fd.reshape(N, H, F)
    # attention logits per node
    a_src = (_leaky(fs) @ W_attn).reshape(N, H, 1)
    a_dst = (_leaky(fd) @ W_attn).reshape(N, H, 1)
    # u_add_v -> per-edge attention, plus edge-feature attention
    e = a_src[src] + a_dst[dst]                 # [E, H, 1]
    e = e + (feat_edge @ W_eattn).reshape(E, H, 1)
    # edge_softmax over incoming edges of each dst node
    m = jax.ops.segment_max(e, dst, num_segments=N)
    m = jnp.where(jnp.isfinite(m), m, 0.0)
    ex = jnp.exp(e - m[dst])
    s = jax.ops.segment_sum(ex, dst, num_segments=N)
    a = ex / s[dst]                             # [E, H, 1]
    # u_mul_e message + sum aggregation
    msg = fs3[src] * a                          # [E, H, F]
    rst = jax.ops.segment_sum(msg, dst, num_segments=N)  # [N, H, F]
    # residual via dst_fc
    rst = rst + fd3
    x = rst.reshape(N, HF)
    # ngnn MoE layer (FMoEMLP with _Expert2: htoh4 -> GELU -> h4toh, naive top-k gate)
    logits = x @ W_gate                         # [N, NEXP]
    top_val, top_idx = jax.lax.top_k(logits, K)
    top_sm = jax.nn.softmax(top_val, axis=-1)
    gates = jnp.zeros((N, NEXP), x.dtype).at[jnp.arange(N)[:, None], top_idx].set(top_sm)
    h = jnp.einsum('td,edh->eth', x, W1) + b1[:, None, :]
    h = jax.nn.gelu(h)
    out_e = jnp.einsum('eth,eho->eto', h, W2) + b2[:, None, :]
    moe_out = jnp.einsum('te,eto->to', gates, out_e)  # [N, HF]
    return moe_out

if __name__ == "__main__":
    import jax
    _d = setup_inputs()
    print(jax.jit(kernel)(*tuple(_d.values())))

</pallas_src>

<mosaic_0001>
#map = affine_map<(d0, d1) -> (0)>
module attributes {stable_mosaic.version = 14 : i64} {
  func.func @_sc_attn_body(%arg0: i32, %arg1: i32, %arg2: memref<160000xi32, #tpu.memory_space<hbm>>, %arg3: memref<160000xi32, #tpu.memory_space<hbm>>, %arg4: memref<40000xf32, #tpu.memory_space<hbm>>, %arg5: memref<40000xf32, #tpu.memory_space<hbm>>, %arg6: memref<640000xf32, #tpu.memory_space<hbm>>, %arg7: memref<16xf32, #tpu.memory_space<hbm>>, %arg8: memref<640000xf32, #tpu.memory_space<hbm>>, %arg9: memref<40000xf32, #tpu.memory_space<vmem>>, %arg10: memref<40000xf32, #tpu.memory_space<vmem>>, %arg11: memref<1000xi32, #tpu.memory_space<vmem>>, %arg12: memref<1000xi32, #tpu.memory_space<vmem>>, %arg13: memref<4000xf32, #tpu.memory_space<vmem>>, %arg14: memref<4000xf32, #tpu.memory_space<vmem>>, %arg15: memref<16xf32, #tpu.memory_space<vmem>>) attributes {dimension_semantics = [#tpu.dimension_semantics<core_parallel>, #tpu.dimension_semantics<subcore_parallel>], iteration_bounds = array<i64: 2, 16>, scalar_prefetch = 0 : i64, scratch_operands = 7 : i64, tpu.core_type = #tpu.core_type<sc_vector_subcore>, window_params = [{transform_indices = #map}, {transform_indices = #map}, {transform_indices = #map}, {transform_indices = #map}, {transform_indices = #map}, {transform_indices = #map}, {transform_indices = #map}]} {
    %mul3A = arith.constant 16 : i32
    %mul3A_0 = arith.muli %arg0, %mul3A : i32
    %add3A = arith.addi %mul3A_0, %arg1 : i32
    "tpu.region"() ({
      %run_scoped3A = tpu.sem_alloc : memref<!tpu.dma_semaphore, #tpu.memory_space<semaphore_mem>>
      tpu.enqueue_dma source(%arg4 : memref<40000xf32, #tpu.memory_space<hbm>>) target(%arg9 : memref<40000xf32, #tpu.memory_space<vmem>>) target_semaphore(%run_scoped3A : memref<!tpu.dma_semaphore, #tpu.memory_space<semaphore_mem>>)
      tpu.wait_dma2 semaphore(%run_scoped3A : memref<!tpu.dma_semaphore, #tpu.memory_space<semaphore_mem>>) src(%arg4 : memref<40000xf32, #tpu.memory_space<hbm>>) dst(%arg9 : memref<40000xf32, #tpu.memory_space<vmem>>)
      tpu.yield
    }) : () -> ()
    "tpu.region"() ({
      %run_scoped3A = tpu.sem_alloc : memref<!tpu.dma_semaphore, #tpu.memory_space<semaphore_mem>>
      tpu.enqueue_dma source(%arg5 : memref<40000xf32, #tpu.memory_space<hbm>>) target(%arg10 : memref<40000xf32, #tpu.memory_space<vmem>>) target_semaphore(%run_scoped3A : memref<!tpu.dma_semaphore, #tpu.memory_space<semaphore_mem>>)
      tpu.wait_dma2 semaphore(%run_scoped3A : memref<!tpu.dma_semaphore, #tpu.memory_space<semaphore_mem>>) src(%arg5 : memref<40000xf32, #tpu.memory_space<hbm>>) dst(%arg10 : memref<40000xf32, #tpu.memory_space<vmem>>)
      tpu.yield
    }) : () -> ()
    "tpu.region"() ({
      %run_scoped3A = tpu.sem_alloc : memref<!tpu.dma_semaphore, #tpu.memory_space<semaphore_mem>>
      tpu.enqueue_dma source(%arg7 : memref<16xf32, #tpu.memory_space<hbm>>) target(%arg15 : memref<16xf32, #tpu.memory_space<vmem>>) target_semaphore(%run_scoped3A : memref<!tpu.dma_semaphore, #tpu.memory_space<semaphore_mem>>)
      tpu.wait_dma2 semaphore(%run_scoped3A : memref<!tpu.dma_semaphore, #tpu.memory_space<semaphore_mem>>) src(%arg7 : memref<16xf32, #tpu.memory_space<hbm>>) dst(%arg15 : memref<16xf32, #tpu.memory_space<vmem>>)
      tpu.yield
    }) : () -> ()
    %get3A = arith.constant 0 : index
    %get3A_1 = tpu.vector_load %arg15[%get3A] {strides = array<i32>} : memref<16xf32, #tpu.memory_space<vmem>>, vector<16xf32>,
    %iota3A = tpu.iota {dimensions = array<i32: 0>} : vector<16xi32>
    %jit3A = arith.constant 4 : i32
    %div3A = vector.broadcast %jit3A : i32 to vector<16xi32>
    %div3A_2 = arith.divsi %iota3A, %div3A : vector<16xi32>
    %sign3A = arith.constant 0 : i32
    %sign3A_3 = vector.broadcast %sign3A : i32 to vector<16xi32>
    %sign3A_4 = arith.cmpi sgt, %iota3A, %sign3A_3 : vector<16xi32>
    %sign3A_5 = arith.extui %sign3A_4 : vector<16xi1> to vector<16xi32>
    %sign3A_6 = arith.constant 0 : i32
    %sign3A_7 = vector.broadcast %sign3A_6 : i32 to vector<16xi32>
    %sign3A_8 = arith.cmpi slt, %iota3A, %sign3A_7 : vector<16xi32>
    %sign3A_9 = arith.extui %sign3A_8 : vector<16xi1> to vector<16xi32>
    %sign3A_10 = arith.subi %sign3A_5, %sign3A_9 : vector<16xi32>
    %sign3A_11 = arith.constant 0 : i32
    %sign3A_12 = arith.cmpi sgt, %jit3A, %sign3A_11 : i32
    %sign3A_13 = arith.extui %sign3A_12 : i1 to i32
    %sign3A_14 = arith.constant 0 : i32
    %sign3A_15 = arith.cmpi slt, %jit3A, %sign3A_14 : i32
    %sign3A_16 = arith.extui %sign3A_15 : i1 to i32
    %sign3A_17 = arith.subi %sign3A_13, %sign3A_16 : i32
    %ne3A = vector.broadcast %sign3A_17 : i32 to vector<16xi32>
    %ne3A_18 = arith.cmpi ne, %sign3A_10, %ne3A : vector<16xi32>
    %rem3A = vector.broadcast %jit3A : i32 to vector<16xi32>
    %rem3A_19 = arith.remsi %iota3A, %rem3A : vector<16xi32>
    %ne3A_20 = arith.constant 0 : i32
    %ne3A_21 = vector.broadcast %ne3A_20 : i32 to vector<16xi32>
    %ne3A_22 = arith.cmpi ne, %rem3A_19, %ne3A_21 : vector<16xi32>
    %and3A = arith.andi %ne3A_18, %ne3A_22 : vector<16xi1>
    %sub3A = arith.constant 1 : i32
    %sub3A_23 = vector.broadcast %sub3A : i32 to vector<16xi32>
    %sub3A_24 = arith.subi %div3A_2, %sub3A_23 : vector<16xi32>
    %select_n3A = arith.select %and3A, %sub3A_24, %div3A_2 : vector<16xi1>, vector<16xi32>
    %jit3A_25 = arith.constant 4 : i32
    %eq3A = arith.constant 0 : i32
    %eq3A_26 = arith.cmpi eq, %jit3A_25, %eq3A : i32
    %jit3A_27 = arith.constant 1 : i32
    %select_n3A_28 = arith.select %eq3A_26, %jit3A_27, %jit3A_25 : i32
    %rem3A_29 = vector.broadcast %select_n3A_28 : i32 to vector<16xi32>
    %rem3A_30 = arith.remsi %iota3A, %rem3A_29 : vector<16xi32>
    %ne3A_31 = arith.constant 0 : i32
    %ne3A_32 = vector.broadcast %ne3A_31 : i32 to vector<16xi32>
    %ne3A_33 = arith.cmpi ne, %rem3A_30, %ne3A_32 : vector<16xi32>
    %lt3A = arith.constant 0 : i32
    %lt3A_34 = vector.broadcast %lt3A : i32 to vector<16xi32>
    %lt3A_35 = arith.cmpi slt, %rem3A_30, %lt3A_34 : vector<16xi32>
    %lt3A_36 = arith.constant 0 : i32
    %lt3A_37 = arith.cmpi slt, %select_n3A_28, %lt3A_36 : i32
    %ne3A_38 = vector.broadcast %lt3A_37 : i1 to vector<16xi1>
    %ne3A_39 = vector.broadcast %ne3A_38 : vector<16xi1> to vector<16xi1>
    %ne3A_40 = arith.xori %lt3A_35, %ne3A_39 : vector<16xi1>
    %and3A_41 = arith.andi %ne3A_40, %ne3A_33 : vector<16xi1>
    %add3A_42 = vector.broadcast %select_n3A_28 : i32 to vector<16xi32>
    %add3A_43 = arith.addi %rem3A_30, %add3A_42 : vector<16xi32>
    %select_n3A_44 = arith.select %and3A_41, %add3A_43, %rem3A_30 : vector<16xi1>, vector<16xi32>
    %mul3A_45 = arith.constant 5000 : i32
    %mul3A_46 = arith.muli %add3A, %mul3A_45 : i32
    %add3A_47 = arith.constant 0 : i32
    %add3A_48 = arith.addi %mul3A_46, %add3A_47 : i32
    "tpu.region"() ({
      %run_scoped3A = tpu.sem_alloc : memref<!tpu.dma_semaphore, #tpu.memory_space<semaphore_mem>>
      %dma_start3A = tpu.memref_slice %arg2[%add3A_48] : memref<160000xi32, #tpu.memory_space<hbm>> -> memref<1000xi32, #tpu.memory_space<hbm>>
      %dma_start3A_106 = tpu.memref_slice %arg2[%add3A_48] : memref<160000xi32, #tpu.memory_space<hbm>> -> memref<1000xi32, #tpu.memory_space<hbm>>
      tpu.enqueue_dma source(%dma_start3A_106 : memref<1000xi32, #tpu.memory_space<hbm>>) target(%arg11 : memref<1000xi32, #tpu.memory_space<vmem>>) target_semaphore(%run_scoped3A : memref<!tpu.dma_semaphore, #tpu.memory_space<semaphore_mem>>)
      %dma_wait3A = tpu.memref_slice %arg2[%add3A_48] : memref<160000xi32, #tpu.memory_space<hbm>> -> memref<1000xi32, #tpu.memory_space<hbm>>
      %dma_wait3A_107 = tpu.memref_slice %arg2[%add3A_48] : memref<160000xi32, #tpu.memory_space<hbm>> -> memref<1000xi32, #tpu.memory_space<hbm>>
      tpu.wait_dma2 semaphore(%run_scoped3A : memref<!tpu.dma_semaphore, #tpu.memory_space<semaphore_mem>>) src(%dma_wait3A_107 : memref<1000xi32, #tpu.memory_space<hbm>>) dst(%arg11 : memref<1000xi32, #tpu.memory_space<vmem>>)
      tpu.yield
    }) : () -> ()
    "tpu.region"() ({
      %run_scoped3A = tpu.sem_alloc : memref<!tpu.dma_semaphore, #tpu.memory_space<semaphore_mem>>
      %dma_start3A = tpu.memref_slice %arg3[%add3A_48] : memref<160000xi32, #tpu.memory_space<hbm>> -> memref<1000xi32, #tpu.memory_space<hbm>>
      %dma_start3A_106 = tpu.memref_slice %arg3[%add3A_48] : memref<160000xi32, #tpu.memory_space<hbm>> -> memref<1000xi32, #tpu.memory_space<hbm>>
      tpu.enqueue_dma source(%dma_start3A_106 : memref<1000xi32, #tpu.memory_space<hbm>>) target(%arg12 : memref<1000xi32, #tpu.memory_space<vmem>>) target_semaphore(%run_scoped3A : memref<!tpu.dma_semaphore, #tpu.memory_space<semaphore_mem>>)
      %dma_wait3A = tpu.memref_slice %arg3[%add3A_48] : memref<160000xi32, #tpu.memory_space<hbm>> -> memref<1000xi32, #tpu.memory_space<hbm>>
      %dma_wait3A_107 = tpu.memref_slice %arg3[%add3A_48] : memref<160000xi32, #tpu.memory_space<hbm>> -> memref<1000xi32, #tpu.memory_space<hbm>>
      tpu.wait_dma2 semaphore(%run_scoped3A : memref<!tpu.dma_semaphore, #tpu.memory_space<semaphore_mem>>) src(%dma_wait3A_107 : memref<1000xi32, #tpu.memory_space<hbm>>) dst(%arg12 : memref<1000xi32, #tpu.memory_space<vmem>>)
      tpu.yield
    }) : () -> ()
    %mul3A_49 = arith.constant 4 : i32
    %mul3A_50 = arith.muli %add3A_48, %mul3A_49 : i32
    "tpu.region"() ({
      %run_scoped3A = tpu.sem_alloc : memref<!tpu.dma_semaphore, #tpu.memory_space<semaphore_mem>>
      %dma_start3A = tpu.memref_slice %arg6[%mul3A_50] : memref<640000xf32, #tpu.memory_space<hbm>> -> memref<4000xf32, #tpu.memory_space<hbm>>
      %dma_start3A_106 = tpu.memref_slice %arg6[%mul3A_50] : memref<640000xf32, #tpu.memory_space<hbm>> -> memref<4000xf32, #tpu.memory_space<hbm>>
      tpu.enqueue_dma source(%dma_start3A_106 : memref<4000xf32, #tpu.memory_space<hbm>>) target(%arg13 : memref<4000xf32, #tpu.memory_space<vmem>>) target_semaphore(%run_scoped3A : memref<!tpu.dma_semaphore, #tpu.memory_space<semaphore_mem>>)
      %dma_wait3A = tpu.memref_slice %arg6[%mul3A_50] : memref<640000xf32, #tpu.memory_space<hbm>> -> memref<4000xf32, #tpu.memory_space<hbm>>
      %dma_wait3A_107 = tpu.memref_slice %arg6[%mul3A_50] : memref<640000xf32, #tpu.memory_space<hbm>> -> memref<4000xf32, #tpu.memory_space<hbm>>
      tpu.wait_dma2 semaphore(%run_scoped3A : memref<!tpu.dma_semaphore, #tpu.memory_space<semaphore_mem>>) src(%dma_wait3A_107 : memref<4000xf32, #tpu.memory_space<hbm>>) dst(%arg13 : memref<4000xf32, #tpu.memory_space<vmem>>)
      tpu.yield
    }) : () -> ()
    %scan3A = arith.constant 0 : i32
    %scan3A_51 = arith.constant 0 : i32
    %scan3A_52 = arith.constant 250 : i32
    %scan3A_53 = arith.addi %scan3A_51, %scan3A_52 : i32
    %scan3A_54 = arith.constant 1 : i32
    scf.for %scan3A_106 = %scan3A_51 to %scan3A_53 step %scan3A_54  : i32 {
      %mul3A_107 = arith.constant 4 : i32
      %mul3A_108 = arith.muli %scan3A_106, %mul3A_107 : i32
      %add3A_109 = vector.broadcast %mul3A_108 : i32 to vector<16xi32>
      %add3A_110 = arith.addi %add3A_109, %select_n3A : vector<16xi32>
      %gather3A = tpu.vector_load_idx %arg11[%add3A_110] : memref<1000xi32, #tpu.memory_space<vmem>>[vector<16xi32>], vector<16xi32>,
      %add3A_111 = vector.broadcast %mul3A_108 : i32 to vector<16xi32>
      %add3A_112 = arith.addi %add3A_111, %select_n3A : vector<16xi32>
      %gather3A_113 = tpu.vector_load_idx %arg12[%add3A_112] : memref<1000xi32, #tpu.memory_space<vmem>>[vector<16xi32>], vector<16xi32>,
      %mul3A_114 = arith.constant 4 : i32
      %mul3A_115 = vector.broadcast %mul3A_114 : i32 to vector<16xi32>
      %mul3A_116 = arith.muli %gather3A, %mul3A_115 : vector<16xi32>
      %add3A_117 = arith.addi %mul3A_116, %select_n3A_44 : vector<16xi32>
      %gather3A_118 = tpu.vector_load_idx %arg9[%add3A_117] : memref<40000xf32, #tpu.memory_space<vmem>>[vector<16xi32>], vector<16xf32>,
      %mul3A_119 = arith.constant 4 : i32
      %mul3A_120 = vector.broadcast %mul3A_119 : i32 to vector<16xi32>
      %mul3A_121 = arith.muli %gather3A_113, %mul3A_120 : vector<16xi32>
      %add3A_122 = arith.addi %mul3A_121, %select_n3A_44 : vector<16xi32>
      %gather3A_123 = tpu.vector_load_idx %arg10[%add3A_122] : memref<40000xf32, #tpu.memory_space<vmem>>[vector<16xi32>], vector<16xf32>,
      %mul3A_124 = arith.constant 16 : i32
      %mul3A_125 = arith.muli %scan3A_106, %mul3A_124 : i32
      %get3A_126 = arith.index_cast %mul3A_125 : i32 to index
      %get3A_127 = tpu.vector_load %arg13[%get3A_126] {strides = array<i32>} : memref<4000xf32, #tpu.memory_space<vmem>>, vector<16xf32>,
      %add3A_128 = arith.addf %gather3A_118, %gather3A_123 : vector<16xf32>
      %add3A_129 = arith.addf %add3A_128, %get3A_127 : vector<16xf32>
      %sub3A_130 = arith.subf %add3A_129, %get3A_1 : vector<16xf32>
      %exp3A = math.exp %sub3A_130 : vector<16xf32>
      %mul3A_131 = arith.constant 16 : i32
      %mul3A_132 = arith.muli %scan3A_106, %mul3A_131 : i32
      %swap3A = arith.index_cast %mul3A_132 : i32 to index
      %swap3A_133 = tpu.vector_load %arg14[%swap3A] {strides = array<i32>} : memref<4000xf32, #tpu.memory_space<vmem>>, vector<16xf32>,
      tpu.vector_store %arg14[%swap3A], %exp3A {strides = array<i32>} : memref<4000xf32, #tpu.memory_space<vmem>>, vector<16xf32>,
    }
    %scan3A_55 = arith.constant 250 : i32
    %mul3A_56 = arith.constant 4 : i32
    %mul3A_57 = arith.muli %add3A_48, %mul3A_56 : i32
    "tpu.region"() ({
      %run_scoped3A = tpu.sem_alloc : memref<!tpu.dma_semaphore, #tpu.memory_space<semaphore_mem>>
      %dma_start3A = tpu.memref_slice %arg8[%mul3A_57] : memref<640000xf32, #tpu.memory_space<hbm>> -> memref<4000xf32, #tpu.memory_space<hbm>>
      %dma_start3A_106 = tpu.memref_slice %arg8[%mul3A_57] : memref<640000xf32, #tpu.memory_space<hbm>> -> memref<4000xf32, #tpu.memory_space<hbm>>
      tpu.enqueue_dma source(%arg14 : memref<4000xf32, #tpu.memory_space<vmem>>) target(%dma_start3A_106 : memref<4000xf32, #tpu.memory_space<hbm>>) target_semaphore(%run_scoped3A : memref<!tpu.dma_semaphore, #tpu.memory_space<semaphore_mem>>)
      %dma_wait3A = tpu.memref_slice %arg8[%mul3A_57] : memref<640000xf32, #tpu.memory_space<hbm>> -> memref<4000xf32, #tpu.memory_space<hbm>>
      %dma_wait3A_107 = tpu.memref_slice %arg8[%mul3A_57] : memref<640000xf32, #tpu.memory_space<hbm>> -> memref<4000xf32, #tpu.memory_space<hbm>>
      tpu.wait_dma2 semaphore(%run_scoped3A : memref<!tpu.dma_semaphore, #tpu.memory_space<semaphore_mem>>) src(%arg14 : memref<4000xf32, #tpu.memory_space<vmem>>) dst(%dma_wait3A_107 : memref<4000xf32, #tpu.memory_space<hbm>>)
      tpu.yield
    }) : () -> ()
    %add3A_58 = arith.constant 1000 : i32
    %add3A_59 = arith.addi %mul3A_46, %add3A_58 : i32
    "tpu.region"() ({
      %run_scoped3A = tpu.sem_alloc : memref<!tpu.dma_semaphore, #tpu.memory_space<semaphore_mem>>
      %dma_start3A = tpu.memref_slice %arg2[%add3A_59] : memref<160000xi32, #tpu.memory_space<hbm>> -> memref<1000xi32, #tpu.memory_space<hbm>>
      %dma_start3A_106 = tpu.memref_slice %arg2[%add3A_59] : memref<160000xi32, #tpu.memory_space<hbm>> -> memref<1000xi32, #tpu.memory_space<hbm>>
      tpu.enqueue_dma source(%dma_start3A_106 : memref<1000xi32, #tpu.memory_space<hbm>>) target(%arg11 : memref<1000xi32, #tpu.memory_space<vmem>>) target_semaphore(%run_scoped3A : memref<!tpu.dma_semaphore, #tpu.memory_space<semaphore_mem>>)
      %dma_wait3A = tpu.memref_slice %arg2[%add3A_59] : memref<160000xi32, #tpu.memory_space<hbm>> -> memref<1000xi32, #tpu.memory_space<hbm>>
      %dma_wait3A_107 = tpu.memref_slice %arg2[%add3A_59] : memref<160000xi32, #tpu.memory_space<hbm>> -> memref<1000xi32, #tpu.memory_space<hbm>>
      tpu.wait_dma2 semaphore(%run_scoped3A : memref<!tpu.dma_semaphore, #tpu.memory_space<semaphore_mem>>) src(%dma_wait3A_107 : memref<1000xi32, #tpu.memory_space<hbm>>) dst(%arg11 : memref<1000xi32, #tpu.memory_space<vmem>>)
      tpu.yield
    }) : () -> ()
    "tpu.region"() ({
      %run_scoped3A = tpu.sem_alloc : memref<!tpu.dma_semaphore, #tpu.memory_space<semaphore_mem>>
      %dma_start3A = tpu.memref_slice %arg3[%add3A_59] : memref<160000xi32, #tpu.memory_space<hbm>> -> memref<1000xi32, #tpu.memory_space<hbm>>
      %dma_start3A_106 = tpu.memref_slice %arg3[%add3A_59] : memref<160000xi32, #tpu.memory_space<hbm>> -> memref<1000xi32, #tpu.memory_space<hbm>>
      tpu.enqueue_dma source(%dma_start3A_106 : memref<1000xi32, #tpu.memory_space<hbm>>) target(%arg12 : memref<1000xi32, #tpu.memory_space<vmem>>) target_semaphore(%run_scoped3A : memref<!tpu.dma_semaphore, #tpu.memory_space<semaphore_mem>>)
      %dma_wait3A = tpu.memref_slice %arg3[%add3A_59] : memref<160000xi32, #tpu.memory_space<hbm>> -> memref<1000xi32, #tpu.memory_space<hbm>>
      %dma_wait3A_107 = tpu.memref_slice %arg3[%add3A_59] : memref<160000xi32, #tpu.memory_space<hbm>> -> memref<1000xi32, #tpu.memory_space<hbm>>
      tpu.wait_dma2 semaphore(%run_scoped3A : memref<!tpu.dma_semaphore, #tpu.memory_space<semaphore_mem>>) src(%dma_wait3A_107 : memref<1000xi32, #tpu.memory_space<hbm>>) dst(%arg12 : memref<1000xi32, #tpu.memory_space<vmem>>)
      tpu.yield
    }) : () -> ()
    %mul3A_60 = arith.constant 4 : i32
    %mul3A_61 = arith.muli %add3A_59, %mul3A_60 : i32
    "tpu.region"() ({
      %run_scoped3A = tpu.sem_alloc : memref<!tpu.dma_semaphore, #tpu.memory_space<semaphore_mem>>
      %dma_start3A = tpu.memref_slice %arg6[%mul3A_61] : memref<640000xf32, #tpu.memory_space<hbm>> -> memref<4000xf32, #tpu.memory_space<hbm>>
      %dma_start3A_106 = tpu.memref_slice %arg6[%mul3A_61] : memref<640000xf32, #tpu.memory_space<hbm>> -> memref<4000xf32, #tpu.memory_space<hbm>>
      tpu.enqueue_dma source(%dma_start3A_106 : memref<4000xf32, #tpu.memory_space<hbm>>) target(%arg13 : memref<4000xf32, #tpu.memory_space<vmem>>) target_semaphore(%run_scoped3A : memref<!tpu.dma_semaphore, #tpu.memory_space<semaphore_mem>>)
      %dma_wait3A = tpu.memref_slice %arg6[%mul3A_61] : memref<640000xf32, #tpu.memory_space<hbm>> -> memref<4000xf32, #tpu.memory_space<hbm>>
      %dma_wait3A_107 = tpu.memref_slice %arg6[%mul3A_61] : memref<640000xf32, #tpu.memory_space<hbm>> -> memref<4000xf32, #tpu.memory_space<hbm>>
      tpu.wait_dma2 semaphore(%run_scoped3A : memref<!tpu.dma_semaphore, #tpu.memory_space<semaphore_mem>>) src(%dma_wait3A_107 : memref<4000xf32, #tpu.memory_space<hbm>>) dst(%arg13 : memref<4000xf32, #tpu.memory_space<vmem>>)
      tpu.yield
    }) : () -> ()
    %scan3A_62 = arith.constant 0 : i32
    %scan3A_63 = arith.constant 0 : i32
    %scan3A_64 = arith.constant 250 : i32
    %scan3A_65 = arith.addi %scan3A_63, %scan3A_64 : i32
    %scan3A_66 = arith.constant 1 : i32
    scf.for %scan3A_106 = %scan3A_63 to %scan3A_65 step %scan3A_66  : i32 {
      %mul3A_107 = arith.constant 4 : i32
      %mul3A_108 = arith.muli %scan3A_106, %mul3A_107 : i32
      %add3A_109 = vector.broadcast %mul3A_108 : i32 to vector<16xi32>
      %add3A_110 = arith.addi %add3A_109, %select_n3A : vector<16xi32>
      %gather3A = tpu.vector_load_idx %arg11[%add3A_110] : memref<1000xi32, #tpu.memory_space<vmem>>[vector<16xi32>], vector<16xi32>,
      %add3A_111 = vector.broadcast %mul3A_108 : i32 to vector<16xi32>
      %add3A_112 = arith.addi %add3A_111, %select_n3A : vector<16xi32>
      %gather3A_113 = tpu.vector_load_idx %arg12[%add3A_112] : memref<1000xi32, #tpu.memory_space<vmem>>[vector<16xi32>], vector<16xi32>,
      %mul3A_114 = arith.constant 4 : i32
      %mul3A_115 = vector.broadcast %mul3A_114 : i32 to vector<16xi32>
      %mul3A_116 = arith.muli %gather3A, %mul3A_115 : vector<16xi32>
      %add3A_117 = arith.addi %mul3A_116, %select_n3A_44 : vector<16xi32>
      %gather3A_118 = tpu.vector_load_idx %arg9[%add3A_117] : memref<40000xf32, #tpu.memory_space<vmem>>[vector<16xi32>], vector<16xf32>,
      %mul3A_119 = arith.constant 4 : i32
      %mul3A_120 = vector.broadcast %mul3A_119 : i32 to vector<16xi32>
      %mul3A_121 = arith.muli %gather3A_113, %mul3A_120 : vector<16xi32>
      %add3A_122 = arith.addi %mul3A_121, %select_n3A_44 : vector<16xi32>
      %gather3A_123 = tpu.vector_load_idx %arg10[%add3A_122] : memref<40000xf32, #tpu.memory_space<vmem>>[vector<16xi32>], vector<16xf32>,
      %mul3A_124 = arith.constant 16 : i32
      %mul3A_125 = arith.muli %scan3A_106, %mul3A_124 : i32
      %get3A_126 = arith.index_cast %mul3A_125 : i32 to index
      %get3A_127 = tpu.vector_load %arg13[%get3A_126] {strides = array<i32>} : memref<4000xf32, #tpu.memory_space<vmem>>, vector<16xf32>,
      %add3A_128 = arith.addf %gather3A_118, %gather3A_123 : vector<16xf32>
      %add3A_129 = arith.addf %add3A_128, %get3A_127 : vector<16xf32>
      %sub3A_130 = arith.subf %add3A_129, %get3A_1 : vector<16xf32>
      %exp3A = math.exp %sub3A_130 : vector<16xf32>
      %mul3A_131 = arith.constant 16 : i32
      %mul3A_132 = arith.muli %scan3A_106, %mul3A_131 : i32
      %swap3A = arith.index_cast %mul3A_132 : i32 to index
      %swap3A_133 = tpu.vector_load %arg14[%swap3A] {strides = array<i32>} : memref<4000xf32, #tpu.memory_space<vmem>>, vector<16xf32>,
      tpu.vector_store %arg14[%swap3A], %exp3A {strides = array<i32>} : memref<4000xf32, #tpu.memory_space<vmem>>, vector<16xf32>,
    }
    %scan3A_67 = arith.constant 250 : i32
    %mul3A_68 = arith.constant 4 : i32
    %mul3A_69 = arith.muli %add3A_59, %mul3A_68 : i32
    "tpu.region"() ({
      %run_scoped3A = tpu.sem_alloc : memref<!tpu.dma_semaphore, #tpu.memory_space<semaphore_mem>>
      %dma_start3A = tpu.memref_slice %arg8[%mul3A_69] : memref<640000xf32, #tpu.memory_space<hbm>> -> memref<4000xf32, #tpu.memory_space<hbm>>
      %dma_start3A_106 = tpu.memref_slice %arg8[%mul3A_69] : memref<640000xf32, #tpu.memory_space<hbm>> -> memref<4000xf32, #tpu.memory_space<hbm>>
      tpu.enqueue_dma source(%arg14 : memref<4000xf32, #tpu.memory_space<vmem>>) target(%dma_start3A_106 : memref<4000xf32, #tpu.memory_space<hbm>>) target_semaphore(%run_scoped3A : memref<!tpu.dma_semaphore, #tpu.memory_space<semaphore_mem>>)
      %dma_wait3A = tpu.memref_slice %arg8[%mul3A_69] : memref<640000xf32, #tpu.memory_space<hbm>> -> memref<4000xf32, #tpu.memory_space<hbm>>
      %dma_wait3A_107 = tpu.memref_slice %arg8[%mul3A_69] : memref<640000xf32, #tpu.memory_space<hbm>> -> memref<4000xf32, #tpu.memory_space<hbm>>
      tpu.wait_dma2 semaphore(%run_scoped3A : memref<!tpu.dma_semaphore, #tpu.memory_space<semaphore_mem>>) src(%arg14 : memref<4000xf32, #tpu.memory_space<vmem>>) dst(%dma_wait3A_107 : memref<4000xf32, #tpu.memory_space<hbm>>)
      tpu.yield
    }) : () -> ()
    %add3A_70 = arith.constant 2000 : i32
    %add3A_71 = arith.addi %mul3A_46, %add3A_70 : i32
    "tpu.region"() ({
      %run_scoped3A = tpu.sem_alloc : memref<!tpu.dma_semaphore, #tpu.memory_space<semaphore_mem>>
      %dma_start3A = tpu.memref_slice %arg2[%add3A_71] : memref<160000xi32, #tpu.memory_space<hbm>> -> memref<1000xi32, #tpu.memory_space<hbm>>
      %dma_start3A_106 = tpu.memref_slice %arg2[%add3A_71] : memref<160000xi32, #tpu.memory_space<hbm>> -> memref<1000xi32, #tpu.memory_space<hbm>>
      tpu.enqueue_dma source(%dma_start3A_106 : memref<1000xi32, #tpu.memory_space<hbm>>) target(%arg11 : memref<1000xi32, #tpu.memory_space<vmem>>) target_semaphore(%run_scoped3A : memref<!tpu.dma_semaphore, #tpu.memory_space<semaphore_mem>>)
      %dma_wait3A = tpu.memref_slice %arg2[%add3A_71] : memref<160000xi32, #tpu.memory_space<hbm>> -> memref<1000xi32, #tpu.memory_space<hbm>>
      %dma_wait3A_107 = tpu.memref_slice %arg2[%add3A_71] : memref<160000xi32, #tpu.memory_space<hbm>> -> memref<1000xi32, #tpu.memory_space<hbm>>
      tpu.wait_dma2 semaphore(%run_scoped3A : memref<!tpu.dma_semaphore, #tpu.memory_space<semaphore_mem>>) src(%dma_wait3A_107 : memref<1000xi32, #tpu.memory_space<hbm>>) dst(%arg11 : memref<1000xi32, #tpu.memory_space<vmem>>)
      tpu.yield
    }) : () -> ()
    "tpu.region"() ({
      %run_scoped3A = tpu.sem_alloc : memref<!tpu.dma_semaphore, #tpu.memory_space<semaphore_mem>>
      %dma_start3A = tpu.memref_slice %arg3[%add3A_71] : memref<160000xi32, #tpu.memory_space<hbm>> -> memref<1000xi32, #tpu.memory_space<hbm>>
      %dma_start3A_106 = tpu.memref_slice %arg3[%add3A_71] : memref<160000xi32, #tpu.memory_space<hbm>> -> memref<1000xi32, #tpu.memory_space<hbm>>
      tpu.enqueue_dma source(%dma_start3A_106 : memref<1000xi32, #tpu.memory_space<hbm>>) target(%arg12 : memref<1000xi32, #tpu.memory_space<vmem>>) target_semaphore(%run_scoped3A : memref<!tpu.dma_semaphore, #tpu.memory_space<semaphore_mem>>)
      %dma_wait3A = tpu.memref_slice %arg3[%add3A_71] : memref<160000xi32, #tpu.memory_space<hbm>> -> memref<1000xi32, #tpu.memory_space<hbm>>
      %dma_wait3A_107 = tpu.memref_slice %arg3[%add3A_71] : memref<160000xi32, #tpu.memory_space<hbm>> -> memref<1000xi32, #tpu.memory_space<hbm>>
      tpu.wait_dma2 semaphore(%run_scoped3A : memref<!tpu.dma_semaphore, #tpu.memory_space<semaphore_mem>>) src(%dma_wait3A_107 : memref<1000xi32, #tpu.memory_space<hbm>>) dst(%arg12 : memref<1000xi32, #tpu.memory_space<vmem>>)
      tpu.yield
    }) : () -> ()
    %mul3A_72 = arith.constant 4 : i32
    %mul3A_73 = arith.muli %add3A_71, %mul3A_72 : i32
    "tpu.region"() ({
      %run_scoped3A = tpu.sem_alloc : memref<!tpu.dma_semaphore, #tpu.memory_space<semaphore_mem>>
      %dma_start3A = tpu.memref_slice %arg6[%mul3A_73] : memref<640000xf32, #tpu.memory_space<hbm>> -> memref<4000xf32, #tpu.memory_space<hbm>>
      %dma_start3A_106 = tpu.memref_slice %arg6[%mul3A_73] : memref<640000xf32, #tpu.memory_space<hbm>> -> memref<4000xf32, #tpu.memory_space<hbm>>
      tpu.enqueue_dma source(%dma_start3A_106 : memref<4000xf32, #tpu.memory_space<hbm>>) target(%arg13 : memref<4000xf32, #tpu.memory_space<vmem>>) target_semaphore(%run_scoped3A : memref<!tpu.dma_semaphore, #tpu.memory_space<semaphore_mem>>)
      %dma_wait3A = tpu.memref_slice %arg6[%mul3A_73] : memref<640000xf32, #tpu.memory_space<hbm>> -> memref<4000xf32, #tpu.memory_space<hbm>>
      %dma_wait3A_107 = tpu.memref_slice %arg6[%mul3A_73] : memref<640000xf32, #tpu.memory_space<hbm>> -> memref<4000xf32, #tpu.memory_space<hbm>>
      tpu.wait_dma2 semaphore(%run_scoped3A : memref<!tpu.dma_semaphore, #tpu.memory_space<semaphore_mem>>) src(%dma_wait3A_107 : memref<4000xf32, #tpu.memory_space<hbm>>) dst(%arg13 : memref<4000xf32, #tpu.memory_space<vmem>>)
      tpu.yield
    }) : () -> ()
    %scan3A_74 = arith.constant 0 : i32
    %scan3A_75 = arith.constant 0 : i32
    %scan3A_76 = arith.constant 250 : i32
    %scan3A_77 = arith.addi %scan3A_75, %scan3A_76 : i32
    %scan3A_78 = arith.constant 1 : i32
    scf.for %scan3A_106 = %scan3A_75 to %scan3A_77 step %scan3A_78  : i32 {
      %mul3A_107 = arith.constant 4 : i32
      %mul3A_108 = arith.muli %scan3A_106, %mul3A_107 : i32
      %add3A_109 = vector.broadcast %mul3A_108 : i32 to vector<16xi32>
      %add3A_110 = arith.addi %add3A_109, %select_n3A : vector<16xi32>
      %gather3A = tpu.vector_load_idx %arg11[%add3A_110] : memref<1000xi32, #tpu.memory_space<vmem>>[vector<16xi32>], vector<16xi32>,
      %add3A_111 = vector.broadcast %mul3A_108 : i32 to vector<16xi32>
      %add3A_112 = arith.addi %add3A_111, %select_n3A : vector<16xi32>
      %gather3A_113 = tpu.vector_load_idx %arg12[%add3A_112] : memref<1000xi32, #tpu.memory_space<vmem>>[vector<16xi32>], vector<16xi32>,
      %mul3A_114 = arith.constant 4 : i32
      %mul3A_115 = vector.broadcast %mul3A_114 : i32 to vector<16xi32>
      %mul3A_116 = arith.muli %gather3A, %mul3A_115 : vector<16xi32>
      %add3A_117 = arith.addi %mul3A_116, %select_n3A_44 : vector<16xi32>
      %gather3A_118 = tpu.vector_load_idx %arg9[%add3A_117] : memref<40000xf32, #tpu.memory_space<vmem>>[vector<16xi32>], vector<16xf32>,
      %mul3A_119 = arith.constant 4 : i32
      %mul3A_120 = vector.broadcast %mul3A_119 : i32 to vector<16xi32>
      %mul3A_121 = arith.muli %gather3A_113, %mul3A_120 : vector<16xi32>
      %add3A_122 = arith.addi %mul3A_121, %select_n3A_44 : vector<16xi32>
      %gather3A_123 = tpu.vector_load_idx %arg10[%add3A_122] : memref<40000xf32, #tpu.memory_space<vmem>>[vector<16xi32>], vector<16xf32>,
      %mul3A_124 = arith.constant 16 : i32
      %mul3A_125 = arith.muli %scan3A_106, %mul3A_124 : i32
      %get3A_126 = arith.index_cast %mul3A_125 : i32 to index
      %get3A_127 = tpu.vector_load %arg13[%get3A_126] {strides = array<i32>} : memref<4000xf32, #tpu.memory_space<vmem>>, vector<16xf32>,
      %add3A_128 = arith.addf %gather3A_118, %gather3A_123 : vector<16xf32>
      %add3A_129 = arith.addf %add3A_128, %get3A_127 : vector<16xf32>
      %sub3A_130 = arith.subf %add3A_129, %get3A_1 : vector<16xf32>
      %exp3A = math.exp %sub3A_130 : vector<16xf32>
      %mul3A_131 = arith.constant 16 : i32
      %mul3A_132 = arith.muli %scan3A_106, %mul3A_131 : i32
      %swap3A = arith.index_cast %mul3A_132 : i32 to index
      %swap3A_133 = tpu.vector_load %arg14[%swap3A] {strides = array<i32>} : memref<4000xf32, #tpu.memory_space<vmem>>, vector<16xf32>,
      tpu.vector_store %arg14[%swap3A], %exp3A {strides = array<i32>} : memref<4000xf32, #tpu.memory_space<vmem>>, vector<16xf32>,
    }
    %scan3A_79 = arith.constant 250 : i32
    %mul3A_80 = arith.constant 4 : i32
    %mul3A_81 = arith.muli %add3A_71, %mul3A_80 : i32
    "tpu.region"() ({
      %run_scoped3A = tpu.sem_alloc : memref<!tpu.dma_semaphore, #tpu.memory_space<semaphore_mem>>
      %dma_start3A = tpu.memref_slice %arg8[%mul3A_81] : memref<640000xf32, #tpu.memory_space<hbm>> -> memref<4000xf32, #tpu.memory_space<hbm>>
      %dma_start3A_106 = tpu.memref_slice %arg8[%mul3A_81] : memref<640000xf32, #tpu.memory_space<hbm>> -> memref<4000xf32, #tpu.memory_space<hbm>>
      tpu.enqueue_dma source(%arg14 : memref<4000xf32, #tpu.memory_space<vmem>>) target(%dma_start3A_106 : memref<4000xf32, #tpu.memory_space<hbm>>) target_semaphore(%run_scoped3A : memref<!tpu.dma_semaphore, #tpu.memory_space<semaphore_mem>>)
      %dma_wait3A = tpu.memref_slice %arg8[%mul3A_81] : memref<640000xf32, #tpu.memory_space<hbm>> -> memref<4000xf32, #tpu.memory_space<hbm>>
      %dma_wait3A_107 = tpu.memref_slice %arg8[%mul3A_81] : memref<640000xf32, #tpu.memory_space<hbm>> -> memref<4000xf32, #tpu.memory_space<hbm>>
      tpu.wait_dma2 semaphore(%run_scoped3A : memref<!tpu.dma_semaphore, #tpu.memory_space<semaphore_mem>>) src(%arg14 : memref<4000xf32, #tpu.memory_space<vmem>>) dst(%dma_wait3A_107 : memref<4000xf32, #tpu.memory_space<hbm>>)
      tpu.yield
    }) : () -> ()
    %add3A_82 = arith.constant 3000 : i32
    %add3A_83 = arith.addi %mul3A_46, %add3A_82 : i32
    "tpu.region"() ({
      %run_scoped3A = tpu.sem_alloc : memref<!tpu.dma_semaphore, #tpu.memory_space<semaphore_mem>>
      %dma_start3A = tpu.memref_slice %arg2[%add3A_83] : memref<160000xi32, #tpu.memory_space<hbm>> -> memref<1000xi32, #tpu.memory_space<hbm>>
      %dma_start3A_106 = tpu.memref_slice %arg2[%add3A_83] : memref<160000xi32, #tpu.memory_space<hbm>> -> memref<1000xi32, #tpu.memory_space<hbm>>
      tpu.enqueue_dma source(%dma_start3A_106 : memref<1000xi32, #tpu.memory_space<hbm>>) target(%arg11 : memref<1000xi32, #tpu.memory_space<vmem>>) target_semaphore(%run_scoped3A : memref<!tpu.dma_semaphore, #tpu.memory_space<semaphore_mem>>)
      %dma_wait3A = tpu.memref_slice %arg2[%add3A_83] : memref<160000xi32, #tpu.memory_space<hbm>> -> memref<1000xi32, #tpu.memory_space<hbm>>
      %dma_wait3A_107 = tpu.memref_slice %arg2[%add3A_83] : memref<160000xi32, #tpu.memory_space<hbm>> -> memref<1000xi32, #tpu.memory_space<hbm>>
      tpu.wait_dma2 semaphore(%run_scoped3A : memref<!tpu.dma_semaphore, #tpu.memory_space<semaphore_mem>>) src(%dma_wait3A_107 : memref<1000xi32, #tpu.memory_space<hbm>>) dst(%arg11 : memref<1000xi32, #tpu.memory_space<vmem>>)
      tpu.yield
    }) : () -> ()
    "tpu.region"() ({
      %run_scoped3A = tpu.sem_alloc : memref<!tpu.dma_semaphore, #tpu.memory_space<semaphore_mem>>
      %dma_start3A = tpu.memref_slice %arg3[%add3A_83] : memref<160000xi32, #tpu.memory_space<hbm>> -> memref<1000xi32, #tpu.memory_space<hbm>>
      %dma_start3A_106 = tpu.memref_slice %arg3[%add3A_83] : memref<160000xi32, #tpu.memory_space<hbm>> -> memref<1000xi32, #tpu.memory_space<hbm>>
      tpu.enqueue_dma source(%dma_start3A_106 : memref<1000xi32, #tpu.memory_space<hbm>>) target(%arg12 : memref<1000xi32, #tpu.memory_space<vmem>>) target_semaphore(%run_scoped3A : memref<!tpu.dma_semaphore, #tpu.memory_space<semaphore_mem>>)
      %dma_wait3A = tpu.memref_slice %arg3[%add3A_83] : memref<160000xi32, #tpu.memory_space<hbm>> -> memref<1000xi32, #tpu.memory_space<hbm>>
      %dma_wait3A_107 = tpu.memref_slice %arg3[%add3A_83] : memref<160000xi32, #tpu.memory_space<hbm>> -> memref<1000xi32, #tpu.memory_space<hbm>>
      tpu.wait_dma2 semaphore(%run_scoped3A : memref<!tpu.dma_semaphore, #tpu.memory_space<semaphore_mem>>) src(%dma_wait3A_107 : memref<1000xi32, #tpu.memory_space<hbm>>) dst(%arg12 : memref<1000xi32, #tpu.memory_space<vmem>>)
      tpu.yield
    }) : () -> ()
    %mul3A_84 = arith.constant 4 : i32
    %mul3A_85 = arith.muli %add3A_83, %mul3A_84 : i32
    "tpu.region"() ({
      %run_scoped3A = tpu.sem_alloc : memref<!tpu.dma_semaphore, #tpu.memory_space<semaphore_mem>>
      %dma_start3A = tpu.memref_slice %arg6[%mul3A_85] : memref<640000xf32, #tpu.memory_space<hbm>> -> memref<4000xf32, #tpu.memory_space<hbm>>
      %dma_start3A_106 = tpu.memref_slice %arg6[%mul3A_85] : memref<640000xf32, #tpu.memory_space<hbm>> -> memref<4000xf32, #tpu.memory_space<hbm>>
      tpu.enqueue_dma source(%dma_start3A_106 : memref<4000xf32, #tpu.memory_space<hbm>>) target(%arg13 : memref<4000xf32, #tpu.memory_space<vmem>>) target_semaphore(%run_scoped3A : memref<!tpu.dma_semaphore, #tpu.memory_space<semaphore_mem>>)
      %dma_wait3A = tpu.memref_slice %arg6[%mul3A_85] : memref<640000xf32, #tpu.memory_space<hbm>> -> memref<4000xf32, #tpu.memory_space<hbm>>
      %dma_wait3A_107 = tpu.memref_slice %arg6[%mul3A_85] : memref<640000xf32, #tpu.memory_space<hbm>> -> memref<4000xf32, #tpu.memory_space<hbm>>
      tpu.wait_dma2 semaphore(%run_scoped3A : memref<!tpu.dma_semaphore, #tpu.memory_space<semaphore_mem>>) src(%dma_wait3A_107 : memref<4000xf32, #tpu.memory_space<hbm>>) dst(%arg13 : memref<4000xf32, #tpu.memory_space<vmem>>)
      tpu.yield
    }) : () -> ()
    %scan3A_86 = arith.constant 0 : i32
    %scan3A_87 = arith.constant 0 : i32
    %scan3A_88 = arith.constant 250 : i32
    %scan3A_89 = arith.addi %scan3A_87, %scan3A_88 : i32
    %scan3A_90 = arith.constant 1 : i32
    scf.for %scan3A_106 = %scan3A_87 to %scan3A_89 step %scan3A_90  : i32 {
      %mul3A_107 = arith.constant 4 : i32
      %mul3A_108 = arith.muli %scan3A_106, %mul3A_107 : i32
      %add3A_109 = vector.broadcast %mul3A_108 : i32 to vector<16xi32>
      %add3A_110 = arith.addi %add3A_109, %select_n3A : vector<16xi32>
      %gather3A = tpu.vector_load_idx %arg11[%add3A_110] : memref<1000xi32, #tpu.memory_space<vmem>>[vector<16xi32>], vector<16xi32>,
      %add3A_111 = vector.broadcast %mul3A_108 : i32 to vector<16xi32>
      %add3A_112 = arith.addi %add3A_111, %select_n3A : vector<16xi32>
      %gather3A_113 = tpu.vector_load_idx %arg12[%add3A_112] : memref<1000xi32, #tpu.memory_space<vmem>>[vector<16xi32>], vector<16xi32>,
      %mul3A_114 = arith.constant 4 : i32
      %mul3A_115 = vector.broadcast %mul3A_114 : i32 to vector<16xi32>
      %mul3A_116 = arith.muli %gather3A, %mul3A_115 : vector<16xi32>
      %add3A_117 = arith.addi %mul3A_116, %select_n3A_44 : vector<16xi32>
      %gather3A_118 = tpu.vector_load_idx %arg9[%add3A_117] : memref<40000xf32, #tpu.memory_space<vmem>>[vector<16xi32>], vector<16xf32>,
      %mul3A_119 = arith.constant 4 : i32
      %mul3A_120 = vector.broadcast %mul3A_119 : i32 to vector<16xi32>
      %mul3A_121 = arith.muli %gather3A_113, %mul3A_120 : vector<16xi32>
      %add3A_122 = arith.addi %mul3A_121, %select_n3A_44 : vector<16xi32>
      %gather3A_123 = tpu.vector_load_idx %arg10[%add3A_122] : memref<40000xf32, #tpu.memory_space<vmem>>[vector<16xi32>], vector<16xf32>,
      %mul3A_124 = arith.constant 16 : i32
      %mul3A_125 = arith.muli %scan3A_106, %mul3A_124 : i32
      %get3A_126 = arith.index_cast %mul3A_125 : i32 to index
      %get3A_127 = tpu.vector_load %arg13[%get3A_126] {strides = array<i32>} : memref<4000xf32, #tpu.memory_space<vmem>>, vector<16xf32>,
      %add3A_128 = arith.addf %gather3A_118, %gather3A_123 : vector<16xf32>
      %add3A_129 = arith.addf %add3A_128, %get3A_127 : vector<16xf32>
      %sub3A_130 = arith.subf %add3A_129, %get3A_1 : vector<16xf32>
      %exp3A = math.exp %sub3A_130 : vector<16xf32>
      %mul3A_131 = arith.constant 16 : i32
      %mul3A_132 = arith.muli %scan3A_106, %mul3A_131 : i32
      %swap3A = arith.index_cast %mul3A_132 : i32 to index
      %swap3A_133 = tpu.vector_load %arg14[%swap3A] {strides = array<i32>} : memref<4000xf32, #tpu.memory_space<vmem>>, vector<16xf32>,
      tpu.vector_store %arg14[%swap3A], %exp3A {strides = array<i32>} : memref<4000xf32, #tpu.memory_space<vmem>>, vector<16xf32>,
    }
    %scan3A_91 = arith.constant 250 : i32
    %mul3A_92 = arith.constant 4 : i32
    %mul3A_93 = arith.muli %add3A_83, %mul3A_92 : i32
    "tpu.region"() ({
      %run_scoped3A = tpu.sem_alloc : memref<!tpu.dma_semaphore, #tpu.memory_space<semaphore_mem>>
      %dma_start3A = tpu.memref_slice %arg8[%mul3A_93] : memref<640000xf32, #tpu.memory_space<hbm>> -> memref<4000xf32, #tpu.memory_space<hbm>>
      %dma_start3A_106 = tpu.memref_slice %arg8[%mul3A_93] : memref<640000xf32, #tpu.memory_space<hbm>> -> memref<4000xf32, #tpu.memory_space<hbm>>
      tpu.enqueue_dma source(%arg14 : memref<4000xf32, #tpu.memory_space<vmem>>) target(%dma_start3A_106 : memref<4000xf32, #tpu.memory_space<hbm>>) target_semaphore(%run_scoped3A : memref<!tpu.dma_semaphore, #tpu.memory_space<semaphore_mem>>)
      %dma_wait3A = tpu.memref_slice %arg8[%mul3A_93] : memref<640000xf32, #tpu.memory_space<hbm>> -> memref<4000xf32, #tpu.memory_space<hbm>>
      %dma_wait3A_107 = tpu.memref_slice %arg8[%mul3A_93] : memref<640000xf32, #tpu.memory_space<hbm>> -> memref<4000xf32, #tpu.memory_space<hbm>>
      tpu.wait_dma2 semaphore(%run_scoped3A : memref<!tpu.dma_semaphore, #tpu.memory_space<semaphore_mem>>) src(%arg14 : memref<4000xf32, #tpu.memory_space<vmem>>) dst(%dma_wait3A_107 : memref<4000xf32, #tpu.memory_space<hbm>>)
      tpu.yield
    }) : () -> ()
    %add3A_94 = arith.constant 4000 : i32
    %add3A_95 = arith.addi %mul3A_46, %add3A_94 : i32
    "tpu.region"() ({
      %run_scoped3A = tpu.sem_alloc : memref<!tpu.dma_semaphore, #tpu.memory_space<semaphore_mem>>
      %dma_start3A = tpu.memref_slice %arg2[%add3A_95] : memref<160000xi32, #tpu.memory_space<hbm>> -> memref<1000xi32, #tpu.memory_space<hbm>>
      %dma_start3A_106 = tpu.memref_slice %arg2[%add3A_95] : memref<160000xi32, #tpu.memory_space<hbm>> -> memref<1000xi32, #tpu.memory_space<hbm>>
      tpu.enqueue_dma source(%dma_start3A_106 : memref<1000xi32, #tpu.memory_space<hbm>>) target(%arg11 : memref<1000xi32, #tpu.memory_space<vmem>>) target_semaphore(%run_scoped3A : memref<!tpu.dma_semaphore, #tpu.memory_space<semaphore_mem>>)
      %dma_wait3A = tpu.memref_slice %arg2[%add3A_95] : memref<160000xi32, #tpu.memory_space<hbm>> -> memref<1000xi32, #tpu.memory_space<hbm>>
      %dma_wait3A_107 = tpu.memref_slice %arg2[%add3A_95] : memref<160000xi32, #tpu.memory_space<hbm>> -> memref<1000xi32, #tpu.memory_space<hbm>>
      tpu.wait_dma2 semaphore(%run_scoped3A : memref<!tpu.dma_semaphore, #tpu.memory_space<semaphore_mem>>) src(%dma_wait3A_107 : memref<1000xi32, #tpu.memory_space<hbm>>) dst(%arg11 : memref<1000xi32, #tpu.memory_space<vmem>>)
      tpu.yield
    }) : () -> ()
    "tpu.region"() ({
      %run_scoped3A = tpu.sem_alloc : memref<!tpu.dma_semaphore, #tpu.memory_space<semaphore_mem>>
      %dma_start3A = tpu.memref_slice %arg3[%add3A_95] : memref<160000xi32, #tpu.memory_space<hbm>> -> memref<1000xi32, #tpu.memory_space<hbm>>
      %dma_start3A_106 = tpu.memref_slice %arg3[%add3A_95] : memref<160000xi32, #tpu.memory_space<hbm>> -> memref<1000xi32, #tpu.memory_space<hbm>>
      tpu.enqueue_dma source(%dma_start3A_106 : memref<1000xi32, #tpu.memory_space<hbm>>) target(%arg12 : memref<1000xi32, #tpu.memory_space<vmem>>) target_semaphore(%run_scoped3A : memref<!tpu.dma_semaphore, #tpu.memory_space<semaphore_mem>>)
      %dma_wait3A = tpu.memref_slice %arg3[%add3A_95] : memref<160000xi32, #tpu.memory_space<hbm>> -> memref<1000xi32, #tpu.memory_space<hbm>>
      %dma_wait3A_107 = tpu.memref_slice %arg3[%add3A_95] : memref<160000xi32, #tpu.memory_space<hbm>> -> memref<1000xi32, #tpu.memory_space<hbm>>
      tpu.wait_dma2 semaphore(%run_scoped3A : memref<!tpu.dma_semaphore, #tpu.memory_space<semaphore_mem>>) src(%dma_wait3A_107 : memref<1000xi32, #tpu.memory_space<hbm>>) dst(%arg12 : memref<1000xi32, #tpu.memory_space<vmem>>)
      tpu.yield
    }) : () -> ()
    %mul3A_96 = arith.constant 4 : i32
    %mul3A_97 = arith.muli %add3A_95, %mul3A_96 : i32
    "tpu.region"() ({
      %run_scoped3A = tpu.sem_alloc : memref<!tpu.dma_semaphore, #tpu.memory_space<semaphore_mem>>
      %dma_start3A = tpu.memref_slice %arg6[%mul3A_97] : memref<640000xf32, #tpu.memory_space<hbm>> -> memref<4000xf32, #tpu.memory_space<hbm>>
      %dma_start3A_106 = tpu.memref_slice %arg6[%mul3A_97] : memref<640000xf32, #tpu.memory_space<hbm>> -> memref<4000xf32, #tpu.memory_space<hbm>>
      tpu.enqueue_dma source(%dma_start3A_106 : memref<4000xf32, #tpu.memory_space<hbm>>) target(%arg13 : memref<4000xf32, #tpu.memory_space<vmem>>) target_semaphore(%run_scoped3A : memref<!tpu.dma_semaphore, #tpu.memory_space<semaphore_mem>>)
      %dma_wait3A = tpu.memref_slice %arg6[%mul3A_97] : memref<640000xf32, #tpu.memory_space<hbm>> -> memref<4000xf32, #tpu.memory_space<hbm>>
      %dma_wait3A_107 = tpu.memref_slice %arg6[%mul3A_97] : memref<640000xf32, #tpu.memory_space<hbm>> -> memref<4000xf32, #tpu.memory_space<hbm>>
      tpu.wait_dma2 semaphore(%run_scoped3A : memref<!tpu.dma_semaphore, #tpu.memory_space<semaphore_mem>>) src(%dma_wait3A_107 : memref<4000xf32, #tpu.memory_space<hbm>>) dst(%arg13 : memref<4000xf32, #tpu.memory_space<vmem>>)
      tpu.yield
    }) : () -> ()
    %scan3A_98 = arith.constant 0 : i32
    %scan3A_99 = arith.constant 0 : i32
    %scan3A_100 = arith.constant 250 : i32
    %scan3A_101 = arith.addi %scan3A_99, %scan3A_100 : i32
    %scan3A_102 = arith.constant 1 : i32
    scf.for %scan3A_106 = %scan3A_99 to %scan3A_101 step %scan3A_102  : i32 {
      %mul3A_107 = arith.constant 4 : i32
      %mul3A_108 = arith.muli %scan3A_106, %mul3A_107 : i32
      %add3A_109 = vector.broadcast %mul3A_108 : i32 to vector<16xi32>
      %add3A_110 = arith.addi %add3A_109, %select_n3A : vector<16xi32>
      %gather3A = tpu.vector_load_idx %arg11[%add3A_110] : memref<1000xi32, #tpu.memory_space<vmem>>[vector<16xi32>], vector<16xi32>,
      %add3A_111 = vector.broadcast %mul3A_108 : i32 to vector<16xi32>
      %add3A_112 = arith.addi %add3A_111, %select_n3A : vector<16xi32>
      %gather3A_113 = tpu.vector_load_idx %arg12[%add3A_112] : memref<1000xi32, #tpu.memory_space<vmem>>[vector<16xi32>], vector<16xi32>,
      %mul3A_114 = arith.constant 4 : i32
      %mul3A_115 = vector.broadcast %mul3A_114 : i32 to vector<16xi32>
      %mul3A_116 = arith.muli %gather3A, %mul3A_115 : vector<16xi32>
      %add3A_117 = arith.addi %mul3A_116, %select_n3A_44 : vector<16xi32>
      %gather3A_118 = tpu.vector_load_idx %arg9[%add3A_117] : memref<40000xf32, #tpu.memory_space<vmem>>[vector<16xi32>], vector<16xf32>,
      %mul3A_119 = arith.constant 4 : i32
      %mul3A_120 = vector.broadcast %mul3A_119 : i32 to vector<16xi32>
      %mul3A_121 = arith.muli %gather3A_113, %mul3A_120 : vector<16xi32>
      %add3A_122 = arith.addi %mul3A_121, %select_n3A_44 : vector<16xi32>
      %gather3A_123 = tpu.vector_load_idx %arg10[%add3A_122] : memref<40000xf32, #tpu.memory_space<vmem>>[vector<16xi32>], vector<16xf32>,
      %mul3A_124 = arith.constant 16 : i32
      %mul3A_125 = arith.muli %scan3A_106, %mul3A_124 : i32
      %get3A_126 = arith.index_cast %mul3A_125 : i32 to index
      %get3A_127 = tpu.vector_load %arg13[%get3A_126] {strides = array<i32>} : memref<4000xf32, #tpu.memory_space<vmem>>, vector<16xf32>,
      %add3A_128 = arith.addf %gather3A_118, %gather3A_123 : vector<16xf32>
      %add3A_129 = arith.addf %add3A_128, %get3A_127 : vector<16xf32>
      %sub3A_130 = arith.subf %add3A_129, %get3A_1 : vector<16xf32>
      %exp3A = math.exp %sub3A_130 : vector<16xf32>
      %mul3A_131 = arith.constant 16 : i32
      %mul3A_132 = arith.muli %scan3A_106, %mul3A_131 : i32
      %swap3A = arith.index_cast %mul3A_132 : i32 to index
      %swap3A_133 = tpu.vector_load %arg14[%swap3A] {strides = array<i32>} : memref<4000xf32, #tpu.memory_space<vmem>>, vector<16xf32>,
      tpu.vector_store %arg14[%swap3A], %exp3A {strides = array<i32>} : memref<4000xf32, #tpu.memory_space<vmem>>, vector<16xf32>,
    }
    %scan3A_103 = arith.constant 250 : i32
    %mul3A_104 = arith.constant 4 : i32
    %mul3A_105 = arith.muli %add3A_95, %mul3A_104 : i32
    "tpu.region"() ({
      %run_scoped3A = tpu.sem_alloc : memref<!tpu.dma_semaphore, #tpu.memory_space<semaphore_mem>>
      %dma_start3A = tpu.memref_slice %arg8[%mul3A_105] : memref<640000xf32, #tpu.memory_space<hbm>> -> memref<4000xf32, #tpu.memory_space<hbm>>
      %dma_start3A_106 = tpu.memref_slice %arg8[%mul3A_105] : memref<640000xf32, #tpu.memory_space<hbm>> -> memref<4000xf32, #tpu.memory_space<hbm>>
      tpu.enqueue_dma source(%arg14 : memref<4000xf32, #tpu.memory_space<vmem>>) target(%dma_start3A_106 : memref<4000xf32, #tpu.memory_space<hbm>>) target_semaphore(%run_scoped3A : memref<!tpu.dma_semaphore, #tpu.memory_space<semaphore_mem>>)
      %dma_wait3A = tpu.memref_slice %arg8[%mul3A_105] : memref<640000xf32, #tpu.memory_space<hbm>> -> memref<4000xf32, #tpu.memory_space<hbm>>
      %dma_wait3A_107 = tpu.memref_slice %arg8[%mul3A_105] : memref<640000xf32, #tpu.memory_space<hbm>> -> memref<4000xf32, #tpu.memory_space<hbm>>
      tpu.wait_dma2 semaphore(%run_scoped3A : memref<!tpu.dma_semaphore, #tpu.memory_space<semaphore_mem>>) src(%arg14 : memref<4000xf32, #tpu.memory_space<vmem>>) dst(%dma_wait3A_107 : memref<4000xf32, #tpu.memory_space<hbm>>)
      tpu.yield
    }) : () -> ()
    return
  }
}

#map = affine_map<(d0, d1) -> (0)>
module attributes {stable_mosaic.version = 14 : i64} {
  func.func @_sc_ssum_body(%arg0: i32, %arg1: i32, %arg2: memref<160000xi32, #tpu.memory_space<hbm>>, %arg3: memref<640000xf32, #tpu.memory_space<hbm>>, %arg4: memref<81920xf32, #tpu.memory_space<hbm>>, %arg5: memref<40960xf32, #tpu.memory_space<vmem>>, %arg6: memref<1000xi32, #tpu.memory_space<vmem>>, %arg7: memref<4000xf32, #tpu.memory_space<vmem>>, %arg8: memref<48xi32, #tpu.memory_space<vmem>>, %arg9: memref<32xf32, #tpu.memory_space<vmem>>, %arg10: memref<4096xf32, #tpu.memory_space<vmem>>, %arg11: memref<4096xf32, #tpu.memory_space<vmem>>, %arg12: memref<655360xf32, #tpu.memory_space<vmem_shared>>) attributes {dimension_semantics = [#tpu.dimension_semantics<core_parallel>, #tpu.dimension_semantics<subcore_parallel>], iteration_bounds = array<i64: 2, 16>, scalar_prefetch = 0 : i64, scratch_operands = 8 : i64, tpu.core_type = #tpu.core_type<sc_vector_subcore>, window_params = [{transform_indices = #map}, {transform_indices = #map}, {transform_indices = #map}]} {
    %mul3A = arith.constant 16 : i32
    %mul3A_0 = arith.muli %arg0, %mul3A : i32
    %add3A = arith.addi %mul3A_0, %arg1 : i32
    %broadcast_in_dim3A = arith.constant 0.000000e+00 : f32
    %broadcast_in_dim3A_1 = vector.broadcast %broadcast_in_dim3A : f32 to vector<16xf32>
    %scan3A = arith.constant 0 : i32
    %scan3A_2 = arith.constant 0 : i32
    %scan3A_3 = arith.constant 2560 : i32
    %scan3A_4 = arith.addi %scan3A_2, %scan3A_3 : i32
    %scan3A_5 = arith.constant 1 : i32
    scf.for %scan3A_114 = %scan3A_2 to %scan3A_4 step %scan3A_5  : i32 {
      %mul3A_115 = arith.constant 16 : i32
      %mul3A_116 = arith.muli %scan3A_114, %mul3A_115 : i32
      %swap3A_117 = arith.index_cast %mul3A_116 : i32 to index
      %swap3A_118 = tpu.vector_load %arg5[%swap3A_117] {strides = array<i32>} : memref<40960xf32, #tpu.memory_space<vmem>>, vector<16xf32>,
      tpu.vector_store %arg5[%swap3A_117], %broadcast_in_dim3A_1 {strides = array<i32>} : memref<40960xf32, #tpu.memory_space<vmem>>, vector<16xf32>,
    }
    %scan3A_6 = arith.constant 2560 : i32
    %iota3A = tpu.iota {dimensions = array<i32: 0>} : vector<16xi32>
    %jit3A = arith.constant 4 : i32
    %div3A = vector.broadcast %jit3A : i32 to vector<16xi32>
    %div3A_7 = arith.divsi %iota3A, %div3A : vector<16xi32>
    %sign3A = arith.constant 0 : i32
    %sign3A_8 = vector.broadcast %sign3A : i32 to vector<16xi32>
    %sign3A_9 = arith.cmpi sgt, %iota3A, %sign3A_8 : vector<16xi32>
    %sign3A_10 = arith.extui %sign3A_9 : vector<16xi1> to vector<16xi32>
    %sign3A_11 = arith.constant 0 : i32
    %sign3A_12 = vector.broadcast %sign3A_11 : i32 to vector<16xi32>
    %sign3A_13 = arith.cmpi slt, %iota3A, %sign3A_12 : vector<16xi32>
    %sign3A_14 = arith.extui %sign3A_13 : vector<16xi1> to vector<16xi32>
    %sign3A_15 = arith.subi %sign3A_10, %sign3A_14 : vector<16xi32>
    %sign3A_16 = arith.constant 0 : i32
    %sign3A_17 = arith.cmpi sgt, %jit3A, %sign3A_16 : i32
    %sign3A_18 = arith.extui %sign3A_17 : i1 to i32
    %sign3A_19 = arith.constant 0 : i32
    %sign3A_20 = arith.cmpi slt, %jit3A, %sign3A_19 : i32
    %sign3A_21 = arith.extui %sign3A_20 : i1 to i32
    %sign3A_22 = arith.subi %sign3A_18, %sign3A_21 : i32
    %ne3A = vector.broadcast %sign3A_22 : i32 to vector<16xi32>
    %ne3A_23 = arith.cmpi ne, %sign3A_15, %ne3A : vector<16xi32>
    %rem3A = vector.broadcast %jit3A : i32 to vector<16xi32>
    %rem3A_24 = arith.remsi %iota3A, %rem3A : vector<16xi32>
    %ne3A_25 = arith.constant 0 : i32
    %ne3A_26 = vector.broadcast %ne3A_25 : i32 to vector<16xi32>
    %ne3A_27 = arith.cmpi ne, %rem3A_24, %ne3A_26 : vector<16xi32>
    %and3A = arith.andi %ne3A_23, %ne3A_27 : vector<16xi1>
    %sub3A = arith.constant 1 : i32
    %sub3A_28 = vector.broadcast %sub3A : i32 to vector<16xi32>
    %sub3A_29 = arith.subi %div3A_7, %sub3A_28 : vector<16xi32>
    %select_n3A = arith.select %and3A, %sub3A_29, %div3A_7 : vector<16xi1>, vector<16xi32>
    %jit3A_30 = arith.constant 4 : i32
    %eq3A = arith.constant 0 : i32
    %eq3A_31 = arith.cmpi eq, %jit3A_30, %eq3A : i32
    %jit3A_32 = arith.constant 1 : i32
    %select_n3A_33 = arith.select %eq3A_31, %jit3A_32, %jit3A_30 : i32
    %rem3A_34 = vector.broadcast %select_n3A_33 : i32 to vector<16xi32>
    %rem3A_35 = arith.remsi %iota3A, %rem3A_34 : vector<16xi32>
    %ne3A_36 = arith.constant 0 : i32
    %ne3A_37 = vector.broadcast %ne3A_36 : i32 to vector<16xi32>
    %ne3A_38 = arith.cmpi ne, %rem3A_35, %ne3A_37 : vector<16xi32>
    %lt3A = arith.constant 0 : i32
    %lt3A_39 = vector.broadcast %lt3A : i32 to vector<16xi32>
    %lt3A_40 = arith.cmpi slt, %rem3A_35, %lt3A_39 : vector<16xi32>
    %lt3A_41 = arith.constant 0 : i32
    %lt3A_42 = arith.cmpi slt, %select_n3A_33, %lt3A_41 : i32
    %ne3A_43 = vector.broadcast %lt3A_42 : i1 to vector<16xi1>
    %ne3A_44 = vector.broadcast %ne3A_43 : vector<16xi1> to vector<16xi1>
    %ne3A_45 = arith.xori %lt3A_40, %ne3A_44 : vector<16xi1>
    %and3A_46 = arith.andi %ne3A_45, %ne3A_38 : vector<16xi1>
    %add3A_47 = vector.broadcast %select_n3A_33 : i32 to vector<16xi32>
    %add3A_48 = arith.addi %rem3A_35, %add3A_47 : vector<16xi32>
    %select_n3A_49 = arith.select %and3A_46, %add3A_48, %rem3A_35 : vector<16xi1>, vector<16xi32>
    %broadcast_in_dim3A_50 = arith.constant -1 : i32
    %broadcast_in_dim3A_51 = vector.broadcast %broadcast_in_dim3A_50 : i32 to vector<16xi32>
    %swap3A = arith.constant 0 : index
    %swap3A_52 = tpu.vector_load %arg8[%swap3A] {strides = array<i32>} : memref<48xi32, #tpu.memory_space<vmem>>, vector<16xi32>,
    tpu.vector_store %arg8[%swap3A], %broadcast_in_dim3A_51 {strides = array<i32>} : memref<48xi32, #tpu.memory_space<vmem>>, vector<16xi32>,
    %swap3A_53 = arith.constant 32 : index
    %swap3A_54 = tpu.vector_load %arg8[%swap3A_53] {strides = array<i32>} : memref<48xi32, #tpu.memory_space<vmem>>, vector<16xi32>,
    tpu.vector_store %arg8[%swap3A_53], %broadcast_in_dim3A_51 {strides = array<i32>} : memref<48xi32, #tpu.memory_space<vmem>>, vector<16xi32>,
    %swap3A_55 = arith.constant 16 : index
    %swap3A_56 = tpu.vector_load %arg9[%swap3A_55] {strides = array<i32>} : memref<32xf32, #tpu.memory_space<vmem>>, vector<16xf32>,
    tpu.vector_store %arg9[%swap3A_55], %broadcast_in_dim3A_1 {strides = array<i32>} : memref<32xf32, #tpu.memory_space<vmem>>, vector<16xf32>,
    %mul3A_57 = arith.constant 5000 : i32
    %mul3A_58 = arith.muli %add3A, %mul3A_57 : i32
    %add3A_59 = arith.constant 0 : i32
    %add3A_60 = arith.addi %mul3A_58, %add3A_59 : i32
    "tpu.region"() ({
      %run_scoped3A = tpu.sem_alloc : memref<!tpu.dma_semaphore, #tpu.memory_space<semaphore_mem>>
      %dma_start3A = tpu.memref_slice %arg2[%add3A_60] : memref<160000xi32, #tpu.memory_space<hbm>> -> memref<1000xi32, #tpu.memory_space<hbm>>
      %dma_start3A_114 = tpu.memref_slice %arg2[%add3A_60] : memref<160000xi32, #tpu.memory_space<hbm>> -> memref<1000xi32, #tpu.memory_space<hbm>>
      tpu.enqueue_dma source(%dma_start3A_114 : memref<1000xi32, #tpu.memory_space<hbm>>) target(%arg6 : memref<1000xi32, #tpu.memory_space<vmem>>) target_semaphore(%run_scoped3A : memref<!tpu.dma_semaphore, #tpu.memory_space<semaphore_mem>>)
      %dma_wait3A = tpu.memref_slice %arg2[%add3A_60] : memref<160000xi32, #tpu.memory_space<hbm>> -> memref<1000xi32, #tpu.memory_space<hbm>>
      %dma_wait3A_115 = tpu.memref_slice %arg2[%add3A_60] : memref<160000xi32, #tpu.memory_space<hbm>> -> memref<1000xi32, #tpu.memory_space<hbm>>
      tpu.wait_dma2 semaphore(%run_scoped3A : memref<!tpu.dma_semaphore, #tpu.memory_space<semaphore_mem>>) src(%dma_wait3A_115 : memref<1000xi32, #tpu.memory_space<hbm>>) dst(%arg6 : memref<1000xi32, #tpu.memory_space<vmem>>)
      tpu.yield
    }) : () -> ()
    %mul3A_61 = arith.constant 4 : i32
    %mul3A_62 = arith.muli %add3A_60, %mul3A_61 : i32
    "tpu.region"() ({
      %run_scoped3A = tpu.sem_alloc : memref<!tpu.dma_semaphore, #tpu.memory_space<semaphore_mem>>
      %dma_start3A = tpu.memref_slice %arg3[%mul3A_62] : memref<640000xf32, #tpu.memory_space<hbm>> -> memref<4000xf32, #tpu.memory_space<hbm>>
      %dma_start3A_114 = tpu.memref_slice %arg3[%mul3A_62] : memref<640000xf32, #tpu.memory_space<hbm>> -> memref<4000xf32, #tpu.memory_space<hbm>>
      tpu.enqueue_dma source(%dma_start3A_114 : memref<4000xf32, #tpu.memory_space<hbm>>) target(%arg7 : memref<4000xf32, #tpu.memory_space<vmem>>) target_semaphore(%run_scoped3A : memref<!tpu.dma_semaphore, #tpu.memory_space<semaphore_mem>>)
      %dma_wait3A = tpu.memref_slice %arg3[%mul3A_62] : memref<640000xf32, #tpu.memory_space<hbm>> -> memref<4000xf32, #tpu.memory_space<hbm>>
      %dma_wait3A_115 = tpu.memref_slice %arg3[%mul3A_62] : memref<640000xf32, #tpu.memory_space<hbm>> -> memref<4000xf32, #tpu.memory_space<hbm>>
      tpu.wait_dma2 semaphore(%run_scoped3A : memref<!tpu.dma_semaphore, #tpu.memory_space<semaphore_mem>>) src(%dma_wait3A_115 : memref<4000xf32, #tpu.memory_space<hbm>>) dst(%arg7 : memref<4000xf32, #tpu.memory_space<vmem>>)
      tpu.yield
    }) : () -> ()
    %scan3A_63 = arith.constant 0 : i32
    %scan3A_64 = arith.constant 0 : i32
    %scan3A_65 = arith.constant 250 : i32
    %scan3A_66 = arith.addi %scan3A_64, %scan3A_65 : i32
    %scan3A_67 = arith.constant 1 : i32
    scf.for %scan3A_114 = %scan3A_64 to %scan3A_66 step %scan3A_67  : i32 {
      %mul3A_115 = arith.constant 4 : i32
      %mul3A_116 = arith.muli %scan3A_114, %mul3A_115 : i32
      %add3A_117 = vector.broadcast %mul3A_116 : i32 to vector<16xi32>
      %add3A_118 = arith.addi %add3A_117, %select_n3A : vector<16xi32>
      %gather3A = tpu.vector_load_idx %arg6[%add3A_118] : memref<1000xi32, #tpu.memory_space<vmem>>[vector<16xi32>], vector<16xi32>,
      %mul3A_119 = arith.constant 4 : i32
      %mul3A_120 = vector.broadcast %mul3A_119 : i32 to vector<16xi32>
      %mul3A_121 = arith.muli %gather3A, %mul3A_120 : vector<16xi32>
      %add3A_122 = arith.addi %mul3A_121, %select_n3A_49 : vector<16xi32>
      %mul3A_123 = arith.constant 16 : i32
      %mul3A_124 = arith.muli %scan3A_114, %mul3A_123 : i32
      %get3A = arith.index_cast %mul3A_124 : i32 to index
      %get3A_125 = tpu.vector_load %arg7[%get3A] {strides = array<i32>} : memref<4000xf32, #tpu.memory_space<vmem>>, vector<16xf32>,
      %masked_sort3A = arith.constant dense<true> : vector<16xi1>
      %masked_sort3A_126 = arith.constant -2147483648 : i32
      %masked_sort3A_127 = vector.broadcast %masked_sort3A_126 : i32 to vector<16xi32>
      %masked_sort3A_128 = arith.xori %add3A_122, %masked_sort3A_127 : vector<16xi32>
      %masked_sort3A_129, %masked_sort3A_130, %masked_sort3A_131 = tpu.sort %masked_sort3A_128, %get3A_125 masked %masked_sort3A : (vector<16xi32>, vector<16xf32>, vector<16xi1>) -> (vector<16xi1>, vector<16xi32>, vector<16xf32>)
      %masked_sort3A_132 = arith.xori %masked_sort3A_130, %masked_sort3A_127 : vector<16xi32>
      %swap3A_133 = arith.constant 16 : index
      %swap3A_134 = tpu.vector_load %arg8[%swap3A_133] {strides = array<i32>} : memref<48xi32, #tpu.memory_space<vmem>>, vector<16xi32>,
      tpu.vector_store %arg8[%swap3A_133], %masked_sort3A_132 {strides = array<i32>} : memref<48xi32, #tpu.memory_space<vmem>>, vector<16xi32>,
      %add3A_135 = arith.constant 16 : i32
      %add3A_136 = vector.broadcast %add3A_135 : i32 to vector<16xi32>
      %add3A_137 = arith.addi %add3A_136, %iota3A : vector<16xi32>
      %add3A_138 = arith.constant 1 : i32
      %add3A_139 = vector.broadcast %add3A_138 : i32 to vector<16xi32>
      %add3A_140 = arith.addi %add3A_137, %add3A_139 : vector<16xi32>
      %gather3A_141 = tpu.vector_load_idx %arg8[%add3A_140] : memref<48xi32, #tpu.memory_space<vmem>>[vector<16xi32>], vector<16xi32>,
      %swap3A_142 = arith.constant 0 : index
      %swap3A_143 = tpu.vector_load %arg9[%swap3A_142] {strides = array<i32>} : memref<32xf32, #tpu.memory_space<vmem>>, vector<16xf32>,
      tpu.vector_store %arg9[%swap3A_142], %masked_sort3A_131 {strides = array<i32>} : memref<32xf32, #tpu.memory_space<vmem>>, vector<16xf32>,
      %add3A_144 = arith.constant 1 : i32
      %add3A_145 = vector.broadcast %add3A_144 : i32 to vector<16xi32>
      %add3A_146 = arith.addi %iota3A, %add3A_145 : vector<16xi32>
      %gather3A_147 = tpu.vector_load_idx %arg9[%add3A_146] : memref<32xf32, #tpu.memory_space<vmem>>[vector<16xi32>], vector<16xf32>,
      %eq3A_148 = arith.cmpi eq, %gather3A_141, %masked_sort3A_132 : vector<16xi32>
      %jit3A_149 = arith.constant 0.000000e+00 : f32
      %broadcast_in_dim3A_150 = vector.broadcast %jit3A_149 : f32 to vector<16xf32>
      %select_n3A_151 = arith.select %eq3A_148, %gather3A_147, %broadcast_in_dim3A_150 : vector<16xi1>, vector<16xf32>
      %add3A_152 = arith.addf %masked_sort3A_131, %select_n3A_151 : vector<16xf32>
      %add3A_153 = arith.constant 16 : i32
      %add3A_154 = vector.broadcast %add3A_153 : i32 to vector<16xi32>
      %add3A_155 = arith.addi %add3A_154, %iota3A : vector<16xi32>
      %add3A_156 = arith.constant 2 : i32
      %add3A_157 = vector.broadcast %add3A_156 : i32 to vector<16xi32>
      %add3A_158 = arith.addi %add3A_155, %add3A_157 : vector<16xi32>
      %gather3A_159 = tpu.vector_load_idx %arg8[%add3A_158] : memref<48xi32, #tpu.memory_space<vmem>>[vector<16xi32>], vector<16xi32>,
      %swap3A_160 = arith.constant 0 : index
      %swap3A_161 = tpu.vector_load %arg9[%swap3A_160] {strides = array<i32>} : memref<32xf32, #tpu.memory_space<vmem>>, vector<16xf32>,
      tpu.vector_store %arg9[%swap3A_160], %add3A_152 {strides = array<i32>} : memref<32xf32, #tpu.memory_space<vmem>>, vector<16xf32>,
      %add3A_162 = arith.constant 2 : i32
      %add3A_163 = vector.broadcast %add3A_162 : i32 to vector<16xi32>
      %add3A_164 = arith.addi %iota3A, %add3A_163 : vector<16xi32>
      %gather3A_165 = tpu.vector_load_idx %arg9[%add3A_164] : memref<32xf32, #tpu.memory_space<vmem>>[vector<16xi32>], vector<16xf32>,
      %eq3A_166 = arith.cmpi eq, %gather3A_159, %masked_sort3A_132 : vector<16xi32>
      %jit3A_167 = arith.constant 0.000000e+00 : f32
      %broadcast_in_dim3A_168 = vector.broadcast %jit3A_167 : f32 to vector<16xf32>
      %select_n3A_169 = arith.select %eq3A_166, %gather3A_165, %broadcast_in_dim3A_168 : vector<16xi1>, vector<16xf32>
      %add3A_170 = arith.addf %add3A_152, %select_n3A_169 : vector<16xf32>
      %add3A_171 = arith.constant 16 : i32
      %add3A_172 = vector.broadcast %add3A_171 : i32 to vector<16xi32>
      %add3A_173 = arith.addi %add3A_172, %iota3A : vector<16xi32>
      %add3A_174 = arith.constant 4 : i32
      %add3A_175 = vector.broadcast %add3A_174 : i32 to vector<16xi32>
      %add3A_176 = arith.addi %add3A_173, %add3A_175 : vector<16xi32>
      %gather3A_177 = tpu.vector_load_idx %arg8[%add3A_176] : memref<48xi32, #tpu.memory_space<vmem>>[vector<16xi32>], vector<16xi32>,
      %swap3A_178 = arith.constant 0 : index
      %swap3A_179 = tpu.vector_load %arg9[%swap3A_178] {strides = array<i32>} : memref<32xf32, #tpu.memory_space<vmem>>, vector<16xf32>,
      tpu.vector_store %arg9[%swap3A_178], %add3A_170 {strides = array<i32>} : memref<32xf32, #tpu.memory_space<vmem>>, vector<16xf32>,
      %add3A_180 = arith.constant 4 : i32
      %add3A_181 = vector.broadcast %add3A_180 : i32 to vector<16xi32>
      %add3A_182 = arith.addi %iota3A, %add3A_181 : vector<16xi32>
      %gather3A_183 = tpu.vector_load_idx %arg9[%add3A_182] : memref<32xf32, #tpu.memory_space<vmem>>[vector<16xi32>], vector<16xf32>,
      %eq3A_184 = arith.cmpi eq, %gather3A_177, %masked_sort3A_132 : vector<16xi32>
      %jit3A_185 = arith.constant 0.000000e+00 : f32
      %broadcast_in_dim3A_186 = vector.broadcast %jit3A_185 : f32 to vector<16xf32>
      %select_n3A_187 = arith.select %eq3A_184, %gather3A_183, %broadcast_in_dim3A_186 : vector<16xi1>, vector<16xf32>
      %add3A_188 = arith.addf %add3A_170, %select_n3A_187 : vector<16xf32>
      %add3A_189 = arith.constant 16 : i32
      %add3A_190 = vector.broadcast %add3A_189 : i32 to vector<16xi32>
      %add3A_191 = arith.addi %add3A_190, %iota3A : vector<16xi32>
      %add3A_192 = arith.constant 8 : i32
      %add3A_193 = vector.broadcast %add3A_192 : i32 to vector<16xi32>
      %add3A_194 = arith.addi %add3A_191, %add3A_193 : vector<16xi32>
      %gather3A_195 = tpu.vector_load_idx %arg8[%add3A_194] : memref<48xi32, #tpu.memory_space<vmem>>[vector<16xi32>], vector<16xi32>,
      %swap3A_196 = arith.constant 0 : index
      %swap3A_197 = tpu.vector_load %arg9[%swap3A_196] {strides = array<i32>} : memref<32xf32, #tpu.memory_space<vmem>>, vector<16xf32>,
      tpu.vector_store %arg9[%swap3A_196], %add3A_188 {strides = array<i32>} : memref<32xf32, #tpu.memory_space<vmem>>, vector<16xf32>,
      %add3A_198 = arith.constant 8 : i32
      %add3A_199 = vector.broadcast %add3A_198 : i32 to vector<16xi32>
      %add3A_200 = arith.addi %iota3A, %add3A_199 : vector<16xi32>
      %gather3A_201 = tpu.vector_load_idx %arg9[%add3A_200] : memref<32xf32, #tpu.memory_space<vmem>>[vector<16xi32>], vector<16xf32>,
      %eq3A_202 = arith.cmpi eq, %gather3A_195, %masked_sort3A_132 : vector<16xi32>
      %jit3A_203 = arith.constant 0.000000e+00 : f32
      %broadcast_in_dim3A_204 = vector.broadcast %jit3A_203 : f32 to vector<16xf32>
      %select_n3A_205 = arith.select %eq3A_202, %gather3A_201, %broadcast_in_dim3A_204 : vector<16xi1>, vector<16xf32>
      %add3A_206 = arith.addf %add3A_188, %select_n3A_205 : vector<16xf32>
      %add3A_207 = arith.constant 15 : i32
      %add3A_208 = vector.broadcast %add3A_207 : i32 to vector<16xi32>
      %add3A_209 = arith.addi %add3A_208, %iota3A : vector<16xi32>
      %gather3A_210 = tpu.vector_load_idx %arg8[%add3A_209] : memref<48xi32, #tpu.memory_space<vmem>>[vector<16xi32>], vector<16xi32>,
      %ne3A_211 = arith.cmpi ne, %gather3A_210, %masked_sort3A_132 : vector<16xi32>
      tpu.vector_store_idx %arg5[%masked_sort3A_132], %add3A_206 masked %ne3A_211 {add = true} : memref<40960xf32, #tpu.memory_space<vmem>>[vector<16xi32>], vector<16xf32>, vector<16xi1>
    }
    %scan3A_68 = arith.constant 250 : i32
    %add3A_69 = arith.constant 1000 : i32
    %add3A_70 = arith.addi %mul3A_58, %add3A_69 : i32
    "tpu.region"() ({
      %run_scoped3A = tpu.sem_alloc : memref<!tpu.dma_semaphore, #tpu.memory_space<semaphore_mem>>
      %dma_start3A = tpu.memref_slice %arg2[%add3A_70] : memref<160000xi32, #tpu.memory_space<hbm>> -> memref<1000xi32, #tpu.memory_space<hbm>>
      %dma_start3A_114 = tpu.memref_slice %arg2[%add3A_70] : memref<160000xi32, #tpu.memory_space<hbm>> -> memref<1000xi32, #tpu.memory_space<hbm>>
      tpu.enqueue_dma source(%dma_start3A_114 : memref<1000xi32, #tpu.memory_space<hbm>>) target(%arg6 : memref<1000xi32, #tpu.memory_space<vmem>>) target_semaphore(%run_scoped3A : memref<!tpu.dma_semaphore, #tpu.memory_space<semaphore_mem>>)
      %dma_wait3A = tpu.memref_slice %arg2[%add3A_70] : memref<160000xi32, #tpu.memory_space<hbm>> -> memref<1000xi32, #tpu.memory_space<hbm>>
      %dma_wait3A_115 = tpu.memref_slice %arg2[%add3A_70] : memref<160000xi32, #tpu.memory_space<hbm>> -> memref<1000xi32, #tpu.memory_space<hbm>>
      tpu.wait_dma2 semaphore(%run_scoped3A : memref<!tpu.dma_semaphore, #tpu.memory_space<semaphore_mem>>) src(%dma_wait3A_115 : memref<1000xi32, #tpu.memory_space<hbm>>) dst(%arg6 : memref<1000xi32, #tpu.memory_space<vmem>>)
      tpu.yield
    }) : () -> ()
    %mul3A_71 = arith.constant 4 : i32
    %mul3A_72 = arith.muli %add3A_70, %mul3A_71 : i32
    "tpu.region"() ({
      %run_scoped3A = tpu.sem_alloc : memref<!tpu.dma_semaphore, #tpu.memory_space<semaphore_mem>>
      %dma_start3A = tpu.memref_slice %arg3[%mul3A_72] : memref<640000xf32, #tpu.memory_space<hbm>> -> memref<4000xf32, #tpu.memory_space<hbm>>
      %dma_start3A_114 = tpu.memref_slice %arg3[%mul3A_72] : memref<640000xf32, #tpu.memory_space<hbm>> -> memref<4000xf32, #tpu.memory_space<hbm>>
      tpu.enqueue_dma source(%dma_start3A_114 : memref<4000xf32, #tpu.memory_space<hbm>>) target(%arg7 : memref<4000xf32, #tpu.memory_space<vmem>>) target_semaphore(%run_scoped3A : memref<!tpu.dma_semaphore, #tpu.memory_space<semaphore_mem>>)
      %dma_wait3A = tpu.memref_slice %arg3[%mul3A_72] : memref<640000xf32, #tpu.memory_space<hbm>> -> memref<4000xf32, #tpu.memory_space<hbm>>
      %dma_wait3A_115 = tpu.memref_slice %arg3[%mul3A_72] : memref<640000xf32, #tpu.memory_space<hbm>> -> memref<4000xf32, #tpu.memory_space<hbm>>
      tpu.wait_dma2 semaphore(%run_scoped3A : memref<!tpu.dma_semaphore, #tpu.memory_space<semaphore_mem>>) src(%dma_wait3A_115 : memref<4000xf32, #tpu.memory_space<hbm>>) dst(%arg7 : memref<4000xf32, #tpu.memory_space<vmem>>)
      tpu.yield
    }) : () -> ()
    %scan3A_73 = arith.constant 0 : i32
    %scan3A_74 = arith.constant 0 : i32
    %scan3A_75 = arith.constant 250 : i32
    %scan3A_76 = arith.addi %scan3A_74, %scan3A_75 : i32
    %scan3A_77 = arith.constant 1 : i32
    scf.for %scan3A_114 = %scan3A_74 to %scan3A_76 step %scan3A_77  : i32 {
      %mul3A_115 = arith.constant 4 : i32
      %mul3A_116 = arith.muli %scan3A_114, %mul3A_115 : i32
      %add3A_117 = vector.broadcast %mul3A_116 : i32 to vector<16xi32>
      %add3A_118 = arith.addi %add3A_117, %select_n3A : vector<16xi32>
      %gather3A = tpu.vector_load_idx %arg6[%add3A_118] : memref<1000xi32, #tpu.memory_space<vmem>>[vector<16xi32>], vector<16xi32>,
      %mul3A_119 = arith.constant 4 : i32
      %mul3A_120 = vector.broadcast %mul3A_119 : i32 to vector<16xi32>
      %mul3A_121 = arith.muli %gather3A, %mul3A_120 : vector<16xi32>
      %add3A_122 = arith.addi %mul3A_121, %select_n3A_49 : vector<16xi32>
      %mul3A_123 = arith.constant 16 : i32
      %mul3A_124 = arith.muli %scan3A_114, %mul3A_123 : i32
      %get3A = arith.index_cast %mul3A_124 : i32 to index
      %get3A_125 = tpu.vector_load %arg7[%get3A] {strides = array<i32>} : memref<4000xf32, #tpu.memory_space<vmem>>, vector<16xf32>,
      %masked_sort3A = arith.constant dense<true> : vector<16xi1>
      %masked_sort3A_126 = arith.constant -2147483648 : i32
      %masked_sort3A_127 = vector.broadcast %masked_sort3A_126 : i32 to vector<16xi32>
      %masked_sort3A_128 = arith.xori %add3A_122, %masked_sort3A_127 : vector<16xi32>
      %masked_sort3A_129, %masked_sort3A_130, %masked_sort3A_131 = tpu.sort %masked_sort3A_128, %get3A_125 masked %masked_sort3A : (vector<16xi32>, vector<16xf32>, vector<16xi1>) -> (vector<16xi1>, vector<16xi32>, vector<16xf32>)
      %masked_sort3A_132 = arith.xori %masked_sort3A_130, %masked_sort3A_127 : vector<16xi32>
      %swap3A_133 = arith.constant 16 : index
      %swap3A_134 = tpu.vector_load %arg8[%swap3A_133] {strides = array<i32>} : memref<48xi32, #tpu.memory_space<vmem>>, vector<16xi32>,
      tpu.vector_store %arg8[%swap3A_133], %masked_sort3A_132 {strides = array<i32>} : memref<48xi32, #tpu.memory_space<vmem>>, vector<16xi32>,
      %add3A_135 = arith.constant 16 : i32
      %add3A_136 = vector.broadcast %add3A_135 : i32 to vector<16xi32>
      %add3A_137 = arith.addi %add3A_136, %iota3A : vector<16xi32>
      %add3A_138 = arith.constant 1 : i32
      %add3A_139 = vector.broadcast %add3A_138 : i32 to vector<16xi32>
      %add3A_140 = arith.addi %add3A_137, %add3A_139 : vector<16xi32>
      %gather3A_141 = tpu.vector_load_idx %arg8[%add3A_140] : memref<48xi32, #tpu.memory_space<vmem>>[vector<16xi32>], vector<16xi32>,
      %swap3A_142 = arith.constant 0 : index
      %swap3A_143 = tpu.vector_load %arg9[%swap3A_142] {strides = array<i32>} : memref<32xf32, #tpu.memory_space<vmem>>, vector<16xf32>,
      tpu.vector_store %arg9[%swap3A_142], %masked_sort3A_131 {strides = array<i32>} : memref<32xf32, #tpu.memory_space<vmem>>, vector<16xf32>,
      %add3A_144 = arith.constant 1 : i32
      %add3A_145 = vector.broadcast %add3A_144 : i32 to vector<16xi32>
      %add3A_146 = arith.addi %iota3A, %add3A_145 : vector<16xi32>
      %gather3A_147 = tpu.vector_load_idx %arg9[%add3A_146] : memref<32xf32, #tpu.memory_space<vmem>>[vector<16xi32>], vector<16xf32>,
      %eq3A_148 = arith.cmpi eq, %gather3A_141, %masked_sort3A_132 : vector<16xi32>
      %jit3A_149 = arith.constant 0.000000e+00 : f32
      %broadcast_in_dim3A_150 = vector.broadcast %jit3A_149 : f32 to vector<16xf32>
      %select_n3A_151 = arith.select %eq3A_148, %gather3A_147, %broadcast_in_dim3A_150 : vector<16xi1>, vector<16xf32>
      %add3A_152 = arith.addf %masked_sort3A_131, %select_n3A_151 : vector<16xf32>
      %add3A_153 = arith.constant 16 : i32
      %add3A_154 = vector.broadcast %add3A_153 : i32 to vector<16xi32>
      %add3A_155 = arith.addi %add3A_154, %iota3A : vector<16xi32>
      %add3A_156 = arith.constant 2 : i32
      %add3A_157 = vector.broadcast %add3A_156 : i32 to vector<16xi32>
      %add3A_158 = arith.addi %add3A_155, %add3A_157 : vector<16xi32>
      %gather3A_159 = tpu.vector_load_idx %arg8[%add3A_158] : memref<48xi32, #tpu.memory_space<vmem>>[vector<16xi32>], vector<16xi32>,
      %swap3A_160 = arith.constant 0 : index
      %swap3A_161 = tpu.vector_load %arg9[%swap3A_160] {strides = array<i32>} : memref<32xf32, #tpu.memory_space<vmem>>, vector<16xf32>,
      tpu.vector_store %arg9[%swap3A_160], %add3A_152 {strides = array<i32>} : memref<32xf32, #tpu.memory_space<vmem>>, vector<16xf32>,
      %add3A_162 = arith.constant 2 : i32
      %add3A_163 = vector.broadcast %add3A_162 : i32 to vector<16xi32>
      %add3A_164 = arith.addi %iota3A, %add3A_163 : vector<16xi32>
      %gather3A_165 = tpu.vector_load_idx %arg9[%add3A_164] : memref<32xf32, #tpu.memory_space<vmem>>[vector<16xi32>], vector<16xf32>,
      %eq3A_166 = arith.cmpi eq, %gather3A_159, %masked_sort3A_132 : vector<16xi32>
      %jit3A_167 = arith.constant 0.000000e+00 : f32
      %broadcast_in_dim3A_168 = vector.broadcast %jit3A_167 : f32 to vector<16xf32>
      %select_n3A_169 = arith.select %eq3A_166, %gather3A_165, %broadcast_in_dim3A_168 : vector<16xi1>, vector<16xf32>
      %add3A_170 = arith.addf %add3A_152, %select_n3A_169 : vector<16xf32>
      %add3A_171 = arith.constant 16 : i32
      %add3A_172 = vector.broadcast %add3A_171 : i32 to vector<16xi32>
      %add3A_173 = arith.addi %add3A_172, %iota3A : vector<16xi32>
      %add3A_174 = arith.constant 4 : i32
      %add3A_175 = vector.broadcast %add3A_174 : i32 to vector<16xi32>
      %add3A_176 = arith.addi %add3A_173, %add3A_175 : vector<16xi32>
      %gather3A_177 = tpu.vector_load_idx %arg8[%add3A_176] : memref<48xi32, #tpu.memory_space<vmem>>[vector<16xi32>], vector<16xi32>,
      %swap3A_178 = arith.constant 0 : index
      %swap3A_179 = tpu.vector_load %arg9[%swap3A_178] {strides = array<i32>} : memref<32xf32, #tpu.memory_space<vmem>>, vector<16xf32>,
      tpu.vector_store %arg9[%swap3A_178], %add3A_170 {strides = array<i32>} : memref<32xf32, #tpu.memory_space<vmem>>, vector<16xf32>,
      %add3A_180 = arith.constant 4 : i32
      %add3A_181 = vector.broadcast %add3A_180 : i32 to vector<16xi32>
      %add3A_182 = arith.addi %iota3A, %add3A_181 : vector<16xi32>
      %gather3A_183 = tpu.vector_load_idx %arg9[%add3A_182] : memref<32xf32, #tpu.memory_space<vmem>>[vector<16xi32>], vector<16xf32>,
      %eq3A_184 = arith.cmpi eq, %gather3A_177, %masked_sort3A_132 : vector<16xi32>
      %jit3A_185 = arith.constant 0.000000e+00 : f32
      %broadcast_in_dim3A_186 = vector.broadcast %jit3A_185 : f32 to vector<16xf32>
      %select_n3A_187 = arith.select %eq3A_184, %gather3A_183, %broadcast_in_dim3A_186 : vector<16xi1>, vector<16xf32>
      %add3A_188 = arith.addf %add3A_170, %select_n3A_187 : vector<16xf32>
      %add3A_189 = arith.constant 16 : i32
      %add3A_190 = vector.broadcast %add3A_189 : i32 to vector<16xi32>
      %add3A_191 = arith.addi %add3A_190, %iota3A : vector<16xi32>
      %add3A_192 = arith.constant 8 : i32
      %add3A_193 = vector.broadcast %add3A_192 : i32 to vector<16xi32>
      %add3A_194 = arith.addi %add3A_191, %add3A_193 : vector<16xi32>
      %gather3A_195 = tpu.vector_load_idx %arg8[%add3A_194] : memref<48xi32, #tpu.memory_space<vmem>>[vector<16xi32>], vector<16xi32>,
      %swap3A_196 = arith.constant 0 : index
      %swap3A_197 = tpu.vector_load %arg9[%swap3A_196] {strides = array<i32>} : memref<32xf32, #tpu.memory_space<vmem>>, vector<16xf32>,
      tpu.vector_store %arg9[%swap3A_196], %add3A_188 {strides = array<i32>} : memref<32xf32, #tpu.memory_space<vmem>>, vector<16xf32>,
      %add3A_198 = arith.constant 8 : i32
      %add3A_199 = vector.broadcast %add3A_198 : i32 to vector<16xi32>
      %add3A_200 = arith.addi %iota3A, %add3A_199 : vector<16xi32>
      %gather3A_201 = tpu.vector_load_idx %arg9[%add3A_200] : memref<32xf32, #tpu.memory_space<vmem>>[vector<16xi32>], vector<16xf32>,
      %eq3A_202 = arith.cmpi eq, %gather3A_195, %masked_sort3A_132 : vector<16xi32>
      %jit3A_203 = arith.constant 0.000000e+00 : f32
      %broadcast_in_dim3A_204 = vector.broadcast %jit3A_203 : f32 to vector<16xf32>
      %select_n3A_205 = arith.select %eq3A_202, %gather3A_201, %broadcast_in_dim3A_204 : vector<16xi1>, vector<16xf32>
      %add3A_206 = arith.addf %add3A_188, %select_n3A_205 : vector<16xf32>
      %add3A_207 = arith.constant 15 : i32
      %add3A_208 = vector.broadcast %add3A_207 : i32 to vector<16xi32>
      %add3A_209 = arith.addi %add3A_208, %iota3A : vector<16xi32>
      %gather3A_210 = tpu.vector_load_idx %arg8[%add3A_209] : memref<48xi32, #tpu.memory_space<vmem>>[vector<16xi32>], vector<16xi32>,
      %ne3A_211 = arith.cmpi ne, %gather3A_210, %masked_sort3A_132 : vector<16xi32>
      tpu.vector_store_idx %arg5[%masked_sort3A_132], %add3A_206 masked %ne3A_211 {add = true} : memref<40960xf32, #tpu.memory_space<vmem>>[vector<16xi32>], vector<16xf32>, vector<16xi1>
    }
    %scan3A_78 = arith.constant 250 : i32
    %add3A_79 = arith.constant 2000 : i32
    %add3A_80 = arith.addi %mul3A_58, %add3A_79 : i32
    "tpu.region"() ({
      %run_scoped3A = tpu.sem_alloc : memref<!tpu.dma_semaphore, #tpu.memory_space<semaphore_mem>>
      %dma_start3A = tpu.memref_slice %arg2[%add3A_80] : memref<160000xi32, #tpu.memory_space<hbm>> -> memref<1000xi32, #tpu.memory_space<hbm>>
      %dma_start3A_114 = tpu.memref_slice %arg2[%add3A_80] : memref<160000xi32, #tpu.memory_space<hbm>> -> memref<1000xi32, #tpu.memory_space<hbm>>
      tpu.enqueue_dma source(%dma_start3A_114 : memref<1000xi32, #tpu.memory_space<hbm>>) target(%arg6 : memref<1000xi32, #tpu.memory_space<vmem>>) target_semaphore(%run_scoped3A : memref<!tpu.dma_semaphore, #tpu.memory_space<semaphore_mem>>)
      %dma_wait3A = tpu.memref_slice %arg2[%add3A_80] : memref<160000xi32, #tpu.memory_space<hbm>> -> memref<1000xi32, #tpu.memory_space<hbm>>
      %dma_wait3A_115 = tpu.memref_slice %arg2[%add3A_80] : memref<160000xi32, #tpu.memory_space<hbm>> -> memref<1000xi32, #tpu.memory_space<hbm>>
      tpu.wait_dma2 semaphore(%run_scoped3A : memref<!tpu.dma_semaphore, #tpu.memory_space<semaphore_mem>>) src(%dma_wait3A_115 : memref<1000xi32, #tpu.memory_space<hbm>>) dst(%arg6 : memref<1000xi32, #tpu.memory_space<vmem>>)
      tpu.yield
    }) : () -> ()
    %mul3A_81 = arith.constant 4 : i32
    %mul3A_82 = arith.muli %add3A_80, %mul3A_81 : i32
    "tpu.region"() ({
      %run_scoped3A = tpu.sem_alloc : memref<!tpu.dma_semaphore, #tpu.memory_space<semaphore_mem>>
      %dma_start3A = tpu.memref_slice %arg3[%mul3A_82] : memref<640000xf32, #tpu.memory_space<hbm>> -> memref<4000xf32, #tpu.memory_space<hbm>>
      %dma_start3A_114 = tpu.memref_slice %arg3[%mul3A_82] : memref<640000xf32, #tpu.memory_space<hbm>> -> memref<4000xf32, #tpu.memory_space<hbm>>
      tpu.enqueue_dma source(%dma_start3A_114 : memref<4000xf32, #tpu.memory_space<hbm>>) target(%arg7 : memref<4000xf32, #tpu.memory_space<vmem>>) target_semaphore(%run_scoped3A : memref<!tpu.dma_semaphore, #tpu.memory_space<semaphore_mem>>)
      %dma_wait3A = tpu.memref_slice %arg3[%mul3A_82] : memref<640000xf32, #tpu.memory_space<hbm>> -> memref<4000xf32, #tpu.memory_space<hbm>>
      %dma_wait3A_115 = tpu.memref_slice %arg3[%mul3A_82] : memref<640000xf32, #tpu.memory_space<hbm>> -> memref<4000xf32, #tpu.memory_space<hbm>>
      tpu.wait_dma2 semaphore(%run_scoped3A : memref<!tpu.dma_semaphore, #tpu.memory_space<semaphore_mem>>) src(%dma_wait3A_115 : memref<4000xf32, #tpu.memory_space<hbm>>) dst(%arg7 : memref<4000xf32, #tpu.memory_space<vmem>>)
      tpu.yield
    }) : () -> ()
    %scan3A_83 = arith.constant 0 : i32
    %scan3A_84 = arith.constant 0 : i32
    %scan3A_85 = arith.constant 250 : i32
    %scan3A_86 = arith.addi %scan3A_84, %scan3A_85 : i32
    %scan3A_87 = arith.constant 1 : i32
    scf.for %scan3A_114 = %scan3A_84 to %scan3A_86 step %scan3A_87  : i32 {
      %mul3A_115 = arith.constant 4 : i32
      %mul3A_116 = arith.muli %scan3A_114, %mul3A_115 : i32
      %add3A_117 = vector.broadcast %mul3A_116 : i32 to vector<16xi32>
      %add3A_118 = arith.addi %add3A_117, %select_n3A : vector<16xi32>
      %gather3A = tpu.vector_load_idx %arg6[%add3A_118] : memref<1000xi32, #tpu.memory_space<vmem>>[vector<16xi32>], vector<16xi32>,
      %mul3A_119 = arith.constant 4 : i32
      %mul3A_120 = vector.broadcast %mul3A_119 : i32 to vector<16xi32>
      %mul3A_121 = arith.muli %gather3A, %mul3A_120 : vector<16xi32>
      %add3A_122 = arith.addi %mul3A_121, %select_n3A_49 : vector<16xi32>
      %mul3A_123 = arith.constant 16 : i32
      %mul3A_124 = arith.muli %scan3A_114, %mul3A_123 : i32
      %get3A = arith.index_cast %mul3A_124 : i32 to index
      %get3A_125 = tpu.vector_load %arg7[%get3A] {strides = array<i32>} : memref<4000xf32, #tpu.memory_space<vmem>>, vector<16xf32>,
      %masked_sort3A = arith.constant dense<true> : vector<16xi1>
      %masked_sort3A_126 = arith.constant -2147483648 : i32
      %masked_sort3A_127 = vector.broadcast %masked_sort3A_126 : i32 to vector<16xi32>
      %masked_sort3A_128 = arith.xori %add3A_122, %masked_sort3A_127 : vector<16xi32>
      %masked_sort3A_129, %masked_sort3A_130, %masked_sort3A_131 = tpu.sort %masked_sort3A_128, %get3A_125 masked %masked_sort3A : (vector<16xi32>, vector<16xf32>, vector<16xi1>) -> (vector<16xi1>, vector<16xi32>, vector<16xf32>)
      %masked_sort3A_132 = arith.xori %masked_sort3A_130, %masked_sort3A_127 : vector<16xi32>
      %swap3A_133 = arith.constant 16 : index
      %swap3A_134 = tpu.vector_load %arg8[%swap3A_133] {strides = array<i32>} : memref<48xi32, #tpu.memory_space<vmem>>, vector<16xi32>,
      tpu.vector_store %arg8[%swap3A_133], %masked_sort3A_132 {strides = array<i32>} : memref<48xi32, #tpu.memory_space<vmem>>, vector<16xi32>,
      %add3A_135 = arith.constant 16 : i32
      %add3A_136 = vector.broadcast %add3A_135 : i32 to vector<16xi32>
      %add3A_137 = arith.addi %add3A_136, %iota3A : vector<16xi32>
      %add3A_138 = arith.constant 1 : i32
      %add3A_139 = vector.broadcast %add3A_138 : i32 to vector<16xi32>
      %add3A_140 = arith.addi %add3A_137, %add3A_139 : vector<16xi32>
      %gather3A_141 = tpu.vector_load_idx %arg8[%add3A_140] : memref<48xi32, #tpu.memory_space<vmem>>[vector<16xi32>], vector<16xi32>,
      %swap3A_142 = arith.constant 0 : index
      %swap3A_143 = tpu.vector_load %arg9[%swap3A_142] {strides = array<i32>} : memref<32xf32, #tpu.memory_space<vmem>>, vector<16xf32>,
      tpu.vector_store %arg9[%swap3A_142], %masked_sort3A_131 {strides = array<i32>} : memref<32xf32, #tpu.memory_space<vmem>>, vector<16xf32>,
      %add3A_144 = arith.constant 1 : i32
      %add3A_145 = vector.broadcast %add3A_144 : i32 to vector<16xi32>
      %add3A_146 = arith.addi %iota3A, %add3A_145 : vector<16xi32>
      %gather3A_147 = tpu.vector_load_idx %arg9[%add3A_146] : memref<32xf32, #tpu.memory_space<vmem>>[vector<16xi32>], vector<16xf32>,
      %eq3A_148 = arith.cmpi eq, %gather3A_141, %masked_sort3A_132 : vector<16xi32>
      %jit3A_149 = arith.constant 0.000000e+00 : f32
      %broadcast_in_dim3A_150 = vector.broadcast %jit3A_149 : f32 to vector<16xf32>
      %select_n3A_151 = arith.select %eq3A_148, %gather3A_147, %broadcast_in_dim3A_150 : vector<16xi1>, vector<16xf32>
      %add3A_152 = arith.addf %masked_sort3A_131, %select_n3A_151 : vector<16xf32>
      %add3A_153 = arith.constant 16 : i32
      %add3A_154 = vector.broadcast %add3A_153 : i32 to vector<16xi32>
      %add3A_155 = arith.addi %add3A_154, %iota3A : vector<16xi32>
      %add3A_156 = arith.constant 2 : i32
      %add3A_157 = vector.broadcast %add3A_156 : i32 to vector<16xi32>
      %add3A_158 = arith.addi %add3A_155, %add3A_157 : vector<16xi32>
      %gather3A_159 = tpu.vector_load_idx %arg8[%add3A_158] : memref<48xi32, #tpu.memory_space<vmem>>[vector<16xi32>], vector<16xi32>,
      %swap3A_160 = arith.constant 0 : index
      %swap3A_161 = tpu.vector_load %arg9[%swap3A_160] {strides = array<i32>} : memref<32xf32, #tpu.memory_space<vmem>>, vector<16xf32>,
      tpu.vector_store %arg9[%swap3A_160], %add3A_152 {strides = array<i32>} : memref<32xf32, #tpu.memory_space<vmem>>, vector<16xf32>,
      %add3A_162 = arith.constant 2 : i32
      %add3A_163 = vector.broadcast %add3A_162 : i32 to vector<16xi32>
      %add3A_164 = arith.addi %iota3A, %add3A_163 : vector<16xi32>
      %gather3A_165 = tpu.vector_load_idx %arg9[%add3A_164] : memref<32xf32, #tpu.memory_space<vmem>>[vector<16xi32>], vector<16xf32>,
      %eq3A_166 = arith.cmpi eq, %gather3A_159, %masked_sort3A_132 : vector<16xi32>
      %jit3A_167 = arith.constant 0.000000e+00 : f32
      %broadcast_in_dim3A_168 = vector.broadcast %jit3A_167 : f32 to vector<16xf32>
      %select_n3A_169 = arith.select %eq3A_166, %gather3A_165, %broadcast_in_dim3A_168 : vector<16xi1>, vector<16xf32>
      %add3A_170 = arith.addf %add3A_152, %select_n3A_169 : vector<16xf32>
      %add3A_171 = arith.constant 16 : i32
      %add3A_172 = vector.broadcast %add3A_171 : i32 to vector<16xi32>
      %add3A_173 = arith.addi %add3A_172, %iota3A : vector<16xi32>
      %add3A_174 = arith.constant 4 : i32
      %add3A_175 = vector.broadcast %add3A_174 : i32 to vector<16xi32>
      %add3A_176 = arith.addi %add3A_173, %add3A_175 : vector<16xi32>
      %gather3A_177 = tpu.vector_load_idx %arg8[%add3A_176] : memref<48xi32, #tpu.memory_space<vmem>>[vector<16xi32>], vector<16xi32>,
      %swap3A_178 = arith.constant 0 : index
      %swap3A_179 = tpu.vector_load %arg9[%swap3A_178] {strides = array<i32>} : memref<32xf32, #tpu.memory_space<vmem>>, vector<16xf32>,
      tpu.vector_store %arg9[%swap3A_178], %add3A_170 {strides = array<i32>} : memref<32xf32, #tpu.memory_space<vmem>>, vector<16xf32>,
      %add3A_180 = arith.constant 4 : i32
      %add3A_181 = vector.broadcast %add3A_180 : i32 to vector<16xi32>
      %add3A_182 = arith.addi %iota3A, %add3A_181 : vector<16xi32>
      %gather3A_183 = tpu.vector_load_idx %arg9[%add3A_182] : memref<32xf32, #tpu.memory_space<vmem>>[vector<16xi32>], vector<16xf32>,
      %eq3A_184 = arith.cmpi eq, %gather3A_177, %masked_sort3A_132 : vector<16xi32>
      %jit3A_185 = arith.constant 0.000000e+00 : f32
      %broadcast_in_dim3A_186 = vector.broadcast %jit3A_185 : f32 to vector<16xf32>
      %select_n3A_187 = arith.select %eq3A_184, %gather3A_183, %broadcast_in_dim3A_186 : vector<16xi1>, vector<16xf32>
      %add3A_188 = arith.addf %add3A_170, %select_n3A_187 : vector<16xf32>
      %add3A_189 = arith.constant 16 : i32
      %add3A_190 = vector.broadcast %add3A_189 : i32 to vector<16xi32>
      %add3A_191 = arith.addi %add3A_190, %iota3A : vector<16xi32>
      %add3A_192 = arith.constant 8 : i32
      %add3A_193 = vector.broadcast %add3A_192 : i32 to vector<16xi32>
      %add3A_194 = arith.addi %add3A_191, %add3A_193 : vector<16xi32>
      %gather3A_195 = tpu.vector_load_idx %arg8[%add3A_194] : memref<48xi32, #tpu.memory_space<vmem>>[vector<16xi32>], vector<16xi32>,
      %swap3A_196 = arith.constant 0 : index
      %swap3A_197 = tpu.vector_load %arg9[%swap3A_196] {strides = array<i32>} : memref<32xf32, #tpu.memory_space<vmem>>, vector<16xf32>,
      tpu.vector_store %arg9[%swap3A_196], %add3A_188 {strides = array<i32>} : memref<32xf32, #tpu.memory_space<vmem>>, vector<16xf32>,
      %add3A_198 = arith.constant 8 : i32
      %add3A_199 = vector.broadcast %add3A_198 : i32 to vector<16xi32>
      %add3A_200 = arith.addi %iota3A, %add3A_199 : vector<16xi32>
      %gather3A_201 = tpu.vector_load_idx %arg9[%add3A_200] : memref<32xf32, #tpu.memory_space<vmem>>[vector<16xi32>], vector<16xf32>,
      %eq3A_202 = arith.cmpi eq, %gather3A_195, %masked_sort3A_132 : vector<16xi32>
      %jit3A_203 = arith.constant 0.000000e+00 : f32
      %broadcast_in_dim3A_204 = vector.broadcast %jit3A_203 : f32 to vector<16xf32>
      %select_n3A_205 = arith.select %eq3A_202, %gather3A_201, %broadcast_in_dim3A_204 : vector<16xi1>, vector<16xf32>
      %add3A_206 = arith.addf %add3A_188, %select_n3A_205 : vector<16xf32>
      %add3A_207 = arith.constant 15 : i32
      %add3A_208 = vector.broadcast %add3A_207 : i32 to vector<16xi32>
      %add3A_209 = arith.addi %add3A_208, %iota3A : vector<16xi32>
      %gather3A_210 = tpu.vector_load_idx %arg8[%add3A_209] : memref<48xi32, #tpu.memory_space<vmem>>[vector<16xi32>], vector<16xi32>,
      %ne3A_211 = arith.cmpi ne, %gather3A_210, %masked_sort3A_132 : vector<16xi32>
      tpu.vector_store_idx %arg5[%masked_sort3A_132], %add3A_206 masked %ne3A_211 {add = true} : memref<40960xf32, #tpu.memory_space<vmem>>[vector<16xi32>], vector<16xf32>, vector<16xi1>
    }
    %scan3A_88 = arith.constant 250 : i32
    %add3A_89 = arith.constant 3000 : i32
    %add3A_90 = arith.addi %mul3A_58, %add3A_89 : i32
    "tpu.region"() ({
      %run_scoped3A = tpu.sem_alloc : memref<!tpu.dma_semaphore, #tpu.memory_space<semaphore_mem>>
      %dma_start3A = tpu.memref_slice %arg2[%add3A_90] : memref<160000xi32, #tpu.memory_space<hbm>> -> memref<1000xi32, #tpu.memory_space<hbm>>
      %dma_start3A_114 = tpu.memref_slice %arg2[%add3A_90] : memref<160000xi32, #tpu.memory_space<hbm>> -> memref<1000xi32, #tpu.memory_space<hbm>>
      tpu.enqueue_dma source(%dma_start3A_114 : memref<1000xi32, #tpu.memory_space<hbm>>) target(%arg6 : memref<1000xi32, #tpu.memory_space<vmem>>) target_semaphore(%run_scoped3A : memref<!tpu.dma_semaphore, #tpu.memory_space<semaphore_mem>>)
      %dma_wait3A = tpu.memref_slice %arg2[%add3A_90] : memref<160000xi32, #tpu.memory_space<hbm>> -> memref<1000xi32, #tpu.memory_space<hbm>>
      %dma_wait3A_115 = tpu.memref_slice %arg2[%add3A_90] : memref<160000xi32, #tpu.memory_space<hbm>> -> memref<1000xi32, #tpu.memory_space<hbm>>
      tpu.wait_dma2 semaphore(%run_scoped3A : memref<!tpu.dma_semaphore, #tpu.memory_space<semaphore_mem>>) src(%dma_wait3A_115 : memref<1000xi32, #tpu.memory_space<hbm>>) dst(%arg6 : memref<1000xi32, #tpu.memory_space<vmem>>)
      tpu.yield
    }) : () -> ()
    %mul3A_91 = arith.constant 4 : i32
    %mul3A_92 = arith.muli %add3A_90, %mul3A_91 : i32
    "tpu.region"() ({
      %run_scoped3A = tpu.sem_alloc : memref<!tpu.dma_semaphore, #tpu.memory_space<semaphore_mem>>
      %dma_start3A = tpu.memref_slice %arg3[%mul3A_92] : memref<640000xf32, #tpu.memory_space<hbm>> -> memref<4000xf32, #tpu.memory_space<hbm>>
      %dma_start3A_114 = tpu.memref_slice %arg3[%mul3A_92] : memref<640000xf32, #tpu.memory_space<hbm>> -> memref<4000xf32, #tpu.memory_space<hbm>>
      tpu.enqueue_dma source(%dma_start3A_114 : memref<4000xf32, #tpu.memory_space<hbm>>) target(%arg7 : memref<4000xf32, #tpu.memory_space<vmem>>) target_semaphore(%run_scoped3A : memref<!tpu.dma_semaphore, #tpu.memory_space<semaphore_mem>>)
      %dma_wait3A = tpu.memref_slice %arg3[%mul3A_92] : memref<640000xf32, #tpu.memory_space<hbm>> -> memref<4000xf32, #tpu.memory_space<hbm>>
      %dma_wait3A_115 = tpu.memref_slice %arg3[%mul3A_92] : memref<640000xf32, #tpu.memory_space<hbm>> -> memref<4000xf32, #tpu.memory_space<hbm>>
      tpu.wait_dma2 semaphore(%run_scoped3A : memref<!tpu.dma_semaphore, #tpu.memory_space<semaphore_mem>>) src(%dma_wait3A_115 : memref<4000xf32, #tpu.memory_space<hbm>>) dst(%arg7 : memref<4000xf32, #tpu.memory_space<vmem>>)
      tpu.yield
    }) : () -> ()
    %scan3A_93 = arith.constant 0 : i32
    %scan3A_94 = arith.constant 0 : i32
    %scan3A_95 = arith.constant 250 : i32
    %scan3A_96 = arith.addi %scan3A_94, %scan3A_95 : i32
    %scan3A_97 = arith.constant 1 : i32
    scf.for %scan3A_114 = %scan3A_94 to %scan3A_96 step %scan3A_97  : i32 {
      %mul3A_115 = arith.constant 4 : i32
      %mul3A_116 = arith.muli %scan3A_114, %mul3A_115 : i32
      %add3A_117 = vector.broadcast %mul3A_116 : i32 to vector<16xi32>
      %add3A_118 = arith.addi %add3A_117, %select_n3A : vector<16xi32>
      %gather3A = tpu.vector_load_idx %arg6[%add3A_118] : memref<1000xi32, #tpu.memory_space<vmem>>[vector<16xi32>], vector<16xi32>,
      %mul3A_119 = arith.constant 4 : i32
      %mul3A_120 = vector.broadcast %mul3A_119 : i32 to vector<16xi32>
      %mul3A_121 = arith.muli %gather3A, %mul3A_120 : vector<16xi32>
      %add3A_122 = arith.addi %mul3A_121, %select_n3A_49 : vector<16xi32>
      %mul3A_123 = arith.constant 16 : i32
      %mul3A_124 = arith.muli %scan3A_114, %mul3A_123 : i32
      %get3A = arith.index_cast %mul3A_124 : i32 to index
      %get3A_125 = tpu.vector_load %arg7[%get3A] {strides = array<i32>} : memref<4000xf32, #tpu.memory_space<vmem>>, vector<16xf32>,
      %masked_sort3A = arith.constant dense<true> : vector<16xi1>
      %masked_sort3A_126 = arith.constant -2147483648 : i32
      %masked_sort3A_127 = vector.broadcast %masked_sort3A_126 : i32 to vector<16xi32>
      %masked_sort3A_128 = arith.xori %add3A_122, %masked_sort3A_127 : vector<16xi32>
      %masked_sort3A_129, %masked_sort3A_130, %masked_sort3A_131 = tpu.sort %masked_sort3A_128, %get3A_125 masked %masked_sort3A : (vector<16xi32>, vector<16xf32>, vector<16xi1>) -> (vector<16xi1>, vector<16xi32>, vector<16xf32>)
      %masked_sort3A_132 = arith.xori %masked_sort3A_130, %masked_sort3A_127 : vector<16xi32>
      %swap3A_133 = arith.constant 16 : index
      %swap3A_134 = tpu.vector_load %arg8[%swap3A_133] {strides = array<i32>} : memref<48xi32, #tpu.memory_space<vmem>>, vector<16xi32>,
      tpu.vector_store %arg8[%swap3A_133], %masked_sort3A_132 {strides = array<i32>} : memref<48xi32, #tpu.memory_space<vmem>>, vector<16xi32>,
      %add3A_135 = arith.constant 16 : i32
      %add3A_136 = vector.broadcast %add3A_135 : i32 to vector<16xi32>
      %add3A_137 = arith.addi %add3A_136, %iota3A : vector<16xi32>
      %add3A_138 = arith.constant 1 : i32
      %add3A_139 = vector.broadcast %add3A_138 : i32 to vector<16xi32>
      %add3A_140 = arith.addi %add3A_137, %add3A_139 : vector<16xi32>
      %gather3A_141 = tpu.vector_load_idx %arg8[%add3A_140] : memref<48xi32, #tpu.memory_space<vmem>>[vector<16xi32>], vector<16xi32>,
      %swap3A_142 = arith.constant 0 : index
      %swap3A_143 = tpu.vector_load %arg9[%swap3A_142] {strides = array<i32>} : memref<32xf32, #tpu.memory_space<vmem>>, vector<16xf32>,
      tpu.vector_store %arg9[%swap3A_142], %masked_sort3A_131 {strides = array<i32>} : memref<32xf32, #tpu.memory_space<vmem>>, vector<16xf32>,
      %add3A_144 = arith.constant 1 : i32
      %add3A_145 = vector.broadcast %add3A_144 : i32 to vector<16xi32>
      %add3A_146 = arith.addi %iota3A, %add3A_145 : vector<16xi32>
      %gather3A_147 = tpu.vector_load_idx %arg9[%add3A_146] : memref<32xf32, #tpu.memory_space<vmem>>[vector<16xi32>], vector<16xf32>,
      %eq3A_148 = arith.cmpi eq, %gather3A_141, %masked_sort3A_132 : vector<16xi32>
      %jit3A_149 = arith.constant 0.000000e+00 : f32
      %broadcast_in_dim3A_150 = vector.broadcast %jit3A_149 : f32 to vector<16xf32>
      %select_n3A_151 = arith.select %eq3A_148, %gather3A_147, %broadcast_in_dim3A_150 : vector<16xi1>, vector<16xf32>
      %add3A_152 = arith.addf %masked_sort3A_131, %select_n3A_151 : vector<16xf32>
      %add3A_153 = arith.constant 16 : i32
      %add3A_154 = vector.broadcast %add3A_153 : i32 to vector<16xi32>
      %add3A_155 = arith.addi %add3A_154, %iota3A : vector<16xi32>
      %add3A_156 = arith.constant 2 : i32
      %add3A_157 = vector.broadcast %add3A_156 : i32 to vector<16xi32>
      %add3A_158 = arith.addi %add3A_155, %add3A_157 : vector<16xi32>
      %gather3A_159 = tpu.vector_load_idx %arg8[%add3A_158] : memref<48xi32, #tpu.memory_space<vmem>>[vector<16xi32>], vector<16xi32>,
      %swap3A_160 = arith.constant 0 : index
      %swap3A_161 = tpu.vector_load %arg9[%swap3A_160] {strides = array<i32>} : memref<32xf32, #tpu.memory_space<vmem>>, vector<16xf32>,
      tpu.vector_store %arg9[%swap3A_160], %add3A_152 {strides = array<i32>} : memref<32xf32, #tpu.memory_space<vmem>>, vector<16xf32>,
      %add3A_162 = arith.constant 2 : i32
      %add3A_163 = vector.broadcast %add3A_162 : i32 to vector<16xi32>
      %add3A_164 = arith.addi %iota3A, %add3A_163 : vector<16xi32>
      %gather3A_165 = tpu.vector_load_idx %arg9[%add3A_164] : memref<32xf32, #tpu.memory_space<vmem>>[vector<16xi32>], vector<16xf32>,
      %eq3A_166 = arith.cmpi eq, %gather3A_159, %masked_sort3A_132 : vector<16xi32>
      %jit3A_167 = arith.constant 0.000000e+00 : f32
      %broadcast_in_dim3A_168 = vector.broadcast %jit3A_167 : f32 to vector<16xf32>
      %select_n3A_169 = arith.select %eq3A_166, %gather3A_165, %broadcast_in_dim3A_168 : vector<16xi1>, vector<16xf32>
      %add3A_170 = arith.addf %add3A_152, %select_n3A_169 : vector<16xf32>
      %add3A_171 = arith.constant 16 : i32
      %add3A_172 = vector.broadcast %add3A_171 : i32 to vector<16xi32>
      %add3A_173 = arith.addi %add3A_172, %iota3A : vector<16xi32>
      %add3A_174 = arith.constant 4 : i32
      %add3A_175 = vector.broadcast %add3A_174 : i32 to vector<16xi32>
      %add3A_176 = arith.addi %add3A_173, %add3A_175 : vector<16xi32>
      %gather3A_177 = tpu.vector_load_idx %arg8[%add3A_176] : memref<48xi32, #tpu.memory_space<vmem>>[vector<16xi32>], vector<16xi32>,
      %swap3A_178 = arith.constant 0 : index
      %swap3A_179 = tpu.vector_load %arg9[%swap3A_178] {strides = array<i32>} : memref<32xf32, #tpu.memory_space<vmem>>, vector<16xf32>,
      tpu.vector_store %arg9[%swap3A_178], %add3A_170 {strides = array<i32>} : memref<32xf32, #tpu.memory_space<vmem>>, vector<16xf32>,
      %add3A_180 = arith.constant 4 : i32
      %add3A_181 = vector.broadcast %add3A_180 : i32 to vector<16xi32>
      %add3A_182 = arith.addi %iota3A, %add3A_181 : vector<16xi32>
      %gather3A_183 = tpu.vector_load_idx %arg9[%add3A_182] : memref<32xf32, #tpu.memory_space<vmem>>[vector<16xi32>], vector<16xf32>,
      %eq3A_184 = arith.cmpi eq, %gather3A_177, %masked_sort3A_132 : vector<16xi32>
      %jit3A_185 = arith.constant 0.000000e+00 : f32
      %broadcast_in_dim3A_186 = vector.broadcast %jit3A_185 : f32 to vector<16xf32>
      %select_n3A_187 = arith.select %eq3A_184, %gather3A_183, %broadcast_in_dim3A_186 : vector<16xi1>, vector<16xf32>
      %add3A_188 = arith.addf %add3A_170, %select_n3A_187 : vector<16xf32>
      %add3A_189 = arith.constant 16 : i32
      %add3A_190 = vector.broadcast %add3A_189 : i32 to vector<16xi32>
      %add3A_191 = arith.addi %add3A_190, %iota3A : vector<16xi32>
      %add3A_192 = arith.constant 8 : i32
      %add3A_193 = vector.broadcast %add3A_192 : i32 to vector<16xi32>
      %add3A_194 = arith.addi %add3A_191, %add3A_193 : vector<16xi32>
      %gather3A_195 = tpu.vector_load_idx %arg8[%add3A_194] : memref<48xi32, #tpu.memory_space<vmem>>[vector<16xi32>], vector<16xi32>,
      %swap3A_196 = arith.constant 0 : index
      %swap3A_197 = tpu.vector_load %arg9[%swap3A_196] {strides = array<i32>} : memref<32xf32, #tpu.memory_space<vmem>>, vector<16xf32>,
      tpu.vector_store %arg9[%swap3A_196], %add3A_188 {strides = array<i32>} : memref<32xf32, #tpu.memory_space<vmem>>, vector<16xf32>,
      %add3A_198 = arith.constant 8 : i32
      %add3A_199 = vector.broadcast %add3A_198 : i32 to vector<16xi32>
      %add3A_200 = arith.addi %iota3A, %add3A_199 : vector<16xi32>
      %gather3A_201 = tpu.vector_load_idx %arg9[%add3A_200] : memref<32xf32, #tpu.memory_space<vmem>>[vector<16xi32>], vector<16xf32>,
      %eq3A_202 = arith.cmpi eq, %gather3A_195, %masked_sort3A_132 : vector<16xi32>
      %jit3A_203 = arith.constant 0.000000e+00 : f32
      %broadcast_in_dim3A_204 = vector.broadcast %jit3A_203 : f32 to vector<16xf32>
      %select_n3A_205 = arith.select %eq3A_202, %gather3A_201, %broadcast_in_dim3A_204 : vector<16xi1>, vector<16xf32>
      %add3A_206 = arith.addf %add3A_188, %select_n3A_205 : vector<16xf32>
      %add3A_207 = arith.constant 15 : i32
      %add3A_208 = vector.broadcast %add3A_207 : i32 to vector<16xi32>
      %add3A_209 = arith.addi %add3A_208, %iota3A : vector<16xi32>
      %gather3A_210 = tpu.vector_load_idx %arg8[%add3A_209] : memref<48xi32, #tpu.memory_space<vmem>>[vector<16xi32>], vector<16xi32>,
      %ne3A_211 = arith.cmpi ne, %gather3A_210, %masked_sort3A_132 : vector<16xi32>
      tpu.vector_store_idx %arg5[%masked_sort3A_132], %add3A_206 masked %ne3A_211 {add = true} : memref<40960xf32, #tpu.memory_space<vmem>>[vector<16xi32>], vector<16xf32>, vector<16xi1>
    }
    %scan3A_98 = arith.constant 250 : i32
    %add3A_99 = arith.constant 4000 : i32
    %add3A_100 = arith.addi %mul3A_58, %add3A_99 : i32
    "tpu.region"() ({
      %run_scoped3A = tpu.sem_alloc : memref<!tpu.dma_semaphore, #tpu.memory_space<semaphore_mem>>
      %dma_start3A = tpu.memref_slice %arg2[%add3A_100] : memref<160000xi32, #tpu.memory_space<hbm>> -> memref<1000xi32, #tpu.memory_space<hbm>>
      %dma_start3A_114 = tpu.memref_slice %arg2[%add3A_100] : memref<160000xi32, #tpu.memory_space<hbm>> -> memref<1000xi32, #tpu.memory_space<hbm>>
      tpu.enqueue_dma source(%dma_start3A_114 : memref<1000xi32, #tpu.memory_space<hbm>>) target(%arg6 : memref<1000xi32, #tpu.memory_space<vmem>>) target_semaphore(%run_scoped3A : memref<!tpu.dma_semaphore, #tpu.memory_space<semaphore_mem>>)
      %dma_wait3A = tpu.memref_slice %arg2[%add3A_100] : memref<160000xi32, #tpu.memory_space<hbm>> -> memref<1000xi32, #tpu.memory_space<hbm>>
      %dma_wait3A_115 = tpu.memref_slice %arg2[%add3A_100] : memref<160000xi32, #tpu.memory_space<hbm>> -> memref<1000xi32, #tpu.memory_space<hbm>>
      tpu.wait_dma2 semaphore(%run_scoped3A : memref<!tpu.dma_semaphore, #tpu.memory_space<semaphore_mem>>) src(%dma_wait3A_115 : memref<1000xi32, #tpu.memory_space<hbm>>) dst(%arg6 : memref<1000xi32, #tpu.memory_space<vmem>>)
      tpu.yield
    }) : () -> ()
    %mul3A_101 = arith.constant 4 : i32
    %mul3A_102 = arith.muli %add3A_100, %mul3A_101 : i32
    "tpu.region"() ({
      %run_scoped3A = tpu.sem_alloc : memref<!tpu.dma_semaphore, #tpu.memory_space<semaphore_mem>>
      %dma_start3A = tpu.memref_slice %arg3[%mul3A_102] : memref<640000xf32, #tpu.memory_space<hbm>> -> memref<4000xf32, #tpu.memory_space<hbm>>
      %dma_start3A_114 = tpu.memref_slice %arg3[%mul3A_102] : memref<640000xf32, #tpu.memory_space<hbm>> -> memref<4000xf32, #tpu.memory_space<hbm>>
      tpu.enqueue_dma source(%dma_start3A_114 : memref<4000xf32, #tpu.memory_space<hbm>>) target(%arg7 : memref<4000xf32, #tpu.memory_space<vmem>>) target_semaphore(%run_scoped3A : memref<!tpu.dma_semaphore, #tpu.memory_space<semaphore_mem>>)
      %dma_wait3A = tpu.memref_slice %arg3[%mul3A_102] : memref<640000xf32, #tpu.memory_space<hbm>> -> memref<4000xf32, #tpu.memory_space<hbm>>
      %dma_wait3A_115 = tpu.memref_slice %arg3[%mul3A_102] : memref<640000xf32, #tpu.memory_space<hbm>> -> memref<4000xf32, #tpu.memory_space<hbm>>
      tpu.wait_dma2 semaphore(%run_scoped3A : memref<!tpu.dma_semaphore, #tpu.memory_space<semaphore_mem>>) src(%dma_wait3A_115 : memref<4000xf32, #tpu.memory_space<hbm>>) dst(%arg7 : memref<4000xf32, #tpu.memory_space<vmem>>)
      tpu.yield
    }) : () -> ()
    %scan3A_103 = arith.constant 0 : i32
    %scan3A_104 = arith.constant 0 : i32
    %scan3A_105 = arith.constant 250 : i32
    %scan3A_106 = arith.addi %scan3A_104, %scan3A_105 : i32
    %scan3A_107 = arith.constant 1 : i32
    scf.for %scan3A_114 = %scan3A_104 to %scan3A_106 step %scan3A_107  : i32 {
      %mul3A_115 = arith.constant 4 : i32
      %mul3A_116 = arith.muli %scan3A_114, %mul3A_115 : i32
      %add3A_117 = vector.broadcast %mul3A_116 : i32 to vector<16xi32>
      %add3A_118 = arith.addi %add3A_117, %select_n3A : vector<16xi32>
      %gather3A = tpu.vector_load_idx %arg6[%add3A_118] : memref<1000xi32, #tpu.memory_space<vmem>>[vector<16xi32>], vector<16xi32>,
      %mul3A_119 = arith.constant 4 : i32
      %mul3A_120 = vector.broadcast %mul3A_119 : i32 to vector<16xi32>
      %mul3A_121 = arith.muli %gather3A, %mul3A_120 : vector<16xi32>
      %add3A_122 = arith.addi %mul3A_121, %select_n3A_49 : vector<16xi32>
      %mul3A_123 = arith.constant 16 : i32
      %mul3A_124 = arith.muli %scan3A_114, %mul3A_123 : i32
      %get3A = arith.index_cast %mul3A_124 : i32 to index
      %get3A_125 = tpu.vector_load %arg7[%get3A] {strides = array<i32>} : memref<4000xf32, #tpu.memory_space<vmem>>, vector<16xf32>,
      %masked_sort3A = arith.constant dense<true> : vector<16xi1>
      %masked_sort3A_126 = arith.constant -2147483648 : i32
      %masked_sort3A_127 = vector.broadcast %masked_sort3A_126 : i32 to vector<16xi32>
      %masked_sort3A_128 = arith.xori %add3A_122, %masked_sort3A_127 : vector<16xi32>
      %masked_sort3A_129, %masked_sort3A_130, %masked_sort3A_131 = tpu.sort %masked_sort3A_128, %get3A_125 masked %masked_sort3A : (vector<16xi32>, vector<16xf32>, vector<16xi1>) -> (vector<16xi1>, vector<16xi32>, vector<16xf32>)
      %masked_sort3A_132 = arith.xori %masked_sort3A_130, %masked_sort3A_127 : vector<16xi32>
      %swap3A_133 = arith.constant 16 : index
      %swap3A_134 = tpu.vector_load %arg8[%swap3A_133] {strides = array<i32>} : memref<48xi32, #tpu.memory_space<vmem>>, vector<16xi32>,
      tpu.vector_store %arg8[%swap3A_133], %masked_sort3A_132 {strides = array<i32>} : memref<48xi32, #tpu.memory_space<vmem>>, vector<16xi32>,
      %add3A_135 = arith.constant 16 : i32
      %add3A_136 = vector.broadcast %add3A_135 : i32 to vector<16xi32>
      %add3A_137 = arith.addi %add3A_136, %iota3A : vector<16xi32>
      %add3A_138 = arith.constant 1 : i32
      %add3A_139 = vector.broadcast %add3A_138 : i32 to vector<16xi32>
      %add3A_140 = arith.addi %add3A_137, %add3A_139 : vector<16xi32>
      %gather3A_141 = tpu.vector_load_idx %arg8[%add3A_140] : memref<48xi32, #tpu.memory_space<vmem>>[vector<16xi32>], vector<16xi32>,
      %swap3A_142 = arith.constant 0 : index
      %swap3A_143 = tpu.vector_load %arg9[%swap3A_142] {strides = array<i32>} : memref<32xf32, #tpu.memory_space<vmem>>, vector<16xf32>,
      tpu.vector_store %arg9[%swap3A_142], %masked_sort3A_131 {strides = array<i32>} : memref<32xf32, #tpu.memory_space<vmem>>, vector<16xf32>,
      %add3A_144 = arith.constant 1 : i32
      %add3A_145 = vector.broadcast %add3A_144 : i32 to vector<16xi32>
      %add3A_146 = arith.addi %iota3A, %add3A_145 : vector<16xi32>
      %gather3A_147 = tpu.vector_load_idx %arg9[%add3A_146] : memref<32xf32, #tpu.memory_space<vmem>>[vector<16xi32>], vector<16xf32>,
      %eq3A_148 = arith.cmpi eq, %gather3A_141, %masked_sort3A_132 : vector<16xi32>
      %jit3A_149 = arith.constant 0.000000e+00 : f32
      %broadcast_in_dim3A_150 = vector.broadcast %jit3A_149 : f32 to vector<16xf32>
      %select_n3A_151 = arith.select %eq3A_148, %gather3A_147, %broadcast_in_dim3A_150 : vector<16xi1>, vector<16xf32>
      %add3A_152 = arith.addf %masked_sort3A_131, %select_n3A_151 : vector<16xf32>
      %add3A_153 = arith.constant 16 : i32
      %add3A_154 = vector.broadcast %add3A_153 : i32 to vector<16xi32>
      %add3A_155 = arith.addi %add3A_154, %iota3A : vector<16xi32>
      %add3A_156 = arith.constant 2 : i32
      %add3A_157 = vector.broadcast %add3A_156 : i32 to vector<16xi32>
      %add3A_158 = arith.addi %add3A_155, %add3A_157 : vector<16xi32>
      %gather3A_159 = tpu.vector_load_idx %arg8[%add3A_158] : memref<48xi32, #tpu.memory_space<vmem>>[vector<16xi32>], vector<16xi32>,
      %swap3A_160 = arith.constant 0 : index
      %swap3A_161 = tpu.vector_load %arg9[%swap3A_160] {strides = array<i32>} : memref<32xf32, #tpu.memory_space<vmem>>, vector<16xf32>,
      tpu.vector_store %arg9[%swap3A_160], %add3A_152 {strides = array<i32>} : memref<32xf32, #tpu.memory_space<vmem>>, vector<16xf32>,
      %add3A_162 = arith.constant 2 : i32
      %add3A_163 = vector.broadcast %add3A_162 : i32 to vector<16xi32>
      %add3A_164 = arith.addi %iota3A, %add3A_163 : vector<16xi32>
      %gather3A_165 = tpu.vector_load_idx %arg9[%add3A_164] : memref<32xf32, #tpu.memory_space<vmem>>[vector<16xi32>], vector<16xf32>,
      %eq3A_166 = arith.cmpi eq, %gather3A_159, %masked_sort3A_132 : vector<16xi32>
      %jit3A_167 = arith.constant 0.000000e+00 : f32
      %broadcast_in_dim3A_168 = vector.broadcast %jit3A_167 : f32 to vector<16xf32>
      %select_n3A_169 = arith.select %eq3A_166, %gather3A_165, %broadcast_in_dim3A_168 : vector<16xi1>, vector<16xf32>
      %add3A_170 = arith.addf %add3A_152, %select_n3A_169 : vector<16xf32>
      %add3A_171 = arith.constant 16 : i32
      %add3A_172 = vector.broadcast %add3A_171 : i32 to vector<16xi32>
      %add3A_173 = arith.addi %add3A_172, %iota3A : vector<16xi32>
      %add3A_174 = arith.constant 4 : i32
      %add3A_175 = vector.broadcast %add3A_174 : i32 to vector<16xi32>
      %add3A_176 = arith.addi %add3A_173, %add3A_175 : vector<16xi32>
      %gather3A_177 = tpu.vector_load_idx %arg8[%add3A_176] : memref<48xi32, #tpu.memory_space<vmem>>[vector<16xi32>], vector<16xi32>,
      %swap3A_178 = arith.constant 0 : index
      %swap3A_179 = tpu.vector_load %arg9[%swap3A_178] {strides = array<i32>} : memref<32xf32, #tpu.memory_space<vmem>>, vector<16xf32>,
      tpu.vector_store %arg9[%swap3A_178], %add3A_170 {strides = array<i32>} : memref<32xf32, #tpu.memory_space<vmem>>, vector<16xf32>,
      %add3A_180 = arith.constant 4 : i32
      %add3A_181 = vector.broadcast %add3A_180 : i32 to vector<16xi32>
      %add3A_182 = arith.addi %iota3A, %add3A_181 : vector<16xi32>
      %gather3A_183 = tpu.vector_load_idx %arg9[%add3A_182] : memref<32xf32, #tpu.memory_space<vmem>>[vector<16xi32>], vector<16xf32>,
      %eq3A_184 = arith.cmpi eq, %gather3A_177, %masked_sort3A_132 : vector<16xi32>
      %jit3A_185 = arith.constant 0.000000e+00 : f32
      %broadcast_in_dim3A_186 = vector.broadcast %jit3A_185 : f32 to vector<16xf32>
      %select_n3A_187 = arith.select %eq3A_184, %gather3A_183, %broadcast_in_dim3A_186 : vector<16xi1>, vector<16xf32>
      %add3A_188 = arith.addf %add3A_170, %select_n3A_187 : vector<16xf32>
      %add3A_189 = arith.constant 16 : i32
      %add3A_190 = vector.broadcast %add3A_189 : i32 to vector<16xi32>
      %add3A_191 = arith.addi %add3A_190, %iota3A : vector<16xi32>
      %add3A_192 = arith.constant 8 : i32
      %add3A_193 = vector.broadcast %add3A_192 : i32 to vector<16xi32>
      %add3A_194 = arith.addi %add3A_191, %add3A_193 : vector<16xi32>
      %gather3A_195 = tpu.vector_load_idx %arg8[%add3A_194] : memref<48xi32, #tpu.memory_space<vmem>>[vector<16xi32>], vector<16xi32>,
      %swap3A_196 = arith.constant 0 : index
      %swap3A_197 = tpu.vector_load %arg9[%swap3A_196] {strides = array<i32>} : memref<32xf32, #tpu.memory_space<vmem>>, vector<16xf32>,
      tpu.vector_store %arg9[%swap3A_196], %add3A_188 {strides = array<i32>} : memref<32xf32, #tpu.memory_space<vmem>>, vector<16xf32>,
      %add3A_198 = arith.constant 8 : i32
      %add3A_199 = vector.broadcast %add3A_198 : i32 to vector<16xi32>
      %add3A_200 = arith.addi %iota3A, %add3A_199 : vector<16xi32>
      %gather3A_201 = tpu.vector_load_idx %arg9[%add3A_200] : memref<32xf32, #tpu.memory_space<vmem>>[vector<16xi32>], vector<16xf32>,
      %eq3A_202 = arith.cmpi eq, %gather3A_195, %masked_sort3A_132 : vector<16xi32>
      %jit3A_203 = arith.constant 0.000000e+00 : f32
      %broadcast_in_dim3A_204 = vector.broadcast %jit3A_203 : f32 to vector<16xf32>
      %select_n3A_205 = arith.select %eq3A_202, %gather3A_201, %broadcast_in_dim3A_204 : vector<16xi1>, vector<16xf32>
      %add3A_206 = arith.addf %add3A_188, %select_n3A_205 : vector<16xf32>
      %add3A_207 = arith.constant 15 : i32
      %add3A_208 = vector.broadcast %add3A_207 : i32 to vector<16xi32>
      %add3A_209 = arith.addi %add3A_208, %iota3A : vector<16xi32>
      %gather3A_210 = tpu.vector_load_idx %arg8[%add3A_209] : memref<48xi32, #tpu.memory_space<vmem>>[vector<16xi32>], vector<16xi32>,
      %ne3A_211 = arith.cmpi ne, %gather3A_210, %masked_sort3A_132 : vector<16xi32>
      tpu.vector_store_idx %arg5[%masked_sort3A_132], %add3A_206 masked %ne3A_211 {add = true} : memref<40960xf32, #tpu.memory_space<vmem>>[vector<16xi32>], vector<16xf32>, vector<16xi1>
    }
    %scan3A_108 = arith.constant 250 : i32
    %mul3A_109 = arith.constant 40960 : i32
    %mul3A_110 = arith.muli %arg1, %mul3A_109 : i32
    "tpu.region"() ({
      %run_scoped3A = tpu.sem_alloc : memref<!tpu.dma_semaphore, #tpu.memory_space<semaphore_mem>>
      %dma_start3A = tpu.memref_slice %arg12[%mul3A_110] : memref<655360xf32, #tpu.memory_space<vmem_shared>> -> memref<40960xf32, #tpu.memory_space<vmem_shared>>
      %dma_start3A_114 = tpu.memref_slice %arg12[%mul3A_110] : memref<655360xf32, #tpu.memory_space<vmem_shared>> -> memref<40960xf32, #tpu.memory_space<vmem_shared>>
      tpu.enqueue_dma source(%arg5 : memref<40960xf32, #tpu.memory_space<vmem>>) target(%dma_start3A_114 : memref<40960xf32, #tpu.memory_space<vmem_shared>>) target_semaphore(%run_scoped3A : memref<!tpu.dma_semaphore, #tpu.memory_space<semaphore_mem>>)
      %dma_wait3A = tpu.memref_slice %arg12[%mul3A_110] : memref<655360xf32, #tpu.memory_space<vmem_shared>> -> memref<40960xf32, #tpu.memory_space<vmem_shared>>
      %dma_wait3A_115 = tpu.memref_slice %arg12[%mul3A_110] : memref<655360xf32, #tpu.memory_space<vmem_shared>> -> memref<40960xf32, #tpu.memory_space<vmem_shared>>
      tpu.wait_dma2 semaphore(%run_scoped3A : memref<!tpu.dma_semaphore, #tpu.memory_space<semaphore_mem>>) src(%arg5 : memref<40960xf32, #tpu.memory_space<vmem>>) dst(%dma_wait3A_115 : memref<40960xf32, #tpu.memory_space<vmem_shared>>)
      tpu.yield
    }) : () -> ()
    %barrier3A = arith.constant 0 : index
    tpu.barrier barrier_id(%barrier3A)
    %lt3A_111 = arith.constant 10 : i32
    %lt3A_112 = arith.cmpi slt, %arg1, %lt3A_111 : i32
    %convert_element_type3A = arith.extui %lt3A_112 : i1 to i32
    %cond3A = arith.constant 0 : i32
    %cond3A_113 = arith.cmpi ne, %convert_element_type3A, %cond3A : i32
    scf.if %cond3A_113 {
      %mul3A_114 = arith.constant 4096 : i32
      %mul3A_115 = arith.muli %arg1, %mul3A_114 : i32
      "tpu.region"() ({
        %run_scoped3A = tpu.sem_alloc : memref<!tpu.dma_semaphore, #tpu.memory_space<semaphore_mem>>
        %dma_start3A = tpu.memref_slice %arg12[%mul3A_115] : memref<655360xf32, #tpu.memory_space<vmem_shared>> -> memref<4096xf32, #tpu.memory_space<vmem_shared>>
        %dma_start3A_239 = tpu.memref_slice %arg12[%mul3A_115] : memref<655360xf32, #tpu.memory_space<vmem_shared>> -> memref<4096xf32, #tpu.memory_space<vmem_shared>>
        tpu.enqueue_dma source(%dma_start3A_239 : memref<4096xf32, #tpu.memory_space<vmem_shared>>) target(%arg11 : memref<4096xf32, #tpu.memory_space<vmem>>) target_semaphore(%run_scoped3A : memref<!tpu.dma_semaphore, #tpu.memory_space<semaphore_mem>>)
        %dma_wait3A = tpu.memref_slice %arg12[%mul3A_115] : memref<655360xf32, #tpu.memory_space<vmem_shared>> -> memref<4096xf32, #tpu.memory_space<vmem_shared>>
        %dma_wait3A_240 = tpu.memref_slice %arg12[%mul3A_115] : memref<655360xf32, #tpu.memory_space<vmem_shared>> -> memref<4096xf32, #tpu.memory_space<vmem_shared>>
        tpu.wait_dma2 semaphore(%run_scoped3A : memref<!tpu.dma_semaphore, #tpu.memory_space<semaphore_mem>>) src(%dma_wait3A_240 : memref<4096xf32, #tpu.memory_space<vmem_shared>>) dst(%arg11 : memref<4096xf32, #tpu.memory_space<vmem>>)
        tpu.yield
      }) : () -> ()
      %add3A_116 = arith.constant 40960 : i32
      %add3A_117 = arith.addi %add3A_116, %mul3A_115 : i32
      "tpu.region"() ({
        %run_scoped3A = tpu.sem_alloc : memref<!tpu.dma_semaphore, #tpu.memory_space<semaphore_mem>>
        %dma_start3A = tpu.memref_slice %arg12[%add3A_117] : memref<655360xf32, #tpu.memory_space<vmem_shared>> -> memref<4096xf32, #tpu.memory_space<vmem_shared>>
        %dma_start3A_239 = tpu.memref_slice %arg12[%add3A_117] : memref<655360xf32, #tpu.memory_space<vmem_shared>> -> memref<4096xf32, #tpu.memory_space<vmem_shared>>
        tpu.enqueue_dma source(%dma_start3A_239 : memref<4096xf32, #tpu.memory_space<vmem_shared>>) target(%arg10 : memref<4096xf32, #tpu.memory_space<vmem>>) target_semaphore(%run_scoped3A : memref<!tpu.dma_semaphore, #tpu.memory_space<semaphore_mem>>)
        %dma_wait3A = tpu.memref_slice %arg12[%add3A_117] : memref<655360xf32, #tpu.memory_space<vmem_shared>> -> memref<4096xf32, #tpu.memory_space<vmem_shared>>
        %dma_wait3A_240 = tpu.memref_slice %arg12[%add3A_117] : memref<655360xf32, #tpu.memory_space<vmem_shared>> -> memref<4096xf32, #tpu.memory_space<vmem_shared>>
        tpu.wait_dma2 semaphore(%run_scoped3A : memref<!tpu.dma_semaphore, #tpu.memory_space<semaphore_mem>>) src(%dma_wait3A_240 : memref<4096xf32, #tpu.memory_space<vmem_shared>>) dst(%arg10 : memref<4096xf32, #tpu.memory_space<vmem>>)
        tpu.yield
      }) : () -> ()
      %scan3A_118 = arith.constant 0 : i32
      %scan3A_119 = arith.constant 0 : i32
      %scan3A_120 = arith.constant 256 : i32
      %scan3A_121 = arith.addi %scan3A_119, %scan3A_120 : i32
      %scan3A_122 = arith.constant 1 : i32
      scf.for %scan3A_239 = %scan3A_119 to %scan3A_121 step %scan3A_122  : i32 {
        %mul3A_240 = arith.constant 16 : i32
        %mul3A_241 = arith.muli %scan3A_239, %mul3A_240 : i32
        %get3A = arith.index_cast %mul3A_241 : i32 to index
        %get3A_242 = tpu.vector_load %arg11[%get3A] {strides = array<i32>} : memref<4096xf32, #tpu.memory_space<vmem>>, vector<16xf32>,
        %mul3A_243 = arith.constant 16 : i32
        %mul3A_244 = arith.muli %scan3A_239, %mul3A_243 : i32
        %get3A_245 = arith.index_cast %mul3A_244 : i32 to index
        %get3A_246 = tpu.vector_load %arg10[%get3A_245] {strides = array<i32>} : memref<4096xf32, #tpu.memory_space<vmem>>, vector<16xf32>,
        %add3A_247 = arith.addf %get3A_242, %get3A_246 : vector<16xf32>
        %mul3A_248 = arith.constant 16 : i32
        %mul3A_249 = arith.muli %scan3A_239, %mul3A_248 : i32
        %swap3A_250 = arith.index_cast %mul3A_249 : i32 to index
        %swap3A_251 = tpu.vector_load %arg11[%swap3A_250] {strides = array<i32>} : memref<4096xf32, #tpu.memory_space<vmem>>, vector<16xf32>,
        tpu.vector_store %arg11[%swap3A_250], %add3A_247 {strides = array<i32>} : memref<4096xf32, #tpu.memory_space<vmem>>, vector<16xf32>,
      }
      %scan3A_123 = arith.constant 256 : i32
      %add3A_124 = arith.constant 81920 : i32
      %add3A_125 = arith.addi %add3A_124, %mul3A_115 : i32
      "tpu.region"() ({
        %run_scoped3A = tpu.sem_alloc : memref<!tpu.dma_semaphore, #tpu.memory_space<semaphore_mem>>
        %dma_start3A = tpu.memref_slice %arg12[%add3A_125] : memref<655360xf32, #tpu.memory_space<vmem_shared>> -> memref<4096xf32, #tpu.memory_space<vmem_shared>>
        %dma_start3A_239 = tpu.memref_slice %arg12[%add3A_125] : memref<655360xf32, #tpu.memory_space<vmem_shared>> -> memref<4096xf32, #tpu.memory_space<vmem_shared>>
        tpu.enqueue_dma source(%dma_start3A_239 : memref<4096xf32, #tpu.memory_space<vmem_shared>>) target(%arg10 : memref<4096xf32, #tpu.memory_space<vmem>>) target_semaphore(%run_scoped3A : memref<!tpu.dma_semaphore, #tpu.memory_space<semaphore_mem>>)
        %dma_wait3A = tpu.memref_slice %arg12[%add3A_125] : memref<655360xf32, #tpu.memory_space<vmem_shared>> -> memref<4096xf32, #tpu.memory_space<vmem_shared>>
        %dma_wait3A_240 = tpu.memref_slice %arg12[%add3A_125] : memref<655360xf32, #tpu.memory_space<vmem_shared>> -> memref<4096xf32, #tpu.memory_space<vmem_shared>>
        tpu.wait_dma2 semaphore(%run_scoped3A : memref<!tpu.dma_semaphore, #tpu.memory_space<semaphore_mem>>) src(%dma_wait3A_240 : memref<4096xf32, #tpu.memory_space<vmem_shared>>) dst(%arg10 : memref<4096xf32, #tpu.memory_space<vmem>>)
        tpu.yield
      }) : () -> ()
      %scan3A_126 = arith.constant 0 : i32
      %scan3A_127 = arith.constant 0 : i32
      %scan3A_128 = arith.constant 256 : i32
      %scan3A_129 = arith.addi %scan3A_127, %scan3A_128 : i32
      %scan3A_130 = arith.constant 1 : i32
      scf.for %scan3A_239 = %scan3A_127 to %scan3A_129 step %scan3A_130  : i32 {
        %mul3A_240 = arith.constant 16 : i32
        %mul3A_241 = arith.muli %scan3A_239, %mul3A_240 : i32
        %get3A = arith.index_cast %mul3A_241 : i32 to index
        %get3A_242 = tpu.vector_load %arg11[%get3A] {strides = array<i32>} : memref<4096xf32, #tpu.memory_space<vmem>>, vector<16xf32>,
        %mul3A_243 = arith.constant 16 : i32
        %mul3A_244 = arith.muli %scan3A_239, %mul3A_243 : i32
        %get3A_245 = arith.index_cast %mul3A_244 : i32 to index
        %get3A_246 = tpu.vector_load %arg10[%get3A_245] {strides = array<i32>} : memref<4096xf32, #tpu.memory_space<vmem>>, vector<16xf32>,
        %add3A_247 = arith.addf %get3A_242, %get3A_246 : vector<16xf32>
        %mul3A_248 = arith.constant 16 : i32
        %mul3A_249 = arith.muli %scan3A_239, %mul3A_248 : i32
        %swap3A_250 = arith.index_cast %mul3A_249 : i32 to index
        %swap3A_251 = tpu.vector_load %arg11[%swap3A_250] {strides = array<i32>} : memref<4096xf32, #tpu.memory_space<vmem>>, vector<16xf32>,
        tpu.vector_store %arg11[%swap3A_250], %add3A_247 {strides = array<i32>} : memref<4096xf32, #tpu.memory_space<vmem>>, vector<16xf32>,
      }
      %scan3A_131 = arith.constant 256 : i32
      %add3A_132 = arith.constant 122880 : i32
      %add3A_133 = arith.addi %add3A_132, %mul3A_115 : i32
      "tpu.region"() ({
        %run_scoped3A = tpu.sem_alloc : memref<!tpu.dma_semaphore, #tpu.memory_space<semaphore_mem>>
        %dma_start3A = tpu.memref_slice %arg12[%add3A_133] : memref<655360xf32, #tpu.memory_space<vmem_shared>> -> memref<4096xf32, #tpu.memory_space<vmem_shared>>
        %dma_start3A_239 = tpu.memref_slice %arg12[%add3A_133] : memref<655360xf32, #tpu.memory_space<vmem_shared>> -> memref<4096xf32, #tpu.memory_space<vmem_shared>>
        tpu.enqueue_dma source(%dma_start3A_239 : memref<4096xf32, #tpu.memory_space<vmem_shared>>) target(%arg10 : memref<4096xf32, #tpu.memory_space<vmem>>) target_semaphore(%run_scoped3A : memref<!tpu.dma_semaphore, #tpu.memory_space<semaphore_mem>>)
        %dma_wait3A = tpu.memref_slice %arg12[%add3A_133] : memref<655360xf32, #tpu.memory_space<vmem_shared>> -> memref<4096xf32, #tpu.memory_space<vmem_shared>>
        %dma_wait3A_240 = tpu.memref_slice %arg12[%add3A_133] : memref<655360xf32, #tpu.memory_space<vmem_shared>> -> memref<4096xf32, #tpu.memory_space<vmem_shared>>
        tpu.wait_dma2 semaphore(%run_scoped3A : memref<!tpu.dma_semaphore, #tpu.memory_space<semaphore_mem>>) src(%dma_wait3A_240 : memref<4096xf32, #tpu.memory_space<vmem_shared>>) dst(%arg10 : memref<4096xf32, #tpu.memory_space<vmem>>)
        tpu.yield
      }) : () -> ()
      %scan3A_134 = arith.constant 0 : i32
      %scan3A_135 = arith.constant 0 : i32
      %scan3A_136 = arith.constant 256 : i32
      %scan3A_137 = arith.addi %scan3A_135, %scan3A_136 : i32
      %scan3A_138 = arith.constant 1 : i32
      scf.for %scan3A_239 = %scan3A_135 to %scan3A_137 step %scan3A_138  : i32 {
        %mul3A_240 = arith.constant 16 : i32
        %mul3A_241 = arith.muli %scan3A_239, %mul3A_240 : i32
        %get3A = arith.index_cast %mul3A_241 : i32 to index
        %get3A_242 = tpu.vector_load %arg11[%get3A] {strides = array<i32>} : memref<4096xf32, #tpu.memory_space<vmem>>, vector<16xf32>,
        %mul3A_243 = arith.constant 16 : i32
        %mul3A_244 = arith.muli %scan3A_239, %mul3A_243 : i32
        %get3A_245 = arith.index_cast %mul3A_244 : i32 to index
        %get3A_246 = tpu.vector_load %arg10[%get3A_245] {strides = array<i32>} : memref<4096xf32, #tpu.memory_space<vmem>>, vector<16xf32>,
        %add3A_247 = arith.addf %get3A_242, %get3A_246 : vector<16xf32>
        %mul3A_248 = arith.constant 16 : i32
        %mul3A_249 = arith.muli %scan3A_239, %mul3A_248 : i32
        %swap3A_250 = arith.index_cast %mul3A_249 : i32 to index
        %swap3A_251 = tpu.vector_load %arg11[%swap3A_250] {strides = array<i32>} : memref<4096xf32, #tpu.memory_space<vmem>>, vector<16xf32>,
        tpu.vector_store %arg11[%swap3A_250], %add3A_247 {strides = array<i32>} : memref<4096xf32, #tpu.memory_space<vmem>>, vector<16xf32>,
      }
      %scan3A_139 = arith.constant 256 : i32
      %add3A_140 = arith.constant 163840 : i32
      %add3A_141 = arith.addi %add3A_140, %mul3A_115 : i32
      "tpu.region"() ({
        %run_scoped3A = tpu.sem_alloc : memref<!tpu.dma_semaphore, #tpu.memory_space<semaphore_mem>>
        %dma_start3A = tpu.memref_slice %arg12[%add3A_141] : memref<655360xf32, #tpu.memory_space<vmem_shared>> -> memref<4096xf32, #tpu.memory_space<vmem_shared>>
        %dma_start3A_239 = tpu.memref_slice %arg12[%add3A_141] : memref<655360xf32, #tpu.memory_space<vmem_shared>> -> memref<4096xf32, #tpu.memory_space<vmem_shared>>
        tpu.enqueue_dma source(%dma_start3A_239 : memref<4096xf32, #tpu.memory_space<vmem_shared>>) target(%arg10 : memref<4096xf32, #tpu.memory_space<vmem>>) target_semaphore(%run_scoped3A : memref<!tpu.dma_semaphore, #tpu.memory_space<semaphore_mem>>)
        %dma_wait3A = tpu.memref_slice %arg12[%add3A_141] : memref<655360xf32, #tpu.memory_space<vmem_shared>> -> memref<4096xf32, #tpu.memory_space<vmem_shared>>
        %dma_wait3A_240 = tpu.memref_slice %arg12[%add3A_141] : memref<655360xf32, #tpu.memory_space<vmem_shared>> -> memref<4096xf32, #tpu.memory_space<vmem_shared>>
        tpu.wait_dma2 semaphore(%run_scoped3A : memref<!tpu.dma_semaphore, #tpu.memory_space<semaphore_mem>>) src(%dma_wait3A_240 : memref<4096xf32, #tpu.memory_space<vmem_shared>>) dst(%arg10 : memref<4096xf32, #tpu.memory_space<vmem>>)
        tpu.yield
      }) : () -> ()
      %scan3A_142 = arith.constant 0 : i32
      %scan3A_143 = arith.constant 0 : i32
      %scan3A_144 = arith.constant 256 : i32
      %scan3A_145 = arith.addi %scan3A_143, %scan3A_144 : i32
      %scan3A_146 = arith.constant 1 : i32
      scf.for %scan3A_239 = %scan3A_143 to %scan3A_145 step %scan3A_146  : i32 {
        %mul3A_240 = arith.constant 16 : i32
        %mul3A_241 = arith.muli %scan3A_239, %mul3A_240 : i32
        %get3A = arith.index_cast %mul3A_241 : i32 to index
        %get3A_242 = tpu.vector_load %arg11[%get3A] {strides = array<i32>} : memref<4096xf32, #tpu.memory_space<vmem>>, vector<16xf32>,
        %mul3A_243 = arith.constant 16 : i32
        %mul3A_244 = arith.muli %scan3A_239, %mul3A_243 : i32
        %get3A_245 = arith.index_cast %mul3A_244 : i32 to index
        %get3A_246 = tpu.vector_load %arg10[%get3A_245] {strides = array<i32>} : memref<4096xf32, #tpu.memory_space<vmem>>, vector<16xf32>,
        %add3A_247 = arith.addf %get3A_242, %get3A_246 : vector<16xf32>
        %mul3A_248 = arith.constant 16 : i32
        %mul3A_249 = arith.muli %scan3A_239, %mul3A_248 : i32
        %swap3A_250 = arith.index_cast %mul3A_249 : i32 to index
        %swap3A_251 = tpu.vector_load %arg11[%swap3A_250] {strides = array<i32>} : memref<4096xf32, #tpu.memory_space<vmem>>, vector<16xf32>,
        tpu.vector_store %arg11[%swap3A_250], %add3A_247 {strides = array<i32>} : memref<4096xf32, #tpu.memory_space<vmem>>, vector<16xf32>,
      }
      %scan3A_147 = arith.constant 256 : i32
      %add3A_148 = arith.constant 204800 : i32
      %add3A_149 = arith.addi %add3A_148, %mul3A_115 : i32
      "tpu.region"() ({
        %run_scoped3A = tpu.sem_alloc : memref<!tpu.dma_semaphore, #tpu.memory_space<semaphore_mem>>
        %dma_start3A = tpu.memref_slice %arg12[%add3A_149] : memref<655360xf32, #tpu.memory_space<vmem_shared>> -> memref<4096xf32, #tpu.memory_space<vmem_shared>>
        %dma_start3A_239 = tpu.memref_slice %arg12[%add3A_149] : memref<655360xf32, #tpu.memory_space<vmem_shared>> -> memref<4096xf32, #tpu.memory_space<vmem_shared>>
        tpu.enqueue_dma source(%dma_start3A_239 : memref<4096xf32, #tpu.memory_space<vmem_shared>>) target(%arg10 : memref<4096xf32, #tpu.memory_space<vmem>>) target_semaphore(%run_scoped3A : memref<!tpu.dma_semaphore, #tpu.memory_space<semaphore_mem>>)
        %dma_wait3A = tpu.memref_slice %arg12[%add3A_149] : memref<655360xf32, #tpu.memory_space<vmem_shared>> -> memref<4096xf32, #tpu.memory_space<vmem_shared>>
        %dma_wait3A_240 = tpu.memref_slice %arg12[%add3A_149] : memref<655360xf32, #tpu.memory_space<vmem_shared>> -> memref<4096xf32, #tpu.memory_space<vmem_shared>>
        tpu.wait_dma2 semaphore(%run_scoped3A : memref<!tpu.dma_semaphore, #tpu.memory_space<semaphore_mem>>) src(%dma_wait3A_240 : memref<4096xf32, #tpu.memory_space<vmem_shared>>) dst(%arg10 : memref<4096xf32, #tpu.memory_space<vmem>>)
        tpu.yield
      }) : () -> ()
      %scan3A_150 = arith.constant 0 : i32
      %scan3A_151 = arith.constant 0 : i32
      %scan3A_152 = arith.constant 256 : i32
      %scan3A_153 = arith.addi %scan3A_151, %scan3A_152 : i32
      %scan3A_154 = arith.constant 1 : i32
      scf.for %scan3A_239 = %scan3A_151 to %scan3A_153 step %scan3A_154  : i32 {
        %mul3A_240 = arith.constant 16 : i32
        %mul3A_241 = arith.muli %scan3A_239, %mul3A_240 : i32
        %get3A = arith.index_cast %mul3A_241 : i32 to index
        %get3A_242 = tpu.vector_load %arg11[%get3A] {strides = array<i32>} : memref<4096xf32, #tpu.memory_space<vmem>>, vector<16xf32>,
        %mul3A_243 = arith.constant 16 : i32
        %mul3A_244 = arith.muli %scan3A_239, %mul3A_243 : i32
        %get3A_245 = arith.index_cast %mul3A_244 : i32 to index
        %get3A_246 = tpu.vector_load %arg10[%get3A_245] {strides = array<i32>} : memref<4096xf32, #tpu.memory_space<vmem>>, vector<16xf32>,
        %add3A_247 = arith.addf %get3A_242, %get3A_246 : vector<16xf32>
        %mul3A_248 = arith.constant 16 : i32
        %mul3A_249 = arith.muli %scan3A_239, %mul3A_248 : i32
        %swap3A_250 = arith.index_cast %mul3A_249 : i32 to index
        %swap3A_251 = tpu.vector_load %arg11[%swap3A_250] {strides = array<i32>} : memref<4096xf32, #tpu.memory_space<vmem>>, vector<16xf32>,
        tpu.vector_store %arg11[%swap3A_250], %add3A_247 {strides = array<i32>} : memref<4096xf32, #tpu.memory_space<vmem>>, vector<16xf32>,
      }
      %scan3A_155 = arith.constant 256 : i32
      %add3A_156 = arith.constant 245760 : i32
      %add3A_157 = arith.addi %add3A_156, %mul3A_115 : i32
      "tpu.region"() ({
        %run_scoped3A = tpu.sem_alloc : memref<!tpu.dma_semaphore, #tpu.memory_space<semaphore_mem>>
        %dma_start3A = tpu.memref_slice %arg12[%add3A_157] : memref<655360xf32, #tpu.memory_space<vmem_shared>> -> memref<4096xf32, #tpu.memory_space<vmem_shared>>
        %dma_start3A_239 = tpu.memref_slice %arg12[%add3A_157] : memref<655360xf32, #tpu.memory_space<vmem_shared>> -> memref<4096xf32, #tpu.memory_space<vmem_shared>>
        tpu.enqueue_dma source(%dma_start3A_239 : memref<4096xf32, #tpu.memory_space<vmem_shared>>) target(%arg10 : memref<4096xf32, #tpu.memory_space<vmem>>) target_semaphore(%run_scoped3A : memref<!tpu.dma_semaphore, #tpu.memory_space<semaphore_mem>>)
        %dma_wait3A = tpu.memref_slice %arg12[%add3A_157] : memref<655360xf32, #tpu.memory_space<vmem_shared>> -> memref<4096xf32, #tpu.memory_space<vmem_shared>>
        %dma_wait3A_240 = tpu.memref_slice %arg12[%add3A_157] : memref<655360xf32, #tpu.memory_space<vmem_shared>> -> memref<4096xf32, #tpu.memory_space<vmem_shared>>
        tpu.wait_dma2 semaphore(%run_scoped3A : memref<!tpu.dma_semaphore, #tpu.memory_space<semaphore_mem>>) src(%dma_wait3A_240 : memref<4096xf32, #tpu.memory_space<vmem_shared>>) dst(%arg10 : memref<4096xf32, #tpu.memory_space<vmem>>)
        tpu.yield
      }) : () -> ()
      %scan3A_158 = arith.constant 0 : i32
      %scan3A_159 = arith.constant 0 : i32
      %scan3A_160 = arith.constant 256 : i32
      %scan3A_161 = arith.addi %scan3A_159, %scan3A_160 : i32
      %scan3A_162 = arith.constant 1 : i32
      scf.for %scan3A_239 = %scan3A_159 to %scan3A_161 step %scan3A_162  : i32 {
        %mul3A_240 = arith.constant 16 : i32
        %mul3A_241 = arith.muli %scan3A_239, %mul3A_240 : i32
        %get3A = arith.index_cast %mul3A_241 : i32 to index
        %get3A_242 = tpu.vector_load %arg11[%get3A] {strides = array<i32>} : memref<4096xf32, #tpu.memory_space<vmem>>, vector<16xf32>,
        %mul3A_243 = arith.constant 16 : i32
        %mul3A_244 = arith.muli %scan3A_239, %mul3A_243 : i32
        %get3A_245 = arith.index_cast %mul3A_244 : i32 to index
        %get3A_246 = tpu.vector_load %arg10[%get3A_245] {strides = array<i32>} : memref<4096xf32, #tpu.memory_space<vmem>>, vector<16xf32>,
        %add3A_247 = arith.addf %get3A_242, %get3A_246 : vector<16xf32>
        %mul3A_248 = arith.constant 16 : i32
        %mul3A_249 = arith.muli %scan3A_239, %mul3A_248 : i32
        %swap3A_250 = arith.index_cast %mul3A_249 : i32 to index
        %swap3A_251 = tpu.vector_load %arg11[%swap3A_250] {strides = array<i32>} : memref<4096xf32, #tpu.memory_space<vmem>>, vector<16xf32>,
        tpu.vector_store %arg11[%swap3A_250], %add3A_247 {strides = array<i32>} : memref<4096xf32, #tpu.memory_space<vmem>>, vector<16xf32>,
      }
      %scan3A_163 = arith.constant 256 : i32
      %add3A_164 = arith.constant 286720 : i32
      %add3A_165 = arith.addi %add3A_164, %mul3A_115 : i32
      "tpu.region"() ({
        %run_scoped3A = tpu.sem_alloc : memref<!tpu.dma_semaphore, #tpu.memory_space<semaphore_mem>>
        %dma_start3A = tpu.memref_slice %arg12[%add3A_165] : memref<655360xf32, #tpu.memory_space<vmem_shared>> -> memref<4096xf32, #tpu.memory_space<vmem_shared>>
        %dma_start3A_239 = tpu.memref_slice %arg12[%add3A_165] : memref<655360xf32, #tpu.memory_space<vmem_shared>> -> memref<4096xf32, #tpu.memory_space<vmem_shared>>
        tpu.enqueue_dma source(%dma_start3A_239 : memref<4096xf32, #tpu.memory_space<vmem_shared>>) target(%arg10 : memref<4096xf32, #tpu.memory_space<vmem>>) target_semaphore(%run_scoped3A : memref<!tpu.dma_semaphore, #tpu.memory_space<semaphore_mem>>)
        %dma_wait3A = tpu.memref_slice %arg12[%add3A_165] : memref<655360xf32, #tpu.memory_space<vmem_shared>> -> memref<4096xf32, #tpu.memory_space<vmem_shared>>
        %dma_wait3A_240 = tpu.memref_slice %arg12[%add3A_165] : memref<655360xf32, #tpu.memory_space<vmem_shared>> -> memref<4096xf32, #tpu.memory_space<vmem_shared>>
        tpu.wait_dma2 semaphore(%run_scoped3A : memref<!tpu.dma_semaphore, #tpu.memory_space<semaphore_mem>>) src(%dma_wait3A_240 : memref<4096xf32, #tpu.memory_space<vmem_shared>>) dst(%arg10 : memref<4096xf32, #tpu.memory_space<vmem>>)
        tpu.yield
      }) : () -> ()
      %scan3A_166 = arith.constant 0 : i32
      %scan3A_167 = arith.constant 0 : i32
      %scan3A_168 = arith.constant 256 : i32
      %scan3A_169 = arith.addi %scan3A_167, %scan3A_168 : i32
      %scan3A_170 = arith.constant 1 : i32
      scf.for %scan3A_239 = %scan3A_167 to %scan3A_169 step %scan3A_170  : i32 {
        %mul3A_240 = arith.constant 16 : i32
        %mul3A_241 = arith.muli %scan3A_239, %mul3A_240 : i32
        %get3A = arith.index_cast %mul3A_241 : i32 to index
        %get3A_242 = tpu.vector_load %arg11[%get3A] {strides = array<i32>} : memref<4096xf32, #tpu.memory_space<vmem>>, vector<16xf32>,
        %mul3A_243 = arith.constant 16 : i32
        %mul3A_244 = arith.muli %scan3A_239, %mul3A_243 : i32
        %get3A_245 = arith.index_cast %mul3A_244 : i32 to index
        %get3A_246 = tpu.vector_load %arg10[%get3A_245] {strides = array<i32>} : memref<4096xf32, #tpu.memory_space<vmem>>, vector<16xf32>,
        %add3A_247 = arith.addf %get3A_242, %get3A_246 : vector<16xf32>
        %mul3A_248 = arith.constant 16 : i32
        %mul3A_249 = arith.muli %scan3A_239, %mul3A_248 : i32
        %swap3A_250 = arith.index_cast %mul3A_249 : i32 to index
        %swap3A_251 = tpu.vector_load %arg11[%swap3A_250] {strides = array<i32>} : memref<4096xf32, #tpu.memory_space<vmem>>, vector<16xf32>,
        tpu.vector_store %arg11[%swap3A_250], %add3A_247 {strides = array<i32>} : memref<4096xf32, #tpu.memory_space<vmem>>, vector<16xf32>,
      }
      %scan3A_171 = arith.constant 256 : i32
      %add3A_172 = arith.constant 327680 : i32
      %add3A_173 = arith.addi %add3A_172, %mul3A_115 : i32
      "tpu.region"() ({
        %run_scoped3A = tpu.sem_alloc : memref<!tpu.dma_semaphore, #tpu.memory_space<semaphore_mem>>
        %dma_start3A = tpu.memref_slice %arg12[%add3A_173] : memref<655360xf32, #tpu.memory_space<vmem_shared>> -> memref<4096xf32, #tpu.memory_space<vmem_shared>>
        %dma_start3A_239 = tpu.memref_slice %arg12[%add3A_173] : memref<655360xf32, #tpu.memory_space<vmem_shared>> -> memref<4096xf32, #tpu.memory_space<vmem_shared>>
        tpu.enqueue_dma source(%dma_start3A_239 : memref<4096xf32, #tpu.memory_space<vmem_shared>>) target(%arg10 : memref<4096xf32, #tpu.memory_space<vmem>>) target_semaphore(%run_scoped3A : memref<!tpu.dma_semaphore, #tpu.memory_space<semaphore_mem>>)
        %dma_wait3A = tpu.memref_slice %arg12[%add3A_173] : memref<655360xf32, #tpu.memory_space<vmem_shared>> -> memref<4096xf32, #tpu.memory_space<vmem_shared>>
        %dma_wait3A_240 = tpu.memref_slice %arg12[%add3A_173] : memref<655360xf32, #tpu.memory_space<vmem_shared>> -> memref<4096xf32, #tpu.memory_space<vmem_shared>>
        tpu.wait_dma2 semaphore(%run_scoped3A : memref<!tpu.dma_semaphore, #tpu.memory_space<semaphore_mem>>) src(%dma_wait3A_240 : memref<4096xf32, #tpu.memory_space<vmem_shared>>) dst(%arg10 : memref<4096xf32, #tpu.memory_space<vmem>>)
        tpu.yield
      }) : () -> ()
      %scan3A_174 = arith.constant 0 : i32
      %scan3A_175 = arith.constant 0 : i32
      %scan3A_176 = arith.constant 256 : i32
      %scan3A_177 = arith.addi %scan3A_175, %scan3A_176 : i32
      %scan3A_178 = arith.constant 1 : i32
      scf.for %scan3A_239 = %scan3A_175 to %scan3A_177 step %scan3A_178  : i32 {
        %mul3A_240 = arith.constant 16 : i32
        %mul3A_241 = arith.muli %scan3A_239, %mul3A_240 : i32
        %get3A = arith.index_cast %mul3A_241 : i32 to index
        %get3A_242 = tpu.vector_load %arg11[%get3A] {strides = array<i32>} : memref<4096xf32, #tpu.memory_space<vmem>>, vector<16xf32>,
        %mul3A_243 = arith.constant 16 : i32
        %mul3A_244 = arith.muli %scan3A_239, %mul3A_243 : i32
        %get3A_245 = arith.index_cast %mul3A_244 : i32 to index
        %get3A_246 = tpu.vector_load %arg10[%get3A_245] {strides = array<i32>} : memref<4096xf32, #tpu.memory_space<vmem>>, vector<16xf32>,
        %add3A_247 = arith.addf %get3A_242, %get3A_246 : vector<16xf32>
        %mul3A_248 = arith.constant 16 : i32
        %mul3A_249 = arith.muli %scan3A_239, %mul3A_248 : i32
        %swap3A_250 = arith.index_cast %mul3A_249 : i32 to index
        %swap3A_251 = tpu.vector_load %arg11[%swap3A_250] {strides = array<i32>} : memref<4096xf32, #tpu.memory_space<vmem>>, vector<16xf32>,
        tpu.vector_store %arg11[%swap3A_250], %add3A_247 {strides = array<i32>} : memref<4096xf32, #tpu.memory_space<vmem>>, vector<16xf32>,
      }
      %scan3A_179 = arith.constant 256 : i32
      %add3A_180 = arith.constant 368640 : i32
      %add3A_181 = arith.addi %add3A_180, %mul3A_115 : i32
      "tpu.region"() ({
        %run_scoped3A = tpu.sem_alloc : memref<!tpu.dma_semaphore, #tpu.memory_space<semaphore_mem>>
        %dma_start3A = tpu.memref_slice %arg12[%add3A_181] : memref<655360xf32, #tpu.memory_space<vmem_shared>> -> memref<4096xf32, #tpu.memory_space<vmem_shared>>
        %dma_start3A_239 = tpu.memref_slice %arg12[%add3A_181] : memref<655360xf32, #tpu.memory_space<vmem_shared>> -> memref<4096xf32, #tpu.memory_space<vmem_shared>>
        tpu.enqueue_dma source(%dma_start3A_239 : memref<4096xf32, #tpu.memory_space<vmem_shared>>) target(%arg10 : memref<4096xf32, #tpu.memory_space<vmem>>) target_semaphore(%run_scoped3A : memref<!tpu.dma_semaphore, #tpu.memory_space<semaphore_mem>>)
        %dma_wait3A = tpu.memref_slice %arg12[%add3A_181] : memref<655360xf32, #tpu.memory_space<vmem_shared>> -> memref<4096xf32, #tpu.memory_space<vmem_shared>>
        %dma_wait3A_240 = tpu.memref_slice %arg12[%add3A_181] : memref<655360xf32, #tpu.memory_space<vmem_shared>> -> memref<4096xf32, #tpu.memory_space<vmem_shared>>
        tpu.wait_dma2 semaphore(%run_scoped3A : memref<!tpu.dma_semaphore, #tpu.memory_space<semaphore_mem>>) src(%dma_wait3A_240 : memref<4096xf32, #tpu.memory_space<vmem_shared>>) dst(%arg10 : memref<4096xf32, #tpu.memory_space<vmem>>)
        tpu.yield
      }) : () -> ()
      %scan3A_182 = arith.constant 0 : i32
      %scan3A_183 = arith.constant 0 : i32
      %scan3A_184 = arith.constant 256 : i32
      %scan3A_185 = arith.addi %scan3A_183, %scan3A_184 : i32
      %scan3A_186 = arith.constant 1 : i32
      scf.for %scan3A_239 = %scan3A_183 to %scan3A_185 step %scan3A_186  : i32 {
        %mul3A_240 = arith.constant 16 : i32
        %mul3A_241 = arith.muli %scan3A_239, %mul3A_240 : i32
        %get3A = arith.index_cast %mul3A_241 : i32 to index
        %get3A_242 = tpu.vector_load %arg11[%get3A] {strides = array<i32>} : memref<4096xf32, #tpu.memory_space<vmem>>, vector<16xf32>,
        %mul3A_243 = arith.constant 16 : i32
        %mul3A_244 = arith.muli %scan3A_239, %mul3A_243 : i32
        %get3A_245 = arith.index_cast %mul3A_244 : i32 to index
        %get3A_246 = tpu.vector_load %arg10[%get3A_245] {strides = array<i32>} : memref<4096xf32, #tpu.memory_space<vmem>>, vector<16xf32>,
        %add3A_247 = arith.addf %get3A_242, %get3A_246 : vector<16xf32>
        %mul3A_248 = arith.constant 16 : i32
        %mul3A_249 = arith.muli %scan3A_239, %mul3A_248 : i32
        %swap3A_250 = arith.index_cast %mul3A_249 : i32 to index
        %swap3A_251 = tpu.vector_load %arg11[%swap3A_250] {strides = array<i32>} : memref<4096xf32, #tpu.memory_space<vmem>>, vector<16xf32>,
        tpu.vector_store %arg11[%swap3A_250], %add3A_247 {strides = array<i32>} : memref<4096xf32, #tpu.memory_space<vmem>>, vector<16xf32>,
      }
      %scan3A_187 = arith.constant 256 : i32
      %add3A_188 = arith.constant 409600 : i32
      %add3A_189 = arith.addi %add3A_188, %mul3A_115 : i32
      "tpu.region"() ({
        %run_scoped3A = tpu.sem_alloc : memref<!tpu.dma_semaphore, #tpu.memory_space<semaphore_mem>>
        %dma_start3A = tpu.memref_slice %arg12[%add3A_189] : memref<655360xf32, #tpu.memory_space<vmem_shared>> -> memref<4096xf32, #tpu.memory_space<vmem_shared>>
        %dma_start3A_239 = tpu.memref_slice %arg12[%add3A_189] : memref<655360xf32, #tpu.memory_space<vmem_shared>> -> memref<4096xf32, #tpu.memory_space<vmem_shared>>
        tpu.enqueue_dma source(%dma_start3A_239 : memref<4096xf32, #tpu.memory_space<vmem_shared>>) target(%arg10 : memref<4096xf32, #tpu.memory_space<vmem>>) target_semaphore(%run_scoped3A : memref<!tpu.dma_semaphore, #tpu.memory_space<semaphore_mem>>)
        %dma_wait3A = tpu.memref_slice %arg12[%add3A_189] : memref<655360xf32, #tpu.memory_space<vmem_shared>> -> memref<4096xf32, #tpu.memory_space<vmem_shared>>
        %dma_wait3A_240 = tpu.memref_slice %arg12[%add3A_189] : memref<655360xf32, #tpu.memory_space<vmem_shared>> -> memref<4096xf32, #tpu.memory_space<vmem_shared>>
        tpu.wait_dma2 semaphore(%run_scoped3A : memref<!tpu.dma_semaphore, #tpu.memory_space<semaphore_mem>>) src(%dma_wait3A_240 : memref<4096xf32, #tpu.memory_space<vmem_shared>>) dst(%arg10 : memref<4096xf32, #tpu.memory_space<vmem>>)
        tpu.yield
      }) : () -> ()
      %scan3A_190 = arith.constant 0 : i32
      %scan3A_191 = arith.constant 0 : i32
      %scan3A_192 = arith.constant 256 : i32
      %scan3A_193 = arith.addi %scan3A_191, %scan3A_192 : i32
      %scan3A_194 = arith.constant 1 : i32
      scf.for %scan3A_239 = %scan3A_191 to %scan3A_193 step %scan3A_194  : i32 {
        %mul3A_240 = arith.constant 16 : i32
        %mul3A_241 = arith.muli %scan3A_239, %mul3A_240 : i32
        %get3A = arith.index_cast %mul3A_241 : i32 to index
        %get3A_242 = tpu.vector_load %arg11[%get3A] {strides = array<i32>} : memref<4096xf32, #tpu.memory_space<vmem>>, vector<16xf32>,
        %mul3A_243 = arith.constant 16 : i32
        %mul3A_244 = arith.muli %scan3A_239, %mul3A_243 : i32
        %get3A_245 = arith.index_cast %mul3A_244 : i32 to index
        %get3A_246 = tpu.vector_load %arg10[%get3A_245] {strides = array<i32>} : memref<4096xf32, #tpu.memory_space<vmem>>, vector<16xf32>,
        %add3A_247 = arith.addf %get3A_242, %get3A_246 : vector<16xf32>
        %mul3A_248 = arith.constant 16 : i32
        %mul3A_249 = arith.muli %scan3A_239, %mul3A_248 : i32
        %swap3A_250 = arith.index_cast %mul3A_249 : i32 to index
        %swap3A_251 = tpu.vector_load %arg11[%swap3A_250] {strides = array<i32>} : memref<4096xf32, #tpu.memory_space<vmem>>, vector<16xf32>,
        tpu.vector_store %arg11[%swap3A_250], %add3A_247 {strides = array<i32>} : memref<4096xf32, #tpu.memory_space<vmem>>, vector<16xf32>,
      }
      %scan3A_195 = arith.constant 256 : i32
      %add3A_196 = arith.constant 450560 : i32
      %add3A_197 = arith.addi %add3A_196, %mul3A_115 : i32
      "tpu.region"() ({
        %run_scoped3A = tpu.sem_alloc : memref<!tpu.dma_semaphore, #tpu.memory_space<semaphore_mem>>
        %dma_start3A = tpu.memref_slice %arg12[%add3A_197] : memref<655360xf32, #tpu.memory_space<vmem_shared>> -> memref<4096xf32, #tpu.memory_space<vmem_shared>>
        %dma_start3A_239 = tpu.memref_slice %arg12[%add3A_197] : memref<655360xf32, #tpu.memory_space<vmem_shared>> -> memref<4096xf32, #tpu.memory_space<vmem_shared>>
        tpu.enqueue_dma source(%dma_start3A_239 : memref<4096xf32, #tpu.memory_space<vmem_shared>>) target(%arg10 : memref<4096xf32, #tpu.memory_space<vmem>>) target_semaphore(%run_scoped3A : memref<!tpu.dma_semaphore, #tpu.memory_space<semaphore_mem>>)
        %dma_wait3A = tpu.memref_slice %arg12[%add3A_197] : memref<655360xf32, #tpu.memory_space<vmem_shared>> -> memref<4096xf32, #tpu.memory_space<vmem_shared>>
        %dma_wait3A_240 = tpu.memref_slice %arg12[%add3A_197] : memref<655360xf32, #tpu.memory_space<vmem_shared>> -> memref<4096xf32, #tpu.memory_space<vmem_shared>>
        tpu.wait_dma2 semaphore(%run_scoped3A : memref<!tpu.dma_semaphore, #tpu.memory_space<semaphore_mem>>) src(%dma_wait3A_240 : memref<4096xf32, #tpu.memory_space<vmem_shared>>) dst(%arg10 : memref<4096xf32, #tpu.memory_space<vmem>>)
        tpu.yield
      }) : () -> ()
      %scan3A_198 = arith.constant 0 : i32
      %scan3A_199 = arith.constant 0 : i32
      %scan3A_200 = arith.constant 256 : i32
      %scan3A_201 = arith.addi %scan3A_199, %scan3A_200 : i32
      %scan3A_202 = arith.constant 1 : i32
      scf.for %scan3A_239 = %scan3A_199 to %scan3A_201 step %scan3A_202  : i32 {
        %mul3A_240 = arith.constant 16 : i32
        %mul3A_241 = arith.muli %scan3A_239, %mul3A_240 : i32
        %get3A = arith.index_cast %mul3A_241 : i32 to index
        %get3A_242 = tpu.vector_load %arg11[%get3A] {strides = array<i32>} : memref<4096xf32, #tpu.memory_space<vmem>>, vector<16xf32>,
        %mul3A_243 = arith.constant 16 : i32
        %mul3A_244 = arith.muli %scan3A_239, %mul3A_243 : i32
        %get3A_245 = arith.index_cast %mul3A_244 : i32 to index
        %get3A_246 = tpu.vector_load %arg10[%get3A_245] {strides = array<i32>} : memref<4096xf32, #tpu.memory_space<vmem>>, vector<16xf32>,
        %add3A_247 = arith.addf %get3A_242, %get3A_246 : vector<16xf32>
        %mul3A_248 = arith.constant 16 : i32
        %mul3A_249 = arith.muli %scan3A_239, %mul3A_248 : i32
        %swap3A_250 = arith.index_cast %mul3A_249 : i32 to index
        %swap3A_251 = tpu.vector_load %arg11[%swap3A_250] {strides = array<i32>} : memref<4096xf32, #tpu.memory_space<vmem>>, vector<16xf32>,
        tpu.vector_store %arg11[%swap3A_250], %add3A_247 {strides = array<i32>} : memref<4096xf32, #tpu.memory_space<vmem>>, vector<16xf32>,
      }
      %scan3A_203 = arith.constant 256 : i32
      %add3A_204 = arith.constant 491520 : i32
      %add3A_205 = arith.addi %add3A_204, %mul3A_115 : i32
      "tpu.region"() ({
        %run_scoped3A = tpu.sem_alloc : memref<!tpu.dma_semaphore, #tpu.memory_space<semaphore_mem>>
        %dma_start3A = tpu.memref_slice %arg12[%add3A_205] : memref<655360xf32, #tpu.memory_space<vmem_shared>> -> memref<4096xf32, #tpu.memory_space<vmem_shared>>
        %dma_start3A_239 = tpu.memref_slice %arg12[%add3A_205] : memref<655360xf32, #tpu.memory_space<vmem_shared>> -> memref<4096xf32, #tpu.memory_space<vmem_shared>>
        tpu.enqueue_dma source(%dma_start3A_239 : memref<4096xf32, #tpu.memory_space<vmem_shared>>) target(%arg10 : memref<4096xf32, #tpu.memory_space<vmem>>) target_semaphore(%run_scoped3A : memref<!tpu.dma_semaphore, #tpu.memory_space<semaphore_mem>>)
        %dma_wait3A = tpu.memref_slice %arg12[%add3A_205] : memref<655360xf32, #tpu.memory_space<vmem_shared>> -> memref<4096xf32, #tpu.memory_space<vmem_shared>>
        %dma_wait3A_240 = tpu.memref_slice %arg12[%add3A_205] : memref<655360xf32, #tpu.memory_space<vmem_shared>> -> memref<4096xf32, #tpu.memory_space<vmem_shared>>
        tpu.wait_dma2 semaphore(%run_scoped3A : memref<!tpu.dma_semaphore, #tpu.memory_space<semaphore_mem>>) src(%dma_wait3A_240 : memref<4096xf32, #tpu.memory_space<vmem_shared>>) dst(%arg10 : memref<4096xf32, #tpu.memory_space<vmem>>)
        tpu.yield
      }) : () -> ()
      %scan3A_206 = arith.constant 0 : i32
      %scan3A_207 = arith.constant 0 : i32
      %scan3A_208 = arith.constant 256 : i32
      %scan3A_209 = arith.addi %scan3A_207, %scan3A_208 : i32
      %scan3A_210 = arith.constant 1 : i32
      scf.for %scan3A_239 = %scan3A_207 to %scan3A_209 step %scan3A_210  : i32 {
        %mul3A_240 = arith.constant 16 : i32
        %mul3A_241 = arith.muli %scan3A_239, %mul3A_240 : i32
        %get3A = arith.index_cast %mul3A_241 : i32 to index
        %get3A_242 = tpu.vector_load %arg11[%get3A] {strides = array<i32>} : memref<4096xf32, #tpu.memory_space<vmem>>, vector<16xf32>,
        %mul3A_243 = arith.constant 16 : i32
        %mul3A_244 = arith.muli %scan3A_239, %mul3A_243 : i32
        %get3A_245 = arith.index_cast %mul3A_244 : i32 to index
        %get3A_246 = tpu.vector_load %arg10[%get3A_245] {strides = array<i32>} : memref<4096xf32, #tpu.memory_space<vmem>>, vector<16xf32>,
        %add3A_247 = arith.addf %get3A_242, %get3A_246 : vector<16xf32>
        %mul3A_248 = arith.constant 16 : i32
        %mul3A_249 = arith.muli %scan3A_239, %mul3A_248 : i32
        %swap3A_250 = arith.index_cast %mul3A_249 : i32 to index
        %swap3A_251 = tpu.vector_load %arg11[%swap3A_250] {strides = array<i32>} : memref<4096xf32, #tpu.memory_space<vmem>>, vector<16xf32>,
        tpu.vector_store %arg11[%swap3A_250], %add3A_247 {strides = array<i32>} : memref<4096xf32, #tpu.memory_space<vmem>>, vector<16xf32>,
      }
      %scan3A_211 = arith.constant 256 : i32
      %add3A_212 = arith.constant 532480 : i32
      %add3A_213 = arith.addi %add3A_212, %mul3A_115 : i32
      "tpu.region"() ({
        %run_scoped3A = tpu.sem_alloc : memref<!tpu.dma_semaphore, #tpu.memory_space<semaphore_mem>>
        %dma_start3A = tpu.memref_slice %arg12[%add3A_213] : memref<655360xf32, #tpu.memory_space<vmem_shared>> -> memref<4096xf32, #tpu.memory_space<vmem_shared>>
        %dma_start3A_239 = tpu.memref_slice %arg12[%add3A_213] : memref<655360xf32, #tpu.memory_space<vmem_shared>> -> memref<4096xf32, #tpu.memory_space<vmem_shared>>
        tpu.enqueue_dma source(%dma_start3A_239 : memref<4096xf32, #tpu.memory_space<vmem_shared>>) target(%arg10 : memref<4096xf32, #tpu.memory_space<vmem>>) target_semaphore(%run_scoped3A : memref<!tpu.dma_semaphore, #tpu.memory_space<semaphore_mem>>)
        %dma_wait3A = tpu.memref_slice %arg12[%add3A_213] : memref<655360xf32, #tpu.memory_space<vmem_shared>> -> memref<4096xf32, #tpu.memory_space<vmem_shared>>
        %dma_wait3A_240 = tpu.memref_slice %arg12[%add3A_213] : memref<655360xf32, #tpu.memory_space<vmem_shared>> -> memref<4096xf32, #tpu.memory_space<vmem_shared>>
        tpu.wait_dma2 semaphore(%run_scoped3A : memref<!tpu.dma_semaphore, #tpu.memory_space<semaphore_mem>>) src(%dma_wait3A_240 : memref<4096xf32, #tpu.memory_space<vmem_shared>>) dst(%arg10 : memref<4096xf32, #tpu.memory_space<vmem>>)
        tpu.yield
      }) : () -> ()
      %scan3A_214 = arith.constant 0 : i32
      %scan3A_215 = arith.constant 0 : i32
      %scan3A_216 = arith.constant 256 : i32
      %scan3A_217 = arith.addi %scan3A_215, %scan3A_216 : i32
      %scan3A_218 = arith.constant 1 : i32
      scf.for %scan3A_239 = %scan3A_215 to %scan3A_217 step %scan3A_218  : i32 {
        %mul3A_240 = arith.constant 16 : i32
        %mul3A_241 = arith.muli %scan3A_239, %mul3A_240 : i32
        %get3A = arith.index_cast %mul3A_241 : i32 to index
        %get3A_242 = tpu.vector_load %arg11[%get3A] {strides = array<i32>} : memref<4096xf32, #tpu.memory_space<vmem>>, vector<16xf32>,
        %mul3A_243 = arith.constant 16 : i32
        %mul3A_244 = arith.muli %scan3A_239, %mul3A_243 : i32
        %get3A_245 = arith.index_cast %mul3A_244 : i32 to index
        %get3A_246 = tpu.vector_load %arg10[%get3A_245] {strides = array<i32>} : memref<4096xf32, #tpu.memory_space<vmem>>, vector<16xf32>,
        %add3A_247 = arith.addf %get3A_242, %get3A_246 : vector<16xf32>
        %mul3A_248 = arith.constant 16 : i32
        %mul3A_249 = arith.muli %scan3A_239, %mul3A_248 : i32
        %swap3A_250 = arith.index_cast %mul3A_249 : i32 to index
        %swap3A_251 = tpu.vector_load %arg11[%swap3A_250] {strides = array<i32>} : memref<4096xf32, #tpu.memory_space<vmem>>, vector<16xf32>,
        tpu.vector_store %arg11[%swap3A_250], %add3A_247 {strides = array<i32>} : memref<4096xf32, #tpu.memory_space<vmem>>, vector<16xf32>,
      }
      %scan3A_219 = arith.constant 256 : i32
      %add3A_220 = arith.constant 573440 : i32
      %add3A_221 = arith.addi %add3A_220, %mul3A_115 : i32
      "tpu.region"() ({
        %run_scoped3A = tpu.sem_alloc : memref<!tpu.dma_semaphore, #tpu.memory_space<semaphore_mem>>
        %dma_start3A = tpu.memref_slice %arg12[%add3A_221] : memref<655360xf32, #tpu.memory_space<vmem_shared>> -> memref<4096xf32, #tpu.memory_space<vmem_shared>>
        %dma_start3A_239 = tpu.memref_slice %arg12[%add3A_221] : memref<655360xf32, #tpu.memory_space<vmem_shared>> -> memref<4096xf32, #tpu.memory_space<vmem_shared>>
        tpu.enqueue_dma source(%dma_start3A_239 : memref<4096xf32, #tpu.memory_space<vmem_shared>>) target(%arg10 : memref<4096xf32, #tpu.memory_space<vmem>>) target_semaphore(%run_scoped3A : memref<!tpu.dma_semaphore, #tpu.memory_space<semaphore_mem>>)
        %dma_wait3A = tpu.memref_slice %arg12[%add3A_221] : memref<655360xf32, #tpu.memory_space<vmem_shared>> -> memref<4096xf32, #tpu.memory_space<vmem_shared>>
        %dma_wait3A_240 = tpu.memref_slice %arg12[%add3A_221] : memref<655360xf32, #tpu.memory_space<vmem_shared>> -> memref<4096xf32, #tpu.memory_space<vmem_shared>>
        tpu.wait_dma2 semaphore(%run_scoped3A : memref<!tpu.dma_semaphore, #tpu.memory_space<semaphore_mem>>) src(%dma_wait3A_240 : memref<4096xf32, #tpu.memory_space<vmem_shared>>) dst(%arg10 : memref<4096xf32, #tpu.memory_space<vmem>>)
        tpu.yield
      }) : () -> ()
      %scan3A_222 = arith.constant 0 : i32
      %scan3A_223 = arith.constant 0 : i32
      %scan3A_224 = arith.constant 256 : i32
      %scan3A_225 = arith.addi %scan3A_223, %scan3A_224 : i32
      %scan3A_226 = arith.constant 1 : i32
      scf.for %scan3A_239 = %scan3A_223 to %scan3A_225 step %scan3A_226  : i32 {
        %mul3A_240 = arith.constant 16 : i32
        %mul3A_241 = arith.muli %scan3A_239, %mul3A_240 : i32
        %get3A = arith.index_cast %mul3A_241 : i32 to index
        %get3A_242 = tpu.vector_load %arg11[%get3A] {strides = array<i32>} : memref<4096xf32, #tpu.memory_space<vmem>>, vector<16xf32>,
        %mul3A_243 = arith.constant 16 : i32
        %mul3A_244 = arith.muli %scan3A_239, %mul3A_243 : i32
        %get3A_245 = arith.index_cast %mul3A_244 : i32 to index
        %get3A_246 = tpu.vector_load %arg10[%get3A_245] {strides = array<i32>} : memref<4096xf32, #tpu.memory_space<vmem>>, vector<16xf32>,
        %add3A_247 = arith.addf %get3A_242, %get3A_246 : vector<16xf32>
        %mul3A_248 = arith.constant 16 : i32
        %mul3A_249 = arith.muli %scan3A_239, %mul3A_248 : i32
        %swap3A_250 = arith.index_cast %mul3A_249 : i32 to index
        %swap3A_251 = tpu.vector_load %arg11[%swap3A_250] {strides = array<i32>} : memref<4096xf32, #tpu.memory_space<vmem>>, vector<16xf32>,
        tpu.vector_store %arg11[%swap3A_250], %add3A_247 {strides = array<i32>} : memref<4096xf32, #tpu.memory_space<vmem>>, vector<16xf32>,
      }
      %scan3A_227 = arith.constant 256 : i32
      %add3A_228 = arith.constant 614400 : i32
      %add3A_229 = arith.addi %add3A_228, %mul3A_115 : i32
      "tpu.region"() ({
        %run_scoped3A = tpu.sem_alloc : memref<!tpu.dma_semaphore, #tpu.memory_space<semaphore_mem>>
        %dma_start3A = tpu.memref_slice %arg12[%add3A_229] : memref<655360xf32, #tpu.memory_space<vmem_shared>> -> memref<4096xf32, #tpu.memory_space<vmem_shared>>
        %dma_start3A_239 = tpu.memref_slice %arg12[%add3A_229] : memref<655360xf32, #tpu.memory_space<vmem_shared>> -> memref<4096xf32, #tpu.memory_space<vmem_shared>>
        tpu.enqueue_dma source(%dma_start3A_239 : memref<4096xf32, #tpu.memory_space<vmem_shared>>) target(%arg10 : memref<4096xf32, #tpu.memory_space<vmem>>) target_semaphore(%run_scoped3A : memref<!tpu.dma_semaphore, #tpu.memory_space<semaphore_mem>>)
        %dma_wait3A = tpu.memref_slice %arg12[%add3A_229] : memref<655360xf32, #tpu.memory_space<vmem_shared>> -> memref<4096xf32, #tpu.memory_space<vmem_shared>>
        %dma_wait3A_240 = tpu.memref_slice %arg12[%add3A_229] : memref<655360xf32, #tpu.memory_space<vmem_shared>> -> memref<4096xf32, #tpu.memory_space<vmem_shared>>
        tpu.wait_dma2 semaphore(%run_scoped3A : memref<!tpu.dma_semaphore, #tpu.memory_space<semaphore_mem>>) src(%dma_wait3A_240 : memref<4096xf32, #tpu.memory_space<vmem_shared>>) dst(%arg10 : memref<4096xf32, #tpu.memory_space<vmem>>)
        tpu.yield
      }) : () -> ()
      %scan3A_230 = arith.constant 0 : i32
      %scan3A_231 = arith.constant 0 : i32
      %scan3A_232 = arith.constant 256 : i32
      %scan3A_233 = arith.addi %scan3A_231, %scan3A_232 : i32
      %scan3A_234 = arith.constant 1 : i32
      scf.for %scan3A_239 = %scan3A_231 to %scan3A_233 step %scan3A_234  : i32 {
        %mul3A_240 = arith.constant 16 : i32
        %mul3A_241 = arith.muli %scan3A_239, %mul3A_240 : i32
        %get3A = arith.index_cast %mul3A_241 : i32 to index
        %get3A_242 = tpu.vector_load %arg11[%get3A] {strides = array<i32>} : memref<4096xf32, #tpu.memory_space<vmem>>, vector<16xf32>,
        %mul3A_243 = arith.constant 16 : i32
        %mul3A_244 = arith.muli %scan3A_239, %mul3A_243 : i32
        %get3A_245 = arith.index_cast %mul3A_244 : i32 to index
        %get3A_246 = tpu.vector_load %arg10[%get3A_245] {strides = array<i32>} : memref<4096xf32, #tpu.memory_space<vmem>>, vector<16xf32>,
        %add3A_247 = arith.addf %get3A_242, %get3A_246 : vector<16xf32>
        %mul3A_248 = arith.constant 16 : i32
        %mul3A_249 = arith.muli %scan3A_239, %mul3A_248 : i32
        %swap3A_250 = arith.index_cast %mul3A_249 : i32 to index
        %swap3A_251 = tpu.vector_load %arg11[%swap3A_250] {strides = array<i32>} : memref<4096xf32, #tpu.memory_space<vmem>>, vector<16xf32>,
        tpu.vector_store %arg11[%swap3A_250], %add3A_247 {strides = array<i32>} : memref<4096xf32, #tpu.memory_space<vmem>>, vector<16xf32>,
      }
      %scan3A_235 = arith.constant 256 : i32
      %mul3A_236 = arith.constant 40960 : i32
      %mul3A_237 = arith.muli %arg0, %mul3A_236 : i32
      %add3A_238 = arith.addi %mul3A_237, %mul3A_115 : i32
      "tpu.region"() ({
        %run_scoped3A = tpu.sem_alloc : memref<!tpu.dma_semaphore, #tpu.memory_space<semaphore_mem>>
        %dma_start3A = tpu.memref_slice %arg4[%add3A_238] : memref<81920xf32, #tpu.memory_space<hbm>> -> memref<4096xf32, #tpu.memory_space<hbm>>
        %dma_start3A_239 = tpu.memref_slice %arg4[%add3A_238] : memref<81920xf32, #tpu.memory_space<hbm>> -> memref<4096xf32, #tpu.memory_space<hbm>>
        tpu.enqueue_dma source(%arg11 : memref<4096xf32, #tpu.memory_space<vmem>>) target(%dma_start3A_239 : memref<4096xf32, #tpu.memory_space<hbm>>) target_semaphore(%run_scoped3A : memref<!tpu.dma_semaphore, #tpu.memory_space<semaphore_mem>>)
        %dma_wait3A = tpu.memref_slice %arg4[%add3A_238] : memref<81920xf32, #tpu.memory_space<hbm>> -> memref<4096xf32, #tpu.memory_space<hbm>>
        %dma_wait3A_240 = tpu.memref_slice %arg4[%add3A_238] : memref<81920xf32, #tpu.memory_space<hbm>> -> memref<4096xf32, #tpu.memory_space<hbm>>
        tpu.wait_dma2 semaphore(%run_scoped3A : memref<!tpu.dma_semaphore, #tpu.memory_space<semaphore_mem>>) src(%arg11 : memref<4096xf32, #tpu.memory_space<vmem>>) dst(%dma_wait3A_240 : memref<4096xf32, #tpu.memory_space<hbm>>)
        tpu.yield
      }) : () -> ()
    } else {
    }
    return
  }
}

module attributes {stable_mosaic.version = 14 : i64} {
  func.func @_eattn_body(%arg0: i32, %arg1: memref<4000x16xf32, #tpu.memory_space<vmem>>, %arg2: memref<16x4xf32, #tpu.memory_space<vmem>>, %arg3: memref<4000x4xf32, #tpu.memory_space<vmem>>, %arg4: memref<1x4xf32, #tpu.memory_space<vmem>>) attributes {dimension_semantics = [#tpu.dimension_semantics<arbitrary>], iteration_bounds = array<i64: 40>, scalar_prefetch = 0 : i64, scratch_operands = 0 : i64, tpu.core_type = #tpu.core_type<tc>, window_params = [{transform_indices = @transform_0, window_bounds = array<i64: 4000, 16>}, {pipeline_mode = #tpu.pipeline_mode<synchronous>, transform_indices = @transform_1, window_bounds = array<i64: 16, 4>}, {transform_indices = @transform_2, window_bounds = array<i64: 4000, 4>}, {pipeline_mode = #tpu.pipeline_mode<synchronous>, transform_indices = @transform_3, window_bounds = array<i64: 1, 4>}]} {
    %get3A = arith.constant 0 : index
    %get3A_0 = arith.constant 0 : index
    %get3A_1 = vector.load %arg1[%get3A, %get3A_0] : memref<4000x16xf32, #tpu.memory_space<vmem>>, vector<4000x16xf32>
    %get3A_2 = arith.constant 0 : index
    %get3A_3 = arith.constant 0 : index
    %get3A_4 = vector.load %arg2[%get3A_2, %get3A_3] : memref<16x4xf32, #tpu.memory_space<vmem>>, vector<16x4xf32>
    %dot_general3A = arith.constant dense<0.000000e+00> : vector<4000x4xf32>
    %dot_general3A_5 = tpu.matmul %get3A_1, %get3A_4, %dot_general3A {dimension_numbers = #tpu.dot_dimension_numbers<[1], [0], [0], [1], [0, 0, 1, 1], [], []>, transpose_lhs_hint = false} : vector<4000x16xf32>, vector<16x4xf32>, vector<4000x4xf32> -> vector<4000x4xf32>
    %swap3A = arith.constant 0 : index
    %swap3A_6 = arith.constant 0 : index
    %swap3A_7 = vector.load %arg3[%swap3A, %swap3A_6] : memref<4000x4xf32, #tpu.memory_space<vmem>>, vector<4000x4xf32>
    tpu.vector_store %arg3[%swap3A, %swap3A_6], %dot_general3A_5 {strides = array<i32>} : memref<4000x4xf32, #tpu.memory_space<vmem>>, vector<4000x4xf32>,
    %eq3A = arith.constant 0 : i32
    %eq3A_8 = arith.cmpi eq, %arg0, %eq3A : i32
    %convert_element_type3A = arith.extui %eq3A_8 : i1 to i32
    %cond3A = arith.constant 0 : i32
    %cond3A_9 = arith.cmpi ne, %convert_element_type3A, %cond3A : i32
    scf.if %cond3A_9 {
      %broadcast_in_dim3A_17 = arith.constant 0xFF800000 : f32
      %broadcast_in_dim3A_18 = vector.broadcast %broadcast_in_dim3A_17 : f32 to vector<1x4xf32>
      %swap3A_19 = arith.constant 0 : index
      %swap3A_20 = arith.constant 0 : index
      %swap3A_21 = vector.load %arg4[%swap3A_19, %swap3A_20] : memref<1x4xf32, #tpu.memory_space<vmem>>, vector<1x4xf32>
      tpu.vector_store %arg4[%swap3A_19, %swap3A_20], %broadcast_in_dim3A_18 {strides = array<i32>} : memref<1x4xf32, #tpu.memory_space<vmem>>, vector<1x4xf32>,
    } else {
    }
    %get3A_10 = arith.constant 0 : index
    %get3A_11 = arith.constant 0 : index
    %get3A_12 = vector.load %arg4[%get3A_10, %get3A_11] : memref<1x4xf32, #tpu.memory_space<vmem>>, vector<1x4xf32>
    %reduce_max3A = arith.constant dense<0xFF800000> : vector<4xf32>
    %reduce_max3A_13 = vector.multi_reduction <maximumf>, %dot_general3A_5, %reduce_max3A [0] : vector<4000x4xf32> to vector<4xf32>
    %broadcast_in_dim3A = vector.shape_cast %reduce_max3A_13 : vector<4xf32> to vector<1x4xf32>
    %max3A = arith.maximumf %get3A_12, %broadcast_in_dim3A : vector<1x4xf32>
    %swap3A_14 = arith.constant 0 : index
    %swap3A_15 = arith.constant 0 : index
    %swap3A_16 = vector.load %arg4[%swap3A_14, %swap3A_15] : memref<1x4xf32, #tpu.memory_space<vmem>>, vector<1x4xf32>
    tpu.vector_store %arg4[%swap3A_14, %swap3A_15], %max3A {strides = array<i32>} : memref<1x4xf32, #tpu.memory_space<vmem>>, vector<1x4xf32>,
    return
  }
  func.func @transform_0(%arg0: i32) -> (i32, i32) {
    %c0_i32 = arith.constant 0 : i32
    %c0_i32_0 = arith.constant 0 : i32
    return %arg0, %c0_i32 : i32, i32
  }
  func.func @transform_1(%arg0: i32) -> (i32, i32) {
    %c0_i32 = arith.constant 0 : i32
    %c0_i32_0 = arith.constant 0 : i32
    %c0_i32_1 = arith.constant 0 : i32
    return %c0_i32, %c0_i32_0 : i32, i32
  }
  func.func @transform_2(%arg0: i32) -> (i32, i32) {
    %c0_i32 = arith.constant 0 : i32
    %c0_i32_0 = arith.constant 0 : i32
    return %arg0, %c0_i32 : i32, i32
  }
  func.func @transform_3(%arg0: i32) -> (i32, i32) {
    %c0_i32 = arith.constant 0 : i32
    %c0_i32_0 = arith.constant 0 : i32
    %c0_i32_1 = arith.constant 0 : i32
    return %c0_i32, %c0_i32_0 : i32, i32
  }
}

module attributes {stable_mosaic.version = 14 : i64} {
  func.func @_proj_body(%arg0: i32, %arg1: memref<400x256xf32, #tpu.memory_space<vmem>>, %arg2: memref<256x256xf32, #tpu.memory_space<vmem>>, %arg3: memref<256x256xf32, #tpu.memory_space<vmem>>, %arg4: memref<1x256xf32, #tpu.memory_space<vmem>>, %arg5: memref<256x4xf32, #tpu.memory_space<vmem>>, %arg6: memref<400x128xf32, #tpu.memory_space<vmem>>, %arg7: memref<400x128xf32, #tpu.memory_space<vmem>>, %arg8: memref<400x256xf32, #tpu.memory_space<vmem>>, %arg9: memref<400x4xf32, #tpu.memory_space<vmem>>, %arg10: memref<400x4xf32, #tpu.memory_space<vmem>>, %arg11: memref<1x8xf32, #tpu.memory_space<vmem>>) attributes {dimension_semantics = [#tpu.dimension_semantics<arbitrary>], iteration_bounds = array<i64: 25>, scalar_prefetch = 0 : i64, scratch_operands = 0 : i64, tpu.core_type = #tpu.core_type<tc>, window_params = [{transform_indices = @transform_0, window_bounds = array<i64: 400, 256>}, {pipeline_mode = #tpu.pipeline_mode<synchronous>, transform_indices = @transform_1, window_bounds = array<i64: 256, 256>}, {pipeline_mode = #tpu.pipeline_mode<synchronous>, transform_indices = @transform_2, window_bounds = array<i64: 256, 256>}, {pipeline_mode = #tpu.pipeline_mode<synchronous>, transform_indices = @transform_3, window_bounds = array<i64: 1, 256>}, {pipeline_mode = #tpu.pipeline_mode<synchronous>, transform_indices = @transform_4, window_bounds = array<i64: 256, 4>}, {transform_indices = @transform_5, window_bounds = array<i64: 400, 128>}, {transform_indices = @transform_6, window_bounds = array<i64: 400, 128>}, {transform_indices = @transform_7, window_bounds = array<i64: 400, 256>}, {transform_indices = @transform_8, window_bounds = array<i64: 400, 4>}, {transform_indices = @transform_9, window_bounds = array<i64: 400, 4>}, {pipeline_mode = #tpu.pipeline_mode<synchronous>, transform_indices = @transform_10, window_bounds = array<i64: 1, 8>}]} {
    %get3A = arith.constant 0 : index
    %get3A_0 = arith.constant 0 : index
    %get3A_1 = vector.load %arg1[%get3A, %get3A_0] : memref<400x256xf32, #tpu.memory_space<vmem>>, vector<400x256xf32>
    %get3A_2 = arith.constant 0 : index
    %get3A_3 = arith.constant 0 : index
    %get3A_4 = vector.load %arg2[%get3A_2, %get3A_3] : memref<256x256xf32, #tpu.memory_space<vmem>>, vector<256x256xf32>
    %dot_general3A = arith.constant dense<0.000000e+00> : vector<400x256xf32>
    %dot_general3A_5 = tpu.matmul %get3A_1, %get3A_4, %dot_general3A {dimension_numbers = #tpu.dot_dimension_numbers<[1], [0], [0], [1], [0, 0, 1, 1], [], []>, transpose_lhs_hint = false} : vector<400x256xf32>, vector<256x256xf32>, vector<400x256xf32> -> vector<400x256xf32>
    %get3A_6 = arith.constant 0 : index
    %get3A_7 = arith.constant 0 : index
    %get3A_8 = vector.load %arg3[%get3A_6, %get3A_7] : memref<256x256xf32, #tpu.memory_space<vmem>>, vector<256x256xf32>
    %dot_general3A_9 = arith.constant dense<0.000000e+00> : vector<400x256xf32>
    %dot_general3A_10 = tpu.matmul %get3A_1, %get3A_8, %dot_general3A_9 {dimension_numbers = #tpu.dot_dimension_numbers<[1], [0], [0], [1], [0, 0, 1, 1], [], []>, transpose_lhs_hint = false} : vector<400x256xf32>, vector<256x256xf32>, vector<400x256xf32> -> vector<400x256xf32>
    %get3A_11 = arith.constant 0 : index
    %get3A_12 = arith.constant 0 : index
    %get3A_13 = vector.load %arg4[%get3A_11, %get3A_12] : memref<1x256xf32, #tpu.memory_space<vmem>>, vector<1x256xf32>
    %add3A = vector.broadcast %get3A_13 : vector<1x256xf32> to vector<400x256xf32>
    %add3A_14 = arith.addf %dot_general3A_10, %add3A : vector<400x256xf32>
    %slice3A = vector.extract_strided_slice %dot_general3A_5 {offsets = [0, 0], sizes = [400, 128], strides = [1, 1]} : vector<400x256xf32> to vector<400x128xf32>
    %swap3A = arith.constant 0 : index
    %swap3A_15 = arith.constant 0 : index
    %swap3A_16 = vector.load %arg6[%swap3A, %swap3A_15] : memref<400x128xf32, #tpu.memory_space<vmem>>, vector<400x128xf32>
    tpu.vector_store %arg6[%swap3A, %swap3A_15], %slice3A {strides = array<i32>} : memref<400x128xf32, #tpu.memory_space<vmem>>, vector<400x128xf32>,
    %slice3A_17 = vector.extract_strided_slice %dot_general3A_5 {offsets = [0, 128], sizes = [400, 128], strides = [1, 1]} : vector<400x256xf32> to vector<400x128xf32>
    %swap3A_18 = arith.constant 0 : index
    %swap3A_19 = arith.constant 0 : index
    %swap3A_20 = vector.load %arg7[%swap3A_18, %swap3A_19] : memref<400x128xf32, #tpu.memory_space<vmem>>, vector<400x128xf32>
    tpu.vector_store %arg7[%swap3A_18, %swap3A_19], %slice3A_17 {strides = array<i32>} : memref<400x128xf32, #tpu.memory_space<vmem>>, vector<400x128xf32>,
    %swap3A_21 = arith.constant 0 : index
    %swap3A_22 = arith.constant 0 : index
    %swap3A_23 = vector.load %arg8[%swap3A_21, %swap3A_22] : memref<400x256xf32, #tpu.memory_space<vmem>>, vector<400x256xf32>
    tpu.vector_store %arg8[%swap3A_21, %swap3A_22], %add3A_14 {strides = array<i32>} : memref<400x256xf32, #tpu.memory_space<vmem>>, vector<400x256xf32>,
    %get3A_24 = arith.constant 0 : index
    %get3A_25 = arith.constant 0 : index
    %get3A_26 = vector.load %arg5[%get3A_24, %get3A_25] : memref<256x4xf32, #tpu.memory_space<vmem>>, vector<256x4xf32>
    %ge3A = arith.constant 0.000000e+00 : f32
    %ge3A_27 = vector.broadcast %ge3A : f32 to vector<400x256xf32>
    %ge3A_28 = arith.cmpf oge, %dot_general3A_5, %ge3A_27 : vector<400x256xf32>
    %mul3A = arith.constant 2.000000e-01 : f32
    %mul3A_29 = vector.broadcast %mul3A : f32 to vector<400x256xf32>
    %mul3A_30 = arith.mulf %mul3A_29, %dot_general3A_5 : vector<400x256xf32>
    %select_n3A = arith.select %ge3A_28, %dot_general3A_5, %mul3A_30 : vector<400x256xi1>, vector<400x256xf32>
    %dot_general3A_31 = arith.constant dense<0.000000e+00> : vector<400x4xf32>
    %dot_general3A_32 = tpu.matmul %select_n3A, %get3A_26, %dot_general3A_31 {dimension_numbers = #tpu.dot_dimension_numbers<[1], [0], [0], [1], [0, 0, 1, 1], [], []>, transpose_lhs_hint = false} : vector<400x256xf32>, vector<256x4xf32>, vector<400x4xf32> -> vector<400x4xf32>
    %ge3A_33 = arith.constant 0.000000e+00 : f32
    %ge3A_34 = vector.broadcast %ge3A_33 : f32 to vector<400x256xf32>
    %ge3A_35 = arith.cmpf oge, %add3A_14, %ge3A_34 : vector<400x256xf32>
    %mul3A_36 = arith.constant 2.000000e-01 : f32
    %mul3A_37 = vector.broadcast %mul3A_36 : f32 to vector<400x256xf32>
    %mul3A_38 = arith.mulf %mul3A_37, %add3A_14 : vector<400x256xf32>
    %select_n3A_39 = arith.select %ge3A_35, %add3A_14, %mul3A_38 : vector<400x256xi1>, vector<400x256xf32>
    %dot_general3A_40 = arith.constant dense<0.000000e+00> : vector<400x4xf32>
    %dot_general3A_41 = tpu.matmul %select_n3A_39, %get3A_26, %dot_general3A_40 {dimension_numbers = #tpu.dot_dimension_numbers<[1], [0], [0], [1], [0, 0, 1, 1], [], []>, transpose_lhs_hint = false} : vector<400x256xf32>, vector<256x4xf32>, vector<400x4xf32> -> vector<400x4xf32>
    %swap3A_42 = arith.constant 0 : index
    %swap3A_43 = arith.constant 0 : index
    %swap3A_44 = vector.load %arg9[%swap3A_42, %swap3A_43] : memref<400x4xf32, #tpu.memory_space<vmem>>, vector<400x4xf32>
    tpu.vector_store %arg9[%swap3A_42, %swap3A_43], %dot_general3A_32 {strides = array<i32>} : memref<400x4xf32, #tpu.memory_space<vmem>>, vector<400x4xf32>,
    %swap3A_45 = arith.constant 0 : index
    %swap3A_46 = arith.constant 0 : index
    %swap3A_47 = vector.load %arg10[%swap3A_45, %swap3A_46] : memref<400x4xf32, #tpu.memory_space<vmem>>, vector<400x4xf32>
    tpu.vector_store %arg10[%swap3A_45, %swap3A_46], %dot_general3A_41 {strides = array<i32>} : memref<400x4xf32, #tpu.memory_space<vmem>>, vector<400x4xf32>,
    %reduce_max3A = arith.constant dense<0xFF800000> : vector<4xf32>
    %reduce_max3A_48 = vector.multi_reduction <maximumf>, %dot_general3A_32, %reduce_max3A [0] : vector<400x4xf32> to vector<4xf32>
    %broadcast_in_dim3A = vector.shape_cast %reduce_max3A_48 : vector<4xf32> to vector<1x4xf32>
    %reduce_max3A_49 = arith.constant dense<0xFF800000> : vector<4xf32>
    %reduce_max3A_50 = vector.multi_reduction <maximumf>, %dot_general3A_41, %reduce_max3A_49 [0] : vector<400x4xf32> to vector<4xf32>
    %broadcast_in_dim3A_51 = vector.shape_cast %reduce_max3A_50 : vector<4xf32> to vector<1x4xf32>
    %concatenate3A = tpu.concatenate %broadcast_in_dim3A, %broadcast_in_dim3A_51 in 1 : vector<1x4xf32>, vector<1x4xf32> -> vector<1x8xf32>
    %eq3A = arith.constant 0 : i32
    %eq3A_52 = arith.cmpi eq, %arg0, %eq3A : i32
    %convert_element_type3A = arith.extui %eq3A_52 : i1 to i32
    %cond3A = arith.constant 0 : i32
    %cond3A_53 = arith.cmpi ne, %convert_element_type3A, %cond3A : i32
    scf.if %cond3A_53 {
      %broadcast_in_dim3A_60 = arith.constant 0xFF800000 : f32
      %broadcast_in_dim3A_61 = vector.broadcast %broadcast_in_dim3A_60 : f32 to vector<1x8xf32>
      %swap3A_62 = arith.constant 0 : index
      %swap3A_63 = arith.constant 0 : index
      %swap3A_64 = vector.load %arg11[%swap3A_62, %swap3A_63] : memref<1x8xf32, #tpu.memory_space<vmem>>, vector<1x8xf32>
      tpu.vector_store %arg11[%swap3A_62, %swap3A_63], %broadcast_in_dim3A_61 {strides = array<i32>} : memref<1x8xf32, #tpu.memory_space<vmem>>, vector<1x8xf32>,
    } else {
    }
    %get3A_54 = arith.constant 0 : index
    %get3A_55 = arith.constant 0 : index
    %get3A_56 = vector.load %arg11[%get3A_54, %get3A_55] : memref<1x8xf32, #tpu.memory_space<vmem>>, vector<1x8xf32>
    %max3A = arith.maximumf %get3A_56, %concatenate3A : vector<1x8xf32>
    %swap3A_57 = arith.constant 0 : index
    %swap3A_58 = arith.constant 0 : index
    %swap3A_59 = vector.load %arg11[%swap3A_57, %swap3A_58] : memref<1x8xf32, #tpu.memory_space<vmem>>, vector<1x8xf32>
    tpu.vector_store %arg11[%swap3A_57, %swap3A_58], %max3A {strides = array<i32>} : memref<1x8xf32, #tpu.memory_space<vmem>>, vector<1x8xf32>,
    return
  }
  func.func @transform_0(%arg0: i32) -> (i32, i32) {
    %c0_i32 = arith.constant 0 : i32
    %c0_i32_0 = arith.constant 0 : i32
    return %arg0, %c0_i32 : i32, i32
  }
  func.func @transform_1(%arg0: i32) -> (i32, i32) {
    %c0_i32 = arith.constant 0 : i32
    %c0_i32_0 = arith.constant 0 : i32
    %c0_i32_1 = arith.constant 0 : i32
    return %c0_i32, %c0_i32_0 : i32, i32
  }
  func.func @transform_2(%arg0: i32) -> (i32, i32) {
    %c0_i32 = arith.constant 0 : i32
    %c0_i32_0 = arith.constant 0 : i32
    %c0_i32_1 = arith.constant 0 : i32
    return %c0_i32, %c0_i32_0 : i32, i32
  }
  func.func @transform_3(%arg0: i32) -> (i32, i32) {
    %c0_i32 = arith.constant 0 : i32
    %c0_i32_0 = arith.constant 0 : i32
    %c0_i32_1 = arith.constant 0 : i32
    return %c0_i32, %c0_i32_0 : i32, i32
  }
  func.func @transform_4(%arg0: i32) -> (i32, i32) {
    %c0_i32 = arith.constant 0 : i32
    %c0_i32_0 = arith.constant 0 : i32
    %c0_i32_1 = arith.constant 0 : i32
    return %c0_i32, %c0_i32_0 : i32, i32
  }
  func.func @transform_5(%arg0: i32) -> (i32, i32) {
    %c0_i32 = arith.constant 0 : i32
    %c0_i32_0 = arith.constant 0 : i32
    return %arg0, %c0_i32 : i32, i32
  }
  func.func @transform_6(%arg0: i32) -> (i32, i32) {
    %c0_i32 = arith.constant 0 : i32
    %c0_i32_0 = arith.constant 0 : i32
    return %arg0, %c0_i32 : i32, i32
  }
  func.func @transform_7(%arg0: i32) -> (i32, i32) {
    %c0_i32 = arith.constant 0 : i32
    %c0_i32_0 = arith.constant 0 : i32
    return %arg0, %c0_i32 : i32, i32
  }
  func.func @transform_8(%arg0: i32) -> (i32, i32) {
    %c0_i32 = arith.constant 0 : i32
    %c0_i32_0 = arith.constant 0 : i32
    return %arg0, %c0_i32 : i32, i32
  }
  func.func @transform_9(%arg0: i32) -> (i32, i32) {
    %c0_i32 = arith.constant 0 : i32
    %c0_i32_0 = arith.constant 0 : i32
    return %arg0, %c0_i32 : i32, i32
  }
  func.func @transform_10(%arg0: i32) -> (i32, i32) {
    %c0_i32 = arith.constant 0 : i32
    %c0_i32_0 = arith.constant 0 : i32
    %c0_i32_1 = arith.constant 0 : i32
    return %c0_i32, %c0_i32_0 : i32, i32
  }
}

module attributes {stable_mosaic.version = 14 : i64} {
  func.func @_gate_body(%arg0: i32, %arg1: memref<400x128xf32, #tpu.memory_space<vmem>>, %arg2: memref<400x128xf32, #tpu.memory_space<vmem>>, %arg3: memref<400x256xf32, #tpu.memory_space<vmem>>, %arg4: memref<256x8xf32, #tpu.memory_space<vmem>>, %arg5: memref<400x256xf32, #tpu.memory_space<vmem>>, %arg6: memref<400x8xf32, #tpu.memory_space<vmem>>) attributes {dimension_semantics = [#tpu.dimension_semantics<arbitrary>], iteration_bounds = array<i64: 25>, scalar_prefetch = 0 : i64, scratch_operands = 0 : i64, tpu.core_type = #tpu.core_type<tc>, window_params = [{transform_indices = @transform_0, window_bounds = array<i64: 400, 128>}, {transform_indices = @transform_1, window_bounds = array<i64: 400, 128>}, {transform_indices = @transform_2, window_bounds = array<i64: 400, 256>}, {pipeline_mode = #tpu.pipeline_mode<synchronous>, transform_indices = @transform_3, window_bounds = array<i64: 256, 8>}, {transform_indices = @transform_4, window_bounds = array<i64: 400, 256>}, {transform_indices = @transform_5, window_bounds = array<i64: 400, 8>}]} {
    %get3A = arith.constant 0 : index
    %get3A_0 = arith.constant 0 : index
    %get3A_1 = vector.load %arg1[%get3A, %get3A_0] : memref<400x128xf32, #tpu.memory_space<vmem>>, vector<400x128xf32>
    %get3A_2 = arith.constant 0 : index
    %get3A_3 = arith.constant 0 : index
    %get3A_4 = vector.load %arg2[%get3A_2, %get3A_3] : memref<400x128xf32, #tpu.memory_space<vmem>>, vector<400x128xf32>
    %concatenate3A = tpu.concatenate %get3A_1, %get3A_4 in 1 : vector<400x128xf32>, vector<400x128xf32> -> vector<400x256xf32>
    %get3A_5 = arith.constant 0 : index
    %get3A_6 = arith.constant 0 : index
    %get3A_7 = vector.load %arg3[%get3A_5, %get3A_6] : memref<400x256xf32, #tpu.memory_space<vmem>>, vector<400x256xf32>
    %add3A = arith.addf %concatenate3A, %get3A_7 : vector<400x256xf32>
    %swap3A = arith.constant 0 : index
    %swap3A_8 = arith.constant 0 : index
    %swap3A_9 = vector.load %arg5[%swap3A, %swap3A_8] : memref<400x256xf32, #tpu.memory_space<vmem>>, vector<400x256xf32>
    tpu.vector_store %arg5[%swap3A, %swap3A_8], %add3A {strides = array<i32>} : memref<400x256xf32, #tpu.memory_space<vmem>>, vector<400x256xf32>,
    %get3A_10 = arith.constant 0 : index
    %get3A_11 = arith.constant 0 : index
    %get3A_12 = vector.load %arg4[%get3A_10, %get3A_11] : memref<256x8xf32, #tpu.memory_space<vmem>>, vector<256x8xf32>
    %dot_general3A = arith.constant dense<0.000000e+00> : vector<400x8xf32>
    %dot_general3A_13 = tpu.matmul %add3A, %get3A_12, %dot_general3A {dimension_numbers = #tpu.dot_dimension_numbers<[1], [0], [0], [1], [0, 0, 1, 1], [], []>, transpose_lhs_hint = false} : vector<400x256xf32>, vector<256x8xf32>, vector<400x8xf32> -> vector<400x8xf32>
    %iota3A = tpu.iota {dimensions = array<i32: 1>} : vector<400x8xi32>
    %reduce_max3A = arith.constant dense<0xFF800000> : vector<400xf32>
    %reduce_max3A_14 = vector.multi_reduction <maximumf>, %dot_general3A_13, %reduce_max3A [1] : vector<400x8xf32> to vector<400xf32>
    %broadcast_in_dim3A = vector.shape_cast %reduce_max3A_14 : vector<400xf32> to vector<400x1xf32>
    %eq3A = vector.broadcast %broadcast_in_dim3A : vector<400x1xf32> to vector<400x8xf32>
    %eq3A_15 = arith.cmpf oeq, %dot_general3A_13, %eq3A : vector<400x8xf32>
    %jit3A = arith.constant 8 : i32
    %broadcast_in_dim3A_16 = vector.broadcast %jit3A : i32 to vector<400x8xi32>
    %select_n3A = arith.select %eq3A_15, %iota3A, %broadcast_in_dim3A_16 : vector<400x8xi1>, vector<400x8xi32>
    %reduce_min3A = arith.constant dense<2147483647> : vector<400xi32>
    %reduce_min3A_17 = vector.multi_reduction <minsi>, %select_n3A, %reduce_min3A [1] : vector<400x8xi32> to vector<400xi32>
    %broadcast_in_dim3A_18 = vector.shape_cast %reduce_min3A_17 : vector<400xi32> to vector<400x1xi32>
    %eq3A_19 = vector.broadcast %broadcast_in_dim3A_18 : vector<400x1xi32> to vector<400x8xi32>
    %eq3A_20 = arith.cmpi eq, %iota3A, %eq3A_19 : vector<400x8xi32>
    %jit3A_21 = arith.constant 0xFF800000 : f32
    %broadcast_in_dim3A_22 = vector.broadcast %jit3A_21 : f32 to vector<400x8xf32>
    %select_n3A_23 = arith.select %eq3A_20, %broadcast_in_dim3A_22, %dot_general3A_13 : vector<400x8xi1>, vector<400x8xf32>
    %reduce_max3A_24 = arith.constant dense<0xFF800000> : vector<400xf32>
    %reduce_max3A_25 = vector.multi_reduction <maximumf>, %select_n3A_23, %reduce_max3A_24 [1] : vector<400x8xf32> to vector<400xf32>
    %broadcast_in_dim3A_26 = vector.shape_cast %reduce_max3A_25 : vector<400xf32> to vector<400x1xf32>
    %eq3A_27 = vector.broadcast %broadcast_in_dim3A_26 : vector<400x1xf32> to vector<400x8xf32>
    %eq3A_28 = arith.cmpf oeq, %select_n3A_23, %eq3A_27 : vector<400x8xf32>
    %jit3A_29 = arith.constant 8 : i32
    %broadcast_in_dim3A_30 = vector.broadcast %jit3A_29 : i32 to vector<400x8xi32>
    %select_n3A_31 = arith.select %eq3A_28, %iota3A, %broadcast_in_dim3A_30 : vector<400x8xi1>, vector<400x8xi32>
    %reduce_min3A_32 = arith.constant dense<2147483647> : vector<400xi32>
    %reduce_min3A_33 = vector.multi_reduction <minsi>, %select_n3A_31, %reduce_min3A_32 [1] : vector<400x8xi32> to vector<400xi32>
    %broadcast_in_dim3A_34 = vector.shape_cast %reduce_min3A_33 : vector<400xi32> to vector<400x1xi32>
    %sub3A = arith.subf %broadcast_in_dim3A_26, %broadcast_in_dim3A : vector<400x1xf32>
    %exp3A = math.exp %sub3A : vector<400x1xf32>
    %add3A_35 = arith.constant 1.000000e+00 : f32
    %add3A_36 = vector.broadcast %add3A_35 : f32 to vector<400x1xf32>
    %add3A_37 = arith.addf %add3A_36, %exp3A : vector<400x1xf32>
    %div3A = arith.constant 1.000000e+00 : f32
    %div3A_38 = vector.broadcast %div3A : f32 to vector<400x1xf32>
    %div3A_39 = arith.divf %div3A_38, %add3A_37 : vector<400x1xf32>
    %add3A_40 = arith.constant 1.000000e+00 : f32
    %add3A_41 = vector.broadcast %add3A_40 : f32 to vector<400x1xf32>
    %add3A_42 = arith.addf %add3A_41, %exp3A : vector<400x1xf32>
    %div3A_43 = arith.divf %exp3A, %add3A_42 : vector<400x1xf32>
    %eq3A_44 = vector.broadcast %broadcast_in_dim3A_18 : vector<400x1xi32> to vector<400x8xi32>
    %eq3A_45 = arith.cmpi eq, %iota3A, %eq3A_44 : vector<400x8xi32>
    %jit3A_46 = arith.constant 0.000000e+00 : f32
    %broadcast_in_dim3A_47 = vector.shape_cast %div3A_39 : vector<400x1xf32> to vector<400x1xf32>
    %broadcast_in_dim3A_48 = vector.broadcast %broadcast_in_dim3A_47 : vector<400x1xf32> to vector<400x8xf32>
    %broadcast_in_dim3A_49 = vector.broadcast %jit3A_46 : f32 to vector<400x8xf32>
    %select_n3A_50 = arith.select %eq3A_45, %broadcast_in_dim3A_48, %broadcast_in_dim3A_49 : vector<400x8xi1>, vector<400x8xf32>
    %eq3A_51 = vector.broadcast %broadcast_in_dim3A_34 : vector<400x1xi32> to vector<400x8xi32>
    %eq3A_52 = arith.cmpi eq, %iota3A, %eq3A_51 : vector<400x8xi32>
    %jit3A_53 = arith.constant 0.000000e+00 : f32
    %broadcast_in_dim3A_54 = vector.shape_cast %div3A_43 : vector<400x1xf32> to vector<400x1xf32>
    %broadcast_in_dim3A_55 = vector.broadcast %broadcast_in_dim3A_54 : vector<400x1xf32> to vector<400x8xf32>
    %broadcast_in_dim3A_56 = vector.broadcast %jit3A_53 : f32 to vector<400x8xf32>
    %select_n3A_57 = arith.select %eq3A_52, %broadcast_in_dim3A_55, %broadcast_in_dim3A_56 : vector<400x8xi1>, vector<400x8xf32>
    %add3A_58 = arith.addf %select_n3A_50, %select_n3A_57 : vector<400x8xf32>
    %swap3A_59 = arith.constant 0 : index
    %swap3A_60 = arith.constant 0 : index
    %swap3A_61 = vector.load %arg6[%swap3A_59, %swap3A_60] : memref<400x8xf32, #tpu.memory_space<vmem>>, vector<400x8xf32>
    tpu.vector_store %arg6[%swap3A_59, %swap3A_60], %add3A_58 {strides = array<i32>} : memref<400x8xf32, #tpu.memory_space<vmem>>, vector<400x8xf32>,
    return
  }
  func.func @transform_0(%arg0: i32) -> (i32, i32) {
    %c0_i32 = arith.constant 0 : i32
    %c0_i32_0 = arith.constant 0 : i32
    return %arg0, %c0_i32 : i32, i32
  }
  func.func @transform_1(%arg0: i32) -> (i32, i32) {
    %c0_i32 = arith.constant 0 : i32
    %c0_i32_0 = arith.constant 0 : i32
    return %arg0, %c0_i32 : i32, i32
  }
  func.func @transform_2(%arg0: i32) -> (i32, i32) {
    %c0_i32 = arith.constant 0 : i32
    %c0_i32_0 = arith.constant 0 : i32
    return %arg0, %c0_i32 : i32, i32
  }
  func.func @transform_3(%arg0: i32) -> (i32, i32) {
    %c0_i32 = arith.constant 0 : i32
    %c0_i32_0 = arith.constant 0 : i32
    %c0_i32_1 = arith.constant 0 : i32
    return %c0_i32, %c0_i32_0 : i32, i32
  }
  func.func @transform_4(%arg0: i32) -> (i32, i32) {
    %c0_i32 = arith.constant 0 : i32
    %c0_i32_0 = arith.constant 0 : i32
    return %arg0, %c0_i32 : i32, i32
  }
  func.func @transform_5(%arg0: i32) -> (i32, i32) {
    %c0_i32 = arith.constant 0 : i32
    %c0_i32_0 = arith.constant 0 : i32
    return %arg0, %c0_i32 : i32, i32
  }
}

module attributes {stable_mosaic.version = 14 : i64} {
  func.func @_moe_body(%arg0: i32, %arg1: i32, %arg2: memref<400x256xbf16, #tpu.memory_space<vmem>>, %arg3: memref<1x256x512xbf16, #tpu.memory_space<vmem>>, %arg4: memref<1x1x512xf32, #tpu.memory_space<vmem>>, %arg5: memref<1x512x256xbf16, #tpu.memory_space<vmem>>, %arg6: memref<1x1x256xf32, #tpu.memory_space<vmem>>, %arg7: memref<400x8xf32, #tpu.memory_space<vmem>>, %arg8: memref<400x256xf32, #tpu.memory_space<vmem>>) attributes {dimension_semantics = [#tpu.dimension_semantics<arbitrary>, #tpu.dimension_semantics<arbitrary>], iteration_bounds = array<i64: 25, 8>, scalar_prefetch = 0 : i64, scratch_operands = 0 : i64, tpu.core_type = #tpu.core_type<tc>, window_params = [{transform_indices = @transform_0, window_bounds = array<i64: 400, 256>}, {transform_indices = @transform_1, window_bounds = array<i64: 1, 256, 512>}, {transform_indices = @transform_2, window_bounds = array<i64: 1, 1, 512>}, {transform_indices = @transform_3, window_bounds = array<i64: 1, 512, 256>}, {transform_indices = @transform_4, window_bounds = array<i64: 1, 1, 256>}, {transform_indices = @transform_5, window_bounds = array<i64: 400, 8>}, {transform_indices = @transform_6, window_bounds = array<i64: 400, 256>}]} {
    %get3A = arith.constant 0 : index
    %get3A_0 = arith.constant 0 : index
    %get3A_1 = vector.load %arg2[%get3A, %get3A_0] : memref<400x256xbf16, #tpu.memory_space<vmem>>, vector<400x256xbf16>
    %get3A_2 = arith.constant 0 : index
    %get3A_3 = arith.constant 0 : index
    %get3A_4 = arith.constant 0 : index
    %get3A_5 = vector.load %arg3[%get3A_2, %get3A_3, %get3A_4] : memref<1x256x512xbf16, #tpu.memory_space<vmem>>, vector<1x256x512xbf16>
    %get3A_6 = vector.shape_cast %get3A_5 : vector<1x256x512xbf16> to vector<256x512xbf16>
    %dot_general3A = arith.constant dense<0.000000e+00> : vector<400x512xf32>
    %dot_general3A_7 = tpu.matmul %get3A_1, %get3A_6, %dot_general3A {dimension_numbers = #tpu.dot_dimension_numbers<[1], [0], [0], [1], [0, 0, 1, 1], [], []>, transpose_lhs_hint = false} : vector<400x256xbf16>, vector<256x512xbf16>, vector<400x512xf32> -> vector<400x512xf32>
    %get3A_8 = arith.constant 0 : index
    %get3A_9 = arith.constant 0 : index
    %get3A_10 = arith.constant 0 : index
    %get3A_11 = vector.load %arg4[%get3A_8, %get3A_9, %get3A_10] : memref<1x1x512xf32, #tpu.memory_space<vmem>>, vector<1x1x512xf32>
    %get3A_12 = vector.shape_cast %get3A_11 : vector<1x1x512xf32> to vector<1x512xf32>
    %add3A = vector.broadcast %get3A_12 : vector<1x512xf32> to vector<400x512xf32>
    %add3A_13 = arith.addf %dot_general3A_7, %add3A : vector<400x512xf32>
    %integer_pow3A = arith.mulf %add3A_13, %add3A_13 : vector<400x512xf32>
    %integer_pow3A_14 = arith.mulf %add3A_13, %integer_pow3A : vector<400x512xf32>
    %mul3A = arith.constant 4.471500e-02 : f32
    %mul3A_15 = vector.broadcast %mul3A : f32 to vector<400x512xf32>
    %mul3A_16 = arith.mulf %mul3A_15, %integer_pow3A_14 : vector<400x512xf32>
    %add3A_17 = arith.addf %add3A_13, %mul3A_16 : vector<400x512xf32>
    %mul3A_18 = arith.constant 0.797884583 : f32
    %mul3A_19 = vector.broadcast %mul3A_18 : f32 to vector<400x512xf32>
    %mul3A_20 = arith.mulf %mul3A_19, %add3A_17 : vector<400x512xf32>
    %tanh3A = math.tanh %mul3A_20 : vector<400x512xf32>
    %add3A_21 = arith.constant 1.000000e+00 : f32
    %add3A_22 = vector.broadcast %add3A_21 : f32 to vector<400x512xf32>
    %add3A_23 = arith.addf %add3A_22, %tanh3A : vector<400x512xf32>
    %mul3A_24 = arith.constant 5.000000e-01 : f32
    %mul3A_25 = vector.broadcast %mul3A_24 : f32 to vector<400x512xf32>
    %mul3A_26 = arith.mulf %mul3A_25, %add3A_23 : vector<400x512xf32>
    %mul3A_27 = arith.mulf %add3A_13, %mul3A_26 : vector<400x512xf32>
    %convert_element_type3A = arith.truncf %mul3A_27 : vector<400x512xf32> to vector<400x512xbf16>
    %get3A_28 = arith.constant 0 : index
    %get3A_29 = arith.constant 0 : index
    %get3A_30 = arith.constant 0 : index
    %get3A_31 = vector.load %arg5[%get3A_28, %get3A_29, %get3A_30] : memref<1x512x256xbf16, #tpu.memory_space<vmem>>, vector<1x512x256xbf16>
    %get3A_32 = vector.shape_cast %get3A_31 : vector<1x512x256xbf16> to vector<512x256xbf16>
    %dot_general3A_33 = arith.constant dense<0.000000e+00> : vector<400x256xf32>
    %dot_general3A_34 = tpu.matmul %convert_element_type3A, %get3A_32, %dot_general3A_33 {dimension_numbers = #tpu.dot_dimension_numbers<[1], [0], [0], [1], [0, 0, 1, 1], [], []>, transpose_lhs_hint = false} : vector<400x512xbf16>, vector<512x256xbf16>, vector<400x256xf32> -> vector<400x256xf32>
    %get3A_35 = arith.constant 0 : index
    %get3A_36 = arith.constant 0 : index
    %get3A_37 = arith.constant 0 : index
    %get3A_38 = vector.load %arg6[%get3A_35, %get3A_36, %get3A_37] : memref<1x1x256xf32, #tpu.memory_space<vmem>>, vector<1x1x256xf32>
    %get3A_39 = vector.shape_cast %get3A_38 : vector<1x1x256xf32> to vector<1x256xf32>
    %add3A_40 = vector.broadcast %get3A_39 : vector<1x256xf32> to vector<400x256xf32>
    %add3A_41 = arith.addf %dot_general3A_34, %add3A_40 : vector<400x256xf32>
    %iota3A = tpu.iota {dimensions = array<i32: 1>} : vector<400x8xi32>
    %eq3A = vector.broadcast %arg1 : i32 to vector<400x8xi32>
    %eq3A_42 = arith.cmpi eq, %iota3A, %eq3A : vector<400x8xi32>
    %get3A_43 = arith.constant 0 : index
    %get3A_44 = arith.constant 0 : index
    %get3A_45 = vector.load %arg7[%get3A_43, %get3A_44] : memref<400x8xf32, #tpu.memory_space<vmem>>, vector<400x8xf32>
    %jit3A = arith.constant 0.000000e+00 : f32
    %broadcast_in_dim3A = vector.broadcast %jit3A : f32 to vector<400x8xf32>
    %select_n3A = arith.select %eq3A_42, %get3A_45, %broadcast_in_dim3A : vector<400x8xi1>, vector<400x8xf32>
    %reduce_sum3A = arith.constant dense<0.000000e+00> : vector<400xf32>
    %reduce_sum3A_46 = vector.multi_reduction <add>, %select_n3A, %reduce_sum3A [1] : vector<400x8xf32> to vector<400xf32>
    %broadcast_in_dim3A_47 = vector.shape_cast %reduce_sum3A_46 : vector<400xf32> to vector<400x1xf32>
    %eq3A_48 = arith.constant 0 : i32
    %eq3A_49 = arith.cmpi eq, %arg1, %eq3A_48 : i32
    %convert_element_type3A_50 = arith.extui %eq3A_49 : i1 to i32
    %cond3A = arith.constant 0 : i32
    %cond3A_51 = arith.cmpi ne, %convert_element_type3A_50, %cond3A : i32
    scf.if %cond3A_51 {
      %broadcast_in_dim3A_60 = arith.constant 0.000000e+00 : f32
      %broadcast_in_dim3A_61 = vector.broadcast %broadcast_in_dim3A_60 : f32 to vector<400x256xf32>
      %swap3A_62 = arith.constant 0 : index
      %swap3A_63 = arith.constant 0 : index
      %swap3A_64 = vector.load %arg8[%swap3A_62, %swap3A_63] : memref<400x256xf32, #tpu.memory_space<vmem>>, vector<400x256xf32>
      tpu.vector_store %arg8[%swap3A_62, %swap3A_63], %broadcast_in_dim3A_61 {strides = array<i32>} : memref<400x256xf32, #tpu.memory_space<vmem>>, vector<400x256xf32>,
    } else {
    }
    %get3A_52 = arith.constant 0 : index
    %get3A_53 = arith.constant 0 : index
    %get3A_54 = vector.load %arg8[%get3A_52, %get3A_53] : memref<400x256xf32, #tpu.memory_space<vmem>>, vector<400x256xf32>
    %mul3A_55 = vector.broadcast %broadcast_in_dim3A_47 : vector<400x1xf32> to vector<400x256xf32>
    %mul3A_56 = arith.mulf %mul3A_55, %add3A_41 : vector<400x256xf32>
    %add3A_57 = arith.addf %get3A_54, %mul3A_56 : vector<400x256xf32>
    %swap3A = arith.constant 0 : index
    %swap3A_58 = arith.constant 0 : index
    %swap3A_59 = vector.load %arg8[%swap3A, %swap3A_58] : memref<400x256xf32, #tpu.memory_space<vmem>>, vector<400x256xf32>
    tpu.vector_store %arg8[%swap3A, %swap3A_58], %add3A_57 {strides = array<i32>} : memref<400x256xf32, #tpu.memory_space<vmem>>, vector<400x256xf32>,
    return
  }
  func.func @transform_0(%arg0: i32, %arg1: i32) -> (i32, i32) {
    %c0_i32 = arith.constant 0 : i32
    %c0_i32_0 = arith.constant 0 : i32
    return %arg0, %c0_i32 : i32, i32
  }
  func.func @transform_1(%arg0: i32, %arg1: i32) -> (i32, i32, i32) {
    %c0_i32 = arith.constant 0 : i32
    %c0_i32_0 = arith.constant 0 : i32
    %c0_i32_1 = arith.constant 0 : i32
    return %arg1, %c0_i32, %c0_i32_0 : i32, i32, i32
  }
  func.func @transform_2(%arg0: i32, %arg1: i32) -> (i32, i32, i32) {
    %c0_i32 = arith.constant 0 : i32
    %c0_i32_0 = arith.constant 0 : i32
    %c0_i32_1 = arith.constant 0 : i32
    return %arg1, %c0_i32, %c0_i32_0 : i32, i32, i32
  }
  func.func @transform_3(%arg0: i32, %arg1: i32) -> (i32, i32, i32) {
    %c0_i32 = arith.constant 0 : i32
    %c0_i32_0 = arith.constant 0 : i32
    %c0_i32_1 = arith.constant 0 : i32
    return %arg1, %c0_i32, %c0_i32_0 : i32, i32, i32
  }
  func.func @transform_4(%arg0: i32, %arg1: i32) -> (i32, i32, i32) {
    %c0_i32 = arith.constant 0 : i32
    %c0_i32_0 = arith.constant 0 : i32
    %c0_i32_1 = arith.constant 0 : i32
    return %arg1, %c0_i32, %c0_i32_0 : i32, i32, i32
  }
  func.func @transform_5(%arg0: i32, %arg1: i32) -> (i32, i32) {
    %c0_i32 = arith.constant 0 : i32
    %c0_i32_0 = arith.constant 0 : i32
    return %arg0, %c0_i32 : i32, i32
  }
  func.func @transform_6(%arg0: i32, %arg1: i32) -> (i32, i32) {
    %c0_i32 = arith.constant 0 : i32
    %c0_i32_0 = arith.constant 0 : i32
    return %arg0, %c0_i32 : i32, i32
  }
}

</mosaic_0001>

<sc_bundles>
// kernel: kernel.11.cloned.1.call-start
scs
__scs_entry_jumppad:
0x0: {  	(pc) =	sbr.rel $0x88, $3  }
0x1: {  	(tag) =	ssettag $0x0;
	lr =	simm.s32 $0x1  }
0x2: {  	[smem:$0x3F94] =	sst lr;
	_ =	strace $0xD0000000  }
0x3: {  	_ = 	snop  }
0x4: {  	_ = 	snop  }
0x5: {  	_ = 	snop  }
0x6: {  	_ = 	snop  }
0x7: {  	_ = 	snop  }
__scs_overlays_trampoline_lowered:
0x8: {  	[smem:$0x3FA3] =	sst s0  }
0x9: {  	[smem:$0x3FA4] =	sst s1  }
0xa: {  	[smem:$0x3FA5] =	sst s2  }
0xb: {  	[smem:$0x3FA6] =	sst s3  }
0xc: {  	[smem:$0x3FA7] =	sst s4  }
0xd: {  	[smem:$0x3FA8] =	sst s5  }
0xe: {  	[smem:$0x3FA9] =	sst s6  }
0xf: {  	[smem:$0x3FAA] =	sst s7  }
0x10: {  	[smem:$0x3FAB] =	sst s8  }
0x11: {  	[smem:$0x3FAC] =	sst s9;
	s0 =	simm.s32 @!p0 $0x0  }
0x12: {  	s1 =	sld [smem:$0x3F92];
	s0 =	simm.s32 @p0 $0x1  }
0x13: {  	[smem:$0x3FAD] =	sst s0;
	s0 =	simm.s32 @!p1 $0x0  }
0x14: {  	s2 =	sld [smem:$0x3F91];
	s0 =	simm.s32 @p1 $0x1  }
0x15: {  	[smem:$0x3FAE] =	sst s0;
	s0 =	simm.s32 @!p2 $0x0  }
0x16: {  	s3 =	sld [smem:$0x3FDB];
	s0 =	simm.s32 @p2 $0x1  }
0x17: {  	s4 =	simm.s32 $0x1BF5;
	[smem:$0x3FB0] =	sst s0  }
0x18: {  	s0 =	sld [smem:$0x3F93];
	_ =	swait.ge [sflag:s4], $0x0  }
0x19: {  	s7 =	sld [smem:$0x3F94]  }
0x1a: {  	s8 =	sadd.s32 $0xFFFFE003, lr  }
0x1b: {  	s9 =	sadd.s32 $0xFFFFFEF7, lr;
	s5 =	simm.s32 $0xFFFFFFFF;
	p2 =	slt.u32 s8, $0xFFFFF086  }
0x1c: {  	p1 =	slt.u32 s9, $0xF7A;
	s5 =	simm.s32 @!p2 $0x0  }
0x1d: {  	s5 =	simm.s32 @p1 $0x1;
	p0 =	seq.s32 s7, s2  }
0x1e: {  	s7 =	smul.u32 @!p0 $0xF7A, s2;
	p2 =	seq.s32 @!p0 s5, $0x0  }
0x1f: {  	s9 =	smul.u32 $0xF7A, s1;
	s8 =	simm.s32 @!p0 $0x1BF5;
	p2 =	por !p2, p0  }
0x20: {  	[sflag:s8] =	ssyncset.s32 @!p0 $0xFFFFF086;
	s6 =	sadd.s32 @!p0 s3, s7;
	s7 =	simm.s32 @!p0 $0x108  }
0x21: {  	s3 =	sadd.s32 s3, s9;
	s6 =	sadd.s32 @!p0 $0x88, s6;
	s7 =	simm.s32 @p2 $0x1082  }
0x22: {  	[simem:s7], [sflag:s8] =	dma.local @!p0 [hbm:s6], $0xF7A  }
0x23: {  	s9 =	sor.u32 $0xD0000000, s2;
	s6 =	simm.s32 $0x108;
	_ =	swait.ge @!p0 [sflag:s8], $0x0  }
0x24: {  	s3 =	sadd.s32 $0x88, s3;
	s6 =	simm.s32 @!p1 $0x1082;
	[sflag:s4] =	ssyncset.s32 $0xFFFFF086  }
0x25: {  	[simem:s6], [sflag:s4] =	dma.local [hbm:s3], $0xF7A  }
0x26: {  	[smem:$0x3F94] =	sst s1;
	(tag) =	ssettag s2;
	_ =	strace s9  }
0x27: {  	s1 =	sld [smem:$0x3FA4]  }
0x28: {  	s2 =	sld [smem:$0x3FA5]  }
0x29: {  	s4 =	sld [smem:$0x3FA7]  }
0x2a: {  	p0 =	seq.s32 s5, $0x0;
	s5 =	sld [smem:$0x3FA8]  }
0x2b: {  	s6 =	sld [smem:$0x3FA9]  }
0x2c: {  	s7 =	sld [smem:$0x3FAA]  }
0x2d: {  	s3 =	simm.s32 $0x108;
	s8 =	sld [smem:$0x3FAB]  }
0x2e: {  	s3 =	simm.s32 @!p0 $0x1082;
	s9 =	sld [smem:$0x3FAC]  }
0x2f: {  	lr =	sadd.s32 s0, s3;
	s0 =	sld [smem:$0x3FA3]  }
0x30: {  	s3 =	sld [smem:$0x3FA6]  }
0x31: {  	[smem:$0x3FAF] =	sst s10  }
0x32: {  	s10 =	sld [smem:$0x3FAD];
	_ =	sdelay $0x3  }
0x33: {  	p0 =	seq.s32 s10, $0x1;
	s10 =	sld [smem:$0x3FAF];
	_ =	sdelay $0x3  }
0x34: {  	[smem:$0x3FAF] =	sst s10  }
0x35: {  	s10 =	sld [smem:$0x3FAE];
	_ =	sdelay $0x3  }
0x36: {  	p1 =	seq.s32 s10, $0x1;
	s10 =	sld [smem:$0x3FAF];
	_ =	sdelay $0x3  }
0x37: {  	[smem:$0x3FAF] =	sst s10  }
0x38: {  	s10 =	sld [smem:$0x3FB0]  }
0x39: {  	_ = 	snop;
	(pc) =	sbr.ind lr, $3  }
0x3a: {  	_ = 	snop  }
0x3b: {  	_ = 	snop  }
0x3c: {  	p2 =	seq.s32 s10, $0x1;
	s10 =	sld [smem:$0x3FAF]  }
0x3d: {  	_ =	shalt  }
0x3e: {  	_ =	shalt  }
0x3f: {  	_ =	shalt  }
0x40: {  	_ =	shalt  }
0x41: {  	_ =	shalt  }
0x42: {  	_ =	shalt  }
0x43: {  	_ =	shalt  }
0x44: {  	_ =	shalt  }
0x45: {  	_ =	shalt  }
0x46: {  	_ =	shalt  }
0x47: {  	_ =	shalt  }
0x48: {  	_ =	shalt  }
0x49: {  	_ =	shalt  }
0x4a: {  	_ =	shalt  }
0x4b: {  	_ =	shalt  }
0x4c: {  	_ =	shalt  }
0x4d: {  	_ =	shalt  }
0x4e: {  	_ =	shalt  }
0x4f: {  	_ =	shalt  }
0x50: {  	_ =	shalt  }
0x51: {  	_ =	shalt  }
0x52: {  	_ =	shalt  }
0x53: {  	_ =	shalt  }
0x54: {  	_ =	shalt  }
0x55: {  	_ =	shalt  }
0x56: {  	_ =	shalt  }
0x57: {  	_ =	shalt  }
0x58: {  	_ =	shalt  }
0x59: {  	_ =	shalt  }
0x5a: {  	_ =	shalt  }
0x5b: {  	_ =	shalt  }
0x5c: {  	_ =	shalt  }
0x5d: {  	_ =	shalt  }
0x5e: {  	_ =	shalt  }
0x5f: {  	_ =	shalt  }
0x60: {  	_ =	shalt  }
0x61: {  	_ =	shalt  }
0x62: {  	_ =	shalt  }
0x63: {  	_ =	shalt  }
0x64: {  	_ =	shalt  }
0x65: {  	_ =	shalt  }
0x66: {  	_ =	shalt  }
0x67: {  	_ =	shalt  }
0x68: {  	_ =	shalt  }
0x69: {  	_ =	shalt  }
0x6a: {  	_ =	shalt  }
0x6b: {  	_ =	shalt  }
0x6c: {  	_ =	shalt  }
0x6d: {  	_ =	shalt  }
0x6e: {  	_ =	shalt  }
0x6f: {  	_ =	shalt  }
0x70: {  	_ =	shalt  }
0x71: {  	_ =	shalt  }
0x72: {  	_ =	shalt  }
0x73: {  	_ =	shalt  }
0x74: {  	_ =	shalt  }
0x75: {  	_ =	shalt  }
0x76: {  	_ =	shalt  }
0x77: {  	_ =	shalt  }
0x78: {  	_ =	shalt  }
0x79: {  	_ =	shalt  }
0x7a: {  	_ =	shalt  }
0x7b: {  	_ =	shalt  }
0x7c: {  	_ =	shalt  }
0x7d: {  	_ =	shalt  }
0x7e: {  	_ =	shalt  }
0x7f: {  	_ =	shalt  }
0x80: {  	_ =	shalt  }
0x81: {  	_ =	shalt  }
0x82: {  	_ =	shalt  }
0x83: {  	_ =	shalt  }
0x84: {  	_ =	shalt  }
0x85: {  	_ =	shalt  }
0x86: {  	_ =	shalt  }
0x87: {  	_ =	shalt  }
.Lfunc_end0:
.L_simem_size_0:
called_computation.3_lowered:
.L_overlay_start_0:
0x88: {  	s2 =	sld [smem:$0x3FD9]  }
0x89: {  	s3 =	sld [smem:$0x3FFE];
	_ =	sdelay $0x1  }
0x8a: {  	s1 =	srdreg.scid  }
0x8b: {  	s0 =	sand.u32 $0x1, s1  }
0x8c: {  	s16 =	sshll.u32 s0, $0xA;
	s2 =	sadd.s32 s3, s2  }
0x8d: {  	s2 =	sadd.s32 s2, s16  }
0x8e: {  	[smem:$0x3FBB] =	sst s2  }
0x8f: {  	_ = 	snop  }
0x90: {  	(tm) =	ssettm $0x1  }
0x91: {  	s17 =	sld [smem:$0x3FFB];
	_ =	sdelay $0x3  }
0x92: {  	_ =	strace s17  }
0x93: {  	s2 =	sld [smem:$0x3FFC];
	_ =	sdelay $0x3  }
0x94: {  	_ =	strace s2  }
0x95: {  	s2 =	sld [smem:$0x3FFD];
	_ =	sdelay $0x3  }
0x96: {  	_ =	strace s2  }
0x97: {  	_ =	strace $0x8FFFFFFF  }
0x98: {  	s18 =	sld [smem:$0x3FDB];
	_ =	sdelay $0x1  }
0x99: {  	s19 =	simm.s32 $_scs_section_size  }
0x9a: {  	s4 =	simm.s32 $_size__tile_overlayer_lowered;
	s5 =	simm.s32 $_tile_overlayer_lowered  }
0x9b: {  	s22 =	simm.s32 $0x1BFF;
	s21 =	sshll.u32 s5, $0x1;
	s2 =	sadd.s32 s19, s18  }
0x9c: {  	s6 =	simm.s32 $0x0;
	s20 =	sshll.u32 s4, $0x1;
	s4 =	sadd.s32 s21, s2  }
0x9d: {  	[timem:s6], [sflag:s22] =	dma.local [hbm:s4], s20  }
0x9e: {  	_ =	swait.ge [sflag:s22], s20  }
0x9f: {  	s3 =	ssub.s32 $0x0, s20;
	[sflag:s22] =	ssyncset.done $0x0  }
0xa0: {  	[sflag:s22] =	ssyncadd.s32 s3;
	_ =	sdelay $0x1  }
0xa1: {  	s23 =	simm.s32 $0x1B8B  }
0xa2: {  	_ =	swait.ge [sflag:s23], $0x1  }
0xa3: {  	[sflag:s23] =	ssyncset.done $0x0  }
0xa4: {  	s25 =	simm.s32 $0x1B8E;
	s24 =	sld [smem:$0x3FFE];
	[sflag:s23] =	ssyncadd.s32 $0xFFFFFFFF  }
0xa5: {  	s26 =	simm.s32 $execute0_lowered;
	[smem:$0x3FD2] =	sst s25  }
0xa6: {  	s4 =	sshll.u32 s26, $0x1;
	_ =	strace $0x80000049;
	[dreg:$0x1] =	wrdreg $0xFFFFFFFF  }
0xa7: {  	s28 =	simm.s32 $_size_execute0_lowered;
	s2 =	sadd.s32 s2, s4;
	[dreg:$0x0] =	wrdreg $0x0  }
0xa8: {  	s4 =	sshll.u32 s28, $0x1;
	[dreg:$0x2] =	wrdreg s2  }
0xa9: {  	[dreg:$0x3] =	wrdreg s4  }
0xaa: {  	[dreg:$0x4] =	wrdreg $0xC0  }
0xab: {  	_ =	task [dreg:s6], $0x5FFFF  }
0xac: {  	[dreg:$0x1] =	wrdreg $0xFFFFFFFF  }
0xad: {  	[dreg:$0x0] =	wrdreg $0x60  }
0xae: {  	[dreg:$0x2] =	wrdreg s24  }
0xaf: {  	[dreg:$0x3] =	wrdreg $0xD5000  }
0xb0: {  	[dreg:$0x4] =	wrdreg $0xA  }
0xb1: {  	_ =	task.clear_ibuf [dreg:s6], $0x5FFFF;
	_ =	strace $0x90000049  }
0xb2: {  	s29 =	simm.s32 $0xA;
	_ =	strace $0x8000004B  }
0xb3: {  	_ =	swait.ge [sflag:s29], $0x1  }
0xb4: {  	[sflag:s29] =	ssyncadd.s32 $0xFFFFFFFF  }
0xb5: {  	_ =	strace $0x9000004B  }
0xb6: {  	_ =	sfence  }
0xb7: {  	s30 =	sld [smem:$0x0];
	_ =	sdelay $0x2  }
0xb8: {  	s31 =	sshll.u32 s1, $0xD;
	s1 =	sshrl.u32 s1, $0x2  }
0xb9: {  	s3 =	sand.u32 $0x4000, s31;
	s1 =	sadd.s32 s1, s30  }
0xba: {  	s0 =	sor.u32 s3, s0;
	s1 =	sshll.u32 s1, $0x11  }
0xbb: {  	s0 =	sor.u32 s1, s0  }
0xbc: {  	s0 =	sadd.s32 $0x8F2B, s0  }
0xbd: {  	[sflag:s0] =	ssyncadd.remote.s32 $0x1  }
0xbe: {  	_ =	sfence.sel $0xFFFF  }
0xbf: {  	[dreg:$0x0] =	wrdreg $0xFFFFFFFF;
	(pc) =	sbr.abs _section_cstart, $3  }
0xc0: {  	[dreg:$0x1] =	wrdreg $0xFFFFFFFF  }
0xc1: {  	_ =	task.clear_ibuf [dreg:s6], $0x2FFFF;
	_ =	strace $0x9FFFFFFF  }
0xc2: {  	(tm) =	ssettm $0x7FFFFFFF  }
0xc3: {  	_ =	shalt  }
tec
execute0_lowered:
.L_overlay_start_1:
0x0: {  	(tag) =	ssettag $0x1  }
0x1: {  	s0 =	rddreg [dreg:$0x0]  }
0x2: {  	s2 =	rddreg [dreg:$0x1];
	s1 =	simm.s32 $0x0;
	s3 =	srdreg.scid  }
0x3: {  	s19 =	stileid.u32;
	[smem:$0x7FF] =	sst s1;
	s11 =	sadd.s32 $0xA400, s0  }
0x4: {  	s3 =	sand.u32 $0x1, s3;
	s13 =	sadd.s32 $0x22E00, s0;
	s12 =	sshll.u32 s19, $0xC  }
0x5: {  	s18 =	smul.u32 $0x28000, s19;
	p0 =	sgt.u32 s19, $0x9;
	s5 =	sshll.u32 s3, $0x4  }
0x6: {  	s4 =	smul.u32 $0xA000, s3;
	s3 =	ssub.s32 $0x2, s3;
	s5 =	sor.u32 s19, s5  }
0x7: {  	_ =	strace $0x8000004A;
	s6 =	sshrl.u32 s3, $0x1;
	s9 =	smul.u32 $0x1388, s5  }
0x8: {  	s19 =	simm.s32 $0x0;
	s4 =	sadd.s32 s12, s4;
	s5 =	smul.u32 $0x9C4, s5  }
0x9: {  	s15 =	ssub.s32 s3, s6;
	s12 =	sadd.s32 s12, s2;
	s4 =	sshrl.u32 s4, $0x3  }
0xa: {  	s20 =	sadd.s32 $0x14000, s12;
	s21 =	sadd.s32 $0x1E000, s12;
	s22 =	sadd.s32 $0x28000, s12  }
0xb: {  	s23 =	sadd.s32 $0x32000, s12;
	s24 =	sadd.s32 $0x3C000, s12;
	[dreg:$0x4] =	wrdreg s20  }
0xc: {  	s25 =	sadd.s32 $0x46000, s12;
	s26 =	sadd.s32 $0x50000, s12;
	[dreg:$0x5] =	wrdreg s21  }
0xd: {  	s28 =	sadd.s32 $0x6E000, s12;
	s29 =	sadd.s32 $0x78000, s12;
	[dreg:$0x6] =	wrdreg s22  }
0xe: {  	s30 =	sadd.s32 $0x82000, s12;
	s31 =	sadd.s32 $0x8C000, s12;
	[dreg:$0x7] =	wrdreg s23  }
0xf: {  	s0 =	sadd.s32 s4, s0;
	s7 =	sshrl.u32 s9, $0x3;
	[dreg:$0x8] =	wrdreg s24  }
0x10: {  	s4 =	sadd.s32 s13, s5;
	s8 =	sadd.s32 $0x3E8, s9;
	[dreg:$0x9] =	wrdreg s25  }
0x11: {  	s16 =	sadd.s32 $0xFA0, s9;
	[dreg:$0xa] =	wrdreg s26;
	s23 =	sadd.s32 $0x5A000, s12  }
0x12: {  	s25 =	smax.u32 s15, $0x1;
	s26 =	sadd.s32 $0x64000, s12;
	s15 =	simm.s32 $0x1  }
0x13: {  	s3 =	sadd.s32 s11, s7;
	s10 =	sshrl.u32 s8, $0x3;
	s7 =	sshrl.u32 s8, $0x1  }
0x14: {  	s8 =	sadd.s32 $0x7D0, s9;
	s17 =	sshrl.u32 s16, $0x3;
	s16 =	sshrl.u32 s16, $0x1  }
0x15: {  	s24 =	sadd.s32 $0x2A00, s0;
	s0 =	sadd.s32 $0x96000, s12;
	s5 =	sadd.s32 s11, s10  }
0x16: {  	s6 =	sadd.s32 s13, s7;
	s14 =	sshrl.u32 s8, $0x3;
	s8 =	sshrl.u32 s8, $0x1  }
0x17: {  	s10 =	sadd.s32 $0xBB8, s9;
	s7 =	sadd.s32 s11, s14;
	s8 =	sadd.s32 s13, s8  }
.Ltmp0:
0x18: {  	v12 =	vlaneseq.u32;
	v0 =	vimm.f32 $0.0e+00;
	v1 =	vimm.s32 $0xFFFFFFFF;
	s14 =	sshrl.u32 s10, $0x3;
	s10 =	sshrl.u32 s10, $0x1;
	(pc) =	sbr.rel .LBB2_1-.Ltmp0, $4  }
0x19: {  	v3 =	vand.u32 $0x3, v12;
	v2 =	vshrl.u32 v12, $0x2;
	v4 =	vadd.s32 $0x11, v12;
	s9 =	sadd.s32 s11, s14;
	s10 =	sadd.s32 s13, s10;
	s11 =	sadd.s32 s11, s17  }
0x1a: {  	v5 =	vadd.s32 $0x1, v12;
	v6 =	vadd.s32 $0x12, v12;
	v7 =	vadd.s32 $0x2, v12;
	s17 =	sshrl.u32 s18, $0x2;
	s13 =	sadd.s32 s13, s16;
	s18 =	sadd.s32 $0xA000, s12  }
0x1b: {  	v8 =	vadd.s32 $0x14, v12;
	v9 =	vadd.s32 $0x4, v12;
	v10 =	vadd.s32 $0x18, v12;
	s16 =	simm.s32 $0xB400;
	s14 =	sadd.s32 s17, s2;
	[dreg:$0x3] =	wrdreg s18  }
0x1c: {  	v11 =	vadd.s32 $0x8, v12;
	v12 =	vadd.s32 $0xF, v12;
	v3 =	vor.u32 $0x80000000, v3;
	s2 =	simm.s32 $0xA000;
	s17 =	simm.s32 $0xB480;
	s18 =	simm.s32 $0xB500  }
.LBB2_44:
0x1d: {  	v14 =	vld [tilespmem:s20+$0xC500];
	_ =	sdelay $0x4  }
0x1e: {  	v13 =	vadd.f32 v13, v14;
	_ =	sdelay $0x1  }
0x1f: {  	s22 =	simm.s32 $0xC500;
	[tilespmem:s20+$0xC500] =	vst v13  }
0x20: {  	[hbm4b:s24+s1] =	stream.linear.scatter [tilespmem:s22], [sflag:$0x1], $0x1000, $0x38;
	[tilespmem:$0x17500] =	vst v63  }
0x21: {  	_ =	swait.ge [sflag:s15], $0x1000  }
0x22: {  	[sflag:s15] =	ssyncset.done $0x0  }
0x23: {  	[sflag:s15] =	ssyncadd.s32 $0xFFFFF000  }
.LBB2_45:
0x24: {  	s19 =	sadd.s32 $0x1, s19  }
0x25: {  	p1 =	sne.s32 s19, s25  }
.Ltmp1:
0x26: {  	_ = 	snop;
	(pc) =	sbr.rel @!p1 .LBB2_46-.Ltmp1, $1  }
0x27: {  	_ =	sdelay $0x3  }
.LBB2_1:
0x28: {  	s20 =	simm.s32 $0x40;
	s21 =	simm.s32 $0x0  }
.LBB2_2:
0x29: {  	p1 =	sne.s32 s20, $0x27FC0;
	[tilespmem:s21+$0x0] =	vst v0;
	s21 =	smov.u32 s20;
	s20 =	sadd.s32 $0x40, s20  }
.Ltmp2:
0x2a: {  	(pc) =	sbr.rel @p1 .LBB2_2-.Ltmp2, $2  }
0x2b: {  	_ =	sdelay $0x2  }
0x2c: {  	s21 =	sshra.s32 s21, $0x2  }
0x2d: {  	[tilespmem:s21+$0x0] =	vst v0  }
0x2e: {  	[tilespmem:$0xB400] =	vst v1  }
0x2f: {  	[tilespmem:$0xB420] =	vst v1  }
0x30: {  	s22 =	simm.s32 $0x0;
	[tilespmem:$0xB490] =	vst v0  }
0x31: {  	[tilespmem:s2], [sflag:$0x1] =	stream.linear.gather [hbm4b:s3+s22], $0x3E8, $0x38;
	[tilespmem:$0x17500] =	vst v63  }
0x32: {  	_ =	swait.ge [sflag:s15], $0x3E8  }
0x33: {  	[sflag:s15] =	ssyncset.done $0x0  }
0x34: {  	s20 =	simm.s32 $0xA400;
	v13 =	vor.u32 s22, v2;
	[sflag:s15] =	ssyncadd.s32 $0xFFFFFC18  }
0x35: {  	[tilespmem:s20], [sflag:$0x1] =	stream.linear.gather [hbm4b:s4+s22], $0xFA0, $0x38;
	[tilespmem:$0x17500] =	vst v63  }
0x36: {  	_ =	swait.ge [sflag:s15], $0xFA0  }
0x37: {  	[sflag:s15] =	ssyncset.done $0x0  }
0x38: {  	[sflag:s15] =	ssyncadd.s32 $0xFFFFF060  }
0x39: {  	v13 =	vld.idx.msk [tilespmem:v13+s2+$0x0], $0xffff;
	_ =	sdelay $0x1  }
0x3a: {  	v14 =	vld [tilespmem:s20+$0x0];
	_ =	sdelay $0x2  }
0x3b: {  	v13 =	vshll.u32 v13, $0x2  }
0x3c: {  	v13 =	vxor.u32 v3, v13  }
0x3d: {  	(xrf1) =	vsort.ascd.msk.u32 $0xffff, v13, v14;
	_ =	sdelay $0xd  }
0x3e: {  	v13, v14, _ =	vpop (xrf1)  }
0x3f: {  	v13 =	vxor.u32 $0x80000000, v13  }
0x40: {  	[tilespmem:$0xB410] =	vst v13  }
0x41: {  	v15 =	vld.idx.msk [tilespmem:v4+s16+$0x0], $0xffff;
	[tilespmem:$0xB480] =	vst v14  }
0x42: {  	v16 =	vld.idx.msk [tilespmem:v5+s17+$0x0], $0xffff;
	_ =	sdelay $0x3  }
0x43: {  	vm0 =	veq.s32 v15, v13  }
0x44: {  	v15 =	vnsel vm0, $0x0, v16  }
0x45: {  	v14 =	vadd.f32 v15, v14;
	_ =	sdelay $0x1  }
0x46: {  	v15 =	vld.idx.msk [tilespmem:v6+s16+$0x0], $0xffff;
	[tilespmem:$0xB480] =	vst v14  }
0x47: {  	v16 =	vld.idx.msk [tilespmem:v7+s17+$0x0], $0xffff;
	_ =	sdelay $0x3  }
0x48: {  	vm0 =	veq.s32 v15, v13  }
0x49: {  	v15 =	vnsel vm0, $0x0, v16  }
0x4a: {  	v14 =	vadd.f32 v15, v14;
	_ =	sdelay $0x1  }
0x4b: {  	v15 =	vld.idx.msk [tilespmem:v8+s16+$0x0], $0xffff;
	[tilespmem:$0xB480] =	vst v14  }
0x4c: {  	v16 =	vld.idx.msk [tilespmem:v9+s17+$0x0], $0xffff;
	_ =	sdelay $0x3  }
0x4d: {  	vm0 =	veq.s32 v15, v13  }
0x4e: {  	v15 =	vnsel vm0, $0x0, v16  }
0x4f: {  	v15 =	vadd.f32 v15, v14;
	_ =	sdelay $0x1  }
0x50: {  	v14 =	vld.idx.msk [tilespmem:v10+s16+$0x0], $0xffff;
	[tilespmem:$0xB480] =	vst v15  }
0x51: {  	v16 =	vld.idx.msk [tilespmem:v11+s17+$0x0], $0xffff  }
0x52: {  	v17 =	vld.idx.msk [tilespmem:v12+s16+$0x0], $0xffff;
	_ =	sdelay $0x3  }
0x53: {  	vm0 =	veq.s32 v14, v13  }
0x54: {  	v16 =	vnsel vm0, $0x0, v16;
	vm0 =	vne.s32 v17, v13  }
0x55: {  	s22 =	simm.s32 $0x4  }
0x56: {  	s21 =	simm.s32 $0x8;
	v14 =	vor.u32 s22, v2;
	v15 =	vadd.f32 v16, v15  }
.LBB2_4:
0x57: {  	_ =	sdelay $0x1  }
0x58: {  	p1 =	sne.s32 s21, $0x3E4  }
0x59: {  	s20 =	sadd.s32 $0x10, s20;
	s22 =	smov.u32 s21;
	s21 =	sadd.s32 $0x4, s21;
	[tilespmem:v13+s1+$0x0] =	vst.idx.add.f32.msk vm0, v15  }
0x5a: {  	v13 =	vld.idx.msk [tilespmem:v14+s2+$0x0], $0xffff;
	_ =	sdelay $0x2  }
0x5b: {  	v14 =	vld [tilespmem:s20+$0x0];
	_ =	sdelay $0x2  }
0x5c: {  	v13 =	vshll.u32 v13, $0x2  }
0x5d: {  	v13 =	vxor.u32 v3, v13  }
0x5e: {  	(xrf1) =	vsort.ascd.msk.u32 $0xffff, v13, v14;
	_ =	sdelay $0xd  }
0x5f: {  	v13, v14, _ =	vpop (xrf1)  }
0x60: {  	v13 =	vxor.u32 $0x80000000, v13  }
0x61: {  	[tilespmem:$0xB410] =	vst v13  }
0x62: {  	v15 =	vld.idx.msk [tilespmem:v4+s16+$0x0], $0xffff  }
0x63: {  	[tilespmem:$0xB480] =	vst v14  }
0x64: {  	v16 =	vld.idx.msk [tilespmem:v5+s17+$0x0], $0xffff;
	_ =	sdelay $0x3  }
0x65: {  	vm0 =	veq.s32 v15, v13;
	_ =	sdelay $0x1  }
0x66: {  	v15 =	vnsel vm0, $0x0, v16  }
0x67: {  	v14 =	vadd.f32 v15, v14  }
0x68: {  	v15 =	vld.idx.msk [tilespmem:v6+s16+$0x0], $0xffff  }
0x69: {  	[tilespmem:$0xB480] =	vst v14  }
0x6a: {  	v16 =	vld.idx.msk [tilespmem:v7+s17+$0x0], $0xffff;
	_ =	sdelay $0x3  }
0x6b: {  	vm0 =	veq.s32 v15, v13;
	_ =	sdelay $0x1  }
0x6c: {  	v15 =	vnsel vm0, $0x0, v16  }
0x6d: {  	v14 =	vadd.f32 v15, v14  }
0x6e: {  	v15 =	vld.idx.msk [tilespmem:v8+s16+$0x0], $0xffff  }
0x6f: {  	[tilespmem:$0xB480] =	vst v14  }
0x70: {  	v16 =	vld.idx.msk [tilespmem:v9+s17+$0x0], $0xffff  }
0x71: {  	v17 =	vld.idx.msk [tilespmem:v10+s16+$0x0], $0xffff;
	_ =	sdelay $0x2  }
0x72: {  	vm0 =	veq.s32 v15, v13;
	_ =	sdelay $0x1  }
0x73: {  	v15 =	vnsel vm0, $0x0, v16  }
0x74: {  	v15 =	vadd.f32 v15, v14;
	vm1 =	veq.s32 v17, v13;
	_ =	sdelay $0x1  }
0x75: {  	[tilespmem:$0xB480] =	vst v15  }
0x76: {  	v14 =	vld.idx.msk [tilespmem:v12+s16+$0x0], $0xffff  }
0x77: {  	v16 =	vld.idx.msk [tilespmem:v11+s17+$0x0], $0xffff;
	_ =	sdelay $0x2  }
.Ltmp3:
0x78: {  	(pc) =	sbr.rel @p1 .LBB2_4-.Ltmp3, $4  }
0x79: {  	_ = 	snop  }
0x7a: {  	vm0 =	vne.s32 v14, v13  }
0x7b: {  	v16 =	vnsel vm1, $0x0, v16  }
0x7c: {  	v14 =	vor.u32 s22, v2;
	v15 =	vadd.f32 v16, v15  }
0x7d: {  	_ =	sdelay $0x4  }
0x7e: {  	[tilespmem:v13+s1+$0x0] =	vst.idx.add.f32.msk vm0, v15  }
0x7f: {  	v13 =	vld.idx.msk [tilespmem:v14+s2+$0x0], $0xffff  }
0x80: {  	s20 =	sadd.s32 $0x10, s20  }
0x81: {  	v14 =	vld [tilespmem:s20+$0x0];
	_ =	sdelay $0x2  }
0x82: {  	v13 =	vshll.u32 v13, $0x2  }
0x83: {  	v13 =	vxor.u32 v3, v13  }
0x84: {  	(xrf1) =	vsort.ascd.msk.u32 $0xffff, v13, v14;
	_ =	sdelay $0xd  }
0x85: {  	v13, v14, _ =	vpop (xrf1)  }
0x86: {  	v13 =	vxor.u32 $0x80000000, v13  }
0x87: {  	[tilespmem:$0xB410] =	vst v13  }
0x88: {  	v15 =	vld.idx.msk [tilespmem:v4+s16+$0x0], $0xffff;
	[tilespmem:$0xB480] =	vst v14  }
0x89: {  	v16 =	vld.idx.msk [tilespmem:v5+s17+$0x0], $0xffff;
	_ =	sdelay $0x3  }
0x8a: {  	vm0 =	veq.s32 v15, v13  }
0x8b: {  	v15 =	vnsel vm0, $0x0, v16  }
0x8c: {  	v14 =	vadd.f32 v15, v14;
	_ =	sdelay $0x1  }
0x8d: {  	v15 =	vld.idx.msk [tilespmem:v6+s16+$0x0], $0xffff;
	[tilespmem:$0xB480] =	vst v14  }
0x8e: {  	v16 =	vld.idx.msk [tilespmem:v7+s17+$0x0], $0xffff;
	_ =	sdelay $0x3  }
0x8f: {  	vm0 =	veq.s32 v15, v13  }
0x90: {  	v15 =	vnsel vm0, $0x0, v16  }
0x91: {  	v14 =	vadd.f32 v15, v14;
	_ =	sdelay $0x1  }
0x92: {  	v15 =	vld.idx.msk [tilespmem:v8+s16+$0x0], $0xffff;
	[tilespmem:$0xB480] =	vst v14  }
0x93: {  	v16 =	vld.idx.msk [tilespmem:v9+s17+$0x0], $0xffff;
	_ =	sdelay $0x3  }
0x94: {  	vm0 =	veq.s32 v15, v13  }
0x95: {  	v15 =	vnsel vm0, $0x0, v16  }
0x96: {  	v14 =	vadd.f32 v15, v14;
	_ =	sdelay $0x1  }
0x97: {  	v15 =	vld.idx.msk [tilespmem:v10+s16+$0x0], $0xffff;
	[tilespmem:$0xB480] =	vst v14  }
0x98: {  	v16 =	vld.idx.msk [tilespmem:v12+s16+$0x0], $0xffff;
	_ =	sdelay $0x2  }
0x99: {  	v17 =	vld.idx.msk [tilespmem:v11+s17+$0x0], $0xffff;
	_ =	sdelay $0x1  }
0x9a: {  	vm0 =	vne.s32 v16, v13;
	_ =	sdelay $0x1  }
0x9b: {  	vm1 =	veq.s32 v15, v13  }
0x9c: {  	v15 =	vnsel vm1, $0x0, v17  }
0x9d: {  	v14 =	vadd.f32 v15, v14;
	_ =	sdelay $0x1  }
0x9e: {  	s21 =	simm.s32 $0x0;
	[tilespmem:v13+s1+$0x0] =	vst.idx.add.f32.msk vm0, v14  }
0x9f: {  	[tilespmem:s2], [sflag:$0x1] =	stream.linear.gather [hbm4b:s5+s21], $0x3E8, $0x38;
	[tilespmem:$0x17500] =	vst v63  }
0xa0: {  	_ =	swait.ge [sflag:s15], $0x3E8  }
0xa1: {  	[sflag:s15] =	ssyncset.done $0x0  }
0xa2: {  	s20 =	simm.s32 $0xA400;
	v13 =	vor.u32 s21, v2;
	[sflag:s15] =	ssyncadd.s32 $0xFFFFFC18  }
0xa3: {  	[tilespmem:s20], [sflag:$0x1] =	stream.linear.gather [hbm4b:s6+s21], $0xFA0, $0x38;
	[tilespmem:$0x17500] =	vst v63  }
0xa4: {  	_ =	swait.ge [sflag:s15], $0xFA0  }
0xa5: {  	[sflag:s15] =	ssyncset.done $0x0  }
0xa6: {  	[sflag:s15] =	ssyncadd.s32 $0xFFFFF060  }
0xa7: {  	v13 =	vld.idx.msk [tilespmem:v13+s2+$0x0], $0xffff;
	_ =	sdelay $0x1  }
0xa8: {  	v14 =	vld [tilespmem:s20+$0x0];
	_ =	sdelay $0x2  }
0xa9: {  	v13 =	vshll.u32 v13, $0x2  }
0xaa: {  	v13 =	vxor.u32 v3, v13  }
0xab: {  	(xrf1) =	vsort.ascd.msk.u32 $0xffff, v13, v14;
	_ =	sdelay $0xd  }
0xac: {  	v13, v14, _ =	vpop (xrf1)  }
0xad: {  	v13 =	vxor.u32 $0x80000000, v13  }
0xae: {  	[tilespmem:$0xB410] =	vst v13  }
0xaf: {  	v15 =	vld.idx.msk [tilespmem:v4+s16+$0x0], $0xffff;
	[tilespmem:$0xB480] =	vst v14  }
0xb0: {  	v16 =	vld.idx.msk [tilespmem:v5+s17+$0x0], $0xffff;
	_ =	sdelay $0x3  }
0xb1: {  	vm0 =	veq.s32 v15, v13  }
0xb2: {  	v15 =	vnsel vm0, $0x0, v16  }
0xb3: {  	v14 =	vadd.f32 v15, v14;
	_ =	sdelay $0x1  }
0xb4: {  	v15 =	vld.idx.msk [tilespmem:v6+s16+$0x0], $0xffff;
	[tilespmem:$0xB480] =	vst v14  }
0xb5: {  	v16 =	vld.idx.msk [tilespmem:v7+s17+$0x0], $0xffff;
	_ =	sdelay $0x3  }
0xb6: {  	vm0 =	veq.s32 v15, v13  }
0xb7: {  	v15 =	vnsel vm0, $0x0, v16  }
0xb8: {  	v14 =	vadd.f32 v15, v14;
	_ =	sdelay $0x1  }
0xb9: {  	v15 =	vld.idx.msk [tilespmem:v8+s16+$0x0], $0xffff;
	[tilespmem:$0xB480] =	vst v14  }
0xba: {  	v16 =	vld.idx.msk [tilespmem:v9+s17+$0x0], $0xffff;
	_ =	sdelay $0x3  }
0xbb: {  	vm0 =	veq.s32 v15, v13  }
0xbc: {  	v15 =	vnsel vm0, $0x0, v16  }
0xbd: {  	v15 =	vadd.f32 v15, v14;
	_ =	sdelay $0x1  }
0xbe: {  	v14 =	vld.idx.msk [tilespmem:v10+s16+$0x0], $0xffff;
	[tilespmem:$0xB480] =	vst v15  }
0xbf: {  	v16 =	vld.idx.msk [tilespmem:v11+s17+$0x0], $0xffff  }
0xc0: {  	v17 =	vld.idx.msk [tilespmem:v12+s16+$0x0], $0xffff;
	_ =	sdelay $0x3  }
0xc1: {  	vm0 =	veq.s32 v14, v13  }
0xc2: {  	v16 =	vnsel vm0, $0x0, v16;
	vm0 =	vne.s32 v17, v13  }
0xc3: {  	s22 =	simm.s32 $0x4  }
0xc4: {  	s21 =	simm.s32 $0x8;
	v14 =	vor.u32 s22, v2;
	v15 =	vadd.f32 v16, v15  }
.LBB2_6:
0xc5: {  	_ =	sdelay $0x1  }
0xc6: {  	p1 =	sne.s32 s21, $0x3E4  }
0xc7: {  	s20 =	sadd.s32 $0x10, s20;
	s22 =	smov.u32 s21;
	s21 =	sadd.s32 $0x4, s21;
	[tilespmem:v13+s1+$0x0] =	vst.idx.add.f32.msk vm0, v15  }
0xc8: {  	v13 =	vld.idx.msk [tilespmem:v14+s2+$0x0], $0xffff;
	_ =	sdelay $0x2  }
0xc9: {  	v14 =	vld [tilespmem:s20+$0x0];
	_ =	sdelay $0x2  }
0xca: {  	v13 =	vshll.u32 v13, $0x2  }
0xcb: {  	v13 =	vxor.u32 v3, v13  }
0xcc: {  	(xrf1) =	vsort.ascd.msk.u32 $0xffff, v13, v14;
	_ =	sdelay $0xd  }
0xcd: {  	v13, v14, _ =	vpop (xrf1)  }
0xce: {  	v13 =	vxor.u32 $0x80000000, v13  }
0xcf: {  	[tilespmem:$0xB410] =	vst v13  }
0xd0: {  	v15 =	vld.idx.msk [tilespmem:v4+s16+$0x0], $0xffff  }
0xd1: {  	[tilespmem:$0xB480] =	vst v14  }
0xd2: {  	v16 =	vld.idx.msk [tilespmem:v5+s17+$0x0], $0xffff;
	_ =	sdelay $0x3  }
0xd3: {  	vm0 =	veq.s32 v15, v13;
	_ =	sdelay $0x1  }
0xd4: {  	v15 =	vnsel vm0, $0x0, v16  }
0xd5: {  	v14 =	vadd.f32 v15, v14  }
0xd6: {  	v15 =	vld.idx.msk [tilespmem:v6+s16+$0x0], $0xffff  }
0xd7: {  	[tilespmem:$0xB480] =	vst v14  }
0xd8: {  	v16 =	vld.idx.msk [tilespmem:v7+s17+$0x0], $0xffff;
	_ =	sdelay $0x3  }
0xd9: {  	vm0 =	veq.s32 v15, v13;
	_ =	sdelay $0x1  }
0xda: {  	v15 =	vnsel vm0, $0x0, v16  }
0xdb: {  	v14 =	vadd.f32 v15, v14  }
0xdc: {  	v15 =	vld.idx.msk [tilespmem:v8+s16+$0x0], $0xffff  }
0xdd: {  	[tilespmem:$0xB480] =	vst v14  }
0xde: {  	v16 =	vld.idx.msk [tilespmem:v9+s17+$0x0], $0xffff  }
0xdf: {  	v17 =	vld.idx.msk [tilespmem:v10+s16+$0x0], $0xffff;
	_ =	sdelay $0x2  }
0xe0: {  	vm0 =	veq.s32 v15, v13;
	_ =	sdelay $0x1  }
0xe1: {  	v15 =	vnsel vm0, $0x0, v16  }
0xe2: {  	v15 =	vadd.f32 v15, v14;
	vm1 =	veq.s32 v17, v13;
	_ =	sdelay $0x1  }
0xe3: {  	[tilespmem:$0xB480] =	vst v15  }
0xe4: {  	v14 =	vld.idx.msk [tilespmem:v12+s16+$0x0], $0xffff  }
0xe5: {  	v16 =	vld.idx.msk [tilespmem:v11+s17+$0x0], $0xffff;
	_ =	sdelay $0x2  }
.Ltmp4:
0xe6: {  	(pc) =	sbr.rel @p1 .LBB2_6-.Ltmp4, $4  }
0xe7: {  	_ = 	snop  }
0xe8: {  	vm0 =	vne.s32 v14, v13  }
0xe9: {  	v16 =	vnsel vm1, $0x0, v16  }
0xea: {  	v14 =	vor.u32 s22, v2;
	v15 =	vadd.f32 v16, v15  }
0xeb: {  	_ =	sdelay $0x4  }
0xec: {  	[tilespmem:v13+s1+$0x0] =	vst.idx.add.f32.msk vm0, v15  }
0xed: {  	v13 =	vld.idx.msk [tilespmem:v14+s2+$0x0], $0xffff  }
0xee: {  	s20 =	sadd.s32 $0x10, s20  }
0xef: {  	v14 =	vld [tilespmem:s20+$0x0];
	_ =	sdelay $0x2  }
0xf0: {  	v13 =	vshll.u32 v13, $0x2  }
0xf1: {  	v13 =	vxor.u32 v3, v13  }
0xf2: {  	(xrf1) =	vsort.ascd.msk.u32 $0xffff, v13, v14;
	_ =	sdelay $0xd  }
0xf3: {  	v13, v14, _ =	vpop (xrf1)  }
0xf4: {  	v13 =	vxor.u32 $0x80000000, v13  }
0xf5: {  	[tilespmem:$0xB410] =	vst v13  }
0xf6: {  	v15 =	vld.idx.msk [tilespmem:v4+s16+$0x0], $0xffff;
	[tilespmem:$0xB480] =	vst v14  }
0xf7: {  	v16 =	vld.idx.msk [tilespmem:v5+s17+$0x0], $0xffff;
	_ =	sdelay $0x3  }
0xf8: {  	vm0 =	veq.s32 v15, v13  }
0xf9: {  	v15 =	vnsel vm0, $0x0, v16  }
0xfa: {  	v14 =	vadd.f32 v15, v14;
	_ =	sdelay $0x1  }
0xfb: {  	v15 =	vld.idx.msk [tilespmem:v6+s16+$0x0], $0xffff;
	[tilespmem:$0xB480] =	vst v14  }
0xfc: {  	v16 =	vld.idx.msk [tilespmem:v7+s17+$0x0], $0xffff;
	_ =	sdelay $0x3  }
0xfd: {  	vm0 =	veq.s32 v15, v13  }
0xfe: {  	v15 =	vnsel vm0, $0x0, v16  }
0xff: {  	v14 =	vadd.f32 v15, v14;
	_ =	sdelay $0x1  }
0x100: {  	v15 =	vld.idx.msk [tilespmem:v8+s16+$0x0], $0xffff;
	[tilespmem:$0xB480] =	vst v14  }
0x101: {  	v16 =	vld.idx.msk [tilespmem:v9+s17+$0x0], $0xffff;
	_ =	sdelay $0x3  }
0x102: {  	vm0 =	veq.s32 v15, v13  }
0x103: {  	v15 =	vnsel vm0, $0x0, v16  }
0x104: {  	v14 =	vadd.f32 v15, v14;
	_ =	sdelay $0x1  }
0x105: {  	v15 =	vld.idx.msk [tilespmem:v10+s16+$0x0], $0xffff;
	[tilespmem:$0xB480] =	vst v14  }
0x106: {  	v16 =	vld.idx.msk [tilespmem:v12+s16+$0x0], $0xffff;
	_ =	sdelay $0x2  }
0x107: {  	v17 =	vld.idx.msk [tilespmem:v11+s17+$0x0], $0xffff;
	_ =	sdelay $0x1  }
0x108: {  	vm0 =	vne.s32 v16, v13;
	_ =	sdelay $0x1  }
0x109: {  	vm1 =	veq.s32 v15, v13  }
0x10a: {  	v15 =	vnsel vm1, $0x0, v17  }
0x10b: {  	v14 =	vadd.f32 v15, v14;
	_ =	sdelay $0x1  }
0x10c: {  	s21 =	simm.s32 $0x0;
	[tilespmem:v13+s1+$0x0] =	vst.idx.add.f32.msk vm0, v14  }
0x10d: {  	[tilespmem:s2], [sflag:$0x1] =	stream.linear.gather [hbm4b:s7+s21], $0x3E8, $0x38;
	[tilespmem:$0x17500] =	vst v63  }
0x10e: {  	_ =	swait.ge [sflag:s15], $0x3E8  }
0x10f: {  	[sflag:s15] =	ssyncset.done $0x0  }
0x110: {  	s20 =	simm.s32 $0xA400;
	v13 =	vor.u32 s21, v2;
	[sflag:s15] =	ssyncadd.s32 $0xFFFFFC18  }
0x111: {  	[tilespmem:s20], [sflag:$0x1] =	stream.linear.gather [hbm4b:s8+s21], $0xFA0, $0x38;
	[tilespmem:$0x17500] =	vst v63  }
0x112: {  	_ =	swait.ge [sflag:s15], $0xFA0  }
0x113: {  	[sflag:s15] =	ssyncset.done $0x0  }
0x114: {  	[sflag:s15] =	ssyncadd.s32 $0xFFFFF060  }
0x115: {  	v13 =	vld.idx.msk [tilespmem:v13+s2+$0x0], $0xffff;
	_ =	sdelay $0x1  }
0x116: {  	v14 =	vld [tilespmem:s20+$0x0];
	_ =	sdelay $0x2  }
0x117: {  	v13 =	vshll.u32 v13, $0x2  }
0x118: {  	v13 =	vxor.u32 v3, v13  }
0x119: {  	(xrf1) =	vsort.ascd.msk.u32 $0xffff, v13, v14;
	_ =	sdelay $0xd  }
0x11a: {  	v13, v14, _ =	vpop (xrf1)  }
0x11b: {  	v13 =	vxor.u32 $0x80000000, v13  }
0x11c: {  	[tilespmem:$0xB410] =	vst v13  }
0x11d: {  	v15 =	vld.idx.msk [tilespmem:v4+s16+$0x0], $0xffff;
	[tilespmem:$0xB480] =	vst v14  }
0x11e: {  	v16 =	vld.idx.msk [tilespmem:v5+s17+$0x0], $0xffff;
	_ =	sdelay $0x3  }
0x11f: {  	vm0 =	veq.s32 v15, v13  }
0x120: {  	v15 =	vnsel vm0, $0x0, v16  }
0x121: {  	v14 =	vadd.f32 v15, v14;
	_ =	sdelay $0x1  }
0x122: {  	v15 =	vld.idx.msk [tilespmem:v6+s16+$0x0], $0xffff;
	[tilespmem:$0xB480] =	vst v14  }
0x123: {  	v16 =	vld.idx.msk [tilespmem:v7+s17+$0x0], $0xffff;
	_ =	sdelay $0x3  }
0x124: {  	vm0 =	veq.s32 v15, v13  }
0x125: {  	v15 =	vnsel vm0, $0x0, v16  }
0x126: {  	v14 =	vadd.f32 v15, v14;
	_ =	sdelay $0x1  }
0x127: {  	v15 =	vld.idx.msk [tilespmem:v8+s16+$0x0], $0xffff;
	[tilespmem:$0xB480] =	vst v14  }
0x128: {  	v16 =	vld.idx.msk [tilespmem:v9+s17+$0x0], $0xffff;
	_ =	sdelay $0x3  }
0x129: {  	vm0 =	veq.s32 v15, v13  }
0x12a: {  	v15 =	vnsel vm0, $0x0, v16  }
0x12b: {  	v15 =	vadd.f32 v15, v14;
	_ =	sdelay $0x1  }
0x12c: {  	v14 =	vld.idx.msk [tilespmem:v10+s16+$0x0], $0xffff;
	[tilespmem:$0xB480] =	vst v15  }
0x12d: {  	v16 =	vld.idx.msk [tilespmem:v11+s17+$0x0], $0xffff  }
0x12e: {  	v17 =	vld.idx.msk [tilespmem:v12+s16+$0x0], $0xffff;
	_ =	sdelay $0x3  }
0x12f: {  	vm0 =	veq.s32 v14, v13  }
0x130: {  	v16 =	vnsel vm0, $0x0, v16;
	vm0 =	vne.s32 v17, v13  }
0x131: {  	s22 =	simm.s32 $0x4  }
0x132: {  	s21 =	simm.s32 $0x8;
	v14 =	vor.u32 s22, v2;
	v15 =	vadd.f32 v16, v15  }
.LBB2_8:
0x133: {  	_ =	sdelay $0x1  }
0x134: {  	p1 =	sne.s32 s21, $0x3E4  }
0x135: {  	s20 =	sadd.s32 $0x10, s20;
	s22 =	smov.u32 s21;
	s21 =	sadd.s32 $0x4, s21;
	[tilespmem:v13+s1+$0x0] =	vst.idx.add.f32.msk vm0, v15  }
0x136: {  	v13 =	vld.idx.msk [tilespmem:v14+s2+$0x0], $0xffff;
	_ =	sdelay $0x2  }
0x137: {  	v14 =	vld [tilespmem:s20+$0x0];
	_ =	sdelay $0x2  }
0x138: {  	v13 =	vshll.u32 v13, $0x2  }
0x139: {  	v13 =	vxor.u32 v3, v13  }
0x13a: {  	(xrf1) =	vsort.ascd.msk.u32 $0xffff, v13, v14;
	_ =	sdelay $0xd  }
0x13b: {  	v13, v14, _ =	vpop (xrf1)  }
0x13c: {  	v13 =	vxor.u32 $0x80000000, v13  }
0x13d: {  	[tilespmem:$0xB410] =	vst v13  }
0x13e: {  	v15 =	vld.idx.msk [tilespmem:v4+s16+$0x0], $0xffff  }
0x13f: {  	[tilespmem:$0xB480] =	vst v14  }
0x140: {  	v16 =	vld.idx.msk [tilespmem:v5+s17+$0x0], $0xffff;
	_ =	sdelay $0x3  }
0x141: {  	vm0 =	veq.s32 v15, v13;
	_ =	sdelay $0x1  }
0x142: {  	v15 =	vnsel vm0, $0x0, v16  }
0x143: {  	v14 =	vadd.f32 v15, v14  }
0x144: {  	v15 =	vld.idx.msk [tilespmem:v6+s16+$0x0], $0xffff  }
0x145: {  	[tilespmem:$0xB480] =	vst v14  }
0x146: {  	v16 =	vld.idx.msk [tilespmem:v7+s17+$0x0], $0xffff;
	_ =	sdelay $0x3  }
0x147: {  	vm0 =	veq.s32 v15, v13;
	_ =	sdelay $0x1  }
0x148: {  	v15 =	vnsel vm0, $0x0, v16  }
0x149: {  	v14 =	vadd.f32 v15, v14  }
0x14a: {  	v15 =	vld.idx.msk [tilespmem:v8+s16+$0x0], $0xffff  }
0x14b: {  	[tilespmem:$0xB480] =	vst v14  }
0x14c: {  	v16 =	vld.idx.msk [tilespmem:v9+s17+$0x0], $0xffff  }
0x14d: {  	v17 =	vld.idx.msk [tilespmem:v10+s16+$0x0], $0xffff;
	_ =	sdelay $0x2  }
0x14e: {  	vm0 =	veq.s32 v15, v13;
	_ =	sdelay $0x1  }
0x14f: {  	v15 =	vnsel vm0, $0x0, v16  }
0x150: {  	v15 =	vadd.f32 v15, v14;
	vm1 =	veq.s32 v17, v13;
	_ =	sdelay $0x1  }
0x151: {  	[tilespmem:$0xB480] =	vst v15  }
0x152: {  	v14 =	vld.idx.msk [tilespmem:v12+s16+$0x0], $0xffff  }
0x153: {  	v16 =	vld.idx.msk [tilespmem:v11+s17+$0x0], $0xffff;
	_ =	sdelay $0x2  }
.Ltmp5:
0x154: {  	(pc) =	sbr.rel @p1 .LBB2_8-.Ltmp5, $4  }
0x155: {  	_ = 	snop  }
0x156: {  	vm0 =	vne.s32 v14, v13  }
0x157: {  	v16 =	vnsel vm1, $0x0, v16  }
0x158: {  	v14 =	vor.u32 s22, v2;
	v15 =	vadd.f32 v16, v15  }
0x159: {  	_ =	sdelay $0x4  }
0x15a: {  	[tilespmem:v13+s1+$0x0] =	vst.idx.add.f32.msk vm0, v15  }
0x15b: {  	v13 =	vld.idx.msk [tilespmem:v14+s2+$0x0], $0xffff  }
0x15c: {  	s20 =	sadd.s32 $0x10, s20  }
0x15d: {  	v14 =	vld [tilespmem:s20+$0x0];
	_ =	sdelay $0x2  }
0x15e: {  	v13 =	vshll.u32 v13, $0x2  }
0x15f: {  	v13 =	vxor.u32 v3, v13  }
0x160: {  	(xrf1) =	vsort.ascd.msk.u32 $0xffff, v13, v14;
	_ =	sdelay $0xd  }
0x161: {  	v13, v14, _ =	vpop (xrf1)  }
0x162: {  	v13 =	vxor.u32 $0x80000000, v13  }
0x163: {  	[tilespmem:$0xB410] =	vst v13  }
0x164: {  	v15 =	vld.idx.msk [tilespmem:v4+s16+$0x0], $0xffff;
	[tilespmem:$0xB480] =	vst v14  }
0x165: {  	v16 =	vld.idx.msk [tilespmem:v5+s17+$0x0], $0xffff;
	_ =	sdelay $0x3  }
0x166: {  	vm0 =	veq.s32 v15, v13  }
0x167: {  	v15 =	vnsel vm0, $0x0, v16  }
0x168: {  	v14 =	vadd.f32 v15, v14;
	_ =	sdelay $0x1  }
0x169: {  	v15 =	vld.idx.msk [tilespmem:v6+s16+$0x0], $0xffff;
	[tilespmem:$0xB480] =	vst v14  }
0x16a: {  	v16 =	vld.idx.msk [tilespmem:v7+s17+$0x0], $0xffff;
	_ =	sdelay $0x3  }
0x16b: {  	vm0 =	veq.s32 v15, v13  }
0x16c: {  	v15 =	vnsel vm0, $0x0, v16  }
0x16d: {  	v14 =	vadd.f32 v15, v14;
	_ =	sdelay $0x1  }
0x16e: {  	v15 =	vld.idx.msk [tilespmem:v8+s16+$0x0], $0xffff;
	[tilespmem:$0xB480] =	vst v14  }
0x16f: {  	v16 =	vld.idx.msk [tilespmem:v9+s17+$0x0], $0xffff;
	_ =	sdelay $0x3  }
0x170: {  	vm0 =	veq.s32 v15, v13  }
0x171: {  	v15 =	vnsel vm0, $0x0, v16  }
0x172: {  	v14 =	vadd.f32 v15, v14;
	_ =	sdelay $0x1  }
0x173: {  	v15 =	vld.idx.msk [tilespmem:v10+s16+$0x0], $0xffff;
	[tilespmem:$0xB480] =	vst v14  }
0x174: {  	v16 =	vld.idx.msk [tilespmem:v12+s16+$0x0], $0xffff;
	_ =	sdelay $0x2  }
0x175: {  	v17 =	vld.idx.msk [tilespmem:v11+s17+$0x0], $0xffff;
	_ =	sdelay $0x1  }
0x176: {  	vm0 =	vne.s32 v16, v13;
	_ =	sdelay $0x1  }
0x177: {  	vm1 =	veq.s32 v15, v13  }
0x178: {  	v15 =	vnsel vm1, $0x0, v17  }
0x179: {  	v14 =	vadd.f32 v15, v14;
	_ =	sdelay $0x1  }
0x17a: {  	s21 =	simm.s32 $0x0;
	[tilespmem:v13+s1+$0x0] =	vst.idx.add.f32.msk vm0, v14  }
0x17b: {  	[tilespmem:s2], [sflag:$0x1] =	stream.linear.gather [hbm4b:s9+s21], $0x3E8, $0x38;
	[tilespmem:$0x17500] =	vst v63  }
0x17c: {  	_ =	swait.ge [sflag:s15], $0x3E8  }
0x17d: {  	[sflag:s15] =	ssyncset.done $0x0  }
0x17e: {  	s20 =	simm.s32 $0xA400;
	v13 =	vor.u32 s21, v2;
	[sflag:s15] =	ssyncadd.s32 $0xFFFFFC18  }
0x17f: {  	[tilespmem:s20], [sflag:$0x1] =	stream.linear.gather [hbm4b:s10+s21], $0xFA0, $0x38;
	[tilespmem:$0x17500] =	vst v63  }
0x180: {  	_ =	swait.ge [sflag:s15], $0xFA0  }
0x181: {  	[sflag:s15] =	ssyncset.done $0x0  }
0x182: {  	[sflag:s15] =	ssyncadd.s32 $0xFFFFF060  }
0x183: {  	v13 =	vld.idx.msk [tilespmem:v13+s2+$0x0], $0xffff;
	_ =	sdelay $0x1  }
0x184: {  	v14 =	vld [tilespmem:s20+$0x0];
	_ =	sdelay $0x2  }
0x185: {  	v13 =	vshll.u32 v13, $0x2  }
0x186: {  	v13 =	vxor.u32 v3, v13  }
0x187: {  	(xrf1) =	vsort.ascd.msk.u32 $0xffff, v13, v14;
	_ =	sdelay $0xd  }
0x188: {  	v13, v14, _ =	vpop (xrf1)  }
0x189: {  	v13 =	vxor.u32 $0x80000000, v13  }
0x18a: {  	[tilespmem:$0xB410] =	vst v13  }
0x18b: {  	v15 =	vld.idx.msk [tilespmem:v4+s16+$0x0], $0xffff;
	[tilespmem:$0xB480] =	vst v14  }
0x18c: {  	v16 =	vld.idx.msk [tilespmem:v5+s17+$0x0], $0xffff;
	_ =	sdelay $0x3  }
0x18d: {  	vm0 =	veq.s32 v15, v13  }
0x18e: {  	v15 =	vnsel vm0, $0x0, v16  }
0x18f: {  	v14 =	vadd.f32 v15, v14;
	_ =	sdelay $0x1  }
0x190: {  	v15 =	vld.idx.msk [tilespmem:v6+s16+$0x0], $0xffff;
	[tilespmem:$0xB480] =	vst v14  }
0x191: {  	v16 =	vld.idx.msk [tilespmem:v7+s17+$0x0], $0xffff;
	_ =	sdelay $0x3  }
0x192: {  	vm0 =	veq.s32 v15, v13  }
0x193: {  	v15 =	vnsel vm0, $0x0, v16  }
0x194: {  	v14 =	vadd.f32 v15, v14;
	_ =	sdelay $0x1  }
0x195: {  	v15 =	vld.idx.msk [tilespmem:v8+s16+$0x0], $0xffff;
	[tilespmem:$0xB480] =	vst v14  }
0x196: {  	v16 =	vld.idx.msk [tilespmem:v9+s17+$0x0], $0xffff;
	_ =	sdelay $0x3  }
0x197: {  	vm0 =	veq.s32 v15, v13  }
0x198: {  	v15 =	vnsel vm0, $0x0, v16  }
0x199: {  	v15 =	vadd.f32 v15, v14;
	_ =	sdelay $0x1  }
0x19a: {  	v14 =	vld.idx.msk [tilespmem:v10+s16+$0x0], $0xffff;
	[tilespmem:$0xB480] =	vst v15  }
0x19b: {  	v16 =	vld.idx.msk [tilespmem:v11+s17+$0x0], $0xffff  }
0x19c: {  	v17 =	vld.idx.msk [tilespmem:v12+s16+$0x0], $0xffff;
	_ =	sdelay $0x3  }
0x19d: {  	vm0 =	veq.s32 v14, v13  }
0x19e: {  	v16 =	vnsel vm0, $0x0, v16;
	vm0 =	vne.s32 v17, v13  }
0x19f: {  	s22 =	simm.s32 $0x4  }
0x1a0: {  	s21 =	simm.s32 $0x8;
	v14 =	vor.u32 s22, v2;
	v15 =	vadd.f32 v16, v15  }
.LBB2_10:
0x1a1: {  	_ =	sdelay $0x1  }
0x1a2: {  	p1 =	sne.s32 s21, $0x3E4  }
0x1a3: {  	s20 =	sadd.s32 $0x10, s20;
	s22 =	smov.u32 s21;
	s21 =	sadd.s32 $0x4, s21;
	[tilespmem:v13+s1+$0x0] =	vst.idx.add.f32.msk vm0, v15  }
0x1a4: {  	v13 =	vld.idx.msk [tilespmem:v14+s2+$0x0], $0xffff;
	_ =	sdelay $0x2  }
0x1a5: {  	v14 =	vld [tilespmem:s20+$0x0];
	_ =	sdelay $0x2  }
0x1a6: {  	v13 =	vshll.u32 v13, $0x2  }
0x1a7: {  	v13 =	vxor.u32 v3, v13  }
0x1a8: {  	(xrf1) =	vsort.ascd.msk.u32 $0xffff, v13, v14;
	_ =	sdelay $0xd  }
0x1a9: {  	v13, v14, _ =	vpop (xrf1)  }
0x1aa: {  	v13 =	vxor.u32 $0x80000000, v13  }
0x1ab: {  	[tilespmem:$0xB410] =	vst v13  }
0x1ac: {  	v15 =	vld.idx.msk [tilespmem:v4+s16+$0x0], $0xffff  }
0x1ad: {  	[tilespmem:$0xB480] =	vst v14  }
0x1ae: {  	v16 =	vld.idx.msk [tilespmem:v5+s17+$0x0], $0xffff;
	_ =	sdelay $0x3  }
0x1af: {  	vm0 =	veq.s32 v15, v13;
	_ =	sdelay $0x1  }
0x1b0: {  	v15 =	vnsel vm0, $0x0, v16  }
0x1b1: {  	v14 =	vadd.f32 v15, v14  }
0x1b2: {  	v15 =	vld.idx.msk [tilespmem:v6+s16+$0x0], $0xffff  }
0x1b3: {  	[tilespmem:$0xB480] =	vst v14  }
0x1b4: {  	v16 =	vld.idx.msk [tilespmem:v7+s17+$0x0], $0xffff;
	_ =	sdelay $0x3  }
0x1b5: {  	vm0 =	veq.s32 v15, v13;
	_ =	sdelay $0x1  }
0x1b6: {  	v15 =	vnsel vm0, $0x0, v16  }
0x1b7: {  	v14 =	vadd.f32 v15, v14  }
0x1b8: {  	v15 =	vld.idx.msk [tilespmem:v8+s16+$0x0], $0xffff  }
0x1b9: {  	[tilespmem:$0xB480] =	vst v14  }
0x1ba: {  	v16 =	vld.idx.msk [tilespmem:v9+s17+$0x0], $0xffff  }
0x1bb: {  	v17 =	vld.idx.msk [tilespmem:v10+s16+$0x0], $0xffff;
	_ =	sdelay $0x2  }
0x1bc: {  	vm0 =	veq.s32 v15, v13;
	_ =	sdelay $0x1  }
0x1bd: {  	v15 =	vnsel vm0, $0x0, v16  }
0x1be: {  	v15 =	vadd.f32 v15, v14;
	vm1 =	veq.s32 v17, v13;
	_ =	sdelay $0x1  }
0x1bf: {  	[tilespmem:$0xB480] =	vst v15  }
0x1c0: {  	v14 =	vld.idx.msk [tilespmem:v12+s16+$0x0], $0xffff  }
0x1c1: {  	v16 =	vld.idx.msk [tilespmem:v11+s17+$0x0], $0xffff;
	_ =	sdelay $0x2  }
.Ltmp6:
0x1c2: {  	(pc) =	sbr.rel @p1 .LBB2_10-.Ltmp6, $4  }
0x1c3: {  	_ = 	snop  }
0x1c4: {  	vm0 =	vne.s32 v14, v13  }
0x1c5: {  	v16 =	vnsel vm1, $0x0, v16  }
0x1c6: {  	v14 =	vor.u32 s22, v2;
	v15 =	vadd.f32 v16, v15  }
0x1c7: {  	_ =	sdelay $0x4  }
0x1c8: {  	[tilespmem:v13+s1+$0x0] =	vst.idx.add.f32.msk vm0, v15  }
0x1c9: {  	v13 =	vld.idx.msk [tilespmem:v14+s2+$0x0], $0xffff  }
0x1ca: {  	s20 =	sadd.s32 $0x10, s20  }
0x1cb: {  	v14 =	vld [tilespmem:s20+$0x0];
	_ =	sdelay $0x2  }
0x1cc: {  	v13 =	vshll.u32 v13, $0x2  }
0x1cd: {  	v13 =	vxor.u32 v3, v13  }
0x1ce: {  	(xrf1) =	vsort.ascd.msk.u32 $0xffff, v13, v14;
	_ =	sdelay $0xd  }
0x1cf: {  	v13, v14, _ =	vpop (xrf1)  }
0x1d0: {  	v13 =	vxor.u32 $0x80000000, v13  }
0x1d1: {  	[tilespmem:$0xB410] =	vst v13  }
0x1d2: {  	v15 =	vld.idx.msk [tilespmem:v4+s16+$0x0], $0xffff;
	[tilespmem:$0xB480] =	vst v14  }
0x1d3: {  	v16 =	vld.idx.msk [tilespmem:v5+s17+$0x0], $0xffff;
	_ =	sdelay $0x3  }
0x1d4: {  	vm0 =	veq.s32 v15, v13  }
0x1d5: {  	v15 =	vnsel vm0, $0x0, v16  }
0x1d6: {  	v14 =	vadd.f32 v15, v14;
	_ =	sdelay $0x1  }
0x1d7: {  	v15 =	vld.idx.msk [tilespmem:v6+s16+$0x0], $0xffff;
	[tilespmem:$0xB480] =	vst v14  }
0x1d8: {  	v16 =	vld.idx.msk [tilespmem:v7+s17+$0x0], $0xffff;
	_ =	sdelay $0x3  }
0x1d9: {  	vm0 =	veq.s32 v15, v13  }
0x1da: {  	v15 =	vnsel vm0, $0x0, v16  }
0x1db: {  	v14 =	vadd.f32 v15, v14;
	_ =	sdelay $0x1  }
0x1dc: {  	v15 =	vld.idx.msk [tilespmem:v8+s16+$0x0], $0xffff;
	[tilespmem:$0xB480] =	vst v14  }
0x1dd: {  	v16 =	vld.idx.msk [tilespmem:v9+s17+$0x0], $0xffff;
	_ =	sdelay $0x3  }
0x1de: {  	vm0 =	veq.s32 v15, v13  }
0x1df: {  	v15 =	vnsel vm0, $0x0, v16  }
0x1e0: {  	v14 =	vadd.f32 v15, v14;
	_ =	sdelay $0x1  }
0x1e1: {  	v15 =	vld.idx.msk [tilespmem:v10+s16+$0x0], $0xffff;
	[tilespmem:$0xB480] =	vst v14  }
0x1e2: {  	v16 =	vld.idx.msk [tilespmem:v12+s16+$0x0], $0xffff;
	_ =	sdelay $0x2  }
0x1e3: {  	v17 =	vld.idx.msk [tilespmem:v11+s17+$0x0], $0xffff;
	_ =	sdelay $0x1  }
0x1e4: {  	vm0 =	vne.s32 v16, v13;
	_ =	sdelay $0x1  }
0x1e5: {  	vm1 =	veq.s32 v15, v13  }
0x1e6: {  	v15 =	vnsel vm1, $0x0, v17  }
0x1e7: {  	v14 =	vadd.f32 v15, v14;
	_ =	sdelay $0x1  }
0x1e8: {  	s21 =	simm.s32 $0x0;
	[tilespmem:v13+s1+$0x0] =	vst.idx.add.f32.msk vm0, v14  }
0x1e9: {  	[tilespmem:s2], [sflag:$0x1] =	stream.linear.gather [hbm4b:s11+s21], $0x3E8, $0x38;
	[tilespmem:$0x17500] =	vst v63  }
0x1ea: {  	_ =	swait.ge [sflag:s15], $0x3E8  }
0x1eb: {  	[sflag:s15] =	ssyncset.done $0x0  }
0x1ec: {  	s20 =	simm.s32 $0xA400;
	v13 =	vor.u32 s21, v2;
	[sflag:s15] =	ssyncadd.s32 $0xFFFFFC18  }
0x1ed: {  	[tilespmem:s20], [sflag:$0x1] =	stream.linear.gather [hbm4b:s13+s21], $0xFA0, $0x38;
	[tilespmem:$0x17500] =	vst v63  }
0x1ee: {  	_ =	swait.ge [sflag:s15], $0xFA0  }
0x1ef: {  	[sflag:s15] =	ssyncset.done $0x0  }
0x1f0: {  	[sflag:s15] =	ssyncadd.s32 $0xFFFFF060  }
0x1f1: {  	v13 =	vld.idx.msk [tilespmem:v13+s2+$0x0], $0xffff;
	_ =	sdelay $0x1  }
0x1f2: {  	v14 =	vld [tilespmem:s20+$0x0];
	_ =	sdelay $0x2  }
0x1f3: {  	v13 =	vshll.u32 v13, $0x2  }
0x1f4: {  	v13 =	vxor.u32 v3, v13  }
0x1f5: {  	(xrf1) =	vsort.ascd.msk.u32 $0xffff, v13, v14;
	_ =	sdelay $0xd  }
0x1f6: {  	v13, v14, _ =	vpop (xrf1)  }
0x1f7: {  	v13 =	vxor.u32 $0x80000000, v13  }
0x1f8: {  	[tilespmem:$0xB410] =	vst v13  }
0x1f9: {  	v15 =	vld.idx.msk [tilespmem:v4+s16+$0x0], $0xffff;
	[tilespmem:$0xB480] =	vst v14  }
0x1fa: {  	v16 =	vld.idx.msk [tilespmem:v5+s17+$0x0], $0xffff;
	_ =	sdelay $0x3  }
0x1fb: {  	vm0 =	veq.s32 v15, v13  }
0x1fc: {  	v15 =	vnsel vm0, $0x0, v16  }
0x1fd: {  	v14 =	vadd.f32 v15, v14;
	_ =	sdelay $0x1  }
0x1fe: {  	v15 =	vld.idx.msk [tilespmem:v6+s16+$0x0], $0xffff;
	[tilespmem:$0xB480] =	vst v14  }
0x1ff: {  	v16 =	vld.idx.msk [tilespmem:v7+s17+$0x0], $0xffff;
	_ =	sdelay $0x3  }
0x200: {  	vm0 =	veq.s32 v15, v13  }
0x201: {  	v15 =	vnsel vm0, $0x0, v16  }
0x202: {  	v14 =	vadd.f32 v15, v14;
	_ =	sdelay $0x1  }
0x203: {  	v15 =	vld.idx.msk [tilespmem:v8+s16+$0x0], $0xffff;
	[tilespmem:$0xB480] =	vst v14  }
0x204: {  	v16 =	vld.idx.msk [tilespmem:v9+s17+$0x0], $0xffff;
	_ =	sdelay $0x3  }
0x205: {  	vm0 =	veq.s32 v15, v13  }
0x206: {  	v15 =	vnsel vm0, $0x0, v16  }
0x207: {  	v15 =	vadd.f32 v15, v14;
	_ =	sdelay $0x1  }
0x208: {  	v14 =	vld.idx.msk [tilespmem:v10+s16+$0x0], $0xffff;
	[tilespmem:$0xB480] =	vst v15  }
0x209: {  	v16 =	vld.idx.msk [tilespmem:v11+s17+$0x0], $0xffff  }
0x20a: {  	v17 =	vld.idx.msk [tilespmem:v12+s16+$0x0], $0xffff;
	_ =	sdelay $0x3  }
0x20b: {  	vm0 =	veq.s32 v14, v13  }
0x20c: {  	v16 =	vnsel vm0, $0x0, v16;
	vm0 =	vne.s32 v17, v13  }
0x20d: {  	s22 =	simm.s32 $0x4  }
0x20e: {  	s21 =	simm.s32 $0x8;
	v14 =	vor.u32 s22, v2;
	v15 =	vadd.f32 v16, v15  }
.LBB2_12:
0x20f: {  	_ =	sdelay $0x1  }
0x210: {  	p1 =	sne.s32 s21, $0x3E4  }
0x211: {  	s20 =	sadd.s32 $0x10, s20;
	s22 =	smov.u32 s21;
	s21 =	sadd.s32 $0x4, s21;
	[tilespmem:v13+s1+$0x0] =	vst.idx.add.f32.msk vm0, v15  }
0x212: {  	v13 =	vld.idx.msk [tilespmem:v14+s2+$0x0], $0xffff;
	_ =	sdelay $0x2  }
0x213: {  	v14 =	vld [tilespmem:s20+$0x0];
	_ =	sdelay $0x2  }
0x214: {  	v13 =	vshll.u32 v13, $0x2  }
0x215: {  	v13 =	vxor.u32 v3, v13  }
0x216: {  	(xrf1) =	vsort.ascd.msk.u32 $0xffff, v13, v14;
	_ =	sdelay $0xd  }
0x217: {  	v13, v14, _ =	vpop (xrf1)  }
0x218: {  	v13 =	vxor.u32 $0x80000000, v13  }
0x219: {  	[tilespmem:$0xB410] =	vst v13  }
0x21a: {  	v15 =	vld.idx.msk [tilespmem:v4+s16+$0x0], $0xffff  }
0x21b: {  	[tilespmem:$0xB480] =	vst v14  }
0x21c: {  	v16 =	vld.idx.msk [tilespmem:v5+s17+$0x0], $0xffff;
	_ =	sdelay $0x3  }
0x21d: {  	vm0 =	veq.s32 v15, v13;
	_ =	sdelay $0x1  }
0x21e: {  	v15 =	vnsel vm0, $0x0, v16  }
0x21f: {  	v14 =	vadd.f32 v15, v14  }
0x220: {  	v15 =	vld.idx.msk [tilespmem:v6+s16+$0x0], $0xffff  }
0x221: {  	[tilespmem:$0xB480] =	vst v14  }
0x222: {  	v16 =	vld.idx.msk [tilespmem:v7+s17+$0x0], $0xffff;
	_ =	sdelay $0x3  }
0x223: {  	vm0 =	veq.s32 v15, v13;
	_ =	sdelay $0x1  }
0x224: {  	v15 =	vnsel vm0, $0x0, v16  }
0x225: {  	v14 =	vadd.f32 v15, v14  }
0x226: {  	v15 =	vld.idx.msk [tilespmem:v8+s16+$0x0], $0xffff  }
0x227: {  	[tilespmem:$0xB480] =	vst v14  }
0x228: {  	v16 =	vld.idx.msk [tilespmem:v9+s17+$0x0], $0xffff  }
0x229: {  	v17 =	vld.idx.msk [tilespmem:v10+s16+$0x0], $0xffff;
	_ =	sdelay $0x2  }
0x22a: {  	vm0 =	veq.s32 v15, v13;
	_ =	sdelay $0x1  }
0x22b: {  	v15 =	vnsel vm0, $0x0, v16  }
0x22c: {  	v15 =	vadd.f32 v15, v14;
	vm1 =	veq.s32 v17, v13;
	_ =	sdelay $0x1  }
0x22d: {  	[tilespmem:$0xB480] =	vst v15  }
0x22e: {  	v14 =	vld.idx.msk [tilespmem:v12+s16+$0x0], $0xffff  }
0x22f: {  	v16 =	vld.idx.msk [tilespmem:v11+s17+$0x0], $0xffff;
	_ =	sdelay $0x2  }
.Ltmp7:
0x230: {  	(pc) =	sbr.rel @p1 .LBB2_12-.Ltmp7, $4  }
0x231: {  	_ = 	snop  }
0x232: {  	vm0 =	vne.s32 v14, v13  }
0x233: {  	v16 =	vnsel vm1, $0x0, v16  }
0x234: {  	v14 =	vor.u32 s22, v2;
	v15 =	vadd.f32 v16, v15  }
0x235: {  	_ =	sdelay $0x4  }
0x236: {  	[tilespmem:v13+s1+$0x0] =	vst.idx.add.f32.msk vm0, v15  }
0x237: {  	v13 =	vld.idx.msk [tilespmem:v14+s2+$0x0], $0xffff  }
0x238: {  	s20 =	sadd.s32 $0x10, s20  }
0x239: {  	v14 =	vld [tilespmem:s20+$0x0];
	_ =	sdelay $0x2  }
0x23a: {  	v13 =	vshll.u32 v13, $0x2  }
0x23b: {  	v13 =	vxor.u32 v3, v13  }
0x23c: {  	(xrf1) =	vsort.ascd.msk.u32 $0xffff, v13, v14;
	_ =	sdelay $0xd  }
0x23d: {  	v13, v14, _ =	vpop (xrf1)  }
0x23e: {  	v13 =	vxor.u32 $0x80000000, v13  }
0x23f: {  	[tilespmem:$0xB410] =	vst v13  }
0x240: {  	v15 =	vld.idx.msk [tilespmem:v4+s16+$0x0], $0xffff;
	[tilespmem:$0xB480] =	vst v14  }
0x241: {  	v16 =	vld.idx.msk [tilespmem:v5+s17+$0x0], $0xffff;
	_ =	sdelay $0x3  }
0x242: {  	vm12 =	veq.s32 v15, v13  }
0x243: {  	v15 =	vnsel vm12, $0x0, v16  }
0x244: {  	v14 =	vadd.f32 v15, v14;
	_ =	sdelay $0x1  }
0x245: {  	v15 =	vld.idx.msk [tilespmem:v6+s16+$0x0], $0xffff;
	[tilespmem:$0xB480] =	vst v14  }
0x246: {  	v61 =	vld.idx.msk [tilespmem:v7+s17+$0x0], $0xffff;
	_ =	sdelay $0x3  }
0x247: {  	vm13 =	veq.s32 v15, v13  }
0x248: {  	v15 =	vnsel vm13, $0x0, v61  }
0x249: {  	v14 =	vadd.f32 v15, v14;
	_ =	sdelay $0x1  }
0x24a: {  	v15 =	vld.idx.msk [tilespmem:v8+s16+$0x0], $0xffff;
	[tilespmem:$0xB480] =	vst v14  }
0x24b: {  	v62 =	vld.idx.msk [tilespmem:v9+s17+$0x0], $0xffff;
	_ =	sdelay $0x3  }
0x24c: {  	vm14 =	veq.s32 v15, v13  }
0x24d: {  	v15 =	vnsel vm14, $0x0, v62  }
0x24e: {  	v14 =	vadd.f32 v15, v14;
	_ =	sdelay $0x1  }
0x24f: {  	v15 =	vld.idx.msk [tilespmem:v10+s16+$0x0], $0xffff;
	[tilespmem:$0xB480] =	vst v14  }
0x250: {  	v63 =	vld.idx.msk [tilespmem:v12+s16+$0x0], $0xffff;
	_ =	sdelay $0x2  }
0x251: {  	v17 =	vld.idx.msk [tilespmem:v11+s17+$0x0], $0xffff;
	_ =	sdelay $0x1  }
0x252: {  	vm15 =	vne.s32 v63, v13;
	_ =	sdelay $0x1  }
0x253: {  	vm1 =	veq.s32 v15, v13  }
0x254: {  	v15 =	vnsel vm1, $0x0, v17  }
0x255: {  	v14 =	vadd.f32 v15, v14;
	_ =	sdelay $0x1  }
0x256: {  	[tilespmem:v13+s1+$0x0] =	vst.idx.add.f32.msk vm15, v14  }
0x257: {  	[spmem:s14] =	stream.linear.scatter [tilespmem:s1], [sflag:$0x1], $0xA000, $0x38;
	[tilespmem:$0x17500] =	vst v63  }
.Ltmp8:
0x258: {  	_ =	swait.ge [sflag:s15], $0xA000;
	(pc) =	sbr.rel @p0 .LBB2_45-.Ltmp8, $3  }
0x259: {  	[sflag:s15] =	ssyncset.done $0x0  }
0x25a: {  	[sflag:s15] =	ssyncadd.s32 $0xFFFF6000  }
0x25b: {  	[bflag:$0x0] =	sbarrier.arrive $0xFFFF;
	_ =	sdelay $0x1  }
0x25c: {  	s20 =	simm.s32 $0xC500  }
0x25d: {  	[tilespmem:s20], [sflag:$0x1] =	stream.linear.gather [spmem:s12], $0x1000, $0x38;
	[tilespmem:$0x17500] =	vst v63  }
0x25e: {  	_ =	swait.ge [sflag:s15], $0x1000  }
0x25f: {  	[sflag:s15] =	ssyncset.done $0x0  }
0x260: {  	s22 =	rddreg [dreg:$0x3];
	[sflag:s15] =	ssyncadd.s32 $0xFFFFF000  }
0x261: {  	[tilespmem:s18], [sflag:$0x1] =	stream.linear.gather [spmem:s22], $0x1000, $0x38;
	[tilespmem:$0x17500] =	vst v63  }
0x262: {  	_ =	swait.ge [sflag:s15], $0x1000  }
0x263: {  	[sflag:s15] =	ssyncset.done $0x0  }
0x264: {  	s20 =	simm.s32 $0x0;
	[sflag:s15] =	ssyncadd.s32 $0xFFFFF000  }
0x265: {  	s21 =	simm.s32 $0x40;
	v13 =	vld [tilespmem:s20+$0xB500]  }
.LBB2_15:
0x266: {  	p1 =	sne.s32 s21, $0x3FC0;
	v14 =	vld [tilespmem:s20+$0xC500];
	_ =	sdelay $0x2  }
.Ltmp9:
0x267: {  	(pc) =	sbr.rel @p1 .LBB2_15-.Ltmp9, $4  }
0x268: {  	_ = 	snop  }
0x269: {  	v14 =	vadd.f32 v13, v14  }
0x26a: {  	s22 =	sshra.s32 s21, $0x2  }
0x26b: {  	s21 =	sadd.s32 $0x40, s21;
	v13 =	vld [tilespmem:s22+$0xB500];
	[tilespmem:s20+$0xC500] =	vst v14;
	s20 =	smov.u32 s22  }
0x26c: {  	v14 =	vld [tilespmem:s20+$0xC500];
	_ =	sdelay $0x4  }
0x26d: {  	v13 =	vadd.f32 v13, v14;
	_ =	sdelay $0x1  }
0x26e: {  	s22 =	rddreg [dreg:$0x4];
	[tilespmem:s20+$0xC500] =	vst v13  }
0x26f: {  	[tilespmem:s18], [sflag:$0x1] =	stream.linear.gather [spmem:s22], $0x1000, $0x38;
	[tilespmem:$0x17500] =	vst v63  }
0x270: {  	_ =	swait.ge [sflag:s15], $0x1000  }
0x271: {  	[sflag:s15] =	ssyncset.done $0x0  }
0x272: {  	s20 =	simm.s32 $0x0;
	[sflag:s15] =	ssyncadd.s32 $0xFFFFF000  }
0x273: {  	s21 =	simm.s32 $0x40;
	v13 =	vld [tilespmem:s20+$0xB500]  }
.LBB2_17:
0x274: {  	p1 =	sne.s32 s21, $0x3FC0;
	v14 =	vld [tilespmem:s20+$0xC500];
	_ =	sdelay $0x2  }
.Ltmp10:
0x275: {  	(pc) =	sbr.rel @p1 .LBB2_17-.Ltmp10, $4  }
0x276: {  	_ = 	snop  }
0x277: {  	v14 =	vadd.f32 v13, v14  }
0x278: {  	s22 =	sshra.s32 s21, $0x2  }
0x279: {  	s21 =	sadd.s32 $0x40, s21;
	v13 =	vld [tilespmem:s22+$0xB500];
	[tilespmem:s20+$0xC500] =	vst v14;
	s20 =	smov.u32 s22  }
0x27a: {  	v14 =	vld [tilespmem:s20+$0xC500];
	_ =	sdelay $0x4  }
0x27b: {  	v13 =	vadd.f32 v13, v14;
	_ =	sdelay $0x1  }
0x27c: {  	s22 =	rddreg [dreg:$0x5];
	[tilespmem:s20+$0xC500] =	vst v13  }
0x27d: {  	[tilespmem:s18], [sflag:$0x1] =	stream.linear.gather [spmem:s22], $0x1000, $0x38;
	[tilespmem:$0x17500] =	vst v63  }
0x27e: {  	_ =	swait.ge [sflag:s15], $0x1000  }
0x27f: {  	[sflag:s15] =	ssyncset.done $0x0  }
0x280: {  	s20 =	simm.s32 $0x0;
	[sflag:s15] =	ssyncadd.s32 $0xFFFFF000  }
0x281: {  	s21 =	simm.s32 $0x40;
	v13 =	vld [tilespmem:s20+$0xB500]  }
.LBB2_19:
0x282: {  	p1 =	sne.s32 s21, $0x3FC0;
	v14 =	vld [tilespmem:s20+$0xC500];
	_ =	sdelay $0x2  }
.Ltmp11:
0x283: {  	(pc) =	sbr.rel @p1 .LBB2_19-.Ltmp11, $4  }
0x284: {  	_ = 	snop  }
0x285: {  	v14 =	vadd.f32 v13, v14  }
0x286: {  	s22 =	sshra.s32 s21, $0x2  }
0x287: {  	s21 =	sadd.s32 $0x40, s21;
	v13 =	vld [tilespmem:s22+$0xB500];
	[tilespmem:s20+$0xC500] =	vst v14;
	s20 =	smov.u32 s22  }
0x288: {  	v14 =	vld [tilespmem:s20+$0xC500];
	_ =	sdelay $0x4  }
0x289: {  	v13 =	vadd.f32 v13, v14;
	_ =	sdelay $0x1  }
0x28a: {  	s22 =	rddreg [dreg:$0x6];
	[tilespmem:s20+$0xC500] =	vst v13  }
0x28b: {  	[tilespmem:s18], [sflag:$0x1] =	stream.linear.gather [spmem:s22], $0x1000, $0x38;
	[tilespmem:$0x17500] =	vst v63  }
0x28c: {  	_ =	swait.ge [sflag:s15], $0x1000  }
0x28d: {  	[sflag:s15] =	ssyncset.done $0x0  }
0x28e: {  	s20 =	simm.s32 $0x0;
	[sflag:s15] =	ssyncadd.s32 $0xFFFFF000  }
0x28f: {  	s21 =	simm.s32 $0x40;
	v13 =	vld [tilespmem:s20+$0xB500]  }
.LBB2_21:
0x290: {  	p1 =	sne.s32 s21, $0x3FC0;
	v14 =	vld [tilespmem:s20+$0xC500];
	_ =	sdelay $0x2  }
.Ltmp12:
0x291: {  	(pc) =	sbr.rel @p1 .LBB2_21-.Ltmp12, $4  }
0x292: {  	_ = 	snop  }
0x293: {  	v14 =	vadd.f32 v13, v14  }
0x294: {  	s22 =	sshra.s32 s21, $0x2  }
0x295: {  	s21 =	sadd.s32 $0x40, s21;
	v13 =	vld [tilespmem:s22+$0xB500];
	[tilespmem:s20+$0xC500] =	vst v14;
	s20 =	smov.u32 s22  }
0x296: {  	v14 =	vld [tilespmem:s20+$0xC500];
	_ =	sdelay $0x4  }
0x297: {  	v13 =	vadd.f32 v13, v14;
	_ =	sdelay $0x1  }
0x298: {  	s22 =	rddreg [dreg:$0x7];
	[tilespmem:s20+$0xC500] =	vst v13  }
0x299: {  	[tilespmem:s18], [sflag:$0x1] =	stream.linear.gather [spmem:s22], $0x1000, $0x38;
	[tilespmem:$0x17500] =	vst v63  }
0x29a: {  	_ =	swait.ge [sflag:s15], $0x1000  }
0x29b: {  	[sflag:s15] =	ssyncset.done $0x0  }
0x29c: {  	s20 =	simm.s32 $0x0;
	[sflag:s15] =	ssyncadd.s32 $0xFFFFF000  }
0x29d: {  	s21 =	simm.s32 $0x40;
	v13 =	vld [tilespmem:s20+$0xB500]  }
.LBB2_23:
0x29e: {  	p1 =	sne.s32 s21, $0x3FC0;
	v14 =	vld [tilespmem:s20+$0xC500];
	_ =	sdelay $0x2  }
.Ltmp13:
0x29f: {  	(pc) =	sbr.rel @p1 .LBB2_23-.Ltmp13, $4  }
0x2a0: {  	_ = 	snop  }
0x2a1: {  	v14 =	vadd.f32 v13, v14  }
0x2a2: {  	s22 =	sshra.s32 s21, $0x2  }
0x2a3: {  	s21 =	sadd.s32 $0x40, s21;
	v13 =	vld [tilespmem:s22+$0xB500];
	[tilespmem:s20+$0xC500] =	vst v14;
	s20 =	smov.u32 s22  }
0x2a4: {  	v14 =	vld [tilespmem:s20+$0xC500];
	_ =	sdelay $0x4  }
0x2a5: {  	v13 =	vadd.f32 v13, v14;
	_ =	sdelay $0x1  }
0x2a6: {  	s22 =	rddreg [dreg:$0x8];
	[tilespmem:s20+$0xC500] =	vst v13  }
0x2a7: {  	[tilespmem:s18], [sflag:$0x1] =	stream.linear.gather [spmem:s22], $0x1000, $0x38;
	[tilespmem:$0x17500] =	vst v63  }
0x2a8: {  	_ =	swait.ge [sflag:s15], $0x1000  }
0x2a9: {  	[sflag:s15] =	ssyncset.done $0x0  }
0x2aa: {  	s20 =	simm.s32 $0x0;
	[sflag:s15] =	ssyncadd.s32 $0xFFFFF000  }
0x2ab: {  	s21 =	simm.s32 $0x40;
	v13 =	vld [tilespmem:s20+$0xB500]  }
.LBB2_25:
0x2ac: {  	p1 =	sne.s32 s21, $0x3FC0;
	v14 =	vld [tilespmem:s20+$0xC500];
	_ =	sdelay $0x2  }
.Ltmp14:
0x2ad: {  	(pc) =	sbr.rel @p1 .LBB2_25-.Ltmp14, $4  }
0x2ae: {  	_ = 	snop  }
0x2af: {  	v14 =	vadd.f32 v13, v14  }
0x2b0: {  	s22 =	sshra.s32 s21, $0x2  }
0x2b1: {  	s21 =	sadd.s32 $0x40, s21;
	v13 =	vld [tilespmem:s22+$0xB500];
	[tilespmem:s20+$0xC500] =	vst v14;
	s20 =	smov.u32 s22  }
0x2b2: {  	v14 =	vld [tilespmem:s20+$0xC500];
	_ =	sdelay $0x4  }
0x2b3: {  	v13 =	vadd.f32 v13, v14;
	_ =	sdelay $0x1  }
0x2b4: {  	s22 =	rddreg [dreg:$0x9];
	[tilespmem:s20+$0xC500] =	vst v13  }
0x2b5: {  	[tilespmem:s18], [sflag:$0x1] =	stream.linear.gather [spmem:s22], $0x1000, $0x38;
	[tilespmem:$0x17500] =	vst v63  }
0x2b6: {  	_ =	swait.ge [sflag:s15], $0x1000  }
0x2b7: {  	[sflag:s15] =	ssyncset.done $0x0  }
0x2b8: {  	s20 =	simm.s32 $0x0;
	[sflag:s15] =	ssyncadd.s32 $0xFFFFF000  }
0x2b9: {  	s21 =	simm.s32 $0x40;
	v13 =	vld [tilespmem:s20+$0xB500]  }
.LBB2_27:
0x2ba: {  	p1 =	sne.s32 s21, $0x3FC0;
	v14 =	vld [tilespmem:s20+$0xC500];
	_ =	sdelay $0x2  }
.Ltmp15:
0x2bb: {  	(pc) =	sbr.rel @p1 .LBB2_27-.Ltmp15, $4  }
0x2bc: {  	_ = 	snop  }
0x2bd: {  	v14 =	vadd.f32 v13, v14  }
0x2be: {  	s22 =	sshra.s32 s21, $0x2  }
0x2bf: {  	s21 =	sadd.s32 $0x40, s21;
	v13 =	vld [tilespmem:s22+$0xB500];
	[tilespmem:s20+$0xC500] =	vst v14;
	s20 =	smov.u32 s22  }
0x2c0: {  	v14 =	vld [tilespmem:s20+$0xC500];
	_ =	sdelay $0x4  }
0x2c1: {  	v13 =	vadd.f32 v13, v14;
	_ =	sdelay $0x1  }
0x2c2: {  	s22 =	rddreg [dreg:$0xa];
	[tilespmem:s20+$0xC500] =	vst v13  }
0x2c3: {  	[tilespmem:s18], [sflag:$0x1] =	stream.linear.gather [spmem:s22], $0x1000, $0x38;
	[tilespmem:$0x17500] =	vst v63  }
0x2c4: {  	_ =	swait.ge [sflag:s15], $0x1000  }
0x2c5: {  	[sflag:s15] =	ssyncset.done $0x0  }
0x2c6: {  	s20 =	simm.s32 $0x0;
	[sflag:s15] =	ssyncadd.s32 $0xFFFFF000  }
0x2c7: {  	s21 =	simm.s32 $0x40;
	v13 =	vld [tilespmem:s20+$0xB500]  }
.LBB2_29:
0x2c8: {  	p1 =	sne.s32 s21, $0x3FC0;
	v14 =	vld [tilespmem:s20+$0xC500];
	_ =	sdelay $0x2  }
.Ltmp16:
0x2c9: {  	(pc) =	sbr.rel @p1 .LBB2_29-.Ltmp16, $4  }
0x2ca: {  	_ = 	snop  }
0x2cb: {  	v14 =	vadd.f32 v13, v14  }
0x2cc: {  	s22 =	sshra.s32 s21, $0x2  }
0x2cd: {  	s21 =	sadd.s32 $0x40, s21;
	v13 =	vld [tilespmem:s22+$0xB500];
	[tilespmem:s20+$0xC500] =	vst v14;
	s20 =	smov.u32 s22  }
0x2ce: {  	v14 =	vld [tilespmem:s20+$0xC500];
	_ =	sdelay $0x4  }
0x2cf: {  	v13 =	vadd.f32 v13, v14;
	_ =	sdelay $0x1  }
0x2d0: {  	[tilespmem:s20+$0xC500] =	vst v13  }
0x2d1: {  	[tilespmem:s18], [sflag:$0x1] =	stream.linear.gather [spmem:s23], $0x1000, $0x38;
	[tilespmem:$0x17500] =	vst v63  }
0x2d2: {  	_ =	swait.ge [sflag:s15], $0x1000  }
0x2d3: {  	[sflag:s15] =	ssyncset.done $0x0  }
0x2d4: {  	s20 =	simm.s32 $0x0;
	[sflag:s15] =	ssyncadd.s32 $0xFFFFF000  }
0x2d5: {  	s21 =	simm.s32 $0x40;
	v13 =	vld [tilespmem:s20+$0xB500]  }
.LBB2_31:
0x2d6: {  	p1 =	sne.s32 s21, $0x3FC0;
	v14 =	vld [tilespmem:s20+$0xC500];
	_ =	sdelay $0x2  }
.Ltmp17:
0x2d7: {  	(pc) =	sbr.rel @p1 .LBB2_31-.Ltmp17, $4  }
0x2d8: {  	_ = 	snop  }
0x2d9: {  	v14 =	vadd.f32 v13, v14  }
0x2da: {  	s22 =	sshra.s32 s21, $0x2  }
0x2db: {  	s21 =	sadd.s32 $0x40, s21;
	v13 =	vld [tilespmem:s22+$0xB500];
	[tilespmem:s20+$0xC500] =	vst v14;
	s20 =	smov.u32 s22  }
0x2dc: {  	v14 =	vld [tilespmem:s20+$0xC500];
	_ =	sdelay $0x4  }
0x2dd: {  	v13 =	vadd.f32 v13, v14;
	_ =	sdelay $0x1  }
0x2de: {  	[tilespmem:s20+$0xC500] =	vst v13  }
0x2df: {  	[tilespmem:s18], [sflag:$0x1] =	stream.linear.gather [spmem:s26], $0x1000, $0x38;
	[tilespmem:$0x17500] =	vst v63  }
0x2e0: {  	_ =	swait.ge [sflag:s15], $0x1000  }
0x2e1: {  	[sflag:s15] =	ssyncset.done $0x0  }
0x2e2: {  	s20 =	simm.s32 $0x0;
	[sflag:s15] =	ssyncadd.s32 $0xFFFFF000  }
0x2e3: {  	s21 =	simm.s32 $0x40;
	v13 =	vld [tilespmem:s20+$0xB500]  }
.LBB2_33:
0x2e4: {  	p1 =	sne.s32 s21, $0x3FC0;
	v14 =	vld [tilespmem:s20+$0xC500];
	_ =	sdelay $0x2  }
.Ltmp18:
0x2e5: {  	(pc) =	sbr.rel @p1 .LBB2_33-.Ltmp18, $4  }
0x2e6: {  	_ = 	snop  }
0x2e7: {  	v14 =	vadd.f32 v13, v14  }
0x2e8: {  	s22 =	sshra.s32 s21, $0x2  }
0x2e9: {  	s21 =	sadd.s32 $0x40, s21;
	v13 =	vld [tilespmem:s22+$0xB500];
	[tilespmem:s20+$0xC500] =	vst v14;
	s20 =	smov.u32 s22  }
0x2ea: {  	v14 =	vld [tilespmem:s20+$0xC500];
	_ =	sdelay $0x4  }
0x2eb: {  	v13 =	vadd.f32 v13, v14;
	_ =	sdelay $0x1  }
0x2ec: {  	[tilespmem:s20+$0xC500] =	vst v13  }
0x2ed: {  	[tilespmem:s18], [sflag:$0x1] =	stream.linear.gather [spmem:s28], $0x1000, $0x38;
	[tilespmem:$0x17500] =	vst v63  }
0x2ee: {  	_ =	swait.ge [sflag:s15], $0x1000  }
0x2ef: {  	[sflag:s15] =	ssyncset.done $0x0  }
0x2f0: {  	s20 =	simm.s32 $0x0;
	[sflag:s15] =	ssyncadd.s32 $0xFFFFF000  }
0x2f1: {  	s21 =	simm.s32 $0x40;
	v13 =	vld [tilespmem:s20+$0xB500]  }
.LBB2_35:
0x2f2: {  	p1 =	sne.s32 s21, $0x3FC0;
	v14 =	vld [tilespmem:s20+$0xC500];
	_ =	sdelay $0x2  }
.Ltmp19:
0x2f3: {  	(pc) =	sbr.rel @p1 .LBB2_35-.Ltmp19, $4  }
0x2f4: {  	_ = 	snop  }
0x2f5: {  	v14 =	vadd.f32 v13, v14  }
0x2f6: {  	s22 =	sshra.s32 s21, $0x2  }
0x2f7: {  	s21 =	sadd.s32 $0x40, s21;
	v13 =	vld [tilespmem:s22+$0xB500];
	[tilespmem:s20+$0xC500] =	vst v14;
	s20 =	smov.u32 s22  }
0x2f8: {  	v14 =	vld [tilespmem:s20+$0xC500];
	_ =	sdelay $0x4  }
0x2f9: {  	v13 =	vadd.f32 v13, v14;
	_ =	sdelay $0x1  }
0x2fa: {  	[tilespmem:s20+$0xC500] =	vst v13  }
0x2fb: {  	[tilespmem:s18], [sflag:$0x1] =	stream.linear.gather [spmem:s29], $0x1000, $0x38;
	[tilespmem:$0x17500] =	vst v63  }
0x2fc: {  	_ =	swait.ge [sflag:s15], $0x1000  }
0x2fd: {  	[sflag:s15] =	ssyncset.done $0x0  }
0x2fe: {  	s20 =	simm.s32 $0x0;
	[sflag:s15] =	ssyncadd.s32 $0xFFFFF000  }
0x2ff: {  	s21 =	simm.s32 $0x40;
	v13 =	vld [tilespmem:s20+$0xB500]  }
.LBB2_37:
0x300: {  	p1 =	sne.s32 s21, $0x3FC0;
	v14 =	vld [tilespmem:s20+$0xC500];
	_ =	sdelay $0x2  }
.Ltmp20:
0x301: {  	(pc) =	sbr.rel @p1 .LBB2_37-.Ltmp20, $4  }
0x302: {  	_ = 	snop  }
0x303: {  	v14 =	vadd.f32 v13, v14  }
0x304: {  	s22 =	sshra.s32 s21, $0x2  }
0x305: {  	s21 =	sadd.s32 $0x40, s21;
	v13 =	vld [tilespmem:s22+$0xB500];
	[tilespmem:s20+$0xC500] =	vst v14;
	s20 =	smov.u32 s22  }
0x306: {  	v14 =	vld [tilespmem:s20+$0xC500];
	_ =	sdelay $0x4  }
0x307: {  	v13 =	vadd.f32 v13, v14;
	_ =	sdelay $0x1  }
0x308: {  	[tilespmem:s20+$0xC500] =	vst v13  }
0x309: {  	[tilespmem:s18], [sflag:$0x1] =	stream.linear.gather [spmem:s30], $0x1000, $0x38;
	[tilespmem:$0x17500] =	vst v63  }
0x30a: {  	_ =	swait.ge [sflag:s15], $0x1000  }
0x30b: {  	[sflag:s15] =	ssyncset.done $0x0  }
0x30c: {  	s20 =	simm.s32 $0x0;
	[sflag:s15] =	ssyncadd.s32 $0xFFFFF000  }
0x30d: {  	s21 =	simm.s32 $0x40;
	v13 =	vld [tilespmem:s20+$0xB500]  }
.LBB2_39:
0x30e: {  	p1 =	sne.s32 s21, $0x3FC0;
	v14 =	vld [tilespmem:s20+$0xC500];
	_ =	sdelay $0x2  }
.Ltmp21:
0x30f: {  	(pc) =	sbr.rel @p1 .LBB2_39-.Ltmp21, $4  }
0x310: {  	_ = 	snop  }
0x311: {  	v14 =	vadd.f32 v13, v14  }
0x312: {  	s22 =	sshra.s32 s21, $0x2  }
0x313: {  	s21 =	sadd.s32 $0x40, s21;
	v13 =	vld [tilespmem:s22+$0xB500];
	[tilespmem:s20+$0xC500] =	vst v14;
	s20 =	smov.u32 s22  }
0x314: {  	v14 =	vld [tilespmem:s20+$0xC500];
	_ =	sdelay $0x4  }
0x315: {  	v13 =	vadd.f32 v13, v14;
	_ =	sdelay $0x1  }
0x316: {  	[tilespmem:s20+$0xC500] =	vst v13  }
0x317: {  	[tilespmem:s18], [sflag:$0x1] =	stream.linear.gather [spmem:s31], $0x1000, $0x38;
	[tilespmem:$0x17500] =	vst v63  }
0x318: {  	_ =	swait.ge [sflag:s15], $0x1000  }
0x319: {  	[sflag:s15] =	ssyncset.done $0x0  }
0x31a: {  	s20 =	simm.s32 $0x0;
	[sflag:s15] =	ssyncadd.s32 $0xFFFFF000  }
0x31b: {  	s21 =	simm.s32 $0x40;
	v13 =	vld [tilespmem:s20+$0xB500]  }
.LBB2_41:
0x31c: {  	p1 =	sne.s32 s21, $0x3FC0;
	v14 =	vld [tilespmem:s20+$0xC500];
	_ =	sdelay $0x2  }
.Ltmp22:
0x31d: {  	(pc) =	sbr.rel @p1 .LBB2_41-.Ltmp22, $4  }
0x31e: {  	_ = 	snop  }
0x31f: {  	v14 =	vadd.f32 v13, v14  }
0x320: {  	s22 =	sshra.s32 s21, $0x2  }
0x321: {  	s21 =	sadd.s32 $0x40, s21;
	v13 =	vld [tilespmem:s22+$0xB500];
	[tilespmem:s20+$0xC500] =	vst v14;
	s20 =	smov.u32 s22  }
0x322: {  	v14 =	vld [tilespmem:s20+$0xC500];
	_ =	sdelay $0x4  }
0x323: {  	v13 =	vadd.f32 v13, v14;
	_ =	sdelay $0x1  }
0x324: {  	[tilespmem:s20+$0xC500] =	vst v13  }
0x325: {  	[tilespmem:s18], [sflag:$0x1] =	stream.linear.gather [spmem:s0], $0x1000, $0x38;
	[tilespmem:$0x17500] =	vst v63  }
0x326: {  	_ =	swait.ge [sflag:s15], $0x1000  }
0x327: {  	[sflag:s15] =	ssyncset.done $0x0  }
0x328: {  	s20 =	simm.s32 $0x0;
	[sflag:s15] =	ssyncadd.s32 $0xFFFFF000  }
0x329: {  	s21 =	simm.s32 $0x40;
	v13 =	vld [tilespmem:s20+$0xB500]  }
.LBB2_43:
0x32a: {  	p1 =	sne.s32 s21, $0x3FC0;
	v14 =	vld [tilespmem:s20+$0xC500];
	_ =	sdelay $0x2  }
.Ltmp23:
0x32b: {  	(pc) =	sbr.rel @p1 .LBB2_43-.Ltmp23, $4  }
0x32c: {  	_ = 	snop  }
0x32d: {  	v14 =	vadd.f32 v13, v14  }
0x32e: {  	s22 =	sshra.s32 s21, $0x2  }
0x32f: {  	s21 =	sadd.s32 $0x40, s21;
	v13 =	vld [tilespmem:s22+$0xB500];
	[tilespmem:s20+$0xC500] =	vst v14;
	s20 =	smov.u32 s22  }
.Ltmp24:
0x330: {  	_ = 	snop;
	(pc) =	sbr.rel .LBB2_44-.Ltmp24, $1  }
0x331: {  	_ =	sdelay $0x3  }
.LBB2_46:
0x332: {  	_ =	sfence.sel $0x180000  }
0x333: {  	[bflag:$0x0] =	sbarrier.arrive $0xFFFF  }
0x334: {  	_ =	strace $0x9000004A  }
0x335: {  	s0 =	stileid.u32;
	[bflag:$0x2] =	sbarrier.arrive $0xFFFF  }
0x336: {  	p0 =	sne.s32 s0, $0x0;
	s0 =	rddreg [dreg:$0x2]  }
0x337: {  	s0 =	sadd.s32 @!p0 $0x100000, s0  }
0x338: {  	[sflag:s0] =	ssyncadd.tile.s32 @!p0 $0x1;
	_ =	shalt  }
.Lfunc_end2:
_tile_overlayer_lowered:
.L_overlay_start_2:
0x339: {  	(tag) =	ssettag $0x2  }
0x33a: {  	s0 =	rddreg [dreg:$0x0];
	s2 =	stileid.u32  }
0x33b: {  	s1 =	rddreg [dreg:$0x1];
	p0 =	sne.s32 s2, $0x0  }
0x33c: {  	s3 =	rddreg [dreg:$0x2];
	[bflag:$0x3] =	sbarrier.arrive $0xFFFF;
	s2 =	simm.s32 @!p0 $0x1C01  }
0x33d: {  	[timem:s3], [sflag:s2] =	dma.local @!p0 [hbm:s0], s1  }
0x33e: {  	s0 =	simm.s32 @!p0 $0x1  }
0x33f: {  	_ =	swait.ge @!p0 [sflag:s0], s1  }
0x340: {  	s1 =	ssub.s32 @!p0 $0x0, s1;
	[sflag:s0] =	ssyncset.done @!p0 $0x0  }
0x341: {  	[sflag:s0] =	ssyncadd.s32 @!p0 s1  }
0x342: {  	[bflag:$0x3] =	sbarrier.arrive $0xFFFF  }
0x343: {  	_ =	shalt  }

// kernel: kernel.8.cloned.1.call-start
scs
__scs_entry_jumppad:
0x0: {  	(pc) =	sbr.rel $0x88, $3  }
0x1: {  	(tag) =	ssettag $0x0;
	lr =	simm.s32 $0x1  }
0x2: {  	[smem:$0x3F94] =	sst lr;
	_ =	strace $0xD0000000  }
0x3: {  	_ = 	snop  }
0x4: {  	_ = 	snop  }
0x5: {  	_ = 	snop  }
0x6: {  	_ = 	snop  }
0x7: {  	_ = 	snop  }
__scs_overlays_trampoline_lowered:
0x8: {  	[smem:$0x3FA3] =	sst s0  }
0x9: {  	[smem:$0x3FA4] =	sst s1  }
0xa: {  	[smem:$0x3FA5] =	sst s2  }
0xb: {  	[smem:$0x3FA6] =	sst s3  }
0xc: {  	[smem:$0x3FA7] =	sst s4  }
0xd: {  	[smem:$0x3FA8] =	sst s5  }
0xe: {  	[smem:$0x3FA9] =	sst s6  }
0xf: {  	[smem:$0x3FAA] =	sst s7  }
0x10: {  	[smem:$0x3FAB] =	sst s8  }
0x11: {  	[smem:$0x3FAC] =	sst s9;
	s0 =	simm.s32 @!p0 $0x0  }
0x12: {  	s1 =	sld [smem:$0x3F92];
	s0 =	simm.s32 @p0 $0x1  }
0x13: {  	[smem:$0x3FAD] =	sst s0;
	s0 =	simm.s32 @!p1 $0x0  }
0x14: {  	s2 =	sld [smem:$0x3F91];
	s0 =	simm.s32 @p1 $0x1  }
0x15: {  	[smem:$0x3FAE] =	sst s0;
	s0 =	simm.s32 @!p2 $0x0  }
0x16: {  	s3 =	sld [smem:$0x3FDB];
	s0 =	simm.s32 @p2 $0x1  }
0x17: {  	s4 =	simm.s32 $0x1BF5;
	[smem:$0x3FB0] =	sst s0  }
0x18: {  	s0 =	sld [smem:$0x3F93];
	_ =	swait.ge [sflag:s4], $0x0  }
0x19: {  	s7 =	sld [smem:$0x3F94]  }
0x1a: {  	s8 =	sadd.s32 $0xFFFFE003, lr  }
0x1b: {  	s9 =	sadd.s32 $0xFFFFFEF7, lr;
	s5 =	simm.s32 $0xFFFFFFFF;
	p2 =	slt.u32 s8, $0xFFFFF086  }
0x1c: {  	p1 =	slt.u32 s9, $0xF7A;
	s5 =	simm.s32 @!p2 $0x0  }
0x1d: {  	s5 =	simm.s32 @p1 $0x1;
	p0 =	seq.s32 s7, s2  }
0x1e: {  	s7 =	smul.u32 @!p0 $0xF7A, s2;
	p2 =	seq.s32 @!p0 s5, $0x0  }
0x1f: {  	s9 =	smul.u32 $0xF7A, s1;
	s8 =	simm.s32 @!p0 $0x1BF5;
	p2 =	por !p2, p0  }
0x20: {  	[sflag:s8] =	ssyncset.s32 @!p0 $0xFFFFF086;
	s6 =	sadd.s32 @!p0 s3, s7;
	s7 =	simm.s32 @!p0 $0x108  }
0x21: {  	s3 =	sadd.s32 s3, s9;
	s6 =	sadd.s32 @!p0 $0x88, s6;
	s7 =	simm.s32 @p2 $0x1082  }
0x22: {  	[simem:s7], [sflag:s8] =	dma.local @!p0 [hbm:s6], $0xF7A  }
0x23: {  	s9 =	sor.u32 $0xD0000000, s2;
	s6 =	simm.s32 $0x108;
	_ =	swait.ge @!p0 [sflag:s8], $0x0  }
0x24: {  	s3 =	sadd.s32 $0x88, s3;
	s6 =	simm.s32 @!p1 $0x1082;
	[sflag:s4] =	ssyncset.s32 $0xFFFFF086  }
0x25: {  	[simem:s6], [sflag:s4] =	dma.local [hbm:s3], $0xF7A  }
0x26: {  	[smem:$0x3F94] =	sst s1;
	(tag) =	ssettag s2;
	_ =	strace s9  }
0x27: {  	s1 =	sld [smem:$0x3FA4]  }
0x28: {  	s2 =	sld [smem:$0x3FA5]  }
0x29: {  	s4 =	sld [smem:$0x3FA7]  }
0x2a: {  	p0 =	seq.s32 s5, $0x0;
	s5 =	sld [smem:$0x3FA8]  }
0x2b: {  	s6 =	sld [smem:$0x3FA9]  }
0x2c: {  	s7 =	sld [smem:$0x3FAA]  }
0x2d: {  	s3 =	simm.s32 $0x108;
	s8 =	sld [smem:$0x3FAB]  }
0x2e: {  	s3 =	simm.s32 @!p0 $0x1082;
	s9 =	sld [smem:$0x3FAC]  }
0x2f: {  	lr =	sadd.s32 s0, s3;
	s0 =	sld [smem:$0x3FA3]  }
0x30: {  	s3 =	sld [smem:$0x3FA6]  }
0x31: {  	[smem:$0x3FAF] =	sst s10  }
0x32: {  	s10 =	sld [smem:$0x3FAD];
	_ =	sdelay $0x3  }
0x33: {  	p0 =	seq.s32 s10, $0x1;
	s10 =	sld [smem:$0x3FAF];
	_ =	sdelay $0x3  }
0x34: {  	[smem:$0x3FAF] =	sst s10  }
0x35: {  	s10 =	sld [smem:$0x3FAE];
	_ =	sdelay $0x3  }
0x36: {  	p1 =	seq.s32 s10, $0x1;
	s10 =	sld [smem:$0x3FAF];
	_ =	sdelay $0x3  }
0x37: {  	[smem:$0x3FAF] =	sst s10  }
0x38: {  	s10 =	sld [smem:$0x3FB0]  }
0x39: {  	_ = 	snop;
	(pc) =	sbr.ind lr, $3  }
0x3a: {  	_ = 	snop  }
0x3b: {  	_ = 	snop  }
0x3c: {  	p2 =	seq.s32 s10, $0x1;
	s10 =	sld [smem:$0x3FAF]  }
0x3d: {  	_ =	shalt  }
0x3e: {  	_ =	shalt  }
0x3f: {  	_ =	shalt  }
0x40: {  	_ =	shalt  }
0x41: {  	_ =	shalt  }
0x42: {  	_ =	shalt  }
0x43: {  	_ =	shalt  }
0x44: {  	_ =	shalt  }
0x45: {  	_ =	shalt  }
0x46: {  	_ =	shalt  }
0x47: {  	_ =	shalt  }
0x48: {  	_ =	shalt  }
0x49: {  	_ =	shalt  }
0x4a: {  	_ =	shalt  }
0x4b: {  	_ =	shalt  }
0x4c: {  	_ =	shalt  }
0x4d: {  	_ =	shalt  }
0x4e: {  	_ =	shalt  }
0x4f: {  	_ =	shalt  }
0x50: {  	_ =	shalt  }
0x51: {  	_ =	shalt  }
0x52: {  	_ =	shalt  }
0x53: {  	_ =	shalt  }
0x54: {  	_ =	shalt  }
0x55: {  	_ =	shalt  }
0x56: {  	_ =	shalt  }
0x57: {  	_ =	shalt  }
0x58: {  	_ =	shalt  }
0x59: {  	_ =	shalt  }
0x5a: {  	_ =	shalt  }
0x5b: {  	_ =	shalt  }
0x5c: {  	_ =	shalt  }
0x5d: {  	_ =	shalt  }
0x5e: {  	_ =	shalt  }
0x5f: {  	_ =	shalt  }
0x60: {  	_ =	shalt  }
0x61: {  	_ =	shalt  }
0x62: {  	_ =	shalt  }
0x63: {  	_ =	shalt  }
0x64: {  	_ =	shalt  }
0x65: {  	_ =	shalt  }
0x66: {  	_ =	shalt  }
0x67: {  	_ =	shalt  }
0x68: {  	_ =	shalt  }
0x69: {  	_ =	shalt  }
0x6a: {  	_ =	shalt  }
0x6b: {  	_ =	shalt  }
0x6c: {  	_ =	shalt  }
0x6d: {  	_ =	shalt  }
0x6e: {  	_ =	shalt  }
0x6f: {  	_ =	shalt  }
0x70: {  	_ =	shalt  }
0x71: {  	_ =	shalt  }
0x72: {  	_ =	shalt  }
0x73: {  	_ =	shalt  }
0x74: {  	_ =	shalt  }
0x75: {  	_ =	shalt  }
0x76: {  	_ =	shalt  }
0x77: {  	_ =	shalt  }
0x78: {  	_ =	shalt  }
0x79: {  	_ =	shalt  }
0x7a: {  	_ =	shalt  }
0x7b: {  	_ =	shalt  }
0x7c: {  	_ =	shalt  }
0x7d: {  	_ =	shalt  }
0x7e: {  	_ =	shalt  }
0x7f: {  	_ =	shalt  }
0x80: {  	_ =	shalt  }
0x81: {  	_ =	shalt  }
0x82: {  	_ =	shalt  }
0x83: {  	_ =	shalt  }
0x84: {  	_ =	shalt  }
0x85: {  	_ =	shalt  }
0x86: {  	_ =	shalt  }
0x87: {  	_ =	shalt  }
.Lfunc_end0:
.L_simem_size_0:
called_computation.2_lowered:
.L_overlay_start_0:
0x88: {  	s2 =	sld [smem:$0x3FD9]  }
0x89: {  	s3 =	sld [smem:$0x3FFE];
	_ =	sdelay $0x1  }
0x8a: {  	s1 =	srdreg.scid  }
0x8b: {  	s0 =	sand.u32 $0x1, s1  }
0x8c: {  	s16 =	sshll.u32 s0, $0xA;
	s2 =	sadd.s32 s3, s2  }
0x8d: {  	s2 =	sadd.s32 s2, s16  }
0x8e: {  	[smem:$0x3FBB] =	sst s2  }
0x8f: {  	_ = 	snop  }
0x90: {  	(tm) =	ssettm $0x1  }
0x91: {  	s17 =	sld [smem:$0x3FFB];
	_ =	sdelay $0x3  }
0x92: {  	_ =	strace s17  }
0x93: {  	s2 =	sld [smem:$0x3FFC];
	_ =	sdelay $0x3  }
0x94: {  	_ =	strace s2  }
0x95: {  	s2 =	sld [smem:$0x3FFD];
	_ =	sdelay $0x3  }
0x96: {  	_ =	strace s2  }
0x97: {  	_ =	strace $0x8FFFFFFF  }
0x98: {  	s18 =	sld [smem:$0x3FDB];
	_ =	sdelay $0x1  }
0x99: {  	s19 =	simm.s32 $_scs_section_size  }
0x9a: {  	s4 =	simm.s32 $_size__tile_overlayer_lowered;
	s5 =	simm.s32 $_tile_overlayer_lowered  }
0x9b: {  	s22 =	simm.s32 $0x1BFF;
	s21 =	sshll.u32 s5, $0x1;
	s2 =	sadd.s32 s19, s18  }
0x9c: {  	s6 =	simm.s32 $0x0;
	s20 =	sshll.u32 s4, $0x1;
	s4 =	sadd.s32 s21, s2  }
0x9d: {  	[timem:s6], [sflag:s22] =	dma.local [hbm:s4], s20  }
0x9e: {  	_ =	swait.ge [sflag:s22], s20  }
0x9f: {  	s3 =	ssub.s32 $0x0, s20;
	[sflag:s22] =	ssyncset.done $0x0  }
0xa0: {  	[sflag:s22] =	ssyncadd.s32 s3;
	_ =	sdelay $0x1  }
0xa1: {  	s23 =	simm.s32 $0x1B8B  }
0xa2: {  	_ =	swait.ge [sflag:s23], $0x1  }
0xa3: {  	[sflag:s23] =	ssyncset.done $0x0  }
0xa4: {  	s25 =	simm.s32 $0x1B8E;
	s24 =	sld [smem:$0x3FFE];
	[sflag:s23] =	ssyncadd.s32 $0xFFFFFFFF  }
0xa5: {  	s26 =	simm.s32 $execute0_lowered;
	[smem:$0x3FD2] =	sst s25  }
0xa6: {  	s4 =	sshll.u32 s26, $0x1;
	_ =	strace $0x80000046;
	[dreg:$0x1] =	wrdreg $0xFFFFFFFF  }
0xa7: {  	s28 =	simm.s32 $_size_execute0_lowered;
	s2 =	sadd.s32 s2, s4;
	[dreg:$0x0] =	wrdreg $0x0  }
0xa8: {  	s4 =	sshll.u32 s28, $0x1;
	[dreg:$0x2] =	wrdreg s2  }
0xa9: {  	[dreg:$0x3] =	wrdreg s4  }
0xaa: {  	[dreg:$0x4] =	wrdreg $0xC0  }
0xab: {  	_ =	task [dreg:s6], $0x5FFFF  }
0xac: {  	[dreg:$0x1] =	wrdreg $0xFFFFFFFF  }
0xad: {  	[dreg:$0x0] =	wrdreg $0x60  }
0xae: {  	[dreg:$0x2] =	wrdreg s24  }
0xaf: {  	[dreg:$0x3] =	wrdreg $0x9  }
0xb0: {  	_ =	task.clear_ibuf [dreg:s6], $0x4FFFF;
	_ =	strace $0x90000046  }
0xb1: {  	s29 =	simm.s32 $0x9;
	_ =	strace $0x80000048  }
0xb2: {  	_ =	swait.ge [sflag:s29], $0x1  }
0xb3: {  	[sflag:s29] =	ssyncadd.s32 $0xFFFFFFFF  }
0xb4: {  	_ =	strace $0x90000048  }
0xb5: {  	_ =	sfence  }
0xb6: {  	s30 =	sld [smem:$0x0];
	_ =	sdelay $0x2  }
0xb7: {  	s31 =	sshll.u32 s1, $0xD;
	s1 =	sshrl.u32 s1, $0x2  }
0xb8: {  	s3 =	sand.u32 $0x4000, s31;
	s1 =	sadd.s32 s1, s30  }
0xb9: {  	s0 =	sor.u32 s3, s0;
	s1 =	sshll.u32 s1, $0x11  }
0xba: {  	s0 =	sor.u32 s1, s0  }
0xbb: {  	s0 =	sadd.s32 $0x8F2B, s0  }
0xbc: {  	[sflag:s0] =	ssyncadd.remote.s32 $0x1  }
0xbd: {  	_ =	sfence.sel $0xFFFF  }
0xbe: {  	[dreg:$0x0] =	wrdreg $0xFFFFFFFF;
	(pc) =	sbr.abs _section_cstart, $3  }
0xbf: {  	[dreg:$0x1] =	wrdreg $0xFFFFFFFF  }
0xc0: {  	_ =	task.clear_ibuf [dreg:s6], $0x2FFFF;
	_ =	strace $0x9FFFFFFF  }
0xc1: {  	(tm) =	ssettm $0x7FFFFFFF  }
tec
execute0_lowered:
.L_overlay_start_1:
0x0: {  	(tag) =	ssettag $0x1  }
0x1: {  	s0 =	rddreg [dreg:$0x0]  }
0x2: {  	s1 =	simm.s32 $0x0;
	s2 =	srdreg.scid;
	s5 =	stileid.u32  }
0x3: {  	s28 =	simm.s32 $0x1;
	s29 =	simm.s32 $0x9C80;
	s2 =	sand.u32 $0x1, s2  }
0x4: {  	s31 =	simm.s32 $0x13900;
	s30 =	simm.s32 $0x0;
	s3 =	sshll.u32 s2, $0x4  }
0x5: {  	[smem:$0x7FF] =	sst s1;
	s4 =	sadd.s32 $0x5400, s0;
	s3 =	sor.u32 s5, s3  }
0x6: {  	s26 =	sadd.s32 $0xA400, s0;
	s2 =	ssub.s32 $0x2, s2;
	s16 =	smul.u32 $0x1388, s3  }
0x7: {  	s21 =	sadd.s32 $0xF400, s0;
	s6 =	sshrl.u32 s2, $0x1;
	s3 =	smul.u32 $0x9C4, s3  }
0x8: {  	s22 =	sadd.s32 $0x22E00, s0;
	_ =	strace $0x80000047;
	s2 =	ssub.s32 s2, s6  }
0x9: {  	s18 =	sshrl.u32 s16, $0x3;
	s9 =	sadd.s32 $0x3E8, s16;
	s19 =	sadd.s32 s21, s3  }
0xa: {  	s12 =	sadd.s32 $0x7D0, s16;
	s17 =	sadd.s32 $0xBB8, s16;
	s7 =	sadd.s32 s4, s18  }
0xb: {  	s6 =	sadd.s32 s26, s18;
	s8 =	sshrl.u32 s9, $0x3;
	[dreg:$0x4] =	wrdreg s19  }
0xc: {  	s20 =	sshrl.u32 s9, $0x1;
	s23 =	sshrl.u32 s12, $0x3;
	s14 =	sshrl.u32 s12, $0x1  }
0xd: {  	s24 =	sshrl.u32 s17, $0x3;
	s19 =	sadd.s32 $0xFA0, s16;
	[dreg:$0x2] =	wrdreg s7  }
0xe: {  	s25 =	sshrl.u32 s17, $0x1;
	[dreg:$0x3] =	wrdreg s6;
	s6 =	sadd.s32 s22, s3  }
0xf: {  	s7 =	sadd.s32 s4, s8;
	s8 =	sadd.s32 s26, s8;
	s9 =	sadd.s32 s21, s20  }
0x10: {  	s10 =	sadd.s32 s22, s20;
	s11 =	sadd.s32 s4, s23;
	s12 =	sadd.s32 s26, s23  }
0x11: {  	s13 =	sadd.s32 s21, s14;
	s14 =	sadd.s32 s22, s14;
	s15 =	sadd.s32 s4, s24  }
0x12: {  	s16 =	sadd.s32 s26, s24;
	s18 =	sshrl.u32 s19, $0x3;
	s20 =	sadd.s32 s22, s25  }
0x13: {  	s23 =	sadd.s32 $0x2C00, s0;
	s24 =	sadd.s32 $0x4000, s0;
	s17 =	sadd.s32 s4, s18  }
0x14: {  	s18 =	sadd.s32 s26, s18;
	s26 =	sshrl.u32 s19, $0x1;
	s19 =	sadd.s32 s21, s25  }
0x15: {  	v1 =	vlaneseq.u32;
	s25 =	sadd.s32 $0x2A00, s0;
	s0 =	simm.s32 $0x13D00;
	s21 =	sadd.s32 s21, s26  }
0x16: {  	v0 =	vshrl.u32 v1, $0x2;
	v1 =	vand.u32 $0x3, v1;
	s22 =	sadd.s32 s22, s26;
	s26 =	smax.u32 s2, $0x1;
	s2 =	simm.s32 $0x15100  }
.LBB2_1:
0x17: {  	[tilespmem:s1], [sflag:$0x1] =	stream.linear.gather [hbm4b:s23+s1], $0x9C80, $0x38;
	[tilespmem:$0x16180] =	vst v63  }
0x18: {  	_ =	swait.ge [sflag:s28], $0x9C80  }
0x19: {  	[sflag:s28] =	ssyncset.done $0x0  }
0x1a: {  	[sflag:s28] =	ssyncadd.s32 $0xFFFF6380  }
0x1b: {  	[tilespmem:s29], [sflag:$0x1] =	stream.linear.gather [hbm4b:s24+s1], $0x9C80, $0x38;
	[tilespmem:$0x16180] =	vst v63  }
0x1c: {  	_ =	swait.ge [sflag:s28], $0x9C80  }
0x1d: {  	[sflag:s28] =	ssyncset.done $0x0  }
0x1e: {  	s3 =	simm.s32 $0x16100;
	[sflag:s28] =	ssyncadd.s32 $0xFFFF6380  }
0x1f: {  	[tilespmem:s3], [sflag:$0x1] =	stream.linear.gather [hbm4b:s25+s1], $0x80, $0x38;
	[tilespmem:$0x16180] =	vst v63  }
0x20: {  	_ =	swait.ge [sflag:s28], $0x80  }
0x21: {  	[sflag:s28] =	ssyncset.done $0x0  }
0x22: {  	s5 =	rddreg [dreg:$0x2];
	[sflag:s28] =	ssyncadd.s32 $0xFFFFFF80  }
0x23: {  	v2 =	vld [tilespmem:$0x16100];
	[tilespmem:s31], [sflag:$0x1] =	stream.linear.gather [hbm4b:s5+s1], $0x3E8, $0x38  }
0x24: {  	_ =	swait.ge [sflag:s28], $0x3E8  }
0x25: {  	[sflag:s28] =	ssyncset.done $0x0  }
0x26: {  	s4 =	rddreg [dreg:$0x3];
	[sflag:s28] =	ssyncadd.s32 $0xFFFFFC18  }
0x27: {  	[tilespmem:s0], [sflag:$0x1] =	stream.linear.gather [hbm4b:s4+s1], $0x3E8, $0x38;
	[tilespmem:$0x16180] =	vst v63  }
0x28: {  	_ =	swait.ge [sflag:s28], $0x3E8  }
0x29: {  	[sflag:s28] =	ssyncset.done $0x0  }
0x2a: {  	v3 =	vor.u32 s1, v0;
	s5 =	simm.s32 $0x14100;
	s4 =	rddreg [dreg:$0x4];
	[sflag:s28] =	ssyncadd.s32 $0xFFFFFC18  }
0x2b: {  	[tilespmem:s5], [sflag:$0x1] =	stream.linear.gather [hbm4b:s4+s1], $0xFA0, $0x38;
	[tilespmem:$0x16180] =	vst v63  }
0x2c: {  	_ =	swait.ge [sflag:s28], $0xFA0  }
0x2d: {  	[sflag:s28] =	ssyncset.done $0x0  }
0x2e: {  	[sflag:s28] =	ssyncadd.s32 $0xFFFFF060  }
0x2f: {  	v4 =	vld.idx.msk [tilespmem:v3+s31+$0x0], $0xffff  }
0x30: {  	v3 =	vld.idx.msk [tilespmem:v3+s0+$0x0], $0xffff;
	_ =	sdelay $0x3  }
0x31: {  	v4 =	vshll.u32 v4, $0x2  }
0x32: {  	v3 =	vshll.u32 v3, $0x2;
	v4 =	vor.u32 v1, v4  }
0x33: {  	v3 =	vor.u32 v1, v3;
	_ =	sdelay $0x3  }
0x34: {  	v4 =	vld.idx.msk [tilespmem:v4+s1+$0x0], $0xffff  }
0x35: {  	v3 =	vld.idx.msk [tilespmem:v3+s29+$0x0], $0xffff;
	_ =	sdelay $0x1  }
0x36: {  	v5 =	vld [tilespmem:s5+$0x0];
	_ =	sdelay $0x2  }
0x37: {  	v3 =	vadd.f32 v3, v4;
	_ =	sdelay $0x1  }
0x38: {  	v3 =	vadd.f32 v5, v3;
	_ =	sdelay $0x1  }
0x39: {  	v3 =	vsub.f32 v3, v2;
	_ =	sdelay $0x1  }
0x3a: {  	v3 =	vmul.f32 $1.442695020e+00, v3;
	_ =	sdelay $0x1  }
0x3b: {  	(erf) = vpow2.f32 v3;
	_ =	sdelay $0x4  }
0x3c: {  	s4 =	simm.s32 $0x4  }
0x3d: {  	v3 =	vor.u32 s4, v0;
	_ =	sdelay $0x2  }
0x3e: {  	v4 =	vpop (erf)  }
0x3f: {  	[tilespmem:s2+$0x0] =	vst v4  }
0x40: {  	v4 =	vld.idx.msk [tilespmem:v3+s31+$0x0], $0xffff  }
0x41: {  	v3 =	vld.idx.msk [tilespmem:v3+s0+$0x0], $0xffff;
	_ =	sdelay $0x3  }
0x42: {  	v4 =	vshll.u32 v4, $0x2  }
0x43: {  	v3 =	vshll.u32 v3, $0x2;
	v4 =	vor.u32 v1, v4  }
0x44: {  	v3 =	vor.u32 v1, v3;
	_ =	sdelay $0x3  }
0x45: {  	v4 =	vld.idx.msk [tilespmem:v4+s1+$0x0], $0xffff  }
0x46: {  	v3 =	vld.idx.msk [tilespmem:v3+s29+$0x0], $0xffff  }
0x47: {  	s3 =	simm.s32 $0x14110  }
0x48: {  	v5 =	vld [tilespmem:s3+$0x0];
	_ =	sdelay $0x2  }
0x49: {  	v3 =	vadd.f32 v3, v4;
	_ =	sdelay $0x1  }
0x4a: {  	v3 =	vadd.f32 v5, v3;
	_ =	sdelay $0x1  }
0x4b: {  	v3 =	vsub.f32 v3, v2;
	_ =	sdelay $0x1  }
0x4c: {  	v3 =	vmul.f32 $1.442695020e+00, v3;
	_ =	sdelay $0x1  }
0x4d: {  	(erf) = vpow2.f32 v3;
	_ =	sdelay $0x4  }
0x4e: {  	s5 =	simm.s32 $0x8  }
0x4f: {  	v3 =	vor.u32 s5, v0  }
0x50: {  	s4 =	simm.s32 $0x15100;
	s5 =	simm.s32 $0xC  }
.LBB2_2:
0x51: {  	p0 =	sne.s32 s5, $0x3E4  }
0x52: {  	s4 =	sadd.s32 $0x10, s4;
	v4 =	vpop (erf)  }
0x53: {  	[tilespmem:s4+$0x0] =	vst v4  }
0x54: {  	v4 =	vld.idx.msk [tilespmem:v3+s31+$0x0], $0xffff  }
0x55: {  	v3 =	vld.idx.msk [tilespmem:v3+s0+$0x0], $0xffff;
	_ =	sdelay $0x4  }
0x56: {  	v4 =	vshll.u32 v4, $0x2  }
0x57: {  	v4 =	vor.u32 v1, v4;
	v3 =	vshll.u32 v3, $0x2  }
0x58: {  	v3 =	vor.u32 v1, v3;
	_ =	sdelay $0x3  }
0x59: {  	v4 =	vld.idx.msk [tilespmem:v4+s1+$0x0], $0xffff  }
0x5a: {  	v3 =	vld.idx.msk [tilespmem:v3+s29+$0x0], $0xffff;
	_ =	sdelay $0x1  }
0x5b: {  	s3 =	sadd.s32 $0x10, s3  }
0x5c: {  	v5 =	vld [tilespmem:s3+$0x0];
	_ =	sdelay $0x2  }
0x5d: {  	v3 =	vadd.f32 v3, v4;
	_ =	sdelay $0x1  }
0x5e: {  	v3 =	vadd.f32 v5, v3;
	_ =	sdelay $0x1  }
0x5f: {  	v3 =	vsub.f32 v3, v2;
	_ =	sdelay $0x1  }
0x60: {  	v3 =	vmul.f32 $1.442695020e+00, v3;
	_ =	sdelay $0x1  }
0x61: {  	(erf) = vpow2.f32 v3;
	_ =	sdelay $0x2  }
.Ltmp0:
0x62: {  	(pc) =	sbr.rel @p0 .LBB2_2-.Ltmp0, $3  }
0x63: {  	_ =	sdelay $0x1  }
0x64: {  	v3 =	vor.u32 s5, v0  }
0x65: {  	s5 =	sadd.s32 $0x4, s5  }
0x66: {  	_ =	sdelay $0x1  }
0x67: {  	s4 =	sadd.s32 $0x10, s4;
	v4 =	vpop (erf)  }
0x68: {  	[tilespmem:s4+$0x0] =	vst v4  }
0x69: {  	v4 =	vld.idx.msk [tilespmem:v3+s31+$0x0], $0xffff  }
0x6a: {  	v3 =	vld.idx.msk [tilespmem:v3+s0+$0x0], $0xffff;
	_ =	sdelay $0x3  }
0x6b: {  	v4 =	vshll.u32 v4, $0x2  }
0x6c: {  	v3 =	vshll.u32 v3, $0x2;
	v4 =	vor.u32 v1, v4  }
0x6d: {  	v3 =	vor.u32 v1, v3;
	_ =	sdelay $0x3  }
0x6e: {  	v4 =	vld.idx.msk [tilespmem:v4+s1+$0x0], $0xffff  }
0x6f: {  	v3 =	vld.idx.msk [tilespmem:v3+s29+$0x0], $0xffff  }
0x70: {  	s3 =	sadd.s32 $0x10, s3  }
0x71: {  	v5 =	vld [tilespmem:s3+$0x0];
	_ =	sdelay $0x2  }
0x72: {  	v3 =	vadd.f32 v3, v4;
	_ =	sdelay $0x1  }
0x73: {  	v3 =	vadd.f32 v5, v3;
	_ =	sdelay $0x1  }
0x74: {  	v3 =	vsub.f32 v3, v2;
	_ =	sdelay $0x1  }
0x75: {  	v3 =	vmul.f32 $1.442695020e+00, v3;
	_ =	sdelay $0x1  }
0x76: {  	(erf) = vpow2.f32 v3;
	_ =	sdelay $0x8  }
0x77: {  	s4 =	sadd.s32 $0x10, s4;
	v3 =	vpop (erf)  }
0x78: {  	s3 =	simm.s32 $0x15100;
	[tilespmem:s4+$0x0] =	vst v3;
	s4 =	simm.s32 $0x0  }
0x79: {  	[hbm4b:s6+s4] =	stream.linear.scatter [tilespmem:s3], [sflag:$0x1], $0xFA0, $0x38;
	[tilespmem:$0x16180] =	vst v63  }
0x7a: {  	_ =	swait.ge [sflag:s28], $0xFA0  }
0x7b: {  	[sflag:s28] =	ssyncset.done $0x0  }
0x7c: {  	[sflag:s28] =	ssyncadd.s32 $0xFFFFF060  }
0x7d: {  	[tilespmem:s31], [sflag:$0x1] =	stream.linear.gather [hbm4b:s7+s4], $0x3E8, $0x38;
	[tilespmem:$0x16180] =	vst v63  }
0x7e: {  	_ =	swait.ge [sflag:s28], $0x3E8  }
0x7f: {  	[sflag:s28] =	ssyncset.done $0x0  }
0x80: {  	[sflag:s28] =	ssyncadd.s32 $0xFFFFFC18  }
0x81: {  	[tilespmem:s0], [sflag:$0x1] =	stream.linear.gather [hbm4b:s8+s4], $0x3E8, $0x38;
	[tilespmem:$0x16180] =	vst v63  }
0x82: {  	_ =	swait.ge [sflag:s28], $0x3E8  }
0x83: {  	[sflag:s28] =	ssyncset.done $0x0  }
0x84: {  	s5 =	simm.s32 $0x14100;
	v3 =	vor.u32 s4, v0;
	[sflag:s28] =	ssyncadd.s32 $0xFFFFFC18  }
0x85: {  	[tilespmem:s5], [sflag:$0x1] =	stream.linear.gather [hbm4b:s9+s4], $0xFA0, $0x38;
	[tilespmem:$0x16180] =	vst v63  }
0x86: {  	_ =	swait.ge [sflag:s28], $0xFA0  }
0x87: {  	[sflag:s28] =	ssyncset.done $0x0  }
0x88: {  	[sflag:s28] =	ssyncadd.s32 $0xFFFFF060  }
0x89: {  	v4 =	vld.idx.msk [tilespmem:v3+s31+$0x0], $0xffff  }
0x8a: {  	v3 =	vld.idx.msk [tilespmem:v3+s0+$0x0], $0xffff;
	_ =	sdelay $0x3  }
0x8b: {  	v4 =	vshll.u32 v4, $0x2  }
0x8c: {  	v3 =	vshll.u32 v3, $0x2;
	v4 =	vor.u32 v1, v4  }
0x8d: {  	v3 =	vor.u32 v1, v3;
	_ =	sdelay $0x3  }
0x8e: {  	v4 =	vld.idx.msk [tilespmem:v4+s1+$0x0], $0xffff  }
0x8f: {  	v3 =	vld.idx.msk [tilespmem:v3+s29+$0x0], $0xffff;
	_ =	sdelay $0x1  }
0x90: {  	v5 =	vld [tilespmem:s5+$0x0];
	_ =	sdelay $0x2  }
0x91: {  	v3 =	vadd.f32 v3, v4;
	_ =	sdelay $0x1  }
0x92: {  	v3 =	vadd.f32 v5, v3;
	_ =	sdelay $0x1  }
0x93: {  	v3 =	vsub.f32 v3, v2;
	_ =	sdelay $0x1  }
0x94: {  	v3 =	vmul.f32 $1.442695020e+00, v3;
	_ =	sdelay $0x1  }
0x95: {  	(erf) = vpow2.f32 v3;
	_ =	sdelay $0x4  }
0x96: {  	s5 =	simm.s32 $0x4  }
0x97: {  	v3 =	vor.u32 s5, v0;
	_ =	sdelay $0x2  }
0x98: {  	v4 =	vpop (erf)  }
0x99: {  	[tilespmem:s3+$0x0] =	vst v4  }
0x9a: {  	v4 =	vld.idx.msk [tilespmem:v3+s31+$0x0], $0xffff  }
0x9b: {  	v3 =	vld.idx.msk [tilespmem:v3+s0+$0x0], $0xffff;
	_ =	sdelay $0x3  }
0x9c: {  	v4 =	vshll.u32 v4, $0x2  }
0x9d: {  	v3 =	vshll.u32 v3, $0x2;
	v4 =	vor.u32 v1, v4  }
0x9e: {  	v3 =	vor.u32 v1, v3;
	_ =	sdelay $0x3  }
0x9f: {  	v4 =	vld.idx.msk [tilespmem:v4+s1+$0x0], $0xffff  }
0xa0: {  	v3 =	vld.idx.msk [tilespmem:v3+s29+$0x0], $0xffff  }
0xa1: {  	s4 =	simm.s32 $0x14110  }
0xa2: {  	v5 =	vld [tilespmem:s4+$0x0];
	_ =	sdelay $0x2  }
0xa3: {  	v3 =	vadd.f32 v3, v4;
	_ =	sdelay $0x1  }
0xa4: {  	v3 =	vadd.f32 v5, v3;
	_ =	sdelay $0x1  }
0xa5: {  	v3 =	vsub.f32 v3, v2;
	_ =	sdelay $0x1  }
0xa6: {  	v3 =	vmul.f32 $1.442695020e+00, v3;
	_ =	sdelay $0x1  }
0xa7: {  	(erf) = vpow2.f32 v3;
	_ =	sdelay $0x4  }
0xa8: {  	s5 =	simm.s32 $0x8  }
0xa9: {  	v3 =	vor.u32 s5, v0  }
0xaa: {  	s5 =	simm.s32 $0xC  }
.LBB2_4:
0xab: {  	p0 =	sne.s32 s5, $0x3E4  }
0xac: {  	s3 =	sadd.s32 $0x10, s3;
	v4 =	vpop (erf)  }
0xad: {  	[tilespmem:s3+$0x0] =	vst v4  }
0xae: {  	v4 =	vld.idx.msk [tilespmem:v3+s31+$0x0], $0xffff  }
0xaf: {  	v3 =	vld.idx.msk [tilespmem:v3+s0+$0x0], $0xffff;
	_ =	sdelay $0x4  }
0xb0: {  	v4 =	vshll.u32 v4, $0x2  }
0xb1: {  	v4 =	vor.u32 v1, v4;
	v3 =	vshll.u32 v3, $0x2  }
0xb2: {  	v3 =	vor.u32 v1, v3;
	_ =	sdelay $0x3  }
0xb3: {  	v4 =	vld.idx.msk [tilespmem:v4+s1+$0x0], $0xffff  }
0xb4: {  	v3 =	vld.idx.msk [tilespmem:v3+s29+$0x0], $0xffff;
	_ =	sdelay $0x1  }
0xb5: {  	s4 =	sadd.s32 $0x10, s4  }
0xb6: {  	v5 =	vld [tilespmem:s4+$0x0];
	_ =	sdelay $0x2  }
0xb7: {  	v3 =	vadd.f32 v3, v4;
	_ =	sdelay $0x1  }
0xb8: {  	v3 =	vadd.f32 v5, v3;
	_ =	sdelay $0x1  }
0xb9: {  	v3 =	vsub.f32 v3, v2;
	_ =	sdelay $0x1  }
0xba: {  	v3 =	vmul.f32 $1.442695020e+00, v3;
	_ =	sdelay $0x1  }
0xbb: {  	(erf) = vpow2.f32 v3;
	_ =	sdelay $0x2  }
.Ltmp1:
0xbc: {  	(pc) =	sbr.rel @p0 .LBB2_4-.Ltmp1, $3  }
0xbd: {  	_ =	sdelay $0x1  }
0xbe: {  	v3 =	vor.u32 s5, v0  }
0xbf: {  	s5 =	sadd.s32 $0x4, s5  }
0xc0: {  	_ =	sdelay $0x1  }
0xc1: {  	s3 =	sadd.s32 $0x10, s3;
	v4 =	vpop (erf)  }
0xc2: {  	[tilespmem:s3+$0x0] =	vst v4  }
0xc3: {  	v4 =	vld.idx.msk [tilespmem:v3+s31+$0x0], $0xffff  }
0xc4: {  	v3 =	vld.idx.msk [tilespmem:v3+s0+$0x0], $0xffff;
	_ =	sdelay $0x3  }
0xc5: {  	v4 =	vshll.u32 v4, $0x2  }
0xc6: {  	v3 =	vshll.u32 v3, $0x2;
	v4 =	vor.u32 v1, v4  }
0xc7: {  	v3 =	vor.u32 v1, v3;
	_ =	sdelay $0x3  }
0xc8: {  	v4 =	vld.idx.msk [tilespmem:v4+s1+$0x0], $0xffff  }
0xc9: {  	v3 =	vld.idx.msk [tilespmem:v3+s29+$0x0], $0xffff  }
0xca: {  	s4 =	sadd.s32 $0x10, s4  }
0xcb: {  	v5 =	vld [tilespmem:s4+$0x0];
	_ =	sdelay $0x2  }
0xcc: {  	v3 =	vadd.f32 v3, v4;
	_ =	sdelay $0x1  }
0xcd: {  	v3 =	vadd.f32 v5, v3;
	_ =	sdelay $0x1  }
0xce: {  	v3 =	vsub.f32 v3, v2;
	_ =	sdelay $0x1  }
0xcf: {  	v3 =	vmul.f32 $1.442695020e+00, v3;
	_ =	sdelay $0x1  }
0xd0: {  	(erf) = vpow2.f32 v3;
	_ =	sdelay $0x8  }
0xd1: {  	s3 =	sadd.s32 $0x10, s3;
	v3 =	vpop (erf)  }
0xd2: {  	s4 =	simm.s32 $0x0;
	[tilespmem:s3+$0x0] =	vst v3;
	s3 =	simm.s32 $0x15100  }
0xd3: {  	[hbm4b:s10+s4] =	stream.linear.scatter [tilespmem:s3], [sflag:$0x1], $0xFA0, $0x38;
	[tilespmem:$0x16180] =	vst v63  }
0xd4: {  	_ =	swait.ge [sflag:s28], $0xFA0  }
0xd5: {  	[sflag:s28] =	ssyncset.done $0x0  }
0xd6: {  	[sflag:s28] =	ssyncadd.s32 $0xFFFFF060  }
0xd7: {  	[tilespmem:s31], [sflag:$0x1] =	stream.linear.gather [hbm4b:s11+s4], $0x3E8, $0x38;
	[tilespmem:$0x16180] =	vst v63  }
0xd8: {  	_ =	swait.ge [sflag:s28], $0x3E8  }
0xd9: {  	[sflag:s28] =	ssyncset.done $0x0  }
0xda: {  	[sflag:s28] =	ssyncadd.s32 $0xFFFFFC18  }
0xdb: {  	[tilespmem:s0], [sflag:$0x1] =	stream.linear.gather [hbm4b:s12+s4], $0x3E8, $0x38;
	[tilespmem:$0x16180] =	vst v63  }
0xdc: {  	_ =	swait.ge [sflag:s28], $0x3E8  }
0xdd: {  	[sflag:s28] =	ssyncset.done $0x0  }
0xde: {  	s5 =	simm.s32 $0x14100;
	v3 =	vor.u32 s4, v0;
	[sflag:s28] =	ssyncadd.s32 $0xFFFFFC18  }
0xdf: {  	[tilespmem:s5], [sflag:$0x1] =	stream.linear.gather [hbm4b:s13+s4], $0xFA0, $0x38;
	[tilespmem:$0x16180] =	vst v63  }
0xe0: {  	_ =	swait.ge [sflag:s28], $0xFA0  }
0xe1: {  	[sflag:s28] =	ssyncset.done $0x0  }
0xe2: {  	[sflag:s28] =	ssyncadd.s32 $0xFFFFF060  }
0xe3: {  	v4 =	vld.idx.msk [tilespmem:v3+s31+$0x0], $0xffff  }
0xe4: {  	v3 =	vld.idx.msk [tilespmem:v3+s0+$0x0], $0xffff;
	_ =	sdelay $0x3  }
0xe5: {  	v4 =	vshll.u32 v4, $0x2  }
0xe6: {  	v3 =	vshll.u32 v3, $0x2;
	v4 =	vor.u32 v1, v4  }
0xe7: {  	v3 =	vor.u32 v1, v3;
	_ =	sdelay $0x3  }
0xe8: {  	v4 =	vld.idx.msk [tilespmem:v4+s1+$0x0], $0xffff  }
0xe9: {  	v3 =	vld.idx.msk [tilespmem:v3+s29+$0x0], $0xffff;
	_ =	sdelay $0x1  }
0xea: {  	v5 =	vld [tilespmem:s5+$0x0];
	_ =	sdelay $0x2  }
0xeb: {  	v3 =	vadd.f32 v3, v4;
	_ =	sdelay $0x1  }
0xec: {  	v3 =	vadd.f32 v5, v3;
	_ =	sdelay $0x1  }
0xed: {  	v3 =	vsub.f32 v3, v2;
	_ =	sdelay $0x1  }
0xee: {  	v3 =	vmul.f32 $1.442695020e+00, v3;
	_ =	sdelay $0x1  }
0xef: {  	(erf) = vpow2.f32 v3;
	_ =	sdelay $0x4  }
0xf0: {  	s5 =	simm.s32 $0x4  }
0xf1: {  	v3 =	vor.u32 s5, v0;
	_ =	sdelay $0x2  }
0xf2: {  	v4 =	vpop (erf)  }
0xf3: {  	[tilespmem:s3+$0x0] =	vst v4  }
0xf4: {  	v4 =	vld.idx.msk [tilespmem:v3+s31+$0x0], $0xffff  }
0xf5: {  	v3 =	vld.idx.msk [tilespmem:v3+s0+$0x0], $0xffff;
	_ =	sdelay $0x3  }
0xf6: {  	v4 =	vshll.u32 v4, $0x2  }
0xf7: {  	v3 =	vshll.u32 v3, $0x2;
	v4 =	vor.u32 v1, v4  }
0xf8: {  	v3 =	vor.u32 v1, v3;
	_ =	sdelay $0x3  }
0xf9: {  	v4 =	vld.idx.msk [tilespmem:v4+s1+$0x0], $0xffff  }
0xfa: {  	v3 =	vld.idx.msk [tilespmem:v3+s29+$0x0], $0xffff  }
0xfb: {  	s4 =	simm.s32 $0x14110  }
0xfc: {  	v5 =	vld [tilespmem:s4+$0x0];
	_ =	sdelay $0x2  }
0xfd: {  	v3 =	vadd.f32 v3, v4;
	_ =	sdelay $0x1  }
0xfe: {  	v3 =	vadd.f32 v5, v3;
	_ =	sdelay $0x1  }
0xff: {  	v3 =	vsub.f32 v3, v2;
	_ =	sdelay $0x1  }
0x100: {  	v3 =	vmul.f32 $1.442695020e+00, v3;
	_ =	sdelay $0x1  }
0x101: {  	(erf) = vpow2.f32 v3;
	_ =	sdelay $0x4  }
0x102: {  	s5 =	simm.s32 $0x8  }
0x103: {  	v3 =	vor.u32 s5, v0  }
0x104: {  	s5 =	simm.s32 $0xC  }
.LBB2_6:
0x105: {  	p0 =	sne.s32 s5, $0x3E4  }
0x106: {  	s3 =	sadd.s32 $0x10, s3;
	v4 =	vpop (erf)  }
0x107: {  	[tilespmem:s3+$0x0] =	vst v4  }
0x108: {  	v4 =	vld.idx.msk [tilespmem:v3+s31+$0x0], $0xffff  }
0x109: {  	v3 =	vld.idx.msk [tilespmem:v3+s0+$0x0], $0xffff;
	_ =	sdelay $0x4  }
0x10a: {  	v4 =	vshll.u32 v4, $0x2  }
0x10b: {  	v4 =	vor.u32 v1, v4;
	v3 =	vshll.u32 v3, $0x2  }
0x10c: {  	v3 =	vor.u32 v1, v3;
	_ =	sdelay $0x3  }
0x10d: {  	v4 =	vld.idx.msk [tilespmem:v4+s1+$0x0], $0xffff  }
0x10e: {  	v3 =	vld.idx.msk [tilespmem:v3+s29+$0x0], $0xffff;
	_ =	sdelay $0x1  }
0x10f: {  	s4 =	sadd.s32 $0x10, s4  }
0x110: {  	v5 =	vld [tilespmem:s4+$0x0];
	_ =	sdelay $0x2  }
0x111: {  	v3 =	vadd.f32 v3, v4;
	_ =	sdelay $0x1  }
0x112: {  	v3 =	vadd.f32 v5, v3;
	_ =	sdelay $0x1  }
0x113: {  	v3 =	vsub.f32 v3, v2;
	_ =	sdelay $0x1  }
0x114: {  	v3 =	vmul.f32 $1.442695020e+00, v3;
	_ =	sdelay $0x1  }
0x115: {  	(erf) = vpow2.f32 v3;
	_ =	sdelay $0x2  }
.Ltmp2:
0x116: {  	(pc) =	sbr.rel @p0 .LBB2_6-.Ltmp2, $3  }
0x117: {  	_ =	sdelay $0x1  }
0x118: {  	v3 =	vor.u32 s5, v0  }
0x119: {  	s5 =	sadd.s32 $0x4, s5  }
0x11a: {  	_ =	sdelay $0x1  }
0x11b: {  	s3 =	sadd.s32 $0x10, s3;
	v4 =	vpop (erf)  }
0x11c: {  	[tilespmem:s3+$0x0] =	vst v4  }
0x11d: {  	v4 =	vld.idx.msk [tilespmem:v3+s31+$0x0], $0xffff  }
0x11e: {  	v3 =	vld.idx.msk [tilespmem:v3+s0+$0x0], $0xffff;
	_ =	sdelay $0x3  }
0x11f: {  	v4 =	vshll.u32 v4, $0x2  }
0x120: {  	v3 =	vshll.u32 v3, $0x2;
	v4 =	vor.u32 v1, v4  }
0x121: {  	v3 =	vor.u32 v1, v3;
	_ =	sdelay $0x3  }
0x122: {  	v4 =	vld.idx.msk [tilespmem:v4+s1+$0x0], $0xffff  }
0x123: {  	v3 =	vld.idx.msk [tilespmem:v3+s29+$0x0], $0xffff  }
0x124: {  	s4 =	sadd.s32 $0x10, s4  }
0x125: {  	v5 =	vld [tilespmem:s4+$0x0];
	_ =	sdelay $0x2  }
0x126: {  	v3 =	vadd.f32 v3, v4;
	_ =	sdelay $0x1  }
0x127: {  	v3 =	vadd.f32 v5, v3;
	_ =	sdelay $0x1  }
0x128: {  	v3 =	vsub.f32 v3, v2;
	_ =	sdelay $0x1  }
0x129: {  	v3 =	vmul.f32 $1.442695020e+00, v3;
	_ =	sdelay $0x1  }
0x12a: {  	(erf) = vpow2.f32 v3;
	_ =	sdelay $0x8  }
0x12b: {  	s3 =	sadd.s32 $0x10, s3;
	v3 =	vpop (erf)  }
0x12c: {  	s4 =	simm.s32 $0x0;
	[tilespmem:s3+$0x0] =	vst v3;
	s3 =	simm.s32 $0x15100  }
0x12d: {  	[hbm4b:s14+s4] =	stream.linear.scatter [tilespmem:s3], [sflag:$0x1], $0xFA0, $0x38;
	[tilespmem:$0x16180] =	vst v63  }
0x12e: {  	_ =	swait.ge [sflag:s28], $0xFA0  }
0x12f: {  	[sflag:s28] =	ssyncset.done $0x0  }
0x130: {  	[sflag:s28] =	ssyncadd.s32 $0xFFFFF060  }
0x131: {  	[tilespmem:s31], [sflag:$0x1] =	stream.linear.gather [hbm4b:s15+s4], $0x3E8, $0x38;
	[tilespmem:$0x16180] =	vst v63  }
0x132: {  	_ =	swait.ge [sflag:s28], $0x3E8  }
0x133: {  	[sflag:s28] =	ssyncset.done $0x0  }
0x134: {  	[sflag:s28] =	ssyncadd.s32 $0xFFFFFC18  }
0x135: {  	[tilespmem:s0], [sflag:$0x1] =	stream.linear.gather [hbm4b:s16+s4], $0x3E8, $0x38;
	[tilespmem:$0x16180] =	vst v63  }
0x136: {  	_ =	swait.ge [sflag:s28], $0x3E8  }
0x137: {  	[sflag:s28] =	ssyncset.done $0x0  }
0x138: {  	s5 =	simm.s32 $0x14100;
	v3 =	vor.u32 s4, v0;
	[sflag:s28] =	ssyncadd.s32 $0xFFFFFC18  }
0x139: {  	[tilespmem:s5], [sflag:$0x1] =	stream.linear.gather [hbm4b:s19+s4], $0xFA0, $0x38;
	[tilespmem:$0x16180] =	vst v63  }
0x13a: {  	_ =	swait.ge [sflag:s28], $0xFA0  }
0x13b: {  	[sflag:s28] =	ssyncset.done $0x0  }
0x13c: {  	[sflag:s28] =	ssyncadd.s32 $0xFFFFF060  }
0x13d: {  	v4 =	vld.idx.msk [tilespmem:v3+s31+$0x0], $0xffff  }
0x13e: {  	v3 =	vld.idx.msk [tilespmem:v3+s0+$0x0], $0xffff;
	_ =	sdelay $0x3  }
0x13f: {  	v4 =	vshll.u32 v4, $0x2  }
0x140: {  	v3 =	vshll.u32 v3, $0x2;
	v4 =	vor.u32 v1, v4  }
0x141: {  	v3 =	vor.u32 v1, v3;
	_ =	sdelay $0x3  }
0x142: {  	v4 =	vld.idx.msk [tilespmem:v4+s1+$0x0], $0xffff  }
0x143: {  	v3 =	vld.idx.msk [tilespmem:v3+s29+$0x0], $0xffff;
	_ =	sdelay $0x1  }
0x144: {  	v5 =	vld [tilespmem:s5+$0x0];
	_ =	sdelay $0x2  }
0x145: {  	v3 =	vadd.f32 v3, v4;
	_ =	sdelay $0x1  }
0x146: {  	v3 =	vadd.f32 v5, v3;
	_ =	sdelay $0x1  }
0x147: {  	v3 =	vsub.f32 v3, v2;
	_ =	sdelay $0x1  }
0x148: {  	v3 =	vmul.f32 $1.442695020e+00, v3;
	_ =	sdelay $0x1  }
0x149: {  	(erf) = vpow2.f32 v3;
	_ =	sdelay $0x4  }
0x14a: {  	s5 =	simm.s32 $0x4  }
0x14b: {  	v3 =	vor.u32 s5, v0;
	_ =	sdelay $0x2  }
0x14c: {  	v4 =	vpop (erf)  }
0x14d: {  	[tilespmem:s3+$0x0] =	vst v4  }
0x14e: {  	v4 =	vld.idx.msk [tilespmem:v3+s31+$0x0], $0xffff  }
0x14f: {  	v3 =	vld.idx.msk [tilespmem:v3+s0+$0x0], $0xffff;
	_ =	sdelay $0x3  }
0x150: {  	v4 =	vshll.u32 v4, $0x2  }
0x151: {  	v3 =	vshll.u32 v3, $0x2;
	v4 =	vor.u32 v1, v4  }
0x152: {  	v3 =	vor.u32 v1, v3;
	_ =	sdelay $0x3  }
0x153: {  	v4 =	vld.idx.msk [tilespmem:v4+s1+$0x0], $0xffff  }
0x154: {  	v3 =	vld.idx.msk [tilespmem:v3+s29+$0x0], $0xffff  }
0x155: {  	s4 =	simm.s32 $0x14110  }
0x156: {  	v5 =	vld [tilespmem:s4+$0x0];
	_ =	sdelay $0x2  }
0x157: {  	v3 =	vadd.f32 v3, v4;
	_ =	sdelay $0x1  }
0x158: {  	v3 =	vadd.f32 v5, v3;
	_ =	sdelay $0x1  }
0x159: {  	v3 =	vsub.f32 v3, v2;
	_ =	sdelay $0x1  }
0x15a: {  	v3 =	vmul.f32 $1.442695020e+00, v3;
	_ =	sdelay $0x1  }
0x15b: {  	(erf) = vpow2.f32 v3;
	_ =	sdelay $0x4  }
0x15c: {  	s5 =	simm.s32 $0x8  }
0x15d: {  	v3 =	vor.u32 s5, v0  }
0x15e: {  	s5 =	simm.s32 $0xC  }
.LBB2_8:
0x15f: {  	p0 =	sne.s32 s5, $0x3E4  }
0x160: {  	s3 =	sadd.s32 $0x10, s3;
	v4 =	vpop (erf)  }
0x161: {  	[tilespmem:s3+$0x0] =	vst v4  }
0x162: {  	v4 =	vld.idx.msk [tilespmem:v3+s31+$0x0], $0xffff  }
0x163: {  	v3 =	vld.idx.msk [tilespmem:v3+s0+$0x0], $0xffff;
	_ =	sdelay $0x4  }
0x164: {  	v4 =	vshll.u32 v4, $0x2  }
0x165: {  	v4 =	vor.u32 v1, v4;
	v3 =	vshll.u32 v3, $0x2  }
0x166: {  	v3 =	vor.u32 v1, v3;
	_ =	sdelay $0x3  }
0x167: {  	v4 =	vld.idx.msk [tilespmem:v4+s1+$0x0], $0xffff  }
0x168: {  	v3 =	vld.idx.msk [tilespmem:v3+s29+$0x0], $0xffff;
	_ =	sdelay $0x1  }
0x169: {  	s4 =	sadd.s32 $0x10, s4  }
0x16a: {  	v5 =	vld [tilespmem:s4+$0x0];
	_ =	sdelay $0x2  }
0x16b: {  	v3 =	vadd.f32 v3, v4;
	_ =	sdelay $0x1  }
0x16c: {  	v3 =	vadd.f32 v5, v3;
	_ =	sdelay $0x1  }
0x16d: {  	v3 =	vsub.f32 v3, v2;
	_ =	sdelay $0x1  }
0x16e: {  	v3 =	vmul.f32 $1.442695020e+00, v3;
	_ =	sdelay $0x1  }
0x16f: {  	(erf) = vpow2.f32 v3;
	_ =	sdelay $0x2  }
.Ltmp3:
0x170: {  	(pc) =	sbr.rel @p0 .LBB2_8-.Ltmp3, $3  }
0x171: {  	_ =	sdelay $0x1  }
0x172: {  	v3 =	vor.u32 s5, v0  }
0x173: {  	s5 =	sadd.s32 $0x4, s5  }
0x174: {  	_ =	sdelay $0x1  }
0x175: {  	s3 =	sadd.s32 $0x10, s3;
	v4 =	vpop (erf)  }
0x176: {  	[tilespmem:s3+$0x0] =	vst v4  }
0x177: {  	v4 =	vld.idx.msk [tilespmem:v3+s31+$0x0], $0xffff  }
0x178: {  	v3 =	vld.idx.msk [tilespmem:v3+s0+$0x0], $0xffff;
	_ =	sdelay $0x3  }
0x179: {  	v4 =	vshll.u32 v4, $0x2  }
0x17a: {  	v3 =	vshll.u32 v3, $0x2;
	v4 =	vor.u32 v1, v4  }
0x17b: {  	v3 =	vor.u32 v1, v3;
	_ =	sdelay $0x3  }
0x17c: {  	v4 =	vld.idx.msk [tilespmem:v4+s1+$0x0], $0xffff  }
0x17d: {  	v3 =	vld.idx.msk [tilespmem:v3+s29+$0x0], $0xffff  }
0x17e: {  	s4 =	sadd.s32 $0x10, s4  }
0x17f: {  	v5 =	vld [tilespmem:s4+$0x0];
	_ =	sdelay $0x2  }
0x180: {  	v3 =	vadd.f32 v3, v4;
	_ =	sdelay $0x1  }
0x181: {  	v3 =	vadd.f32 v5, v3;
	_ =	sdelay $0x1  }
0x182: {  	v3 =	vsub.f32 v3, v2;
	_ =	sdelay $0x1  }
0x183: {  	v3 =	vmul.f32 $1.442695020e+00, v3;
	_ =	sdelay $0x1  }
0x184: {  	(erf) = vpow2.f32 v3;
	_ =	sdelay $0x8  }
0x185: {  	s3 =	sadd.s32 $0x10, s3;
	v3 =	vpop (erf)  }
0x186: {  	s4 =	simm.s32 $0x0;
	[tilespmem:s3+$0x0] =	vst v3;
	s3 =	simm.s32 $0x15100  }
0x187: {  	[hbm4b:s20+s4] =	stream.linear.scatter [tilespmem:s3], [sflag:$0x1], $0xFA0, $0x38;
	[tilespmem:$0x16180] =	vst v63  }
0x188: {  	_ =	swait.ge [sflag:s28], $0xFA0  }
0x189: {  	[sflag:s28] =	ssyncset.done $0x0  }
0x18a: {  	[sflag:s28] =	ssyncadd.s32 $0xFFFFF060  }
0x18b: {  	[tilespmem:s31], [sflag:$0x1] =	stream.linear.gather [hbm4b:s17+s4], $0x3E8, $0x38;
	[tilespmem:$0x16180] =	vst v63  }
0x18c: {  	_ =	swait.ge [sflag:s28], $0x3E8  }
0x18d: {  	[sflag:s28] =	ssyncset.done $0x0  }
0x18e: {  	[sflag:s28] =	ssyncadd.s32 $0xFFFFFC18  }
0x18f: {  	[tilespmem:s0], [sflag:$0x1] =	stream.linear.gather [hbm4b:s18+s4], $0x3E8, $0x38;
	[tilespmem:$0x16180] =	vst v63  }
0x190: {  	_ =	swait.ge [sflag:s28], $0x3E8  }
0x191: {  	[sflag:s28] =	ssyncset.done $0x0  }
0x192: {  	s5 =	simm.s32 $0x14100;
	v3 =	vor.u32 s4, v0;
	[sflag:s28] =	ssyncadd.s32 $0xFFFFFC18  }
0x193: {  	[tilespmem:s5], [sflag:$0x1] =	stream.linear.gather [hbm4b:s21+s4], $0xFA0, $0x38;
	[tilespmem:$0x16180] =	vst v63  }
0x194: {  	_ =	swait.ge [sflag:s28], $0xFA0  }
0x195: {  	[sflag:s28] =	ssyncset.done $0x0  }
0x196: {  	[sflag:s28] =	ssyncadd.s32 $0xFFFFF060  }
0x197: {  	v4 =	vld.idx.msk [tilespmem:v3+s31+$0x0], $0xffff  }
0x198: {  	v3 =	vld.idx.msk [tilespmem:v3+s0+$0x0], $0xffff;
	_ =	sdelay $0x3  }
0x199: {  	v4 =	vshll.u32 v4, $0x2  }
0x19a: {  	v3 =	vshll.u32 v3, $0x2;
	v4 =	vor.u32 v1, v4  }
0x19b: {  	v3 =	vor.u32 v1, v3;
	_ =	sdelay $0x3  }
0x19c: {  	v4 =	vld.idx.msk [tilespmem:v4+s1+$0x0], $0xffff  }
0x19d: {  	v3 =	vld.idx.msk [tilespmem:v3+s29+$0x0], $0xffff;
	_ =	sdelay $0x1  }
0x19e: {  	v5 =	vld [tilespmem:s5+$0x0];
	_ =	sdelay $0x2  }
0x19f: {  	v3 =	vadd.f32 v3, v4;
	_ =	sdelay $0x1  }
0x1a0: {  	v3 =	vadd.f32 v5, v3;
	_ =	sdelay $0x1  }
0x1a1: {  	v3 =	vsub.f32 v3, v2;
	_ =	sdelay $0x1  }
0x1a2: {  	v3 =	vmul.f32 $1.442695020e+00, v3;
	_ =	sdelay $0x1  }
0x1a3: {  	(erf) = vpow2.f32 v3;
	_ =	sdelay $0x4  }
0x1a4: {  	s5 =	simm.s32 $0x4  }
0x1a5: {  	v3 =	vor.u32 s5, v0;
	_ =	sdelay $0x2  }
0x1a6: {  	v4 =	vpop (erf)  }
0x1a7: {  	[tilespmem:s3+$0x0] =	vst v4  }
0x1a8: {  	v4 =	vld.idx.msk [tilespmem:v3+s31+$0x0], $0xffff  }
0x1a9: {  	v3 =	vld.idx.msk [tilespmem:v3+s0+$0x0], $0xffff;
	_ =	sdelay $0x3  }
0x1aa: {  	v4 =	vshll.u32 v4, $0x2  }
0x1ab: {  	v3 =	vshll.u32 v3, $0x2;
	v4 =	vor.u32 v1, v4  }
0x1ac: {  	v3 =	vor.u32 v1, v3;
	_ =	sdelay $0x3  }
0x1ad: {  	v4 =	vld.idx.msk [tilespmem:v4+s1+$0x0], $0xffff  }
0x1ae: {  	v3 =	vld.idx.msk [tilespmem:v3+s29+$0x0], $0xffff  }
0x1af: {  	s4 =	simm.s32 $0x14110  }
0x1b0: {  	v5 =	vld [tilespmem:s4+$0x0];
	_ =	sdelay $0x2  }
0x1b1: {  	v3 =	vadd.f32 v3, v4;
	_ =	sdelay $0x1  }
0x1b2: {  	v3 =	vadd.f32 v5, v3;
	_ =	sdelay $0x1  }
0x1b3: {  	v3 =	vsub.f32 v3, v2;
	_ =	sdelay $0x1  }
0x1b4: {  	v3 =	vmul.f32 $1.442695020e+00, v3;
	_ =	sdelay $0x1  }
0x1b5: {  	(erf) = vpow2.f32 v3;
	_ =	sdelay $0x4  }
0x1b6: {  	s5 =	simm.s32 $0x8  }
0x1b7: {  	v3 =	vor.u32 s5, v0  }
0x1b8: {  	s5 =	simm.s32 $0xC  }
.LBB2_10:
0x1b9: {  	p0 =	sne.s32 s5, $0x3E4  }
0x1ba: {  	s3 =	sadd.s32 $0x10, s3;
	v4 =	vpop (erf)  }
0x1bb: {  	[tilespmem:s3+$0x0] =	vst v4  }
0x1bc: {  	v4 =	vld.idx.msk [tilespmem:v3+s31+$0x0], $0xffff  }
0x1bd: {  	v3 =	vld.idx.msk [tilespmem:v3+s0+$0x0], $0xffff;
	_ =	sdelay $0x4  }
0x1be: {  	v4 =	vshll.u32 v4, $0x2  }
0x1bf: {  	v4 =	vor.u32 v1, v4;
	v3 =	vshll.u32 v3, $0x2  }
0x1c0: {  	v3 =	vor.u32 v1, v3;
	_ =	sdelay $0x3  }
0x1c1: {  	v4 =	vld.idx.msk [tilespmem:v4+s1+$0x0], $0xffff  }
0x1c2: {  	v3 =	vld.idx.msk [tilespmem:v3+s29+$0x0], $0xffff;
	_ =	sdelay $0x1  }
0x1c3: {  	s4 =	sadd.s32 $0x10, s4  }
0x1c4: {  	v5 =	vld [tilespmem:s4+$0x0];
	_ =	sdelay $0x2  }
0x1c5: {  	v3 =	vadd.f32 v3, v4;
	_ =	sdelay $0x1  }
0x1c6: {  	v3 =	vadd.f32 v5, v3;
	_ =	sdelay $0x1  }
0x1c7: {  	v3 =	vsub.f32 v3, v2;
	_ =	sdelay $0x1  }
0x1c8: {  	v3 =	vmul.f32 $1.442695020e+00, v3;
	_ =	sdelay $0x1  }
0x1c9: {  	(erf) = vpow2.f32 v3;
	_ =	sdelay $0x2  }
.Ltmp4:
0x1ca: {  	(pc) =	sbr.rel @p0 .LBB2_10-.Ltmp4, $3  }
0x1cb: {  	_ =	sdelay $0x1  }
0x1cc: {  	v3 =	vor.u32 s5, v0  }
0x1cd: {  	s5 =	sadd.s32 $0x4, s5  }
0x1ce: {  	_ =	sdelay $0x1  }
0x1cf: {  	s3 =	sadd.s32 $0x10, s3;
	v4 =	vpop (erf)  }
0x1d0: {  	[tilespmem:s3+$0x0] =	vst v4  }
0x1d1: {  	v4 =	vld.idx.msk [tilespmem:v3+s31+$0x0], $0xffff  }
0x1d2: {  	v3 =	vld.idx.msk [tilespmem:v3+s0+$0x0], $0xffff;
	_ =	sdelay $0x3  }
0x1d3: {  	v4 =	vshll.u32 v4, $0x2  }
0x1d4: {  	v3 =	vshll.u32 v3, $0x2;
	v4 =	vor.u32 v1, v4  }
0x1d5: {  	v3 =	vor.u32 v1, v3;
	_ =	sdelay $0x3  }
0x1d6: {  	v4 =	vld.idx.msk [tilespmem:v4+s1+$0x0], $0xffff  }
0x1d7: {  	v3 =	vld.idx.msk [tilespmem:v3+s29+$0x0], $0xffff  }
0x1d8: {  	s4 =	sadd.s32 $0x10, s4  }
0x1d9: {  	v5 =	vld [tilespmem:s4+$0x0];
	_ =	sdelay $0x2  }
0x1da: {  	v3 =	vadd.f32 v3, v4;
	_ =	sdelay $0x1  }
0x1db: {  	v3 =	vadd.f32 v5, v3;
	_ =	sdelay $0x1  }
0x1dc: {  	v2 =	vsub.f32 v3, v2;
	_ =	sdelay $0x1  }
0x1dd: {  	v2 =	vmul.f32 $1.442695020e+00, v2;
	_ =	sdelay $0x1  }
0x1de: {  	(erf) = vpow2.f32 v2;
	_ =	sdelay $0x7  }
0x1df: {  	s30 =	sadd.s32 $0x1, s30  }
0x1e0: {  	p0 =	sne.s32 s30, s26;
	s3 =	sadd.s32 $0x10, s3;
	v2 =	vpop (erf)  }
.Ltmp5:
0x1e1: {  	[tilespmem:s3+$0x0] =	vst v2;
	(pc) =	sbr.rel @p0 .LBB2_1-.Ltmp5, $4  }
0x1e2: {  	[hbm4b:s22+s1] =	stream.linear.scatter [tilespmem:s2], [sflag:$0x1], $0xFA0, $0x38;
	[tilespmem:$0x16180] =	vst v63  }
0x1e3: {  	_ =	swait.ge [sflag:s28], $0xFA0  }
0x1e4: {  	[sflag:s28] =	ssyncset.done $0x0  }
0x1e5: {  	[sflag:s28] =	ssyncadd.s32 $0xFFFFF060  }
0x1e6: {  	_ =	sfence.sel $0x180000  }
0x1e7: {  	[bflag:$0x0] =	sbarrier.arrive $0xFFFF  }
0x1e8: {  	_ =	strace $0x90000047  }
0x1e9: {  	s0 =	stileid.u32;
	[bflag:$0x2] =	sbarrier.arrive $0xFFFF  }
0x1ea: {  	p0 =	sne.s32 s0, $0x0;
	s0 =	rddreg [dreg:$0x1]  }
0x1eb: {  	s0 =	sadd.s32 @!p0 $0x100000, s0  }
0x1ec: {  	[sflag:s0] =	ssyncadd.tile.s32 @!p0 $0x1;
	_ =	shalt  }
.Lfunc_end2:
_tile_overlayer_lowered:
.L_overlay_start_2:
0x1ed: {  	(tag) =	ssettag $0x2  }
0x1ee: {  	s0 =	rddreg [dreg:$0x0];
	s2 =	stileid.u32  }
0x1ef: {  	s1 =	rddreg [dreg:$0x1];
	p0 =	sne.s32 s2, $0x0  }
0x1f0: {  	s3 =	rddreg [dreg:$0x2];
	[bflag:$0x3] =	sbarrier.arrive $0xFFFF;
	s2 =	simm.s32 @!p0 $0x1C01  }
0x1f1: {  	[timem:s3], [sflag:s2] =	dma.local @!p0 [hbm:s0], s1  }
0x1f2: {  	s0 =	simm.s32 @!p0 $0x1  }
0x1f3: {  	_ =	swait.ge @!p0 [sflag:s0], s1  }
0x1f4: {  	s1 =	ssub.s32 @!p0 $0x0, s1;
	[sflag:s0] =	ssyncset.done @!p0 $0x0  }
0x1f5: {  	[sflag:s0] =	ssyncadd.s32 @!p0 s1  }
0x1f6: {  	[bflag:$0x3] =	sbarrier.arrive $0xFFFF  }
0x1f7: {  	_ =	shalt  }

// kernel: sparse-core-data-format-call.1.cloned.1.call-start
scs
called_computation.1_lowered:
.L_overlay_start_0:
0x0: {  	s2 =	sld [smem:$0x3FD9]  }
0x1: {  	s3 =	sld [smem:$0x3FFE];
	_ =	sdelay $0x1  }
0x2: {  	s1 =	srdreg.scid  }
0x3: {  	s0 =	sand.u32 $0x1, s1  }
0x4: {  	s18 =	sshll.u32 s0, $0xA;
	s2 =	sadd.s32 s3, s2  }
0x5: {  	s2 =	sadd.s32 s2, s18  }
0x6: {  	[smem:$0x3FBB] =	sst s2  }
0x7: {  	_ = 	snop  }
0x8: {  	(tm) =	ssettm $0x1  }
0x9: {  	s19 =	sld [smem:$0x3FFB];
	_ =	sdelay $0x3  }
0xa: {  	_ =	strace s19  }
0xb: {  	s2 =	sld [smem:$0x3FFC];
	_ =	sdelay $0x3  }
0xc: {  	_ =	strace s2  }
0xd: {  	s2 =	sld [smem:$0x3FFD];
	_ =	sdelay $0x3  }
0xe: {  	_ =	strace s2  }
0xf: {  	_ =	strace $0x8FFFFFFF  }
0x10: {  	s20 =	sld [smem:$0x3FDB];
	_ =	sdelay $0x1  }
0x11: {  	s21 =	simm.s32 $_scs_section_size  }
0x12: {  	s4 =	simm.s32 $_size__tile_overlayer_lowered;
	s5 =	simm.s32 $_tile_overlayer_lowered  }
0x13: {  	s6 =	simm.s32 $0x1BFF;
	s22 =	sshll.u32 s5, $0x1;
	s3 =	sadd.s32 s21, s20  }
0x14: {  	s23 =	simm.s32 $0x0;
	s4 =	sshll.u32 s4, $0x1;
	s5 =	sadd.s32 s22, s3  }
0x15: {  	[timem:s23], [sflag:s6] =	dma.local [hbm:s5], s4  }
0x16: {  	_ =	swait.ge [sflag:s6], s4  }
0x17: {  	s4 =	ssub.s32 $0x0, s4;
	[sflag:s6] =	ssyncset.done $0x0  }
0x18: {  	[sflag:s6] =	ssyncadd.s32 s4;
	_ =	sdelay $0x1  }
0x19: {  	s24 =	simm.s32 $0x1B8B  }
0x1a: {  	_ =	swait.ge [sflag:s24], $0x1  }
0x1b: {  	[sflag:s24] =	ssyncset.done $0x0  }
0x1c: {  	[sflag:s24] =	ssyncadd.s32 $0xFFFFFFFF  }
0x1d: {  	s4 =	sld [smem:$0x0]  }
0x1e: {  	s5 =	sand.u32 $0xFFFFFFFE, s1  }
0x1f: {  	p0 =	sne.s32 s1, s5  }
0x20: {  	s5 =	sshll.u32 @p0 s5, $0xE  }
0x21: {  	s5 =	sadd.s32 @p0 $0x11B8D, s5;
	s6 =	sshll.u32 @p0 s4, $0x11  }
0x22: {  	s5 =	sor.u32 @p0 s6, s5  }
0x23: {  	[sflag:s5] =	ssyncadd.remote.s32 @p0 $0x1;
	_ =	sdelay $0x1  }
0x24: {  	s5 =	simm.s32 @p0 $0x1B8D  }
0x25: {  	_ =	swait.eq @p0 [sflag:s5], $0x1  }
0x26: {  	[sflag:s5] =	ssyncadd.s32 @p0 $0xFFFFFFFF  }
0x27: {  	s6 =	sshll.u32 @!p0 s1, $0xE  }
0x28: {  	s6 =	sor.u32 @!p0 $0x4000, s6;
	s5 =	simm.s32 @!p0 $0x1B8D  }
0x29: {  	s4 =	sshll.u32 @!p0 s4, $0x11;
	s6 =	sadd.s32 @!p0 $0x11B8D, s6;
	_ =	swait.eq @!p0 [sflag:s5], $0x1  }
0x2a: {  	s4 =	sor.u32 @!p0 s4, s6;
	[sflag:s5] =	ssyncadd.s32 @!p0 $0xFFFFFFFF  }
0x2b: {  	s26 =	simm.s32 $0x1B8E;
	s25 =	sld [smem:$0x3FFE];
	[sflag:s4] =	ssyncadd.remote.s32 @!p0 $0x1  }
0x2c: {  	s27 =	simm.s32 $execute0_lowered;
	[smem:$0x3FD2] =	sst s26  }
0x2d: {  	s5 =	sshll.u32 s27, $0x1;
	_ =	strace $0x8000004C;
	[dreg:$0x1] =	wrdreg $0xFFFFFFFF  }
0x2e: {  	s28 =	simm.s32 $_size_execute0_lowered;
	s3 =	sadd.s32 s3, s5;
	[dreg:$0x0] =	wrdreg $0x0  }
0x2f: {  	s5 =	sshll.u32 s28, $0x1;
	[dreg:$0x2] =	wrdreg s3  }
0x30: {  	[dreg:$0x3] =	wrdreg s5  }
0x31: {  	[dreg:$0x4] =	wrdreg $0xC0  }
0x32: {  	_ =	task [dreg:s23], $0x5FFFF  }
0x33: {  	[dreg:$0x1] =	wrdreg $0xFFFFFFFF  }
0x34: {  	[dreg:$0x0] =	wrdreg $0x60  }
0x35: {  	[dreg:$0x2] =	wrdreg s25  }
0x36: {  	[dreg:$0x3] =	wrdreg $0x9  }
0x37: {  	_ =	task.clear_ibuf [dreg:s23], $0x4FFFF;
	_ =	strace $0x9000004C  }
0x38: {  	s29 =	simm.s32 $0x9;
	_ =	strace $0x8000004E  }
0x39: {  	_ =	swait.ge [sflag:s29], $0x1  }
0x3a: {  	[sflag:s29] =	ssyncadd.s32 $0xFFFFFFFF  }
0x3b: {  	_ =	strace $0x9000004E  }
0x3c: {  	_ =	sfence  }
0x3d: {  	s30 =	sld [smem:$0x0];
	_ =	sdelay $0x2  }
0x3e: {  	s31 =	sshll.u32 s1, $0xD;
	s1 =	sshrl.u32 s1, $0x2  }
0x3f: {  	s4 =	sand.u32 $0x4000, s31;
	s1 =	sadd.s32 s1, s30  }
0x40: {  	s0 =	sor.u32 s4, s0;
	s1 =	sshll.u32 s1, $0x11  }
0x41: {  	s0 =	sor.u32 s1, s0  }
0x42: {  	s0 =	sadd.s32 $0x8F2B, s0  }
0x43: {  	[sflag:s0] =	ssyncadd.remote.s32 $0x1  }
0x44: {  	_ =	sfence.sel $0xFFFF  }
0x45: {  	[dreg:$0x0] =	wrdreg $0xFFFFFFFF;
	(pc) =	sbr.abs _section_cstart, $3  }
0x46: {  	[dreg:$0x1] =	wrdreg $0xFFFFFFFF  }
0x47: {  	_ =	task.clear_ibuf [dreg:s23], $0x2FFFF;
	_ =	strace $0x9FFFFFFF  }
0x48: {  	(tm) =	ssettm $0x7FFFFFFF  }
0x49: {  	_ =	shalt  }
tec
execute0_lowered:
.L_overlay_start_1:
0x0: {  	(tag) =	ssettag $0x1  }
0x1: {  	s7 =	rddreg [dreg:$0x0]  }
0x2: {  	s0 =	rddreg [dreg:$0x1];
	s1 =	stileid.u32  }
0x3: {  	s3 =	srdreg.scid;
	_ =	strace $0x8000004D;
	s9 =	simm.s32 $0x1  }
0x4: {  	s31 =	simm.s32 $0x2;
	s14 =	simm.s32 $0x0;
	s13 =	simm.s32 $0x0  }
0x5: {  	s12 =	simm.s32 $0x0;
	s2 =	sshll.u32 s1, $0x7;
	s4 =	sshll.u32 s3, $0x7  }
0x6: {  	s3 =	sadd.s32 $0x36800, s7;
	s4 =	sand.u32 $0x80, s4;
	s5 =	ssub.s32 $0x27100, s2  }
0x7: {  	s6 =	sshrl.u32 s5, $0xB;
	s5 =	sand.u32 $0x780, s5;
	s8 =	ssub.s32 $0x100, s4  }
0x8: {  	p0 =	sne.s32 s5, $0x0;
	s30 =	sshrl.u32 s8, $0x7;
	s8 =	sshrl.u32 s8, $0x8  }
.Ltmp0:
0x9: {  	s9 =	simm.s32 @!p0 $0x0;
	s10 =	sand.u32 $0x1, s30;
	(pc) =	sbr.rel .LBB1_1-.Ltmp0, $4  }
0xa: {  	s5 =	simm.s32 $0x1;
	s6 =	sadd.s32 s9, s6;
	s8 =	sadd.s32 s8, s10  }
0xb: {  	s7 =	sadd.s32 $0x518800, s7;
	[sflag:s5] =	ssyncpa.u1 $0x0;
	s6 =	smul.u32 s6, s8  }
0xc: {  	s11 =	smov.u32 s2;
	p0 =	por $0x0, $0x0;
	[sflag:s31] =	ssyncpa.u1 $0x0  }
0xd: {  	s10 =	simm.s32 $0x138800;
	s8 =	sshll.u32 s4, $0x3;
	s9 =	sadd.s32 $0x1, s6  }
.LBB1_4:
0xe: {  	s14 =	sshrl.u32 s14, $0x3  }
0xf: {  	s20 =	sshll.u32 s13, $0x3;
	s14 =	smul.u32 $0x138800, s14  }
0x10: {  	v5 =	vld [tilespmem:s18+$0xFFFFFFD0];
	[tilespmem:s17+$0x2040 ss:$0x81] =	vst.msk $0xffff, v4;
	s20 =	sand.u32 $0xFFFFFC00, s20  }
0x11: {  	v58 =	vld [tilespmem:s18+$0xFFFFFFE0];
	[tilespmem:s17+$0x2850 ss:$0x81] =	vst.msk $0xffff, v3;
	s30 =	sand.u32 $0x7F, s13;
	s14 =	sadd.s32 s20, s14  }
0x12: {  	s19 =	sshra.s32 s19, $0x2;
	v59 =	vld [tilespmem:s18+$0xFFFFFFF0];
	[tilespmem:s17+$0x3060 ss:$0x81] =	vst.msk $0xffff, v2;
	s13 =	sor.u32 s30, s14  }
0x13: {  	v60 =	vld [tilespmem:s18+$0x0];
	[tilespmem:s17+$0x0 ss:$0x81] =	vst.msk $0xffff, v0;
	s16 =	sadd.s32 s19, s16;
	s31 =	smulhi.u32 $0xD1B71759, s13  }
0x14: {  	v61 =	vld [tilespmem:s18+$0x10];
	[tilespmem:s16+$0x3870 ss:$0x81] =	vst.msk $0xffff, v1  }
0x15: {  	v62 =	vld [tilespmem:s18+$0x20];
	s14 =	smulhi.u32 $0xD1B71759, s14;
	[tilespmem:s16+$0x810 ss:$0x81] =	vst.msk $0xffff, v5;
	s17 =	sshrl.u32 s31, $0x11  }
0x16: {  	v63 =	vld [tilespmem:s18+$0xFFFFFFC0];
	[tilespmem:s16+$0x1020 ss:$0x81] =	vst.msk $0xffff, v58;
	s17 =	smul.u32 $0x27100, s17  }
0x17: {  	[tilespmem:s16+$0x1830 ss:$0x81] =	vst.msk $0xffff, v59;
	s14 =	sshrl.u32 s14, $0x11  }
0x18: {  	[tilespmem:s16+$0x2040 ss:$0x81] =	vst.msk $0xffff, v60;
	s14 =	sand.u32 $0xFF, s14;
	s13 =	ssub.s32 s13, s17  }
0x19: {  	[tilespmem:s16+$0x2850 ss:$0x81] =	vst.msk $0xffff, v61;
	s14 =	smul.u32 $0x4E20, s14;
	s17 =	sshrl.u32 s13, $0x3;
	s13 =	sand.u32 $0x7, s13  }
0x1a: {  	[tilespmem:s16+$0x3060 ss:$0x81] =	vst.msk $0xffff, v62;
	s17 =	sadd.s32 s7, s17;
	s13 =	sshll.u32 s13, $0x12  }
0x1b: {  	[tilespmem:s16+$0x0 ss:$0x81] =	vst.msk $0xffff, v63;
	s14 =	sadd.s32 s14, s17;
	s13 =	sor.u32 $0x400, s13  }
0x1c: {  	[hbm4b:s14+s13] =	stream.strided.scatter [tilespmem:s15], [sflag:$0x2], $0x4000, s10, s13, $0x20;
	[tilespmem:$0x10100] =	vst v63  }
.LBB1_5:
0x1d: {  	s15 =	sadd.s32 $0x800, s11  }
0x1e: {  	p2 =	sgt.s32 s15, $0x270FF  }
0x1f: {  	s15 =	smov.u32 @p2 s2;
	p2 =	sne.s32 s12, s9  }
.Ltmp1:
0x20: {  	p1 =	slt.u32 s12, $0x2;
	(pc) =	sbr.rel @!p2 .LBB1_6-.Ltmp1, $4  }
0x21: {  	s14 =	simm.s32 @!p1 $0x2  }
0x22: {  	s16 =	sadd.s32 $0x1, s12;
	s13 =	smov.u32 s11;
	_ =	swait.ge @!p1 [sflag:s14], $0x4000  }
0x23: {  	p0 =	por !p0, !p0;
	s12 =	smov.u32 s16;
	[sflag:s14] =	ssyncset.done @!p1 $0x0  }
0x24: {  	s11 =	smov.u32 s15;
	[sflag:s14] =	ssyncadd.s32 @!p1 $0xFFFFC000;
	s14 =	smov.u32 s4  }
.LBB1_1:
0x25: {  	p1 =	sge.u32 s12, s6  }
0x26: {  	s15 =	sshll.u32 @!p1 s11, $0x8  }
0x27: {  	s16 =	sshll.u32 @!p1 s11, $0x7;
	s15 =	sand.u32 @!p1 $0xFFFFF800, s15  }
0x28: {  	s16 =	sand.u32 @!p1 $0x300, s16;
	s15 =	sor.u32 @!p1 s8, s15  }
0x29: {  	s15 =	sor.u32 @!p1 s16, s15  }
0x2a: {  	s15 =	sshrl.u32 @!p1 s15, $0x8  }
0x2b: {  	s16 =	smulhi.u32 @!p1 $0x1A36E3, s15;
	_ =	sdelay $0x1  }
0x2c: {  	s16 =	sshrl.u32 @!p1 s16, $0x6  }
0x2d: {  	s16 =	smul.u32 @!p1 $0x27100, s16  }
0x2e: {  	s31 =	sadd.s32 $0xFFFFFFFF, s12;
	s17 =	sxor.u32 @!p1 $0xFFFFFFFF, s12;
	s18 =	sshll.u32 @!p1 s11, $0x4  }
0x2f: {  	s17 =	sshll.u32 @!p1 s17, $0xE;
	s15 =	ssub.s32 @!p1 s15, s16;
	s16 =	sand.u32 @!p1 $0x10, s18  }
0x30: {  	s17 =	sand.u32 @!p1 $0x4000, s17;
	s15 =	sshll.u32 @!p1 s15, $0x5;
	s16 =	sadd.s32 @!p1 s3, s16  }
0x31: {  	s18 =	simm.s32 @!p1 $0x800;
	s15 =	sadd.s32 @!p1 s15, s16;
	s16 =	simm.s32 @!p1 $0x400  }
0x32: {  	[tilespmem:s17], [sflag:$0x1] =	stream.strided.gather @!p1 [hbm4b:s15+s16], $0x4000, s18, s16, $0x38;
	[tilespmem:$0x10100] =	vst v63  }
0x33: {  	p1 =	sge.u32 s31, s6  }
.Ltmp2:
0x34: {  	_ = 	snop;
	(pc) =	sbr.rel @p1 .LBB1_5-.Ltmp2, $1  }
0x35: {  	_ =	sdelay $0x3  }
0x36: {  	s15 =	simm.s32 $0x1  }
0x37: {  	_ =	swait.ge [sflag:s5], $0x4000;
	s15 =	simm.s32 @!p0 $0x0  }
0x38: {  	[sflag:s5] =	ssyncset.done $0x0;
	s16 =	sshll.u32 s15, $0xE  }
0x39: {  	[sflag:s5] =	ssyncadd.s32 $0xFFFFC000;
	s18 =	sor.u32 $0x40, s16  }
0x3a: {  	s15 =	smul.u32 $0x10200, s15;
	v0 =	vld [tilespmem:s18+$0x30]  }
0x3b: {  	v1 =	vld [tilespmem:s18+$0xFFFFFFD0]  }
0x3c: {  	s15 =	sshrl.u32 s15, $0x2;
	v5 =	vld [tilespmem:s18+$0xFFFFFFE0]  }
0x3d: {  	v6 =	vld [tilespmem:s18+$0xFFFFFFF0];
	s16 =	sor.u32 $0x8000, s15  }
0x3e: {  	s31 =	sand.u32 $0x1, s12;
	v4 =	vld [tilespmem:s18+$0x0];
	s17 =	sadd.s32 $0x0, s16  }
0x3f: {  	v3 =	vld [tilespmem:s18+$0x10];
	s15 =	smul.u32 $0x10200, s31;
	[tilespmem:s17+$0x3870 ss:$0x81] =	vst.msk $0xffff, v0  }
0x40: {  	v2 =	vld [tilespmem:s18+$0x20];
	[tilespmem:s17+$0x810 ss:$0x81] =	vst.msk $0xffff, v1  }
0x41: {  	s15 =	sshrl.u32 s15, $0x2;
	v0 =	vld [tilespmem:s18+$0xFFFFFFC0];
	[tilespmem:s17+$0x1020 ss:$0x81] =	vst.msk $0xffff, v5;
	s18 =	sadd.s32 $0x80, s18  }
0x42: {  	s19 =	simm.s32 $0x4;
	s20 =	simm.s32 $0x8;
	s15 =	sor.u32 $0x8000, s15;
	[tilespmem:s17+$0x1830 ss:$0x81] =	vst.msk $0xffff, v6;
	v1 =	vld [tilespmem:s18+$0x30]  }
.LBB1_3:
0x43: {  	p1 =	sne.s32 s20, $0x1FC;
	v5 =	vld [tilespmem:s18+$0xFFFFFFD0];
	[tilespmem:s17+$0x2040 ss:$0x81] =	vst.msk $0xffff, v4  }
0x44: {  	v6 =	vld [tilespmem:s18+$0xFFFFFFE0];
	[tilespmem:s17+$0x2850 ss:$0x81] =	vst.msk $0xffff, v3  }
0x45: {  	s21 =	sshra.s32 s19, $0x2;
	s19 =	smov.u32 s20;
	v7 =	vld [tilespmem:s18+$0xFFFFFFF0];
	[tilespmem:s17+$0x3060 ss:$0x81] =	vst.msk $0xffff, v2  }
.Ltmp3:
0x46: {  	v4 =	vld [tilespmem:s18+$0x0];
	[tilespmem:s17+$0x0 ss:$0x81] =	vst.msk $0xffff, v0;
	s17 =	sadd.s32 s21, s16;
	(pc) =	sbr.rel @p1 .LBB1_3-.Ltmp3, $4  }
0x47: {  	v3 =	vld [tilespmem:s18+$0x10];
	[tilespmem:s17+$0x3870 ss:$0x81] =	vst.msk $0xffff, v1  }
0x48: {  	[tilespmem:s17+$0x810 ss:$0x81] =	vst.msk $0xffff, v5;
	v2 =	vld [tilespmem:s18+$0x20]  }
0x49: {  	v0 =	vld [tilespmem:s18+$0xFFFFFFC0];
	[tilespmem:s17+$0x1020 ss:$0x81] =	vst.msk $0xffff, v6;
	s18 =	sadd.s32 $0x80, s18  }
0x4a: {  	s20 =	sadd.s32 $0x4, s20;
	v1 =	vld [tilespmem:s18+$0x30];
	[tilespmem:s17+$0x1830 ss:$0x81] =	vst.msk $0xffff, v7  }
.Ltmp4:
0x4b: {  	_ = 	snop;
	(pc) =	sbr.rel .LBB1_4-.Ltmp4, $1  }
0x4c: {  	_ =	sdelay $0x3  }
.LBB1_6:
0x4d: {  	_ =	sfence.sel $0x180000  }
0x4e: {  	s2 =	simm.s32 $0x1;
	[bflag:$0x0] =	sbarrier.arrive $0xFFFF  }
0x4f: {  	s31 =	simm.s32 $0x2;
	[sflag:s2] =	ssyncpa.u1 $0x1  }
0x50: {  	[sflag:s31] =	ssyncpa.u1 $0x1  }
0x51: {  	p0 =	sne.s32 s1, $0x0;
	_ =	strace $0x9000004D  }
0x52: {  	s0 =	sadd.s32 @!p0 $0x100000, s0;
	[bflag:$0x2] =	sbarrier.arrive $0xFFFF  }
0x53: {  	[sflag:s0] =	ssyncadd.tile.s32 @!p0 $0x1;
	_ =	shalt  }
.Lfunc_end1:
_tile_overlayer_lowered:
.L_overlay_start_2:
0x54: {  	(tag) =	ssettag $0x2  }
0x55: {  	s0 =	rddreg [dreg:$0x0];
	s2 =	stileid.u32  }
0x56: {  	s1 =	rddreg [dreg:$0x1];
	p0 =	sne.s32 s2, $0x0  }
0x57: {  	s3 =	rddreg [dreg:$0x2];
	[bflag:$0x3] =	sbarrier.arrive $0xFFFF;
	s2 =	simm.s32 @!p0 $0x1C01  }
0x58: {  	[timem:s3], [sflag:s2] =	dma.local @!p0 [hbm:s0], s1  }
0x59: {  	s0 =	simm.s32 @!p0 $0x1  }
0x5a: {  	_ =	swait.ge @!p0 [sflag:s0], s1  }
0x5b: {  	s1 =	ssub.s32 @!p0 $0x0, s1;
	[sflag:s0] =	ssyncset.done @!p0 $0x0  }
0x5c: {  	[sflag:s0] =	ssyncadd.s32 @!p0 s1  }
0x5d: {  	[bflag:$0x3] =	sbarrier.arrive $0xFFFF  }
0x5e: {  	_ =	shalt  }

// kernel: sparse-core-data-format-call.cloned.1.call-start
scs
called_computation_lowered:
.L_overlay_start_0:
0x0: {  	s1 =	sld [smem:$0x3FD9]  }
0x1: {  	s2 =	sld [smem:$0x3FFE];
	_ =	sdelay $0x1  }
0x2: {  	s3 =	srdreg.scid  }
0x3: {  	s0 =	sand.u32 $0x1, s3  }
0x4: {  	s17 =	sshll.u32 s0, $0xA;
	s1 =	sadd.s32 s2, s1  }
0x5: {  	s1 =	sadd.s32 s1, s17  }
0x6: {  	[smem:$0x3FBB] =	sst s1  }
0x7: {  	_ = 	snop  }
0x8: {  	(tm) =	ssettm $0x1  }
0x9: {  	s18 =	sld [smem:$0x3FFB];
	_ =	sdelay $0x3  }
0xa: {  	_ =	strace s18  }
0xb: {  	s1 =	sld [smem:$0x3FFC];
	_ =	sdelay $0x3  }
0xc: {  	_ =	strace s1  }
0xd: {  	s1 =	sld [smem:$0x3FFD];
	_ =	sdelay $0x3  }
0xe: {  	_ =	strace s1  }
0xf: {  	_ =	strace $0x8FFFFFFF  }
0x10: {  	s19 =	sld [smem:$0x3FDB];
	_ =	sdelay $0x1  }
0x11: {  	s20 =	simm.s32 $_scs_section_size  }
0x12: {  	s4 =	simm.s32 $_size__tile_overlayer_lowered;
	s5 =	simm.s32 $_tile_overlayer_lowered  }
0x13: {  	s23 =	simm.s32 $0x1BFF;
	s22 =	sshll.u32 s5, $0x1;
	s1 =	sadd.s32 s20, s19  }
0x14: {  	s6 =	simm.s32 $0x0;
	s21 =	sshll.u32 s4, $0x1;
	s4 =	sadd.s32 s22, s1  }
0x15: {  	[timem:s6], [sflag:s23] =	dma.local [hbm:s4], s21  }
0x16: {  	_ =	swait.ge [sflag:s23], s21  }
0x17: {  	s2 =	ssub.s32 $0x0, s21;
	[sflag:s23] =	ssyncset.done $0x0  }
0x18: {  	[sflag:s23] =	ssyncadd.s32 s2;
	_ =	sdelay $0x1  }
0x19: {  	s24 =	simm.s32 $0x1B8B  }
0x1a: {  	_ =	swait.ge [sflag:s24], $0x1  }
0x1b: {  	[sflag:s24] =	ssyncset.done $0x0  }
0x1c: {  	s26 =	simm.s32 $0x1B8E;
	s25 =	sld [smem:$0x3FFE];
	[sflag:s24] =	ssyncadd.s32 $0xFFFFFFFF  }
0x1d: {  	s27 =	simm.s32 $execute0_lowered;
	[smem:$0x3FD2] =	sst s26  }
0x1e: {  	s4 =	sshll.u32 s27, $0x1;
	_ =	strace $0x8000004F;
	[dreg:$0x1] =	wrdreg $0xFFFFFFFF  }
0x1f: {  	s28 =	simm.s32 $_size_execute0_lowered;
	s1 =	sadd.s32 s1, s4;
	[dreg:$0x0] =	wrdreg $0x0  }
0x20: {  	s4 =	sshll.u32 s28, $0x1;
	[dreg:$0x2] =	wrdreg s1  }
0x21: {  	[dreg:$0x3] =	wrdreg s4  }
0x22: {  	[dreg:$0x4] =	wrdreg $0xC0  }
0x23: {  	_ =	task [dreg:s6], $0x5FFFF  }
0x24: {  	[dreg:$0x1] =	wrdreg $0xFFFFFFFF  }
0x25: {  	[dreg:$0x0] =	wrdreg $0x60  }
0x26: {  	[dreg:$0x2] =	wrdreg s25  }
0x27: {  	[dreg:$0x3] =	wrdreg $0x9  }
0x28: {  	_ =	task.clear_ibuf [dreg:s6], $0x4FFFF;
	_ =	strace $0x9000004F  }
0x29: {  	s29 =	simm.s32 $0x9;
	_ =	strace $0x80000051  }
0x2a: {  	_ =	swait.ge [sflag:s29], $0x1  }
0x2b: {  	[sflag:s29] =	ssyncadd.s32 $0xFFFFFFFF  }
0x2c: {  	_ =	strace $0x90000051  }
0x2d: {  	_ =	sfence  }
0x2e: {  	s30 =	sld [smem:$0x0];
	_ =	sdelay $0x2  }
0x2f: {  	s31 =	sshll.u32 s3, $0xD;
	s3 =	sshrl.u32 s3, $0x2  }
0x30: {  	s2 =	sand.u32 $0x4000, s31;
	s1 =	sadd.s32 s3, s30  }
0x31: {  	s0 =	sor.u32 s2, s0;
	s1 =	sshll.u32 s1, $0x11  }
0x32: {  	s0 =	sor.u32 s1, s0  }
0x33: {  	s0 =	sadd.s32 $0x8F2B, s0  }
0x34: {  	[sflag:s0] =	ssyncadd.remote.s32 $0x1  }
0x35: {  	_ =	sfence.sel $0xFFFF  }
0x36: {  	[dreg:$0x0] =	wrdreg $0xFFFFFFFF;
	(pc) =	sbr.abs _section_cstart, $3  }
0x37: {  	[dreg:$0x1] =	wrdreg $0xFFFFFFFF  }
0x38: {  	_ =	task.clear_ibuf [dreg:s6], $0x2FFFF;
	_ =	strace $0x9FFFFFFF  }
0x39: {  	(tm) =	ssettm $0x7FFFFFFF  }
tec
execute0_lowered:
.L_overlay_start_1:
0x0: {  	(tag) =	ssettag $0x1  }
0x1: {  	s0 =	stileid.u32  }
0x2: {  	s1 =	srdreg.scid;
	s4 =	rddreg [dreg:$0x0];
	s8 =	simm.s32 $0x1  }
0x3: {  	s9 =	simm.s32 $0x2;
	s15 =	simm.s32 $0x0;
	s14 =	simm.s32 $0x0  }
0x4: {  	s16 =	simm.s32 $0x0;
	s2 =	sshll.u32 s0, $0x6;
	s1 =	sshll.u32 s1, $0xA  }
0x5: {  	s11 =	simm.s32 $0x0;
	s13 =	simm.s32 $0x0;
	s2 =	sor.u32 s2, s1  }
0x6: {  	s3 =	sadd.s32 $0xF400, s4;
	s4 =	sadd.s32 $0x4F1400, s4;
	s2 =	sand.u32 $0x700, s2  }
0x7: {  	s5 =	sand.u32 $0x3, s0;
	s1 =	rddreg [dreg:$0x1];
	s7 =	ssub.s32 $0x27100, s2  }
.Ltmp0:
0x8: {  	_ =	strace $0x80000050;
	s6 =	sand.u32 $0x700, s7;
	(pc) =	sbr.rel .LBB1_1-.Ltmp0, $4  }
0x9: {  	s12 =	smov.u32 s5;
	s10 =	smov.u32 s2;
	p0 =	sne.s32 s6, $0x0  }
0xa: {  	s7 =	sshrl.u32 s7, $0xB;
	s6 =	simm.s32 $0x1;
	s8 =	simm.s32 @!p0 $0x0  }
0xb: {  	[sflag:s6] =	ssyncpa.u1 $0x0;
	p0 =	por $0x0, $0x0;
	s7 =	sadd.s32 s8, s7  }
0xc: {  	[sflag:s9] =	ssyncpa.u1 $0x0;
	s9 =	simm.s32 $0x200;
	s8 =	sadd.s32 $0x1, s7  }
.LBB1_4:
0xd: {  	_ = 	snop  }
0xe: {  	[tilespmem:s21+$0x1860 ss:$0x41] =	vst.msk $0xffff, v8  }
0xf: {  	[tilespmem:s21+$0x1C70 ss:$0x41] =	vst.msk $0xffff, v7  }
0x10: {  	[tilespmem:s21+$0x2490 ss:$0x41] =	vst.msk $0xffff, v1  }
0x11: {  	s24 =	sor.u32 s27, s26;
	v47 =	vld.idx.msk [tilespmem:v0+s19+$0x470 ss:$0x1], $0xffff;
	[tilespmem:s21+$0x28A0 ss:$0x41] =	vst.msk $0xffff, v2  }
0x12: {  	[tilespmem:s21+$0x2CB0 ss:$0x41] =	vst.msk $0xffff, v3;
	v57 =	vld.idx.msk [tilespmem:v0+s24+$0x410 ss:$0x1], $0xffff  }
0x13: {  	[tilespmem:s21+$0x30C0 ss:$0x41] =	vst.msk $0xffff, v4;
	v58 =	vld.idx.msk [tilespmem:v0+s24+$0x420 ss:$0x1], $0xffff  }
0x14: {  	[tilespmem:s21+$0x34D0 ss:$0x41] =	vst.msk $0xffff, v5;
	v59 =	vld.idx.msk [tilespmem:v0+s24+$0x430 ss:$0x1], $0xffff  }
0x15: {  	s29 =	sshra.s32 s22, $0x2;
	[tilespmem:s21+$0x38E0 ss:$0x41] =	vst.msk $0xffff, v6;
	v60 =	vld.idx.msk [tilespmem:v0+s24+$0x440 ss:$0x1], $0xffff  }
0x16: {  	s25 =	sand.u32 $0x3B00, s24;
	s19 =	sadd.s32 s29, s20;
	v61 =	vld.idx.msk [tilespmem:v0+s24+$0x450 ss:$0x1], $0xffff;
	[tilespmem:s21+$0x3CF0 ss:$0x41] =	vst.msk $0xffff, v47  }
0x17: {  	s23 =	sand.u32 $0x80, s23;
	v62 =	vld.idx.msk [tilespmem:v0+s24+$0x460 ss:$0x1], $0xffff;
	s18 =	sadd.s32 s25, s18;
	[tilespmem:s19+$0x2490 ss:$0x41] =	vst.msk $0xffff, v57  }
0x18: {  	v63 =	vld.idx.msk [tilespmem:v0+s24+$0x470 ss:$0x1], $0xffff;
	s18 =	sadd.s32 s23, s18;
	[tilespmem:s19+$0x28A0 ss:$0x41] =	vst.msk $0xffff, v58  }
0x19: {  	v48 =	vld [tilespmem:s18+$0x400];
	[tilespmem:s19+$0x2CB0 ss:$0x41] =	vst.msk $0xffff, v59  }
0x1a: {  	v49 =	vld [tilespmem:s18+$0x0];
	[tilespmem:s19+$0x30C0 ss:$0x41] =	vst.msk $0xffff, v60  }
0x1b: {  	v50 =	vld [tilespmem:s18+$0x10];
	[tilespmem:s19+$0x34D0 ss:$0x41] =	vst.msk $0xffff, v61  }
0x1c: {  	v51 =	vld [tilespmem:s18+$0x20];
	[tilespmem:s19+$0x38E0 ss:$0x41] =	vst.msk $0xffff, v62  }
0x1d: {  	v52 =	vld [tilespmem:s18+$0x30];
	[tilespmem:s19+$0x3CF0 ss:$0x41] =	vst.msk $0xffff, v63  }
0x1e: {  	v53 =	vld [tilespmem:s18+$0x40];
	[tilespmem:s19+$0x2080 ss:$0x41] =	vst.msk $0xffff, v48  }
0x1f: {  	v54 =	vld [tilespmem:s18+$0x50];
	[tilespmem:s19+$0x0 ss:$0x41] =	vst.msk $0xffff, v49  }
0x20: {  	v55 =	vld [tilespmem:s18+$0x60];
	[tilespmem:s19+$0x410 ss:$0x41] =	vst.msk $0xffff, v50  }
0x21: {  	v56 =	vld [tilespmem:s18+$0x70];
	[tilespmem:s19+$0x820 ss:$0x41] =	vst.msk $0xffff, v51  }
0x22: {  	s16 =	sshll.u32 s16, $0x4;
	[tilespmem:s19+$0xC30 ss:$0x41] =	vst.msk $0xffff, v52  }
0x23: {  	s15 =	sshll.u32 s15, $0x6;
	s16 =	sand.u32 $0x30, s16;
	[tilespmem:s19+$0x1040 ss:$0x41] =	vst.msk $0xffff, v53  }
0x24: {  	s30 =	sshrl.u32 s14, $0x3;
	s31 =	sand.u32 $0x7, s14;
	s16 =	sadd.s32 s4, s16;
	[tilespmem:s19+$0x1450 ss:$0x41] =	vst.msk $0xffff, v54  }
0x25: {  	s14 =	sshll.u32 s31, $0x12;
	s15 =	sadd.s32 s15, s16;
	s18 =	sand.u32 $0xF, s30;
	[tilespmem:s19+$0x1860 ss:$0x41] =	vst.msk $0xffff, v55  }
0x26: {  	s14 =	sor.u32 $0x40, s14;
	s15 =	sadd.s32 s18, s15;
	[tilespmem:s19+$0x1C70 ss:$0x41] =	vst.msk $0xffff, v56  }
0x27: {  	[hbm4b:s15+s14] =	stream.strided.scatter [tilespmem:s17], [sflag:$0x2], $0x4000, s9, s14, $0x18;
	[tilespmem:$0x10200] =	vst v63  }
.LBB1_5:
0x28: {  	s17 =	sadd.s32 $0x800, s10  }
0x29: {  	s14 =	sadd.s32 $0x40, s11;
	s18 =	smov.u32 s11;
	p2 =	sgt.s32 s17, $0x270FF  }
0x2a: {  	s18 =	smov.u32 @p2 s14  }
0x2b: {  	s20 =	smov.u32 s12;
	s14 =	sadd.s32 $0x4, s12;
	p3 =	sgt.s32 s18, $0x3F  }
0x2c: {  	s20 =	smov.u32 @p3 s14  }
0x2d: {  	s17 =	smov.u32 @p2 s2;
	p2 =	sgt.s32 s20, $0x3  }
0x2e: {  	p1 =	slt.u32 s13, $0x2;
	s20 =	smov.u32 @p2 s5;
	p2 =	sne.s32 s13, s8  }
.Ltmp1:
0x2f: {  	s19 =	simm.s32 @!p1 $0x2;
	(pc) =	sbr.rel @!p2 .LBB1_6-.Ltmp1, $4  }
0x30: {  	s15 =	smov.u32 s10;
	s16 =	smov.u32 s12;
	_ =	swait.ge @!p1 [sflag:s19], $0x4000  }
0x31: {  	p0 =	por !p0, !p0;
	[sflag:s19] =	ssyncset.done @!p1 $0x0;
	s10 =	smov.u32 s17  }
0x32: {  	s18 =	simm.s32 @p3 $0x0;
	s14 =	smov.u32 s11;
	[sflag:s19] =	ssyncadd.s32 @!p1 $0xFFFFC000  }
0x33: {  	s11 =	smov.u32 s18;
	s13 =	sadd.s32 $0x1, s13;
	s12 =	smov.u32 s20  }
.LBB1_1:
0x34: {  	p1 =	sge.u32 s13, s7  }
0x35: {  	s17 =	sshrl.u32 @!p1 s11, $0x3  }
0x36: {  	s18 =	sshll.u32 @!p1 s10, $0x3;
	s17 =	smul.u32 @!p1 $0x138800, s17  }
0x37: {  	s19 =	sshll.u32 @!p1 s11, $0x7;
	s18 =	sand.u32 @!p1 $0xFFFFFC00, s18  }
0x38: {  	s17 =	sadd.s32 @!p1 s17, s18;
	s18 =	sand.u32 @!p1 $0x380, s19  }
0x39: {  	s19 =	sand.u32 @!p1 $0x7F, s10;
	s17 =	sor.u32 @!p1 s18, s17  }
0x3a: {  	s18 =	sor.u32 @!p1 s19, s17  }
0x3b: {  	s19 =	smulhi.u32 @!p1 $0xD1B71759, s18  }
0x3c: {  	s17 =	smulhi.u32 @!p1 $0xD1B71759, s17  }
0x3d: {  	s19 =	sshrl.u32 @!p1 s19, $0x11  }
0x3e: {  	s31 =	sadd.s32 $0xFFFFFFFF, s13;
	s17 =	sshrl.u32 @!p1 s17, $0x11;
	s19 =	smul.u32 @!p1 $0x27100, s19  }
0x3f: {  	s20 =	sxor.u32 @!p1 $0xFFFFFFFF, s13;
	s21 =	smul.u32 @!p1 $0x138800, s12;
	s17 =	sand.u32 @!p1 $0x3F, s17  }
0x40: {  	s20 =	sshll.u32 @!p1 s20, $0xE;
	s17 =	smul.u32 @!p1 $0x4E20, s17;
	s18 =	ssub.s32 @!p1 s18, s19  }
0x41: {  	s19 =	sand.u32 @!p1 $0x4000, s20;
	s20 =	sadd.s32 @!p1 s3, s21;
	s21 =	sand.u32 @!p1 $0x7, s18  }
0x42: {  	s18 =	sshrl.u32 @!p1 s18, $0x3;
	s17 =	sadd.s32 @!p1 s17, s20;
	s20 =	sshll.u32 @!p1 s21, $0x12  }
0x43: {  	s17 =	sadd.s32 @!p1 s18, s17;
	s18 =	sor.u32 @!p1 $0x800, s20;
	s20 =	simm.s32 @!p1 $0x138800  }
0x44: {  	[tilespmem:s19], [sflag:$0x1] =	stream.strided.gather @!p1 [hbm4b:s17+s18], $0x4000, s20, s18, $0x38;
	[tilespmem:$0x10200] =	vst v63  }
0x45: {  	p1 =	sge.u32 s31, s7  }
.Ltmp2:
0x46: {  	_ = 	snop;
	(pc) =	sbr.rel @p1 .LBB1_5-.Ltmp2, $1  }
0x47: {  	_ =	sdelay $0x3  }
0x48: {  	s20 =	simm.s32 $0x0  }
0x49: {  	s19 =	sand.u32 $0x3800, s20;
	s21 =	sand.u32 $0x380, s20  }
0x4a: {  	s17 =	sand.u32 $0x1, s13;
	s19 =	sor.u32 s21, s19  }
0x4b: {  	_ =	swait.ge [sflag:s6], $0x4000;
	s18 =	sshll.u32 s17, $0xE;
	s21 =	sand.u32 $0x3B00, s19  }
0x4c: {  	[sflag:s6] =	ssyncset.done $0x0;
	s20 =	sand.u32 $0x80, s20;
	s21 =	sadd.s32 s21, s18  }
0x4d: {  	[sflag:s6] =	ssyncadd.s32 $0xFFFFC000;
	s23 =	sadd.s32 s20, s21  }
0x4e: {  	v4 =	vld [tilespmem:s23+$0x400]  }
0x4f: {  	s22 =	simm.s32 $0x1;
	v5 =	vld [tilespmem:s23+$0x0]  }
0x50: {  	s22 =	simm.s32 @!p0 $0x0;
	v6 =	vld [tilespmem:s23+$0x10]  }
0x51: {  	v0 =	vmov s18;
	s31 =	smul.u32 $0x10400, s22;
	v7 =	vld [tilespmem:s23+$0x20]  }
0x52: {  	v9 =	vld [tilespmem:s23+$0x30]  }
0x53: {  	s20 =	sshrl.u32 s31, $0x2;
	v10 =	vld [tilespmem:s23+$0x40]  }
0x54: {  	s20 =	sor.u32 $0x8000, s20;
	v11 =	vld [tilespmem:s23+$0x50]  }
0x55: {  	v8 =	vld [tilespmem:s23+$0x60];
	s21 =	sadd.s32 $0x0, s20  }
0x56: {  	v1 =	vld.idx.msk [tilespmem:v0+s19+$0x410 ss:$0x1], $0xffff;
	[tilespmem:s21+$0x2080 ss:$0x41] =	vst.msk $0xffff, v4  }
0x57: {  	v2 =	vld.idx.msk [tilespmem:v0+s19+$0x420 ss:$0x1], $0xffff;
	[tilespmem:s21+$0x0 ss:$0x41] =	vst.msk $0xffff, v5  }
0x58: {  	v3 =	vld.idx.msk [tilespmem:v0+s19+$0x430 ss:$0x1], $0xffff;
	[tilespmem:s21+$0x410 ss:$0x41] =	vst.msk $0xffff, v6  }
0x59: {  	s17 =	smul.u32 $0x10400, s17;
	[tilespmem:s21+$0x820 ss:$0x41] =	vst.msk $0xffff, v7;
	v7 =	vld [tilespmem:s23+$0x70]  }
0x5a: {  	s24 =	simm.s32 $0x100;
	s25 =	simm.s32 $0x8;
	[tilespmem:s21+$0xC30 ss:$0x41] =	vst.msk $0xffff, v9;
	v4 =	vld.idx.msk [tilespmem:v0+s19+$0x440 ss:$0x1], $0xffff  }
0x5b: {  	s26 =	sand.u32 $0x3800, s24;
	s17 =	sshrl.u32 s17, $0x2;
	[tilespmem:s21+$0x1040 ss:$0x41] =	vst.msk $0xffff, v10;
	v5 =	vld.idx.msk [tilespmem:v0+s19+$0x450 ss:$0x1], $0xffff;
	s23 =	simm.s32 $0x80  }
0x5c: {  	s22 =	simm.s32 $0x4;
	s17 =	sor.u32 $0x8000, s17;
	[tilespmem:s21+$0x1450 ss:$0x41] =	vst.msk $0xffff, v11;
	v6 =	vld.idx.msk [tilespmem:v0+s19+$0x460 ss:$0x1], $0xffff;
	s27 =	sand.u32 $0x380, s23  }
.LBB1_3:
0x5d: {  	p1 =	sne.s32 s25, $0xFC;
	[tilespmem:s21+$0x1860 ss:$0x41] =	vst.msk $0xffff, v8;
	v8 =	vld.idx.msk [tilespmem:v0+s19+$0x470 ss:$0x1], $0xffff;
	s19 =	sor.u32 s27, s26  }
0x5e: {  	s26 =	sand.u32 $0x3B00, s19;
	v9 =	vld.idx.msk [tilespmem:v0+s19+$0x410 ss:$0x1], $0xffff;
	[tilespmem:s21+$0x1C70 ss:$0x41] =	vst.msk $0xffff, v7  }
0x5f: {  	s27 =	sand.u32 $0x80, s23;
	s26 =	sadd.s32 s26, s18;
	v7 =	vld.idx.msk [tilespmem:v0+s19+$0x420 ss:$0x1], $0xffff;
	[tilespmem:s21+$0x2490 ss:$0x41] =	vst.msk $0xffff, v1  }
0x60: {  	s26 =	sadd.s32 s27, s26;
	v10 =	vld.idx.msk [tilespmem:v0+s19+$0x430 ss:$0x1], $0xffff;
	[tilespmem:s21+$0x28A0 ss:$0x41] =	vst.msk $0xffff, v2  }
0x61: {  	v11 =	vld [tilespmem:s26+$0x400];
	[tilespmem:s21+$0x2CB0 ss:$0x41] =	vst.msk $0xffff, v3  }
0x62: {  	v12 =	vld [tilespmem:s26+$0x0];
	[tilespmem:s21+$0x30C0 ss:$0x41] =	vst.msk $0xffff, v4  }
0x63: {  	v4 =	vld [tilespmem:s26+$0x10];
	[tilespmem:s21+$0x34D0 ss:$0x41] =	vst.msk $0xffff, v5  }
0x64: {  	s27 =	sshra.s32 s22, $0x2;
	s22 =	smov.u32 s25;
	v1 =	vmov v9;
	v5 =	vld [tilespmem:s26+$0x20];
	[tilespmem:s21+$0x38E0 ss:$0x41] =	vst.msk $0xffff, v6  }
0x65: {  	v2 =	vmov v7;
	v6 =	vld [tilespmem:s26+$0x30];
	[tilespmem:s21+$0x3CF0 ss:$0x41] =	vst.msk $0xffff, v8;
	s21 =	sadd.s32 s27, s20  }
0x66: {  	v3 =	vmov v10;
	v9 =	vld [tilespmem:s26+$0x40];
	[tilespmem:s21+$0x2080 ss:$0x41] =	vst.msk $0xffff, v11  }
0x67: {  	[tilespmem:s21+$0x0 ss:$0x41] =	vst.msk $0xffff, v12;
	v10 =	vld [tilespmem:s26+$0x50]  }
.Ltmp3:
0x68: {  	[tilespmem:s21+$0x410 ss:$0x41] =	vst.msk $0xffff, v4;
	v8 =	vld [tilespmem:s26+$0x60];
	(pc) =	sbr.rel @p1 .LBB1_3-.Ltmp3, $4  }
0x69: {  	[tilespmem:s21+$0x820 ss:$0x41] =	vst.msk $0xffff, v5;
	v7 =	vld [tilespmem:s26+$0x70]  }
0x6a: {  	[tilespmem:s21+$0xC30 ss:$0x41] =	vst.msk $0xffff, v6;
	v4 =	vld.idx.msk [tilespmem:v0+s19+$0x440 ss:$0x1], $0xffff  }
0x6b: {  	s23 =	sadd.s32 $0x80, s23;
	s24 =	sadd.s32 $0x100, s24;
	[tilespmem:s21+$0x1040 ss:$0x41] =	vst.msk $0xffff, v9;
	v5 =	vld.idx.msk [tilespmem:v0+s19+$0x450 ss:$0x1], $0xffff  }
0x6c: {  	s25 =	sadd.s32 $0x4, s25;
	s27 =	sand.u32 $0x380, s23;
	s26 =	sand.u32 $0x3800, s24;
	[tilespmem:s21+$0x1450 ss:$0x41] =	vst.msk $0xffff, v10;
	v6 =	vld.idx.msk [tilespmem:v0+s19+$0x460 ss:$0x1], $0xffff  }
.Ltmp4:
0x6d: {  	_ = 	snop;
	(pc) =	sbr.rel .LBB1_4-.Ltmp4, $1  }
0x6e: {  	_ =	sdelay $0x3  }
.LBB1_6:
0x6f: {  	_ =	sfence.sel $0x180000  }
0x70: {  	s2 =	simm.s32 $0x1;
	[bflag:$0x0] =	sbarrier.arrive $0xFFFF  }
0x71: {  	s31 =	simm.s32 $0x2;
	[sflag:s2] =	ssyncpa.u1 $0x1  }
0x72: {  	[sflag:s31] =	ssyncpa.u1 $0x1  }
0x73: {  	p0 =	sne.s32 s0, $0x0;
	_ =	strace $0x90000050  }
0x74: {  	s0 =	sadd.s32 @!p0 $0x100000, s1;
	[bflag:$0x2] =	sbarrier.arrive $0xFFFF  }
0x75: {  	[sflag:s0] =	ssyncadd.tile.s32 @!p0 $0x1;
	_ =	shalt  }
.Lfunc_end1:
_tile_overlayer_lowered:
.L_overlay_start_2:
0x76: {  	(tag) =	ssettag $0x2  }
0x77: {  	s0 =	rddreg [dreg:$0x0];
	s2 =	stileid.u32  }
0x78: {  	s1 =	rddreg [dreg:$0x1];
	p0 =	sne.s32 s2, $0x0  }
0x79: {  	s3 =	rddreg [dreg:$0x2];
	[bflag:$0x3] =	sbarrier.arrive $0xFFFF;
	s2 =	simm.s32 @!p0 $0x1C01  }
0x7a: {  	[timem:s3], [sflag:s2] =	dma.local @!p0 [hbm:s0], s1  }
0x7b: {  	s0 =	simm.s32 @!p0 $0x1  }
0x7c: {  	_ =	swait.ge @!p0 [sflag:s0], s1  }
0x7d: {  	s1 =	ssub.s32 @!p0 $0x0, s1;
	[sflag:s0] =	ssyncset.done @!p0 $0x0  }
0x7e: {  	[sflag:s0] =	ssyncadd.s32 @!p0 s1  }
0x7f: {  	[bflag:$0x3] =	sbarrier.arrive $0xFFFF  }
0x80: {  	_ =	shalt  }

</sc_bundles>
